<compile_context>
chip_gen: v7x
topology: tpu7x:2x2x1
jax: 0.10.2.dev20260603
libtpu: 0.0.44.dev20260713+nightly
codegen_flags: <defaults>
</compile_context>

<pallas_src>
import jax
import jax.numpy as jnp
from jax import lax
from jax.experimental import pallas as pl
from jax.experimental.pallas import tpu as pltpu
from jax.experimental.pallas import tpu_sc as plsc

B = 4096
L = 200
LP = L + 1
D = 32
V = 1000000
NC = 2
NS = 16
NW = NC * NS
NBG = B // 128
NLG = L // 8
HV = 4


def _body(x4, tabin, out4, idx_v, rows0, rows1, slab0, slab1, zbuf,
          sg0, sg1, so0, so1):
    w = lax.axis_index("s") * NC + lax.axis_index("c")
    tab = tabin
    rows = (rows0, rows1)
    slab = (slab0, slab1)
    sg = (sg0, sg1)
    so = (so0, so1)

    pltpu.sync_copy(x4.at[:, w], idx_v)

    zero16 = jnp.zeros((16,), jnp.float32)

    def zb(t, c):
        ds = t >> 3
        j = t & 7
        zbuf[ds, pl.ds(j * 16, 16)] = zero16
        return c

    lax.fori_loop(0, 64, zb, 0)
    for dg in range(4):
        pltpu.sync_copy(zbuf, out4.at[L, dg, pl.ds(w * 8, 8)])

    rbase = [lax.iota(jnp.int32, 16) + (blk * 16) for blk in range(8)]

    def fire(lg, h, s):
        for lv in range(HV):
            ls = h * HV + lv
            pltpu.async_copy(tab.at[idx_v.at[lg, ls]],
                             rows[s].at[pl.ds(lv * 128, 128)], sg[s])

    def drain_g(s):
        for lv in range(HV):
            pltpu.make_async_copy(tab.at[idx_v.at[0, 0]],
                                  rows[s].at[pl.ds(lv * 128, 128)],
                                  sg[s]).wait()

    def start_wb(lg, h, s):
        l0 = lg * 8 + h * HV
        for dg in range(4):
            pltpu.async_copy(slab[s].at[:, pl.ds(dg * 8, 8)],
                             out4.at[pl.ds(l0, HV), dg, pl.ds(w * 8, 8)],
                             so[s])

    def drain_wb(s):
        for dg in range(4):
            pltpu.make_async_copy(slab[s].at[:, pl.ds(dg * 8, 8)],
                                  out4.at[pl.ds(0, HV), dg, pl.ds(w * 8, 8)],
                                  so[s]).wait()

    def transpose(s):
        r2 = rows[s]
        sl = slab[s]

        @plsc.parallel_loop(0, HV * D, 1, unroll=4)
        def lvd(t):
            lv = t >> 5
            d = t & 31
            rb = jnp.full((16,), lv * 128, jnp.int32)
            dv = jnp.full((16,), d, jnp.int32)
            for blk in range(8):
                vals = plsc.load_gather(r2, [rbase[blk] + rb, dv])
                sl[lv, d, pl.ds(blk * 16, 16)] = vals

    fire(0, 0, 0)
    drain_g(0)
    fire(0, 1, 1)
    transpose(0)
    start_wb(0, 0, 0)
    drain_g(1)
    fire(1, 0, 0)
    transpose(1)
    start_wb(0, 1, 1)

    def rnd(rr, c):
        lg = rr + 1
        drain_g(0)
        fire(lg, 1, 1)
        drain_wb(0)
        transpose(0)
        start_wb(lg, 0, 0)
        drain_g(1)
        fire(lg + 1, 0, 0)
        drain_wb(1)
        transpose(1)
        start_wb(lg, 1, 1)
        return c

    lax.fori_loop(0, NLG - 2, rnd, 0)

    lg = NLG - 1
    drain_g(0)
    fire(lg, 1, 1)
    drain_wb(0)
    transpose(0)
    start_wb(lg, 0, 0)
    drain_g(1)
    drain_wb(1)
    transpose(1)
    start_wb(lg, 1, 1)
    drain_wb(0)
    drain_wb(1)


@jax.jit
def _lookup_pad(x4, tabin):
    mesh = plsc.VectorSubcoreMesh(core_axis_name="c", subcore_axis_name="s")
    f = pl.kernel(
        _body,
        out_type=jax.ShapeDtypeStruct((LP, 4, NBG * 8, 128), jnp.float32),
        mesh=mesh,
        scratch_types=[
            pltpu.VMEM((NLG, 8, 128), jnp.int32),
            pltpu.VMEM((HV * 128, D), jnp.float32),
            pltpu.VMEM((HV * 128, D), jnp.float32),
            pltpu.VMEM((HV, D, 128), jnp.float32),
            pltpu.VMEM((HV, D, 128), jnp.float32),
            pltpu.VMEM((8, 128), jnp.float32),
            pltpu.SemaphoreType.DMA,
            pltpu.SemaphoreType.DMA,
            pltpu.SemaphoreType.DMA,
            pltpu.SemaphoreType.DMA,
        ],
        compiler_params=pltpu.CompilerParams(
            use_tc_tiling_on_sc=False,
            needs_layout_passes=False,
            disable_bounds_checks=True,
        ),
    )
    return f(x4, tabin)


def kernel(x, y, pad_id, embed_x, embed_y):
    x4 = x.astype(jnp.int32).reshape(32, 128, NLG, 8).transpose(2, 0, 3, 1)
    out4 = _lookup_pad(x4, embed_x)
    out5 = out4.reshape(LP, 4, NBG, 8, 128)
    return out5.transpose(2, 4, 0, 1, 3).reshape(B, LP, D)

# --- scband reference (transcript-rebuilt; emitter-appended) ---
"""Pipeline reference for scband-test-model-45148696216805 (READ-ONLY COPY).

The authoritative reference and input builder live on the scoring server;
editing this copy changes nothing except your own understanding.
"""

import jax, jax.numpy as jnp
import numpy as np

NUM_TOKENS = 1000000
DIM = 32
B = 4096
L = 200


def setup_inputs(seed: int = 0) -> dict:
    key = jax.random.key(seed)
    k1, k2, k3, k4 = jax.random.split(key, 4)
    x = jax.random.randint(k1, (B, L), 0, NUM_TOKENS, dtype=jnp.int64 if jax.config.jax_enable_x64 else jnp.int32)
    y = jax.random.randint(k2, (B, L), 0, NUM_TOKENS, dtype=jnp.int64 if jax.config.jax_enable_x64 else jnp.int32)
    embed_x = jax.random.normal(k3, (NUM_TOKENS, DIM), dtype=jnp.float32)
    embed_y = jax.random.normal(k4, (NUM_TOKENS, DIM), dtype=jnp.float32)
    return {"x": x, "y": y, "pad_id": 0, "embed_x": embed_x, "embed_y": embed_y}


def reference(x, y, pad_id, embed_x, embed_y):
    # nn.Embedding lookups -> row gathers from the tables
    x_embedded = jnp.take(embed_x, x, axis=0)   # [B, L, DIM]
    y_embedded = jnp.take(embed_y, y, axis=0)   # [B, L, DIM] (computed but unused, as in original)
    # align_right: F.pad(x_embedded, (0,0,0,1), value=0) pads the seq dim (dim=-2) at the end by 1
    aligned = jnp.pad(x_embedded, ((0, 0), (0, 1), (0, 0)), mode="constant", constant_values=0.0)
    return aligned

if __name__ == "__main__":
    import jax
    _d = setup_inputs()
    print(jax.jit(kernel)(*tuple(_d.values())))

</pallas_src>

<mosaic_0001>
#map = affine_map<(d0, d1) -> (0, 0, 0, 0)>
#map1 = affine_map<(d0, d1) -> (0, 0)>
module attributes {stable_mosaic.version = 14 : i64} {
  func.func @_body(%arg0: i32, %arg1: i32, %arg2: memref<25x32x8x128xi32, #tpu.memory_space<hbm>>, %arg3: memref<1000000x32xf32, #tpu.memory_space<hbm>>, %arg4: memref<201x4x256x128xf32, #tpu.memory_space<hbm>>, %arg5: memref<25x8x128xi32, #tpu.memory_space<vmem>>, %arg6: memref<512x32xf32, #tpu.memory_space<vmem>>, %arg7: memref<512x32xf32, #tpu.memory_space<vmem>>, %arg8: memref<4x32x128xf32, #tpu.memory_space<vmem>>, %arg9: memref<4x32x128xf32, #tpu.memory_space<vmem>>, %arg10: memref<8x128xf32, #tpu.memory_space<vmem>>, %arg11: memref<!tpu.dma_semaphore, #tpu.memory_space<semaphore_mem>>, %arg12: memref<!tpu.dma_semaphore, #tpu.memory_space<semaphore_mem>>, %arg13: memref<!tpu.dma_semaphore, #tpu.memory_space<semaphore_mem>>, %arg14: memref<!tpu.dma_semaphore, #tpu.memory_space<semaphore_mem>>) attributes {dimension_semantics = [#tpu.dimension_semantics<core_parallel>, #tpu.dimension_semantics<subcore_parallel>], iteration_bounds = array<i64: 2, 16>, scalar_prefetch = 0 : i64, scratch_operands = 10 : i64, tpu.core_type = #tpu.core_type<sc_vector_subcore>, window_params = [{transform_indices = #map}, {transform_indices = #map1}, {transform_indices = #map}]} {
    %mul3A = arith.constant 2 : i32
    %mul3A_0 = arith.muli %arg1, %mul3A : i32
    %add3A = arith.addi %mul3A_0, %arg0 : i32
    "tpu.region"() ({
      %run_scoped3A_1028 = tpu.sem_alloc : memref<!tpu.dma_semaphore, #tpu.memory_space<semaphore_mem>>
      %dma_start3A_1029 = arith.constant 0 : i32
      %dma_start3A_1030 = arith.constant 0 : i32
      %dma_start3A_1031 = arith.constant 0 : i32
      %dma_start3A_1032 = tpu.memref_slice %arg2[%dma_start3A_1029, %add3A, %dma_start3A_1030, %dma_start3A_1031] : memref<25x32x8x128xi32, #tpu.memory_space<hbm>> -> memref<25x1x8x128xi32, #tpu.memory_space<hbm>>
      %dma_start3A_1033 = tpu.memref_squeeze %dma_start3A_1032 : memref<25x1x8x128xi32, #tpu.memory_space<hbm>> -> memref<25x8x128xi32, #tpu.memory_space<hbm>>
      %dma_start3A_1034 = arith.constant 0 : i32
      %dma_start3A_1035 = arith.constant 0 : i32
      %dma_start3A_1036 = arith.constant 0 : i32
      %dma_start3A_1037 = tpu.memref_slice %arg2[%dma_start3A_1034, %add3A, %dma_start3A_1035, %dma_start3A_1036] : memref<25x32x8x128xi32, #tpu.memory_space<hbm>> -> memref<25x1x8x128xi32, #tpu.memory_space<hbm>>
      %dma_start3A_1038 = tpu.memref_squeeze %dma_start3A_1037 : memref<25x1x8x128xi32, #tpu.memory_space<hbm>> -> memref<25x8x128xi32, #tpu.memory_space<hbm>>
      tpu.enqueue_dma source(%dma_start3A_1038 : memref<25x8x128xi32, #tpu.memory_space<hbm>>) target(%arg5 : memref<25x8x128xi32, #tpu.memory_space<vmem>>) target_semaphore(%run_scoped3A_1028 : memref<!tpu.dma_semaphore, #tpu.memory_space<semaphore_mem>>)
      %dma_wait3A_1039 = arith.constant 0 : i32
      %dma_wait3A_1040 = arith.constant 0 : i32
      %dma_wait3A_1041 = arith.constant 0 : i32
      %dma_wait3A_1042 = tpu.memref_slice %arg2[%dma_wait3A_1039, %add3A, %dma_wait3A_1040, %dma_wait3A_1041] : memref<25x32x8x128xi32, #tpu.memory_space<hbm>> -> memref<25x1x8x128xi32, #tpu.memory_space<hbm>>
      %dma_wait3A_1043 = tpu.memref_squeeze %dma_wait3A_1042 : memref<25x1x8x128xi32, #tpu.memory_space<hbm>> -> memref<25x8x128xi32, #tpu.memory_space<hbm>>
      %dma_wait3A_1044 = arith.constant 0 : i32
      %dma_wait3A_1045 = arith.constant 0 : i32
      %dma_wait3A_1046 = arith.constant 0 : i32
      %dma_wait3A_1047 = tpu.memref_slice %arg2[%dma_wait3A_1044, %add3A, %dma_wait3A_1045, %dma_wait3A_1046] : memref<25x32x8x128xi32, #tpu.memory_space<hbm>> -> memref<25x1x8x128xi32, #tpu.memory_space<hbm>>
      %dma_wait3A_1048 = tpu.memref_squeeze %dma_wait3A_1047 : memref<25x1x8x128xi32, #tpu.memory_space<hbm>> -> memref<25x8x128xi32, #tpu.memory_space<hbm>>
      tpu.wait_dma2 semaphore(%run_scoped3A_1028 : memref<!tpu.dma_semaphore, #tpu.memory_space<semaphore_mem>>) src(%dma_wait3A_1048 : memref<25x8x128xi32, #tpu.memory_space<hbm>>) dst(%arg5 : memref<25x8x128xi32, #tpu.memory_space<vmem>>)
      tpu.yield
    }) : () -> ()
    %broadcast_in_dim3A = arith.constant 0.000000e+00 : f32
    %broadcast_in_dim3A_1 = vector.broadcast %broadcast_in_dim3A : f32 to vector<16xf32>
    %scan3A = arith.constant 0 : i32
    %scan3A_2 = arith.constant 0 : i32
    %scan3A_3 = arith.constant 64 : i32
    %scan3A_4 = arith.addi %scan3A_2, %scan3A_3 : i32
    %scan3A_5 = arith.constant 1 : i32
    scf.for %scan3A_1028 = %scan3A_2 to %scan3A_4 step %scan3A_5  : i32 {
      %shift_right_arithmetic3A = arith.constant 3 : i32
      %shift_right_arithmetic3A_1029 = arith.shrsi %scan3A_1028, %shift_right_arithmetic3A : i32
      %and3A = arith.constant 7 : i32
      %and3A_1030 = arith.andi %scan3A_1028, %and3A : i32
      %mul3A_1031 = arith.constant 16 : i32
      %mul3A_1032 = arith.muli %and3A_1030, %mul3A_1031 : i32
      %swap3A = arith.index_cast %shift_right_arithmetic3A_1029 : i32 to index
      %swap3A_1033 = arith.index_cast %mul3A_1032 : i32 to index
      %swap3A_1034 = tpu.vector_load %arg10[%swap3A, %swap3A_1033] {strides = array<i32>} : memref<8x128xf32, #tpu.memory_space<vmem>>, vector<16xf32>,
      tpu.vector_store %arg10[%swap3A, %swap3A_1033], %broadcast_in_dim3A_1 {strides = array<i32>} : memref<8x128xf32, #tpu.memory_space<vmem>>, vector<16xf32>,
    }
    %scan3A_6 = arith.constant 64 : i32
    %mul3A_7 = arith.constant 8 : i32
    %mul3A_8 = arith.muli %add3A, %mul3A_7 : i32
    %run_scoped3A = arith.constant 200 : i32
    %run_scoped3A_9 = arith.constant 0 : i32
    "tpu.region"() ({
      %run_scoped3A_1028 = tpu.sem_alloc : memref<!tpu.dma_semaphore, #tpu.memory_space<semaphore_mem>>
      %dma_start3A_1029 = arith.constant 0 : i32
      %dma_start3A_1030 = tpu.memref_slice %arg4[%run_scoped3A, %run_scoped3A_9, %mul3A_8, %dma_start3A_1029] : memref<201x4x256x128xf32, #tpu.memory_space<hbm>> -> memref<1x1x8x128xf32, #tpu.memory_space<hbm>>
      %dma_start3A_1031 = tpu.memref_squeeze %dma_start3A_1030 : memref<1x1x8x128xf32, #tpu.memory_space<hbm>> -> memref<8x128xf32, #tpu.memory_space<hbm>>
      %dma_start3A_1032 = arith.constant 0 : i32
      %dma_start3A_1033 = tpu.memref_slice %arg4[%run_scoped3A, %run_scoped3A_9, %mul3A_8, %dma_start3A_1032] : memref<201x4x256x128xf32, #tpu.memory_space<hbm>> -> memref<1x1x8x128xf32, #tpu.memory_space<hbm>>
      %dma_start3A_1034 = tpu.memref_squeeze %dma_start3A_1033 : memref<1x1x8x128xf32, #tpu.memory_space<hbm>> -> memref<8x128xf32, #tpu.memory_space<hbm>>
      tpu.enqueue_dma source(%arg10 : memref<8x128xf32, #tpu.memory_space<vmem>>) target(%dma_start3A_1034 : memref<8x128xf32, #tpu.memory_space<hbm>>) target_semaphore(%run_scoped3A_1028 : memref<!tpu.dma_semaphore, #tpu.memory_space<semaphore_mem>>)
      %dma_wait3A_1035 = arith.constant 0 : i32
      %dma_wait3A_1036 = tpu.memref_slice %arg4[%run_scoped3A, %run_scoped3A_9, %mul3A_8, %dma_wait3A_1035] : memref<201x4x256x128xf32, #tpu.memory_space<hbm>> -> memref<1x1x8x128xf32, #tpu.memory_space<hbm>>
      %dma_wait3A_1037 = tpu.memref_squeeze %dma_wait3A_1036 : memref<1x1x8x128xf32, #tpu.memory_space<hbm>> -> memref<8x128xf32, #tpu.memory_space<hbm>>
      %dma_wait3A_1038 = arith.constant 0 : i32
      %dma_wait3A_1039 = tpu.memref_slice %arg4[%run_scoped3A, %run_scoped3A_9, %mul3A_8, %dma_wait3A_1038] : memref<201x4x256x128xf32, #tpu.memory_space<hbm>> -> memref<1x1x8x128xf32, #tpu.memory_space<hbm>>
      %dma_wait3A_1040 = tpu.memref_squeeze %dma_wait3A_1039 : memref<1x1x8x128xf32, #tpu.memory_space<hbm>> -> memref<8x128xf32, #tpu.memory_space<hbm>>
      tpu.wait_dma2 semaphore(%run_scoped3A_1028 : memref<!tpu.dma_semaphore, #tpu.memory_space<semaphore_mem>>) src(%arg10 : memref<8x128xf32, #tpu.memory_space<vmem>>) dst(%dma_wait3A_1040 : memref<8x128xf32, #tpu.memory_space<hbm>>)
      tpu.yield
    }) : () -> ()
    %mul3A_10 = arith.constant 8 : i32
    %mul3A_11 = arith.muli %add3A, %mul3A_10 : i32
    %run_scoped3A_12 = arith.constant 200 : i32
    %run_scoped3A_13 = arith.constant 1 : i32
    "tpu.region"() ({
      %run_scoped3A_1028 = tpu.sem_alloc : memref<!tpu.dma_semaphore, #tpu.memory_space<semaphore_mem>>
      %dma_start3A_1029 = arith.constant 0 : i32
      %dma_start3A_1030 = tpu.memref_slice %arg4[%run_scoped3A_12, %run_scoped3A_13, %mul3A_11, %dma_start3A_1029] : memref<201x4x256x128xf32, #tpu.memory_space<hbm>> -> memref<1x1x8x128xf32, #tpu.memory_space<hbm>>
      %dma_start3A_1031 = tpu.memref_squeeze %dma_start3A_1030 : memref<1x1x8x128xf32, #tpu.memory_space<hbm>> -> memref<8x128xf32, #tpu.memory_space<hbm>>
      %dma_start3A_1032 = arith.constant 0 : i32
      %dma_start3A_1033 = tpu.memref_slice %arg4[%run_scoped3A_12, %run_scoped3A_13, %mul3A_11, %dma_start3A_1032] : memref<201x4x256x128xf32, #tpu.memory_space<hbm>> -> memref<1x1x8x128xf32, #tpu.memory_space<hbm>>
      %dma_start3A_1034 = tpu.memref_squeeze %dma_start3A_1033 : memref<1x1x8x128xf32, #tpu.memory_space<hbm>> -> memref<8x128xf32, #tpu.memory_space<hbm>>
      tpu.enqueue_dma source(%arg10 : memref<8x128xf32, #tpu.memory_space<vmem>>) target(%dma_start3A_1034 : memref<8x128xf32, #tpu.memory_space<hbm>>) target_semaphore(%run_scoped3A_1028 : memref<!tpu.dma_semaphore, #tpu.memory_space<semaphore_mem>>)
      %dma_wait3A_1035 = arith.constant 0 : i32
      %dma_wait3A_1036 = tpu.memref_slice %arg4[%run_scoped3A_12, %run_scoped3A_13, %mul3A_11, %dma_wait3A_1035] : memref<201x4x256x128xf32, #tpu.memory_space<hbm>> -> memref<1x1x8x128xf32, #tpu.memory_space<hbm>>
      %dma_wait3A_1037 = tpu.memref_squeeze %dma_wait3A_1036 : memref<1x1x8x128xf32, #tpu.memory_space<hbm>> -> memref<8x128xf32, #tpu.memory_space<hbm>>
      %dma_wait3A_1038 = arith.constant 0 : i32
      %dma_wait3A_1039 = tpu.memref_slice %arg4[%run_scoped3A_12, %run_scoped3A_13, %mul3A_11, %dma_wait3A_1038] : memref<201x4x256x128xf32, #tpu.memory_space<hbm>> -> memref<1x1x8x128xf32, #tpu.memory_space<hbm>>
      %dma_wait3A_1040 = tpu.memref_squeeze %dma_wait3A_1039 : memref<1x1x8x128xf32, #tpu.memory_space<hbm>> -> memref<8x128xf32, #tpu.memory_space<hbm>>
      tpu.wait_dma2 semaphore(%run_scoped3A_1028 : memref<!tpu.dma_semaphore, #tpu.memory_space<semaphore_mem>>) src(%arg10 : memref<8x128xf32, #tpu.memory_space<vmem>>) dst(%dma_wait3A_1040 : memref<8x128xf32, #tpu.memory_space<hbm>>)
      tpu.yield
    }) : () -> ()
    %mul3A_14 = arith.constant 8 : i32
    %mul3A_15 = arith.muli %add3A, %mul3A_14 : i32
    %run_scoped3A_16 = arith.constant 200 : i32
    %run_scoped3A_17 = arith.constant 2 : i32
    "tpu.region"() ({
      %run_scoped3A_1028 = tpu.sem_alloc : memref<!tpu.dma_semaphore, #tpu.memory_space<semaphore_mem>>
      %dma_start3A_1029 = arith.constant 0 : i32
      %dma_start3A_1030 = tpu.memref_slice %arg4[%run_scoped3A_16, %run_scoped3A_17, %mul3A_15, %dma_start3A_1029] : memref<201x4x256x128xf32, #tpu.memory_space<hbm>> -> memref<1x1x8x128xf32, #tpu.memory_space<hbm>>
      %dma_start3A_1031 = tpu.memref_squeeze %dma_start3A_1030 : memref<1x1x8x128xf32, #tpu.memory_space<hbm>> -> memref<8x128xf32, #tpu.memory_space<hbm>>
      %dma_start3A_1032 = arith.constant 0 : i32
      %dma_start3A_1033 = tpu.memref_slice %arg4[%run_scoped3A_16, %run_scoped3A_17, %mul3A_15, %dma_start3A_1032] : memref<201x4x256x128xf32, #tpu.memory_space<hbm>> -> memref<1x1x8x128xf32, #tpu.memory_space<hbm>>
      %dma_start3A_1034 = tpu.memref_squeeze %dma_start3A_1033 : memref<1x1x8x128xf32, #tpu.memory_space<hbm>> -> memref<8x128xf32, #tpu.memory_space<hbm>>
      tpu.enqueue_dma source(%arg10 : memref<8x128xf32, #tpu.memory_space<vmem>>) target(%dma_start3A_1034 : memref<8x128xf32, #tpu.memory_space<hbm>>) target_semaphore(%run_scoped3A_1028 : memref<!tpu.dma_semaphore, #tpu.memory_space<semaphore_mem>>)
      %dma_wait3A_1035 = arith.constant 0 : i32
      %dma_wait3A_1036 = tpu.memref_slice %arg4[%run_scoped3A_16, %run_scoped3A_17, %mul3A_15, %dma_wait3A_1035] : memref<201x4x256x128xf32, #tpu.memory_space<hbm>> -> memref<1x1x8x128xf32, #tpu.memory_space<hbm>>
      %dma_wait3A_1037 = tpu.memref_squeeze %dma_wait3A_1036 : memref<1x1x8x128xf32, #tpu.memory_space<hbm>> -> memref<8x128xf32, #tpu.memory_space<hbm>>
      %dma_wait3A_1038 = arith.constant 0 : i32
      %dma_wait3A_1039 = tpu.memref_slice %arg4[%run_scoped3A_16, %run_scoped3A_17, %mul3A_15, %dma_wait3A_1038] : memref<201x4x256x128xf32, #tpu.memory_space<hbm>> -> memref<1x1x8x128xf32, #tpu.memory_space<hbm>>
      %dma_wait3A_1040 = tpu.memref_squeeze %dma_wait3A_1039 : memref<1x1x8x128xf32, #tpu.memory_space<hbm>> -> memref<8x128xf32, #tpu.memory_space<hbm>>
      tpu.wait_dma2 semaphore(%run_scoped3A_1028 : memref<!tpu.dma_semaphore, #tpu.memory_space<semaphore_mem>>) src(%arg10 : memref<8x128xf32, #tpu.memory_space<vmem>>) dst(%dma_wait3A_1040 : memref<8x128xf32, #tpu.memory_space<hbm>>)
      tpu.yield
    }) : () -> ()
    %mul3A_18 = arith.constant 8 : i32
    %mul3A_19 = arith.muli %add3A, %mul3A_18 : i32
    %run_scoped3A_20 = arith.constant 200 : i32
    %run_scoped3A_21 = arith.constant 3 : i32
    "tpu.region"() ({
      %run_scoped3A_1028 = tpu.sem_alloc : memref<!tpu.dma_semaphore, #tpu.memory_space<semaphore_mem>>
      %dma_start3A_1029 = arith.constant 0 : i32
      %dma_start3A_1030 = tpu.memref_slice %arg4[%run_scoped3A_20, %run_scoped3A_21, %mul3A_19, %dma_start3A_1029] : memref<201x4x256x128xf32, #tpu.memory_space<hbm>> -> memref<1x1x8x128xf32, #tpu.memory_space<hbm>>
      %dma_start3A_1031 = tpu.memref_squeeze %dma_start3A_1030 : memref<1x1x8x128xf32, #tpu.memory_space<hbm>> -> memref<8x128xf32, #tpu.memory_space<hbm>>
      %dma_start3A_1032 = arith.constant 0 : i32
      %dma_start3A_1033 = tpu.memref_slice %arg4[%run_scoped3A_20, %run_scoped3A_21, %mul3A_19, %dma_start3A_1032] : memref<201x4x256x128xf32, #tpu.memory_space<hbm>> -> memref<1x1x8x128xf32, #tpu.memory_space<hbm>>
      %dma_start3A_1034 = tpu.memref_squeeze %dma_start3A_1033 : memref<1x1x8x128xf32, #tpu.memory_space<hbm>> -> memref<8x128xf32, #tpu.memory_space<hbm>>
      tpu.enqueue_dma source(%arg10 : memref<8x128xf32, #tpu.memory_space<vmem>>) target(%dma_start3A_1034 : memref<8x128xf32, #tpu.memory_space<hbm>>) target_semaphore(%run_scoped3A_1028 : memref<!tpu.dma_semaphore, #tpu.memory_space<semaphore_mem>>)
      %dma_wait3A_1035 = arith.constant 0 : i32
      %dma_wait3A_1036 = tpu.memref_slice %arg4[%run_scoped3A_20, %run_scoped3A_21, %mul3A_19, %dma_wait3A_1035] : memref<201x4x256x128xf32, #tpu.memory_space<hbm>> -> memref<1x1x8x128xf32, #tpu.memory_space<hbm>>
      %dma_wait3A_1037 = tpu.memref_squeeze %dma_wait3A_1036 : memref<1x1x8x128xf32, #tpu.memory_space<hbm>> -> memref<8x128xf32, #tpu.memory_space<hbm>>
      %dma_wait3A_1038 = arith.constant 0 : i32
      %dma_wait3A_1039 = tpu.memref_slice %arg4[%run_scoped3A_20, %run_scoped3A_21, %mul3A_19, %dma_wait3A_1038] : memref<201x4x256x128xf32, #tpu.memory_space<hbm>> -> memref<1x1x8x128xf32, #tpu.memory_space<hbm>>
      %dma_wait3A_1040 = tpu.memref_squeeze %dma_wait3A_1039 : memref<1x1x8x128xf32, #tpu.memory_space<hbm>> -> memref<8x128xf32, #tpu.memory_space<hbm>>
      tpu.wait_dma2 semaphore(%run_scoped3A_1028 : memref<!tpu.dma_semaphore, #tpu.memory_space<semaphore_mem>>) src(%arg10 : memref<8x128xf32, #tpu.memory_space<vmem>>) dst(%dma_wait3A_1040 : memref<8x128xf32, #tpu.memory_space<hbm>>)
      tpu.yield
    }) : () -> ()
    %iota3A = tpu.iota {dimensions = array<i32: 0>} : vector<16xi32>
    %add3A_22 = arith.constant 0 : i32
    %add3A_23 = vector.broadcast %add3A_22 : i32 to vector<16xi32>
    %add3A_24 = arith.addi %iota3A, %add3A_23 : vector<16xi32>
    %iota3A_25 = tpu.iota {dimensions = array<i32: 0>} : vector<16xi32>
    %add3A_26 = arith.constant 16 : i32
    %add3A_27 = vector.broadcast %add3A_26 : i32 to vector<16xi32>
    %add3A_28 = arith.addi %iota3A_25, %add3A_27 : vector<16xi32>
    %iota3A_29 = tpu.iota {dimensions = array<i32: 0>} : vector<16xi32>
    %add3A_30 = arith.constant 32 : i32
    %add3A_31 = vector.broadcast %add3A_30 : i32 to vector<16xi32>
    %add3A_32 = arith.addi %iota3A_29, %add3A_31 : vector<16xi32>
    %iota3A_33 = tpu.iota {dimensions = array<i32: 0>} : vector<16xi32>
    %add3A_34 = arith.constant 48 : i32
    %add3A_35 = vector.broadcast %add3A_34 : i32 to vector<16xi32>
    %add3A_36 = arith.addi %iota3A_33, %add3A_35 : vector<16xi32>
    %iota3A_37 = tpu.iota {dimensions = array<i32: 0>} : vector<16xi32>
    %add3A_38 = arith.constant 64 : i32
    %add3A_39 = vector.broadcast %add3A_38 : i32 to vector<16xi32>
    %add3A_40 = arith.addi %iota3A_37, %add3A_39 : vector<16xi32>
    %iota3A_41 = tpu.iota {dimensions = array<i32: 0>} : vector<16xi32>
    %add3A_42 = arith.constant 80 : i32
    %add3A_43 = vector.broadcast %add3A_42 : i32 to vector<16xi32>
    %add3A_44 = arith.addi %iota3A_41, %add3A_43 : vector<16xi32>
    %iota3A_45 = tpu.iota {dimensions = array<i32: 0>} : vector<16xi32>
    %add3A_46 = arith.constant 96 : i32
    %add3A_47 = vector.broadcast %add3A_46 : i32 to vector<16xi32>
    %add3A_48 = arith.addi %iota3A_45, %add3A_47 : vector<16xi32>
    %iota3A_49 = tpu.iota {dimensions = array<i32: 0>} : vector<16xi32>
    %add3A_50 = arith.constant 112 : i32
    %add3A_51 = vector.broadcast %add3A_50 : i32 to vector<16xi32>
    %add3A_52 = arith.addi %iota3A_49, %add3A_51 : vector<16xi32>
    %dma_start3A = arith.constant 0 : i32
    %dma_start3A_53 = arith.constant 0 : i32
    %dma_start3A_54 = arith.constant 0 : i32
    %dma_start3A_55 = arith.constant 0 : i32
    %dma_start3A_56 = tpu.memref_slice %arg6[%dma_start3A_54, %dma_start3A_55] : memref<512x32xf32, #tpu.memory_space<vmem>> -> memref<128x32xf32, #tpu.memory_space<vmem>>
    %dma_start3A_57 = arith.constant 0 : i32
    %dma_start3A_58 = tpu.memref_slice %arg5[%dma_start3A, %dma_start3A_53, %dma_start3A_57] : memref<25x8x128xi32, #tpu.memory_space<vmem>> -> memref<1x1x128xi32, #tpu.memory_space<vmem>>
    %dma_start3A_59 = tpu.memref_squeeze %dma_start3A_58 : memref<1x1x128xi32, #tpu.memory_space<vmem>> -> memref<128xi32, #tpu.memory_space<vmem>>
    %dma_start3A_60 = arith.constant 0 : i32
    %dma_start3A_61 = arith.constant 0 : i32
    %dma_start3A_62 = tpu.memref_slice %arg3[%dma_start3A_60, %dma_start3A_61] : memref<1000000x32xf32, #tpu.memory_space<hbm>> -> memref<1000000x32xf32, #tpu.memory_space<hbm>>
    tpu.enqueue_indirect_dma source(%dma_start3A_62 : memref<1000000x32xf32, #tpu.memory_space<hbm>>) target(%dma_start3A_56 : memref<128x32xf32, #tpu.memory_space<vmem>>) offsets(%dma_start3A_59 : memref<128xi32, #tpu.memory_space<vmem>>) semaphore(%arg11 : memref<!tpu.dma_semaphore, #tpu.memory_space<semaphore_mem>>)
    %dma_start3A_63 = arith.constant 0 : i32
    %dma_start3A_64 = arith.constant 1 : i32
    %dma_start3A_65 = arith.constant 128 : i32
    %dma_start3A_66 = arith.constant 0 : i32
    %dma_start3A_67 = tpu.memref_slice %arg6[%dma_start3A_65, %dma_start3A_66] : memref<512x32xf32, #tpu.memory_space<vmem>> -> memref<128x32xf32, #tpu.memory_space<vmem>>
    %dma_start3A_68 = arith.constant 0 : i32
    %dma_start3A_69 = tpu.memref_slice %arg5[%dma_start3A_63, %dma_start3A_64, %dma_start3A_68] : memref<25x8x128xi32, #tpu.memory_space<vmem>> -> memref<1x1x128xi32, #tpu.memory_space<vmem>>
    %dma_start3A_70 = tpu.memref_squeeze %dma_start3A_69 : memref<1x1x128xi32, #tpu.memory_space<vmem>> -> memref<128xi32, #tpu.memory_space<vmem>>
    %dma_start3A_71 = arith.constant 0 : i32
    %dma_start3A_72 = arith.constant 0 : i32
    %dma_start3A_73 = tpu.memref_slice %arg3[%dma_start3A_71, %dma_start3A_72] : memref<1000000x32xf32, #tpu.memory_space<hbm>> -> memref<1000000x32xf32, #tpu.memory_space<hbm>>
    tpu.enqueue_indirect_dma source(%dma_start3A_73 : memref<1000000x32xf32, #tpu.memory_space<hbm>>) target(%dma_start3A_67 : memref<128x32xf32, #tpu.memory_space<vmem>>) offsets(%dma_start3A_70 : memref<128xi32, #tpu.memory_space<vmem>>) semaphore(%arg11 : memref<!tpu.dma_semaphore, #tpu.memory_space<semaphore_mem>>)
    %dma_start3A_74 = arith.constant 0 : i32
    %dma_start3A_75 = arith.constant 2 : i32
    %dma_start3A_76 = arith.constant 256 : i32
    %dma_start3A_77 = arith.constant 0 : i32
    %dma_start3A_78 = tpu.memref_slice %arg6[%dma_start3A_76, %dma_start3A_77] : memref<512x32xf32, #tpu.memory_space<vmem>> -> memref<128x32xf32, #tpu.memory_space<vmem>>
    %dma_start3A_79 = arith.constant 0 : i32
    %dma_start3A_80 = tpu.memref_slice %arg5[%dma_start3A_74, %dma_start3A_75, %dma_start3A_79] : memref<25x8x128xi32, #tpu.memory_space<vmem>> -> memref<1x1x128xi32, #tpu.memory_space<vmem>>
    %dma_start3A_81 = tpu.memref_squeeze %dma_start3A_80 : memref<1x1x128xi32, #tpu.memory_space<vmem>> -> memref<128xi32, #tpu.memory_space<vmem>>
    %dma_start3A_82 = arith.constant 0 : i32
    %dma_start3A_83 = arith.constant 0 : i32
    %dma_start3A_84 = tpu.memref_slice %arg3[%dma_start3A_82, %dma_start3A_83] : memref<1000000x32xf32, #tpu.memory_space<hbm>> -> memref<1000000x32xf32, #tpu.memory_space<hbm>>
    tpu.enqueue_indirect_dma source(%dma_start3A_84 : memref<1000000x32xf32, #tpu.memory_space<hbm>>) target(%dma_start3A_78 : memref<128x32xf32, #tpu.memory_space<vmem>>) offsets(%dma_start3A_81 : memref<128xi32, #tpu.memory_space<vmem>>) semaphore(%arg11 : memref<!tpu.dma_semaphore, #tpu.memory_space<semaphore_mem>>)
    %dma_start3A_85 = arith.constant 0 : i32
    %dma_start3A_86 = arith.constant 3 : i32
    %dma_start3A_87 = arith.constant 384 : i32
    %dma_start3A_88 = arith.constant 0 : i32
    %dma_start3A_89 = tpu.memref_slice %arg6[%dma_start3A_87, %dma_start3A_88] : memref<512x32xf32, #tpu.memory_space<vmem>> -> memref<128x32xf32, #tpu.memory_space<vmem>>
    %dma_start3A_90 = arith.constant 0 : i32
    %dma_start3A_91 = tpu.memref_slice %arg5[%dma_start3A_85, %dma_start3A_86, %dma_start3A_90] : memref<25x8x128xi32, #tpu.memory_space<vmem>> -> memref<1x1x128xi32, #tpu.memory_space<vmem>>
    %dma_start3A_92 = tpu.memref_squeeze %dma_start3A_91 : memref<1x1x128xi32, #tpu.memory_space<vmem>> -> memref<128xi32, #tpu.memory_space<vmem>>
    %dma_start3A_93 = arith.constant 0 : i32
    %dma_start3A_94 = arith.constant 0 : i32
    %dma_start3A_95 = tpu.memref_slice %arg3[%dma_start3A_93, %dma_start3A_94] : memref<1000000x32xf32, #tpu.memory_space<hbm>> -> memref<1000000x32xf32, #tpu.memory_space<hbm>>
    tpu.enqueue_indirect_dma source(%dma_start3A_95 : memref<1000000x32xf32, #tpu.memory_space<hbm>>) target(%dma_start3A_89 : memref<128x32xf32, #tpu.memory_space<vmem>>) offsets(%dma_start3A_92 : memref<128xi32, #tpu.memory_space<vmem>>) semaphore(%arg11 : memref<!tpu.dma_semaphore, #tpu.memory_space<semaphore_mem>>)
    %dma_wait3A = arith.constant 0 : i32
    %dma_wait3A_96 = arith.constant 0 : i32
    %dma_wait3A_97 = arith.constant 0 : i32
    %dma_wait3A_98 = arith.constant 0 : i32
    %dma_wait3A_99 = tpu.memref_slice %arg6[%dma_wait3A_97, %dma_wait3A_98] : memref<512x32xf32, #tpu.memory_space<vmem>> -> memref<128x32xf32, #tpu.memory_space<vmem>>
    %dma_wait3A_100 = arith.constant 0 : i32
    %dma_wait3A_101 = tpu.memref_slice %arg5[%dma_wait3A, %dma_wait3A_96, %dma_wait3A_100] : memref<25x8x128xi32, #tpu.memory_space<vmem>> -> memref<1x1x128xi32, #tpu.memory_space<vmem>>
    %dma_wait3A_102 = tpu.memref_squeeze %dma_wait3A_101 : memref<1x1x128xi32, #tpu.memory_space<vmem>> -> memref<128xi32, #tpu.memory_space<vmem>>
    %dma_wait3A_103 = arith.constant 0 : i32
    %dma_wait3A_104 = arith.constant 0 : i32
    %dma_wait3A_105 = tpu.memref_slice %arg3[%dma_wait3A_103, %dma_wait3A_104] : memref<1000000x32xf32, #tpu.memory_space<hbm>> -> memref<1000000x32xf32, #tpu.memory_space<hbm>>
    tpu.wait_indirect_dma semaphore(%arg11 : memref<!tpu.dma_semaphore, #tpu.memory_space<semaphore_mem>>) src(%dma_wait3A_105 : memref<1000000x32xf32, #tpu.memory_space<hbm>>) dst(%dma_wait3A_99 : memref<128x32xf32, #tpu.memory_space<vmem>>)
    %dma_wait3A_106 = arith.constant 0 : i32
    %dma_wait3A_107 = arith.constant 0 : i32
    %dma_wait3A_108 = arith.constant 128 : i32
    %dma_wait3A_109 = arith.constant 0 : i32
    %dma_wait3A_110 = tpu.memref_slice %arg6[%dma_wait3A_108, %dma_wait3A_109] : memref<512x32xf32, #tpu.memory_space<vmem>> -> memref<128x32xf32, #tpu.memory_space<vmem>>
    %dma_wait3A_111 = arith.constant 0 : i32
    %dma_wait3A_112 = tpu.memref_slice %arg5[%dma_wait3A_106, %dma_wait3A_107, %dma_wait3A_111] : memref<25x8x128xi32, #tpu.memory_space<vmem>> -> memref<1x1x128xi32, #tpu.memory_space<vmem>>
    %dma_wait3A_113 = tpu.memref_squeeze %dma_wait3A_112 : memref<1x1x128xi32, #tpu.memory_space<vmem>> -> memref<128xi32, #tpu.memory_space<vmem>>
    %dma_wait3A_114 = arith.constant 0 : i32
    %dma_wait3A_115 = arith.constant 0 : i32
    %dma_wait3A_116 = tpu.memref_slice %arg3[%dma_wait3A_114, %dma_wait3A_115] : memref<1000000x32xf32, #tpu.memory_space<hbm>> -> memref<1000000x32xf32, #tpu.memory_space<hbm>>
    tpu.wait_indirect_dma semaphore(%arg11 : memref<!tpu.dma_semaphore, #tpu.memory_space<semaphore_mem>>) src(%dma_wait3A_116 : memref<1000000x32xf32, #tpu.memory_space<hbm>>) dst(%dma_wait3A_110 : memref<128x32xf32, #tpu.memory_space<vmem>>)
    %dma_wait3A_117 = arith.constant 0 : i32
    %dma_wait3A_118 = arith.constant 0 : i32
    %dma_wait3A_119 = arith.constant 256 : i32
    %dma_wait3A_120 = arith.constant 0 : i32
    %dma_wait3A_121 = tpu.memref_slice %arg6[%dma_wait3A_119, %dma_wait3A_120] : memref<512x32xf32, #tpu.memory_space<vmem>> -> memref<128x32xf32, #tpu.memory_space<vmem>>
    %dma_wait3A_122 = arith.constant 0 : i32
    %dma_wait3A_123 = tpu.memref_slice %arg5[%dma_wait3A_117, %dma_wait3A_118, %dma_wait3A_122] : memref<25x8x128xi32, #tpu.memory_space<vmem>> -> memref<1x1x128xi32, #tpu.memory_space<vmem>>
    %dma_wait3A_124 = tpu.memref_squeeze %dma_wait3A_123 : memref<1x1x128xi32, #tpu.memory_space<vmem>> -> memref<128xi32, #tpu.memory_space<vmem>>
    %dma_wait3A_125 = arith.constant 0 : i32
    %dma_wait3A_126 = arith.constant 0 : i32
    %dma_wait3A_127 = tpu.memref_slice %arg3[%dma_wait3A_125, %dma_wait3A_126] : memref<1000000x32xf32, #tpu.memory_space<hbm>> -> memref<1000000x32xf32, #tpu.memory_space<hbm>>
    tpu.wait_indirect_dma semaphore(%arg11 : memref<!tpu.dma_semaphore, #tpu.memory_space<semaphore_mem>>) src(%dma_wait3A_127 : memref<1000000x32xf32, #tpu.memory_space<hbm>>) dst(%dma_wait3A_121 : memref<128x32xf32, #tpu.memory_space<vmem>>)
    %dma_wait3A_128 = arith.constant 0 : i32
    %dma_wait3A_129 = arith.constant 0 : i32
    %dma_wait3A_130 = arith.constant 384 : i32
    %dma_wait3A_131 = arith.constant 0 : i32
    %dma_wait3A_132 = tpu.memref_slice %arg6[%dma_wait3A_130, %dma_wait3A_131] : memref<512x32xf32, #tpu.memory_space<vmem>> -> memref<128x32xf32, #tpu.memory_space<vmem>>
    %dma_wait3A_133 = arith.constant 0 : i32
    %dma_wait3A_134 = tpu.memref_slice %arg5[%dma_wait3A_128, %dma_wait3A_129, %dma_wait3A_133] : memref<25x8x128xi32, #tpu.memory_space<vmem>> -> memref<1x1x128xi32, #tpu.memory_space<vmem>>
    %dma_wait3A_135 = tpu.memref_squeeze %dma_wait3A_134 : memref<1x1x128xi32, #tpu.memory_space<vmem>> -> memref<128xi32, #tpu.memory_space<vmem>>
    %dma_wait3A_136 = arith.constant 0 : i32
    %dma_wait3A_137 = arith.constant 0 : i32
    %dma_wait3A_138 = tpu.memref_slice %arg3[%dma_wait3A_136, %dma_wait3A_137] : memref<1000000x32xf32, #tpu.memory_space<hbm>> -> memref<1000000x32xf32, #tpu.memory_space<hbm>>
    tpu.wait_indirect_dma semaphore(%arg11 : memref<!tpu.dma_semaphore, #tpu.memory_space<semaphore_mem>>) src(%dma_wait3A_138 : memref<1000000x32xf32, #tpu.memory_space<hbm>>) dst(%dma_wait3A_132 : memref<128x32xf32, #tpu.memory_space<vmem>>)
    %dma_start3A_139 = arith.constant 0 : i32
    %dma_start3A_140 = arith.constant 4 : i32
    %dma_start3A_141 = arith.constant 0 : i32
    %dma_start3A_142 = arith.constant 0 : i32
    %dma_start3A_143 = tpu.memref_slice %arg7[%dma_start3A_141, %dma_start3A_142] : memref<512x32xf32, #tpu.memory_space<vmem>> -> memref<128x32xf32, #tpu.memory_space<vmem>>
    %dma_start3A_144 = arith.constant 0 : i32
    %dma_start3A_145 = tpu.memref_slice %arg5[%dma_start3A_139, %dma_start3A_140, %dma_start3A_144] : memref<25x8x128xi32, #tpu.memory_space<vmem>> -> memref<1x1x128xi32, #tpu.memory_space<vmem>>
    %dma_start3A_146 = tpu.memref_squeeze %dma_start3A_145 : memref<1x1x128xi32, #tpu.memory_space<vmem>> -> memref<128xi32, #tpu.memory_space<vmem>>
    %dma_start3A_147 = arith.constant 0 : i32
    %dma_start3A_148 = arith.constant 0 : i32
    %dma_start3A_149 = tpu.memref_slice %arg3[%dma_start3A_147, %dma_start3A_148] : memref<1000000x32xf32, #tpu.memory_space<hbm>> -> memref<1000000x32xf32, #tpu.memory_space<hbm>>
    tpu.enqueue_indirect_dma source(%dma_start3A_149 : memref<1000000x32xf32, #tpu.memory_space<hbm>>) target(%dma_start3A_143 : memref<128x32xf32, #tpu.memory_space<vmem>>) offsets(%dma_start3A_146 : memref<128xi32, #tpu.memory_space<vmem>>) semaphore(%arg12 : memref<!tpu.dma_semaphore, #tpu.memory_space<semaphore_mem>>)
    %dma_start3A_150 = arith.constant 0 : i32
    %dma_start3A_151 = arith.constant 5 : i32
    %dma_start3A_152 = arith.constant 128 : i32
    %dma_start3A_153 = arith.constant 0 : i32
    %dma_start3A_154 = tpu.memref_slice %arg7[%dma_start3A_152, %dma_start3A_153] : memref<512x32xf32, #tpu.memory_space<vmem>> -> memref<128x32xf32, #tpu.memory_space<vmem>>
    %dma_start3A_155 = arith.constant 0 : i32
    %dma_start3A_156 = tpu.memref_slice %arg5[%dma_start3A_150, %dma_start3A_151, %dma_start3A_155] : memref<25x8x128xi32, #tpu.memory_space<vmem>> -> memref<1x1x128xi32, #tpu.memory_space<vmem>>
    %dma_start3A_157 = tpu.memref_squeeze %dma_start3A_156 : memref<1x1x128xi32, #tpu.memory_space<vmem>> -> memref<128xi32, #tpu.memory_space<vmem>>
    %dma_start3A_158 = arith.constant 0 : i32
    %dma_start3A_159 = arith.constant 0 : i32
    %dma_start3A_160 = tpu.memref_slice %arg3[%dma_start3A_158, %dma_start3A_159] : memref<1000000x32xf32, #tpu.memory_space<hbm>> -> memref<1000000x32xf32, #tpu.memory_space<hbm>>
    tpu.enqueue_indirect_dma source(%dma_start3A_160 : memref<1000000x32xf32, #tpu.memory_space<hbm>>) target(%dma_start3A_154 : memref<128x32xf32, #tpu.memory_space<vmem>>) offsets(%dma_start3A_157 : memref<128xi32, #tpu.memory_space<vmem>>) semaphore(%arg12 : memref<!tpu.dma_semaphore, #tpu.memory_space<semaphore_mem>>)
    %dma_start3A_161 = arith.constant 0 : i32
    %dma_start3A_162 = arith.constant 6 : i32
    %dma_start3A_163 = arith.constant 256 : i32
    %dma_start3A_164 = arith.constant 0 : i32
    %dma_start3A_165 = tpu.memref_slice %arg7[%dma_start3A_163, %dma_start3A_164] : memref<512x32xf32, #tpu.memory_space<vmem>> -> memref<128x32xf32, #tpu.memory_space<vmem>>
    %dma_start3A_166 = arith.constant 0 : i32
    %dma_start3A_167 = tpu.memref_slice %arg5[%dma_start3A_161, %dma_start3A_162, %dma_start3A_166] : memref<25x8x128xi32, #tpu.memory_space<vmem>> -> memref<1x1x128xi32, #tpu.memory_space<vmem>>
    %dma_start3A_168 = tpu.memref_squeeze %dma_start3A_167 : memref<1x1x128xi32, #tpu.memory_space<vmem>> -> memref<128xi32, #tpu.memory_space<vmem>>
    %dma_start3A_169 = arith.constant 0 : i32
    %dma_start3A_170 = arith.constant 0 : i32
    %dma_start3A_171 = tpu.memref_slice %arg3[%dma_start3A_169, %dma_start3A_170] : memref<1000000x32xf32, #tpu.memory_space<hbm>> -> memref<1000000x32xf32, #tpu.memory_space<hbm>>
    tpu.enqueue_indirect_dma source(%dma_start3A_171 : memref<1000000x32xf32, #tpu.memory_space<hbm>>) target(%dma_start3A_165 : memref<128x32xf32, #tpu.memory_space<vmem>>) offsets(%dma_start3A_168 : memref<128xi32, #tpu.memory_space<vmem>>) semaphore(%arg12 : memref<!tpu.dma_semaphore, #tpu.memory_space<semaphore_mem>>)
    %dma_start3A_172 = arith.constant 0 : i32
    %dma_start3A_173 = arith.constant 7 : i32
    %dma_start3A_174 = arith.constant 384 : i32
    %dma_start3A_175 = arith.constant 0 : i32
    %dma_start3A_176 = tpu.memref_slice %arg7[%dma_start3A_174, %dma_start3A_175] : memref<512x32xf32, #tpu.memory_space<vmem>> -> memref<128x32xf32, #tpu.memory_space<vmem>>
    %dma_start3A_177 = arith.constant 0 : i32
    %dma_start3A_178 = tpu.memref_slice %arg5[%dma_start3A_172, %dma_start3A_173, %dma_start3A_177] : memref<25x8x128xi32, #tpu.memory_space<vmem>> -> memref<1x1x128xi32, #tpu.memory_space<vmem>>
    %dma_start3A_179 = tpu.memref_squeeze %dma_start3A_178 : memref<1x1x128xi32, #tpu.memory_space<vmem>> -> memref<128xi32, #tpu.memory_space<vmem>>
    %dma_start3A_180 = arith.constant 0 : i32
    %dma_start3A_181 = arith.constant 0 : i32
    %dma_start3A_182 = tpu.memref_slice %arg3[%dma_start3A_180, %dma_start3A_181] : memref<1000000x32xf32, #tpu.memory_space<hbm>> -> memref<1000000x32xf32, #tpu.memory_space<hbm>>
    tpu.enqueue_indirect_dma source(%dma_start3A_182 : memref<1000000x32xf32, #tpu.memory_space<hbm>>) target(%dma_start3A_176 : memref<128x32xf32, #tpu.memory_space<vmem>>) offsets(%dma_start3A_179 : memref<128xi32, #tpu.memory_space<vmem>>) semaphore(%arg12 : memref<!tpu.dma_semaphore, #tpu.memory_space<semaphore_mem>>)
    %parallel_loop3A = arith.constant 0 : i32
    %parallel_loop3A_183 = arith.constant 128 : i32
    %parallel_loop3A_184 = arith.constant 1 : i32
    scf.for %parallel_loop3A_1028 = %parallel_loop3A to %parallel_loop3A_183 step %parallel_loop3A_184  : i32 {
      %parallel_loop3A_1029 = arith.constant 5 : i32
      %parallel_loop3A_1030 = arith.shrsi %parallel_loop3A_1028, %parallel_loop3A_1029 : i32
      %parallel_loop3A_1031 = arith.constant 31 : i32
      %parallel_loop3A_1032 = arith.andi %parallel_loop3A_1028, %parallel_loop3A_1031 : i32
      %parallel_loop3A_1033 = arith.constant 128 : i32
      %parallel_loop3A_1034 = arith.muli %parallel_loop3A_1030, %parallel_loop3A_1033 : i32
      %parallel_loop3A_1035 = vector.broadcast %parallel_loop3A_1034 : i32 to vector<16xi32>
      %parallel_loop3A_1036 = vector.broadcast %parallel_loop3A_1032 : i32 to vector<16xi32>
      %parallel_loop3A_1037 = arith.addi %add3A_24, %parallel_loop3A_1035 : vector<16xi32>
      %parallel_loop3A_1038 = tpu.vector_load_idx %arg6[%parallel_loop3A_1037, %parallel_loop3A_1036] : memref<512x32xf32, #tpu.memory_space<vmem>>[vector<16xi32>, vector<16xi32>], vector<16xf32>,
      %parallel_loop3A_1039 = arith.index_cast %parallel_loop3A_1030 : i32 to index
      %parallel_loop3A_1040 = arith.index_cast %parallel_loop3A_1032 : i32 to index
      %parallel_loop3A_1041 = arith.constant 0 : index
      %parallel_loop3A_1042 = tpu.vector_load %arg8[%parallel_loop3A_1039, %parallel_loop3A_1040, %parallel_loop3A_1041] {strides = array<i32>} : memref<4x32x128xf32, #tpu.memory_space<vmem>>, vector<16xf32>,
      tpu.vector_store %arg8[%parallel_loop3A_1039, %parallel_loop3A_1040, %parallel_loop3A_1041], %parallel_loop3A_1038 {strides = array<i32>} : memref<4x32x128xf32, #tpu.memory_space<vmem>>, vector<16xf32>,
      %parallel_loop3A_1043 = arith.addi %add3A_28, %parallel_loop3A_1035 : vector<16xi32>
      %parallel_loop3A_1044 = tpu.vector_load_idx %arg6[%parallel_loop3A_1043, %parallel_loop3A_1036] : memref<512x32xf32, #tpu.memory_space<vmem>>[vector<16xi32>, vector<16xi32>], vector<16xf32>,
      %parallel_loop3A_1045 = arith.index_cast %parallel_loop3A_1030 : i32 to index
      %parallel_loop3A_1046 = arith.index_cast %parallel_loop3A_1032 : i32 to index
      %parallel_loop3A_1047 = arith.constant 16 : index
      %parallel_loop3A_1048 = tpu.vector_load %arg8[%parallel_loop3A_1045, %parallel_loop3A_1046, %parallel_loop3A_1047] {strides = array<i32>} : memref<4x32x128xf32, #tpu.memory_space<vmem>>, vector<16xf32>,
      tpu.vector_store %arg8[%parallel_loop3A_1045, %parallel_loop3A_1046, %parallel_loop3A_1047], %parallel_loop3A_1044 {strides = array<i32>} : memref<4x32x128xf32, #tpu.memory_space<vmem>>, vector<16xf32>,
      %parallel_loop3A_1049 = arith.addi %add3A_32, %parallel_loop3A_1035 : vector<16xi32>
      %parallel_loop3A_1050 = tpu.vector_load_idx %arg6[%parallel_loop3A_1049, %parallel_loop3A_1036] : memref<512x32xf32, #tpu.memory_space<vmem>>[vector<16xi32>, vector<16xi32>], vector<16xf32>,
      %parallel_loop3A_1051 = arith.index_cast %parallel_loop3A_1030 : i32 to index
      %parallel_loop3A_1052 = arith.index_cast %parallel_loop3A_1032 : i32 to index
      %parallel_loop3A_1053 = arith.constant 32 : index
      %parallel_loop3A_1054 = tpu.vector_load %arg8[%parallel_loop3A_1051, %parallel_loop3A_1052, %parallel_loop3A_1053] {strides = array<i32>} : memref<4x32x128xf32, #tpu.memory_space<vmem>>, vector<16xf32>,
      tpu.vector_store %arg8[%parallel_loop3A_1051, %parallel_loop3A_1052, %parallel_loop3A_1053], %parallel_loop3A_1050 {strides = array<i32>} : memref<4x32x128xf32, #tpu.memory_space<vmem>>, vector<16xf32>,
      %parallel_loop3A_1055 = arith.addi %add3A_36, %parallel_loop3A_1035 : vector<16xi32>
      %parallel_loop3A_1056 = tpu.vector_load_idx %arg6[%parallel_loop3A_1055, %parallel_loop3A_1036] : memref<512x32xf32, #tpu.memory_space<vmem>>[vector<16xi32>, vector<16xi32>], vector<16xf32>,
      %parallel_loop3A_1057 = arith.index_cast %parallel_loop3A_1030 : i32 to index
      %parallel_loop3A_1058 = arith.index_cast %parallel_loop3A_1032 : i32 to index
      %parallel_loop3A_1059 = arith.constant 48 : index
      %parallel_loop3A_1060 = tpu.vector_load %arg8[%parallel_loop3A_1057, %parallel_loop3A_1058, %parallel_loop3A_1059] {strides = array<i32>} : memref<4x32x128xf32, #tpu.memory_space<vmem>>, vector<16xf32>,
      tpu.vector_store %arg8[%parallel_loop3A_1057, %parallel_loop3A_1058, %parallel_loop3A_1059], %parallel_loop3A_1056 {strides = array<i32>} : memref<4x32x128xf32, #tpu.memory_space<vmem>>, vector<16xf32>,
      %parallel_loop3A_1061 = arith.addi %add3A_40, %parallel_loop3A_1035 : vector<16xi32>
      %parallel_loop3A_1062 = tpu.vector_load_idx %arg6[%parallel_loop3A_1061, %parallel_loop3A_1036] : memref<512x32xf32, #tpu.memory_space<vmem>>[vector<16xi32>, vector<16xi32>], vector<16xf32>,
      %parallel_loop3A_1063 = arith.index_cast %parallel_loop3A_1030 : i32 to index
      %parallel_loop3A_1064 = arith.index_cast %parallel_loop3A_1032 : i32 to index
      %parallel_loop3A_1065 = arith.constant 64 : index
      %parallel_loop3A_1066 = tpu.vector_load %arg8[%parallel_loop3A_1063, %parallel_loop3A_1064, %parallel_loop3A_1065] {strides = array<i32>} : memref<4x32x128xf32, #tpu.memory_space<vmem>>, vector<16xf32>,
      tpu.vector_store %arg8[%parallel_loop3A_1063, %parallel_loop3A_1064, %parallel_loop3A_1065], %parallel_loop3A_1062 {strides = array<i32>} : memref<4x32x128xf32, #tpu.memory_space<vmem>>, vector<16xf32>,
      %parallel_loop3A_1067 = arith.addi %add3A_44, %parallel_loop3A_1035 : vector<16xi32>
      %parallel_loop3A_1068 = tpu.vector_load_idx %arg6[%parallel_loop3A_1067, %parallel_loop3A_1036] : memref<512x32xf32, #tpu.memory_space<vmem>>[vector<16xi32>, vector<16xi32>], vector<16xf32>,
      %parallel_loop3A_1069 = arith.index_cast %parallel_loop3A_1030 : i32 to index
      %parallel_loop3A_1070 = arith.index_cast %parallel_loop3A_1032 : i32 to index
      %parallel_loop3A_1071 = arith.constant 80 : index
      %parallel_loop3A_1072 = tpu.vector_load %arg8[%parallel_loop3A_1069, %parallel_loop3A_1070, %parallel_loop3A_1071] {strides = array<i32>} : memref<4x32x128xf32, #tpu.memory_space<vmem>>, vector<16xf32>,
      tpu.vector_store %arg8[%parallel_loop3A_1069, %parallel_loop3A_1070, %parallel_loop3A_1071], %parallel_loop3A_1068 {strides = array<i32>} : memref<4x32x128xf32, #tpu.memory_space<vmem>>, vector<16xf32>,
      %parallel_loop3A_1073 = arith.addi %add3A_48, %parallel_loop3A_1035 : vector<16xi32>
      %parallel_loop3A_1074 = tpu.vector_load_idx %arg6[%parallel_loop3A_1073, %parallel_loop3A_1036] : memref<512x32xf32, #tpu.memory_space<vmem>>[vector<16xi32>, vector<16xi32>], vector<16xf32>,
      %parallel_loop3A_1075 = arith.index_cast %parallel_loop3A_1030 : i32 to index
      %parallel_loop3A_1076 = arith.index_cast %parallel_loop3A_1032 : i32 to index
      %parallel_loop3A_1077 = arith.constant 96 : index
      %parallel_loop3A_1078 = tpu.vector_load %arg8[%parallel_loop3A_1075, %parallel_loop3A_1076, %parallel_loop3A_1077] {strides = array<i32>} : memref<4x32x128xf32, #tpu.memory_space<vmem>>, vector<16xf32>,
      tpu.vector_store %arg8[%parallel_loop3A_1075, %parallel_loop3A_1076, %parallel_loop3A_1077], %parallel_loop3A_1074 {strides = array<i32>} : memref<4x32x128xf32, #tpu.memory_space<vmem>>, vector<16xf32>,
      %parallel_loop3A_1079 = arith.addi %add3A_52, %parallel_loop3A_1035 : vector<16xi32>
      %parallel_loop3A_1080 = tpu.vector_load_idx %arg6[%parallel_loop3A_1079, %parallel_loop3A_1036] : memref<512x32xf32, #tpu.memory_space<vmem>>[vector<16xi32>, vector<16xi32>], vector<16xf32>,
      %parallel_loop3A_1081 = arith.index_cast %parallel_loop3A_1030 : i32 to index
      %parallel_loop3A_1082 = arith.index_cast %parallel_loop3A_1032 : i32 to index
      %parallel_loop3A_1083 = arith.constant 112 : index
      %parallel_loop3A_1084 = tpu.vector_load %arg8[%parallel_loop3A_1081, %parallel_loop3A_1082, %parallel_loop3A_1083] {strides = array<i32>} : memref<4x32x128xf32, #tpu.memory_space<vmem>>, vector<16xf32>,
      tpu.vector_store %arg8[%parallel_loop3A_1081, %parallel_loop3A_1082, %parallel_loop3A_1083], %parallel_loop3A_1080 {strides = array<i32>} : memref<4x32x128xf32, #tpu.memory_space<vmem>>, vector<16xf32>,
    } {sc.loop_unroll_factor = 4 : i64, sc.parallel_access}
    %mul3A_185 = arith.constant 8 : i32
    %mul3A_186 = arith.muli %add3A, %mul3A_185 : i32
    %dma_start3A_187 = arith.constant 0 : i32
    %dma_start3A_188 = arith.constant 0 : i32
    %dma_start3A_189 = arith.constant 0 : i32
    %dma_start3A_190 = arith.constant 0 : i32
    %dma_start3A_191 = tpu.memref_slice %arg8[%dma_start3A_188, %dma_start3A_189, %dma_start3A_190] : memref<4x32x128xf32, #tpu.memory_space<vmem>> -> memref<4x8x128xf32, #tpu.memory_space<vmem>>
    %dma_start3A_192 = arith.constant 0 : i32
    %dma_start3A_193 = arith.constant 0 : i32
    %dma_start3A_194 = tpu.memref_slice %arg4[%dma_start3A_192, %dma_start3A_187, %mul3A_186, %dma_start3A_193] : memref<201x4x256x128xf32, #tpu.memory_space<hbm>> -> memref<4x1x8x128xf32, #tpu.memory_space<hbm>>
    %dma_start3A_195 = tpu.memref_squeeze %dma_start3A_194 : memref<4x1x8x128xf32, #tpu.memory_space<hbm>> -> memref<4x8x128xf32, #tpu.memory_space<hbm>>
    %dma_start3A_196 = arith.constant 0 : i32
    %dma_start3A_197 = arith.constant 0 : i32
    %dma_start3A_198 = tpu.memref_slice %arg4[%dma_start3A_196, %dma_start3A_187, %mul3A_186, %dma_start3A_197] : memref<201x4x256x128xf32, #tpu.memory_space<hbm>> -> memref<4x1x8x128xf32, #tpu.memory_space<hbm>>
    %dma_start3A_199 = tpu.memref_squeeze %dma_start3A_198 : memref<4x1x8x128xf32, #tpu.memory_space<hbm>> -> memref<4x8x128xf32, #tpu.memory_space<hbm>>
    %dma_start3A_200 = arith.constant 0 : i32
    %dma_start3A_201 = arith.constant 0 : i32
    %dma_start3A_202 = arith.constant 0 : i32
    %dma_start3A_203 = tpu.memref_slice %arg8[%dma_start3A_200, %dma_start3A_201, %dma_start3A_202] : memref<4x32x128xf32, #tpu.memory_space<vmem>> -> memref<4x8x128xf32, #tpu.memory_space<vmem>>
    tpu.enqueue_dma source(%dma_start3A_203 : memref<4x8x128xf32, #tpu.memory_space<vmem>>) target(%dma_start3A_199 : memref<4x8x128xf32, #tpu.memory_space<hbm>>) target_semaphore(%arg13 : memref<!tpu.dma_semaphore, #tpu.memory_space<semaphore_mem>>)
    %mul3A_204 = arith.constant 8 : i32
    %mul3A_205 = arith.muli %add3A, %mul3A_204 : i32
    %dma_start3A_206 = arith.constant 1 : i32
    %dma_start3A_207 = arith.constant 0 : i32
    %dma_start3A_208 = arith.constant 8 : i32
    %dma_start3A_209 = arith.constant 0 : i32
    %dma_start3A_210 = tpu.memref_slice %arg8[%dma_start3A_207, %dma_start3A_208, %dma_start3A_209] : memref<4x32x128xf32, #tpu.memory_space<vmem>> -> memref<4x8x128xf32, #tpu.memory_space<vmem>>
    %dma_start3A_211 = arith.constant 0 : i32
    %dma_start3A_212 = arith.constant 0 : i32
    %dma_start3A_213 = tpu.memref_slice %arg4[%dma_start3A_211, %dma_start3A_206, %mul3A_205, %dma_start3A_212] : memref<201x4x256x128xf32, #tpu.memory_space<hbm>> -> memref<4x1x8x128xf32, #tpu.memory_space<hbm>>
    %dma_start3A_214 = tpu.memref_squeeze %dma_start3A_213 : memref<4x1x8x128xf32, #tpu.memory_space<hbm>> -> memref<4x8x128xf32, #tpu.memory_space<hbm>>
    %dma_start3A_215 = arith.constant 0 : i32
    %dma_start3A_216 = arith.constant 0 : i32
    %dma_start3A_217 = tpu.memref_slice %arg4[%dma_start3A_215, %dma_start3A_206, %mul3A_205, %dma_start3A_216] : memref<201x4x256x128xf32, #tpu.memory_space<hbm>> -> memref<4x1x8x128xf32, #tpu.memory_space<hbm>>
    %dma_start3A_218 = tpu.memref_squeeze %dma_start3A_217 : memref<4x1x8x128xf32, #tpu.memory_space<hbm>> -> memref<4x8x128xf32, #tpu.memory_space<hbm>>
    %dma_start3A_219 = arith.constant 0 : i32
    %dma_start3A_220 = arith.constant 8 : i32
    %dma_start3A_221 = arith.constant 0 : i32
    %dma_start3A_222 = tpu.memref_slice %arg8[%dma_start3A_219, %dma_start3A_220, %dma_start3A_221] : memref<4x32x128xf32, #tpu.memory_space<vmem>> -> memref<4x8x128xf32, #tpu.memory_space<vmem>>
    tpu.enqueue_dma source(%dma_start3A_222 : memref<4x8x128xf32, #tpu.memory_space<vmem>>) target(%dma_start3A_218 : memref<4x8x128xf32, #tpu.memory_space<hbm>>) target_semaphore(%arg13 : memref<!tpu.dma_semaphore, #tpu.memory_space<semaphore_mem>>)
    %mul3A_223 = arith.constant 8 : i32
    %mul3A_224 = arith.muli %add3A, %mul3A_223 : i32
    %dma_start3A_225 = arith.constant 2 : i32
    %dma_start3A_226 = arith.constant 0 : i32
    %dma_start3A_227 = arith.constant 16 : i32
    %dma_start3A_228 = arith.constant 0 : i32
    %dma_start3A_229 = tpu.memref_slice %arg8[%dma_start3A_226, %dma_start3A_227, %dma_start3A_228] : memref<4x32x128xf32, #tpu.memory_space<vmem>> -> memref<4x8x128xf32, #tpu.memory_space<vmem>>
    %dma_start3A_230 = arith.constant 0 : i32
    %dma_start3A_231 = arith.constant 0 : i32
    %dma_start3A_232 = tpu.memref_slice %arg4[%dma_start3A_230, %dma_start3A_225, %mul3A_224, %dma_start3A_231] : memref<201x4x256x128xf32, #tpu.memory_space<hbm>> -> memref<4x1x8x128xf32, #tpu.memory_space<hbm>>
    %dma_start3A_233 = tpu.memref_squeeze %dma_start3A_232 : memref<4x1x8x128xf32, #tpu.memory_space<hbm>> -> memref<4x8x128xf32, #tpu.memory_space<hbm>>
    %dma_start3A_234 = arith.constant 0 : i32
    %dma_start3A_235 = arith.constant 0 : i32
    %dma_start3A_236 = tpu.memref_slice %arg4[%dma_start3A_234, %dma_start3A_225, %mul3A_224, %dma_start3A_235] : memref<201x4x256x128xf32, #tpu.memory_space<hbm>> -> memref<4x1x8x128xf32, #tpu.memory_space<hbm>>
    %dma_start3A_237 = tpu.memref_squeeze %dma_start3A_236 : memref<4x1x8x128xf32, #tpu.memory_space<hbm>> -> memref<4x8x128xf32, #tpu.memory_space<hbm>>
    %dma_start3A_238 = arith.constant 0 : i32
    %dma_start3A_239 = arith.constant 16 : i32
    %dma_start3A_240 = arith.constant 0 : i32
    %dma_start3A_241 = tpu.memref_slice %arg8[%dma_start3A_238, %dma_start3A_239, %dma_start3A_240] : memref<4x32x128xf32, #tpu.memory_space<vmem>> -> memref<4x8x128xf32, #tpu.memory_space<vmem>>
    tpu.enqueue_dma source(%dma_start3A_241 : memref<4x8x128xf32, #tpu.memory_space<vmem>>) target(%dma_start3A_237 : memref<4x8x128xf32, #tpu.memory_space<hbm>>) target_semaphore(%arg13 : memref<!tpu.dma_semaphore, #tpu.memory_space<semaphore_mem>>)
    %mul3A_242 = arith.constant 8 : i32
    %mul3A_243 = arith.muli %add3A, %mul3A_242 : i32
    %dma_start3A_244 = arith.constant 3 : i32
    %dma_start3A_245 = arith.constant 0 : i32
    %dma_start3A_246 = arith.constant 24 : i32
    %dma_start3A_247 = arith.constant 0 : i32
    %dma_start3A_248 = tpu.memref_slice %arg8[%dma_start3A_245, %dma_start3A_246, %dma_start3A_247] : memref<4x32x128xf32, #tpu.memory_space<vmem>> -> memref<4x8x128xf32, #tpu.memory_space<vmem>>
    %dma_start3A_249 = arith.constant 0 : i32
    %dma_start3A_250 = arith.constant 0 : i32
    %dma_start3A_251 = tpu.memref_slice %arg4[%dma_start3A_249, %dma_start3A_244, %mul3A_243, %dma_start3A_250] : memref<201x4x256x128xf32, #tpu.memory_space<hbm>> -> memref<4x1x8x128xf32, #tpu.memory_space<hbm>>
    %dma_start3A_252 = tpu.memref_squeeze %dma_start3A_251 : memref<4x1x8x128xf32, #tpu.memory_space<hbm>> -> memref<4x8x128xf32, #tpu.memory_space<hbm>>
    %dma_start3A_253 = arith.constant 0 : i32
    %dma_start3A_254 = arith.constant 0 : i32
    %dma_start3A_255 = tpu.memref_slice %arg4[%dma_start3A_253, %dma_start3A_244, %mul3A_243, %dma_start3A_254] : memref<201x4x256x128xf32, #tpu.memory_space<hbm>> -> memref<4x1x8x128xf32, #tpu.memory_space<hbm>>
    %dma_start3A_256 = tpu.memref_squeeze %dma_start3A_255 : memref<4x1x8x128xf32, #tpu.memory_space<hbm>> -> memref<4x8x128xf32, #tpu.memory_space<hbm>>
    %dma_start3A_257 = arith.constant 0 : i32
    %dma_start3A_258 = arith.constant 24 : i32
    %dma_start3A_259 = arith.constant 0 : i32
    %dma_start3A_260 = tpu.memref_slice %arg8[%dma_start3A_257, %dma_start3A_258, %dma_start3A_259] : memref<4x32x128xf32, #tpu.memory_space<vmem>> -> memref<4x8x128xf32, #tpu.memory_space<vmem>>
    tpu.enqueue_dma source(%dma_start3A_260 : memref<4x8x128xf32, #tpu.memory_space<vmem>>) target(%dma_start3A_256 : memref<4x8x128xf32, #tpu.memory_space<hbm>>) target_semaphore(%arg13 : memref<!tpu.dma_semaphore, #tpu.memory_space<semaphore_mem>>)
    %dma_wait3A_261 = arith.constant 0 : i32
    %dma_wait3A_262 = arith.constant 0 : i32
    %dma_wait3A_263 = arith.constant 0 : i32
    %dma_wait3A_264 = arith.constant 0 : i32
    %dma_wait3A_265 = tpu.memref_slice %arg7[%dma_wait3A_263, %dma_wait3A_264] : memref<512x32xf32, #tpu.memory_space<vmem>> -> memref<128x32xf32, #tpu.memory_space<vmem>>
    %dma_wait3A_266 = arith.constant 0 : i32
    %dma_wait3A_267 = tpu.memref_slice %arg5[%dma_wait3A_261, %dma_wait3A_262, %dma_wait3A_266] : memref<25x8x128xi32, #tpu.memory_space<vmem>> -> memref<1x1x128xi32, #tpu.memory_space<vmem>>
    %dma_wait3A_268 = tpu.memref_squeeze %dma_wait3A_267 : memref<1x1x128xi32, #tpu.memory_space<vmem>> -> memref<128xi32, #tpu.memory_space<vmem>>
    %dma_wait3A_269 = arith.constant 0 : i32
    %dma_wait3A_270 = arith.constant 0 : i32
    %dma_wait3A_271 = tpu.memref_slice %arg3[%dma_wait3A_269, %dma_wait3A_270] : memref<1000000x32xf32, #tpu.memory_space<hbm>> -> memref<1000000x32xf32, #tpu.memory_space<hbm>>
    tpu.wait_indirect_dma semaphore(%arg12 : memref<!tpu.dma_semaphore, #tpu.memory_space<semaphore_mem>>) src(%dma_wait3A_271 : memref<1000000x32xf32, #tpu.memory_space<hbm>>) dst(%dma_wait3A_265 : memref<128x32xf32, #tpu.memory_space<vmem>>)
    %dma_wait3A_272 = arith.constant 0 : i32
    %dma_wait3A_273 = arith.constant 0 : i32
    %dma_wait3A_274 = arith.constant 128 : i32
    %dma_wait3A_275 = arith.constant 0 : i32
    %dma_wait3A_276 = tpu.memref_slice %arg7[%dma_wait3A_274, %dma_wait3A_275] : memref<512x32xf32, #tpu.memory_space<vmem>> -> memref<128x32xf32, #tpu.memory_space<vmem>>
    %dma_wait3A_277 = arith.constant 0 : i32
    %dma_wait3A_278 = tpu.memref_slice %arg5[%dma_wait3A_272, %dma_wait3A_273, %dma_wait3A_277] : memref<25x8x128xi32, #tpu.memory_space<vmem>> -> memref<1x1x128xi32, #tpu.memory_space<vmem>>
    %dma_wait3A_279 = tpu.memref_squeeze %dma_wait3A_278 : memref<1x1x128xi32, #tpu.memory_space<vmem>> -> memref<128xi32, #tpu.memory_space<vmem>>
    %dma_wait3A_280 = arith.constant 0 : i32
    %dma_wait3A_281 = arith.constant 0 : i32
    %dma_wait3A_282 = tpu.memref_slice %arg3[%dma_wait3A_280, %dma_wait3A_281] : memref<1000000x32xf32, #tpu.memory_space<hbm>> -> memref<1000000x32xf32, #tpu.memory_space<hbm>>
    tpu.wait_indirect_dma semaphore(%arg12 : memref<!tpu.dma_semaphore, #tpu.memory_space<semaphore_mem>>) src(%dma_wait3A_282 : memref<1000000x32xf32, #tpu.memory_space<hbm>>) dst(%dma_wait3A_276 : memref<128x32xf32, #tpu.memory_space<vmem>>)
    %dma_wait3A_283 = arith.constant 0 : i32
    %dma_wait3A_284 = arith.constant 0 : i32
    %dma_wait3A_285 = arith.constant 256 : i32
    %dma_wait3A_286 = arith.constant 0 : i32
    %dma_wait3A_287 = tpu.memref_slice %arg7[%dma_wait3A_285, %dma_wait3A_286] : memref<512x32xf32, #tpu.memory_space<vmem>> -> memref<128x32xf32, #tpu.memory_space<vmem>>
    %dma_wait3A_288 = arith.constant 0 : i32
    %dma_wait3A_289 = tpu.memref_slice %arg5[%dma_wait3A_283, %dma_wait3A_284, %dma_wait3A_288] : memref<25x8x128xi32, #tpu.memory_space<vmem>> -> memref<1x1x128xi32, #tpu.memory_space<vmem>>
    %dma_wait3A_290 = tpu.memref_squeeze %dma_wait3A_289 : memref<1x1x128xi32, #tpu.memory_space<vmem>> -> memref<128xi32, #tpu.memory_space<vmem>>
    %dma_wait3A_291 = arith.constant 0 : i32
    %dma_wait3A_292 = arith.constant 0 : i32
    %dma_wait3A_293 = tpu.memref_slice %arg3[%dma_wait3A_291, %dma_wait3A_292] : memref<1000000x32xf32, #tpu.memory_space<hbm>> -> memref<1000000x32xf32, #tpu.memory_space<hbm>>
    tpu.wait_indirect_dma semaphore(%arg12 : memref<!tpu.dma_semaphore, #tpu.memory_space<semaphore_mem>>) src(%dma_wait3A_293 : memref<1000000x32xf32, #tpu.memory_space<hbm>>) dst(%dma_wait3A_287 : memref<128x32xf32, #tpu.memory_space<vmem>>)
    %dma_wait3A_294 = arith.constant 0 : i32
    %dma_wait3A_295 = arith.constant 0 : i32
    %dma_wait3A_296 = arith.constant 384 : i32
    %dma_wait3A_297 = arith.constant 0 : i32
    %dma_wait3A_298 = tpu.memref_slice %arg7[%dma_wait3A_296, %dma_wait3A_297] : memref<512x32xf32, #tpu.memory_space<vmem>> -> memref<128x32xf32, #tpu.memory_space<vmem>>
    %dma_wait3A_299 = arith.constant 0 : i32
    %dma_wait3A_300 = tpu.memref_slice %arg5[%dma_wait3A_294, %dma_wait3A_295, %dma_wait3A_299] : memref<25x8x128xi32, #tpu.memory_space<vmem>> -> memref<1x1x128xi32, #tpu.memory_space<vmem>>
    %dma_wait3A_301 = tpu.memref_squeeze %dma_wait3A_300 : memref<1x1x128xi32, #tpu.memory_space<vmem>> -> memref<128xi32, #tpu.memory_space<vmem>>
    %dma_wait3A_302 = arith.constant 0 : i32
    %dma_wait3A_303 = arith.constant 0 : i32
    %dma_wait3A_304 = tpu.memref_slice %arg3[%dma_wait3A_302, %dma_wait3A_303] : memref<1000000x32xf32, #tpu.memory_space<hbm>> -> memref<1000000x32xf32, #tpu.memory_space<hbm>>
    tpu.wait_indirect_dma semaphore(%arg12 : memref<!tpu.dma_semaphore, #tpu.memory_space<semaphore_mem>>) src(%dma_wait3A_304 : memref<1000000x32xf32, #tpu.memory_space<hbm>>) dst(%dma_wait3A_298 : memref<128x32xf32, #tpu.memory_space<vmem>>)
    %dma_start3A_305 = arith.constant 1 : i32
    %dma_start3A_306 = arith.constant 0 : i32
    %dma_start3A_307 = arith.constant 0 : i32
    %dma_start3A_308 = arith.constant 0 : i32
    %dma_start3A_309 = tpu.memref_slice %arg6[%dma_start3A_307, %dma_start3A_308] : memref<512x32xf32, #tpu.memory_space<vmem>> -> memref<128x32xf32, #tpu.memory_space<vmem>>
    %dma_start3A_310 = arith.constant 0 : i32
    %dma_start3A_311 = tpu.memref_slice %arg5[%dma_start3A_305, %dma_start3A_306, %dma_start3A_310] : memref<25x8x128xi32, #tpu.memory_space<vmem>> -> memref<1x1x128xi32, #tpu.memory_space<vmem>>
    %dma_start3A_312 = tpu.memref_squeeze %dma_start3A_311 : memref<1x1x128xi32, #tpu.memory_space<vmem>> -> memref<128xi32, #tpu.memory_space<vmem>>
    %dma_start3A_313 = arith.constant 0 : i32
    %dma_start3A_314 = arith.constant 0 : i32
    %dma_start3A_315 = tpu.memref_slice %arg3[%dma_start3A_313, %dma_start3A_314] : memref<1000000x32xf32, #tpu.memory_space<hbm>> -> memref<1000000x32xf32, #tpu.memory_space<hbm>>
    tpu.enqueue_indirect_dma source(%dma_start3A_315 : memref<1000000x32xf32, #tpu.memory_space<hbm>>) target(%dma_start3A_309 : memref<128x32xf32, #tpu.memory_space<vmem>>) offsets(%dma_start3A_312 : memref<128xi32, #tpu.memory_space<vmem>>) semaphore(%arg11 : memref<!tpu.dma_semaphore, #tpu.memory_space<semaphore_mem>>)
    %dma_start3A_316 = arith.constant 1 : i32
    %dma_start3A_317 = arith.constant 1 : i32
    %dma_start3A_318 = arith.constant 128 : i32
    %dma_start3A_319 = arith.constant 0 : i32
    %dma_start3A_320 = tpu.memref_slice %arg6[%dma_start3A_318, %dma_start3A_319] : memref<512x32xf32, #tpu.memory_space<vmem>> -> memref<128x32xf32, #tpu.memory_space<vmem>>
    %dma_start3A_321 = arith.constant 0 : i32
    %dma_start3A_322 = tpu.memref_slice %arg5[%dma_start3A_316, %dma_start3A_317, %dma_start3A_321] : memref<25x8x128xi32, #tpu.memory_space<vmem>> -> memref<1x1x128xi32, #tpu.memory_space<vmem>>
    %dma_start3A_323 = tpu.memref_squeeze %dma_start3A_322 : memref<1x1x128xi32, #tpu.memory_space<vmem>> -> memref<128xi32, #tpu.memory_space<vmem>>
    %dma_start3A_324 = arith.constant 0 : i32
    %dma_start3A_325 = arith.constant 0 : i32
    %dma_start3A_326 = tpu.memref_slice %arg3[%dma_start3A_324, %dma_start3A_325] : memref<1000000x32xf32, #tpu.memory_space<hbm>> -> memref<1000000x32xf32, #tpu.memory_space<hbm>>
    tpu.enqueue_indirect_dma source(%dma_start3A_326 : memref<1000000x32xf32, #tpu.memory_space<hbm>>) target(%dma_start3A_320 : memref<128x32xf32, #tpu.memory_space<vmem>>) offsets(%dma_start3A_323 : memref<128xi32, #tpu.memory_space<vmem>>) semaphore(%arg11 : memref<!tpu.dma_semaphore, #tpu.memory_space<semaphore_mem>>)
    %dma_start3A_327 = arith.constant 1 : i32
    %dma_start3A_328 = arith.constant 2 : i32
    %dma_start3A_329 = arith.constant 256 : i32
    %dma_start3A_330 = arith.constant 0 : i32
    %dma_start3A_331 = tpu.memref_slice %arg6[%dma_start3A_329, %dma_start3A_330] : memref<512x32xf32, #tpu.memory_space<vmem>> -> memref<128x32xf32, #tpu.memory_space<vmem>>
    %dma_start3A_332 = arith.constant 0 : i32
    %dma_start3A_333 = tpu.memref_slice %arg5[%dma_start3A_327, %dma_start3A_328, %dma_start3A_332] : memref<25x8x128xi32, #tpu.memory_space<vmem>> -> memref<1x1x128xi32, #tpu.memory_space<vmem>>
    %dma_start3A_334 = tpu.memref_squeeze %dma_start3A_333 : memref<1x1x128xi32, #tpu.memory_space<vmem>> -> memref<128xi32, #tpu.memory_space<vmem>>
    %dma_start3A_335 = arith.constant 0 : i32
    %dma_start3A_336 = arith.constant 0 : i32
    %dma_start3A_337 = tpu.memref_slice %arg3[%dma_start3A_335, %dma_start3A_336] : memref<1000000x32xf32, #tpu.memory_space<hbm>> -> memref<1000000x32xf32, #tpu.memory_space<hbm>>
    tpu.enqueue_indirect_dma source(%dma_start3A_337 : memref<1000000x32xf32, #tpu.memory_space<hbm>>) target(%dma_start3A_331 : memref<128x32xf32, #tpu.memory_space<vmem>>) offsets(%dma_start3A_334 : memref<128xi32, #tpu.memory_space<vmem>>) semaphore(%arg11 : memref<!tpu.dma_semaphore, #tpu.memory_space<semaphore_mem>>)
    %dma_start3A_338 = arith.constant 1 : i32
    %dma_start3A_339 = arith.constant 3 : i32
    %dma_start3A_340 = arith.constant 384 : i32
    %dma_start3A_341 = arith.constant 0 : i32
    %dma_start3A_342 = tpu.memref_slice %arg6[%dma_start3A_340, %dma_start3A_341] : memref<512x32xf32, #tpu.memory_space<vmem>> -> memref<128x32xf32, #tpu.memory_space<vmem>>
    %dma_start3A_343 = arith.constant 0 : i32
    %dma_start3A_344 = tpu.memref_slice %arg5[%dma_start3A_338, %dma_start3A_339, %dma_start3A_343] : memref<25x8x128xi32, #tpu.memory_space<vmem>> -> memref<1x1x128xi32, #tpu.memory_space<vmem>>
    %dma_start3A_345 = tpu.memref_squeeze %dma_start3A_344 : memref<1x1x128xi32, #tpu.memory_space<vmem>> -> memref<128xi32, #tpu.memory_space<vmem>>
    %dma_start3A_346 = arith.constant 0 : i32
    %dma_start3A_347 = arith.constant 0 : i32
    %dma_start3A_348 = tpu.memref_slice %arg3[%dma_start3A_346, %dma_start3A_347] : memref<1000000x32xf32, #tpu.memory_space<hbm>> -> memref<1000000x32xf32, #tpu.memory_space<hbm>>
    tpu.enqueue_indirect_dma source(%dma_start3A_348 : memref<1000000x32xf32, #tpu.memory_space<hbm>>) target(%dma_start3A_342 : memref<128x32xf32, #tpu.memory_space<vmem>>) offsets(%dma_start3A_345 : memref<128xi32, #tpu.memory_space<vmem>>) semaphore(%arg11 : memref<!tpu.dma_semaphore, #tpu.memory_space<semaphore_mem>>)
    %parallel_loop3A_349 = arith.constant 0 : i32
    %parallel_loop3A_350 = arith.constant 128 : i32
    %parallel_loop3A_351 = arith.constant 1 : i32
    scf.for %parallel_loop3A_1028 = %parallel_loop3A_349 to %parallel_loop3A_350 step %parallel_loop3A_351  : i32 {
      %parallel_loop3A_1029 = arith.constant 5 : i32
      %parallel_loop3A_1030 = arith.shrsi %parallel_loop3A_1028, %parallel_loop3A_1029 : i32
      %parallel_loop3A_1031 = arith.constant 31 : i32
      %parallel_loop3A_1032 = arith.andi %parallel_loop3A_1028, %parallel_loop3A_1031 : i32
      %parallel_loop3A_1033 = arith.constant 128 : i32
      %parallel_loop3A_1034 = arith.muli %parallel_loop3A_1030, %parallel_loop3A_1033 : i32
      %parallel_loop3A_1035 = vector.broadcast %parallel_loop3A_1034 : i32 to vector<16xi32>
      %parallel_loop3A_1036 = vector.broadcast %parallel_loop3A_1032 : i32 to vector<16xi32>
      %parallel_loop3A_1037 = arith.addi %add3A_24, %parallel_loop3A_1035 : vector<16xi32>
      %parallel_loop3A_1038 = tpu.vector_load_idx %arg7[%parallel_loop3A_1037, %parallel_loop3A_1036] : memref<512x32xf32, #tpu.memory_space<vmem>>[vector<16xi32>, vector<16xi32>], vector<16xf32>,
      %parallel_loop3A_1039 = arith.index_cast %parallel_loop3A_1030 : i32 to index
      %parallel_loop3A_1040 = arith.index_cast %parallel_loop3A_1032 : i32 to index
      %parallel_loop3A_1041 = arith.constant 0 : index
      %parallel_loop3A_1042 = tpu.vector_load %arg9[%parallel_loop3A_1039, %parallel_loop3A_1040, %parallel_loop3A_1041] {strides = array<i32>} : memref<4x32x128xf32, #tpu.memory_space<vmem>>, vector<16xf32>,
      tpu.vector_store %arg9[%parallel_loop3A_1039, %parallel_loop3A_1040, %parallel_loop3A_1041], %parallel_loop3A_1038 {strides = array<i32>} : memref<4x32x128xf32, #tpu.memory_space<vmem>>, vector<16xf32>,
      %parallel_loop3A_1043 = arith.addi %add3A_28, %parallel_loop3A_1035 : vector<16xi32>
      %parallel_loop3A_1044 = tpu.vector_load_idx %arg7[%parallel_loop3A_1043, %parallel_loop3A_1036] : memref<512x32xf32, #tpu.memory_space<vmem>>[vector<16xi32>, vector<16xi32>], vector<16xf32>,
      %parallel_loop3A_1045 = arith.index_cast %parallel_loop3A_1030 : i32 to index
      %parallel_loop3A_1046 = arith.index_cast %parallel_loop3A_1032 : i32 to index
      %parallel_loop3A_1047 = arith.constant 16 : index
      %parallel_loop3A_1048 = tpu.vector_load %arg9[%parallel_loop3A_1045, %parallel_loop3A_1046, %parallel_loop3A_1047] {strides = array<i32>} : memref<4x32x128xf32, #tpu.memory_space<vmem>>, vector<16xf32>,
      tpu.vector_store %arg9[%parallel_loop3A_1045, %parallel_loop3A_1046, %parallel_loop3A_1047], %parallel_loop3A_1044 {strides = array<i32>} : memref<4x32x128xf32, #tpu.memory_space<vmem>>, vector<16xf32>,
      %parallel_loop3A_1049 = arith.addi %add3A_32, %parallel_loop3A_1035 : vector<16xi32>
      %parallel_loop3A_1050 = tpu.vector_load_idx %arg7[%parallel_loop3A_1049, %parallel_loop3A_1036] : memref<512x32xf32, #tpu.memory_space<vmem>>[vector<16xi32>, vector<16xi32>], vector<16xf32>,
      %parallel_loop3A_1051 = arith.index_cast %parallel_loop3A_1030 : i32 to index
      %parallel_loop3A_1052 = arith.index_cast %parallel_loop3A_1032 : i32 to index
      %parallel_loop3A_1053 = arith.constant 32 : index
      %parallel_loop3A_1054 = tpu.vector_load %arg9[%parallel_loop3A_1051, %parallel_loop3A_1052, %parallel_loop3A_1053] {strides = array<i32>} : memref<4x32x128xf32, #tpu.memory_space<vmem>>, vector<16xf32>,
      tpu.vector_store %arg9[%parallel_loop3A_1051, %parallel_loop3A_1052, %parallel_loop3A_1053], %parallel_loop3A_1050 {strides = array<i32>} : memref<4x32x128xf32, #tpu.memory_space<vmem>>, vector<16xf32>,
      %parallel_loop3A_1055 = arith.addi %add3A_36, %parallel_loop3A_1035 : vector<16xi32>
      %parallel_loop3A_1056 = tpu.vector_load_idx %arg7[%parallel_loop3A_1055, %parallel_loop3A_1036] : memref<512x32xf32, #tpu.memory_space<vmem>>[vector<16xi32>, vector<16xi32>], vector<16xf32>,
      %parallel_loop3A_1057 = arith.index_cast %parallel_loop3A_1030 : i32 to index
      %parallel_loop3A_1058 = arith.index_cast %parallel_loop3A_1032 : i32 to index
      %parallel_loop3A_1059 = arith.constant 48 : index
      %parallel_loop3A_1060 = tpu.vector_load %arg9[%parallel_loop3A_1057, %parallel_loop3A_1058, %parallel_loop3A_1059] {strides = array<i32>} : memref<4x32x128xf32, #tpu.memory_space<vmem>>, vector<16xf32>,
      tpu.vector_store %arg9[%parallel_loop3A_1057, %parallel_loop3A_1058, %parallel_loop3A_1059], %parallel_loop3A_1056 {strides = array<i32>} : memref<4x32x128xf32, #tpu.memory_space<vmem>>, vector<16xf32>,
      %parallel_loop3A_1061 = arith.addi %add3A_40, %parallel_loop3A_1035 : vector<16xi32>
      %parallel_loop3A_1062 = tpu.vector_load_idx %arg7[%parallel_loop3A_1061, %parallel_loop3A_1036] : memref<512x32xf32, #tpu.memory_space<vmem>>[vector<16xi32>, vector<16xi32>], vector<16xf32>,
      %parallel_loop3A_1063 = arith.index_cast %parallel_loop3A_1030 : i32 to index
      %parallel_loop3A_1064 = arith.index_cast %parallel_loop3A_1032 : i32 to index
      %parallel_loop3A_1065 = arith.constant 64 : index
      %parallel_loop3A_1066 = tpu.vector_load %arg9[%parallel_loop3A_1063, %parallel_loop3A_1064, %parallel_loop3A_1065] {strides = array<i32>} : memref<4x32x128xf32, #tpu.memory_space<vmem>>, vector<16xf32>,
      tpu.vector_store %arg9[%parallel_loop3A_1063, %parallel_loop3A_1064, %parallel_loop3A_1065], %parallel_loop3A_1062 {strides = array<i32>} : memref<4x32x128xf32, #tpu.memory_space<vmem>>, vector<16xf32>,
      %parallel_loop3A_1067 = arith.addi %add3A_44, %parallel_loop3A_1035 : vector<16xi32>
      %parallel_loop3A_1068 = tpu.vector_load_idx %arg7[%parallel_loop3A_1067, %parallel_loop3A_1036] : memref<512x32xf32, #tpu.memory_space<vmem>>[vector<16xi32>, vector<16xi32>], vector<16xf32>,
      %parallel_loop3A_1069 = arith.index_cast %parallel_loop3A_1030 : i32 to index
      %parallel_loop3A_1070 = arith.index_cast %parallel_loop3A_1032 : i32 to index
      %parallel_loop3A_1071 = arith.constant 80 : index
      %parallel_loop3A_1072 = tpu.vector_load %arg9[%parallel_loop3A_1069, %parallel_loop3A_1070, %parallel_loop3A_1071] {strides = array<i32>} : memref<4x32x128xf32, #tpu.memory_space<vmem>>, vector<16xf32>,
      tpu.vector_store %arg9[%parallel_loop3A_1069, %parallel_loop3A_1070, %parallel_loop3A_1071], %parallel_loop3A_1068 {strides = array<i32>} : memref<4x32x128xf32, #tpu.memory_space<vmem>>, vector<16xf32>,
      %parallel_loop3A_1073 = arith.addi %add3A_48, %parallel_loop3A_1035 : vector<16xi32>
      %parallel_loop3A_1074 = tpu.vector_load_idx %arg7[%parallel_loop3A_1073, %parallel_loop3A_1036] : memref<512x32xf32, #tpu.memory_space<vmem>>[vector<16xi32>, vector<16xi32>], vector<16xf32>,
      %parallel_loop3A_1075 = arith.index_cast %parallel_loop3A_1030 : i32 to index
      %parallel_loop3A_1076 = arith.index_cast %parallel_loop3A_1032 : i32 to index
      %parallel_loop3A_1077 = arith.constant 96 : index
      %parallel_loop3A_1078 = tpu.vector_load %arg9[%parallel_loop3A_1075, %parallel_loop3A_1076, %parallel_loop3A_1077] {strides = array<i32>} : memref<4x32x128xf32, #tpu.memory_space<vmem>>, vector<16xf32>,
      tpu.vector_store %arg9[%parallel_loop3A_1075, %parallel_loop3A_1076, %parallel_loop3A_1077], %parallel_loop3A_1074 {strides = array<i32>} : memref<4x32x128xf32, #tpu.memory_space<vmem>>, vector<16xf32>,
      %parallel_loop3A_1079 = arith.addi %add3A_52, %parallel_loop3A_1035 : vector<16xi32>
      %parallel_loop3A_1080 = tpu.vector_load_idx %arg7[%parallel_loop3A_1079, %parallel_loop3A_1036] : memref<512x32xf32, #tpu.memory_space<vmem>>[vector<16xi32>, vector<16xi32>], vector<16xf32>,
      %parallel_loop3A_1081 = arith.index_cast %parallel_loop3A_1030 : i32 to index
      %parallel_loop3A_1082 = arith.index_cast %parallel_loop3A_1032 : i32 to index
      %parallel_loop3A_1083 = arith.constant 112 : index
      %parallel_loop3A_1084 = tpu.vector_load %arg9[%parallel_loop3A_1081, %parallel_loop3A_1082, %parallel_loop3A_1083] {strides = array<i32>} : memref<4x32x128xf32, #tpu.memory_space<vmem>>, vector<16xf32>,
      tpu.vector_store %arg9[%parallel_loop3A_1081, %parallel_loop3A_1082, %parallel_loop3A_1083], %parallel_loop3A_1080 {strides = array<i32>} : memref<4x32x128xf32, #tpu.memory_space<vmem>>, vector<16xf32>,
    } {sc.loop_unroll_factor = 4 : i64, sc.parallel_access}
    %mul3A_352 = arith.constant 8 : i32
    %mul3A_353 = arith.muli %add3A, %mul3A_352 : i32
    %dma_start3A_354 = arith.constant 0 : i32
    %dma_start3A_355 = arith.constant 0 : i32
    %dma_start3A_356 = arith.constant 0 : i32
    %dma_start3A_357 = arith.constant 0 : i32
    %dma_start3A_358 = tpu.memref_slice %arg9[%dma_start3A_355, %dma_start3A_356, %dma_start3A_357] : memref<4x32x128xf32, #tpu.memory_space<vmem>> -> memref<4x8x128xf32, #tpu.memory_space<vmem>>
    %dma_start3A_359 = arith.constant 4 : i32
    %dma_start3A_360 = arith.constant 0 : i32
    %dma_start3A_361 = tpu.memref_slice %arg4[%dma_start3A_359, %dma_start3A_354, %mul3A_353, %dma_start3A_360] : memref<201x4x256x128xf32, #tpu.memory_space<hbm>> -> memref<4x1x8x128xf32, #tpu.memory_space<hbm>>
    %dma_start3A_362 = tpu.memref_squeeze %dma_start3A_361 : memref<4x1x8x128xf32, #tpu.memory_space<hbm>> -> memref<4x8x128xf32, #tpu.memory_space<hbm>>
    %dma_start3A_363 = arith.constant 4 : i32
    %dma_start3A_364 = arith.constant 0 : i32
    %dma_start3A_365 = tpu.memref_slice %arg4[%dma_start3A_363, %dma_start3A_354, %mul3A_353, %dma_start3A_364] : memref<201x4x256x128xf32, #tpu.memory_space<hbm>> -> memref<4x1x8x128xf32, #tpu.memory_space<hbm>>
    %dma_start3A_366 = tpu.memref_squeeze %dma_start3A_365 : memref<4x1x8x128xf32, #tpu.memory_space<hbm>> -> memref<4x8x128xf32, #tpu.memory_space<hbm>>
    %dma_start3A_367 = arith.constant 0 : i32
    %dma_start3A_368 = arith.constant 0 : i32
    %dma_start3A_369 = arith.constant 0 : i32
    %dma_start3A_370 = tpu.memref_slice %arg9[%dma_start3A_367, %dma_start3A_368, %dma_start3A_369] : memref<4x32x128xf32, #tpu.memory_space<vmem>> -> memref<4x8x128xf32, #tpu.memory_space<vmem>>
    tpu.enqueue_dma source(%dma_start3A_370 : memref<4x8x128xf32, #tpu.memory_space<vmem>>) target(%dma_start3A_366 : memref<4x8x128xf32, #tpu.memory_space<hbm>>) target_semaphore(%arg14 : memref<!tpu.dma_semaphore, #tpu.memory_space<semaphore_mem>>)
    %mul3A_371 = arith.constant 8 : i32
    %mul3A_372 = arith.muli %add3A, %mul3A_371 : i32
    %dma_start3A_373 = arith.constant 1 : i32
    %dma_start3A_374 = arith.constant 0 : i32
    %dma_start3A_375 = arith.constant 8 : i32
    %dma_start3A_376 = arith.constant 0 : i32
    %dma_start3A_377 = tpu.memref_slice %arg9[%dma_start3A_374, %dma_start3A_375, %dma_start3A_376] : memref<4x32x128xf32, #tpu.memory_space<vmem>> -> memref<4x8x128xf32, #tpu.memory_space<vmem>>
    %dma_start3A_378 = arith.constant 4 : i32
    %dma_start3A_379 = arith.constant 0 : i32
    %dma_start3A_380 = tpu.memref_slice %arg4[%dma_start3A_378, %dma_start3A_373, %mul3A_372, %dma_start3A_379] : memref<201x4x256x128xf32, #tpu.memory_space<hbm>> -> memref<4x1x8x128xf32, #tpu.memory_space<hbm>>
    %dma_start3A_381 = tpu.memref_squeeze %dma_start3A_380 : memref<4x1x8x128xf32, #tpu.memory_space<hbm>> -> memref<4x8x128xf32, #tpu.memory_space<hbm>>
    %dma_start3A_382 = arith.constant 4 : i32
    %dma_start3A_383 = arith.constant 0 : i32
    %dma_start3A_384 = tpu.memref_slice %arg4[%dma_start3A_382, %dma_start3A_373, %mul3A_372, %dma_start3A_383] : memref<201x4x256x128xf32, #tpu.memory_space<hbm>> -> memref<4x1x8x128xf32, #tpu.memory_space<hbm>>
    %dma_start3A_385 = tpu.memref_squeeze %dma_start3A_384 : memref<4x1x8x128xf32, #tpu.memory_space<hbm>> -> memref<4x8x128xf32, #tpu.memory_space<hbm>>
    %dma_start3A_386 = arith.constant 0 : i32
    %dma_start3A_387 = arith.constant 8 : i32
    %dma_start3A_388 = arith.constant 0 : i32
    %dma_start3A_389 = tpu.memref_slice %arg9[%dma_start3A_386, %dma_start3A_387, %dma_start3A_388] : memref<4x32x128xf32, #tpu.memory_space<vmem>> -> memref<4x8x128xf32, #tpu.memory_space<vmem>>
    tpu.enqueue_dma source(%dma_start3A_389 : memref<4x8x128xf32, #tpu.memory_space<vmem>>) target(%dma_start3A_385 : memref<4x8x128xf32, #tpu.memory_space<hbm>>) target_semaphore(%arg14 : memref<!tpu.dma_semaphore, #tpu.memory_space<semaphore_mem>>)
    %mul3A_390 = arith.constant 8 : i32
    %mul3A_391 = arith.muli %add3A, %mul3A_390 : i32
    %dma_start3A_392 = arith.constant 2 : i32
    %dma_start3A_393 = arith.constant 0 : i32
    %dma_start3A_394 = arith.constant 16 : i32
    %dma_start3A_395 = arith.constant 0 : i32
    %dma_start3A_396 = tpu.memref_slice %arg9[%dma_start3A_393, %dma_start3A_394, %dma_start3A_395] : memref<4x32x128xf32, #tpu.memory_space<vmem>> -> memref<4x8x128xf32, #tpu.memory_space<vmem>>
    %dma_start3A_397 = arith.constant 4 : i32
    %dma_start3A_398 = arith.constant 0 : i32
    %dma_start3A_399 = tpu.memref_slice %arg4[%dma_start3A_397, %dma_start3A_392, %mul3A_391, %dma_start3A_398] : memref<201x4x256x128xf32, #tpu.memory_space<hbm>> -> memref<4x1x8x128xf32, #tpu.memory_space<hbm>>
    %dma_start3A_400 = tpu.memref_squeeze %dma_start3A_399 : memref<4x1x8x128xf32, #tpu.memory_space<hbm>> -> memref<4x8x128xf32, #tpu.memory_space<hbm>>
    %dma_start3A_401 = arith.constant 4 : i32
    %dma_start3A_402 = arith.constant 0 : i32
    %dma_start3A_403 = tpu.memref_slice %arg4[%dma_start3A_401, %dma_start3A_392, %mul3A_391, %dma_start3A_402] : memref<201x4x256x128xf32, #tpu.memory_space<hbm>> -> memref<4x1x8x128xf32, #tpu.memory_space<hbm>>
    %dma_start3A_404 = tpu.memref_squeeze %dma_start3A_403 : memref<4x1x8x128xf32, #tpu.memory_space<hbm>> -> memref<4x8x128xf32, #tpu.memory_space<hbm>>
    %dma_start3A_405 = arith.constant 0 : i32
    %dma_start3A_406 = arith.constant 16 : i32
    %dma_start3A_407 = arith.constant 0 : i32
    %dma_start3A_408 = tpu.memref_slice %arg9[%dma_start3A_405, %dma_start3A_406, %dma_start3A_407] : memref<4x32x128xf32, #tpu.memory_space<vmem>> -> memref<4x8x128xf32, #tpu.memory_space<vmem>>
    tpu.enqueue_dma source(%dma_start3A_408 : memref<4x8x128xf32, #tpu.memory_space<vmem>>) target(%dma_start3A_404 : memref<4x8x128xf32, #tpu.memory_space<hbm>>) target_semaphore(%arg14 : memref<!tpu.dma_semaphore, #tpu.memory_space<semaphore_mem>>)
    %mul3A_409 = arith.constant 8 : i32
    %mul3A_410 = arith.muli %add3A, %mul3A_409 : i32
    %dma_start3A_411 = arith.constant 3 : i32
    %dma_start3A_412 = arith.constant 0 : i32
    %dma_start3A_413 = arith.constant 24 : i32
    %dma_start3A_414 = arith.constant 0 : i32
    %dma_start3A_415 = tpu.memref_slice %arg9[%dma_start3A_412, %dma_start3A_413, %dma_start3A_414] : memref<4x32x128xf32, #tpu.memory_space<vmem>> -> memref<4x8x128xf32, #tpu.memory_space<vmem>>
    %dma_start3A_416 = arith.constant 4 : i32
    %dma_start3A_417 = arith.constant 0 : i32
    %dma_start3A_418 = tpu.memref_slice %arg4[%dma_start3A_416, %dma_start3A_411, %mul3A_410, %dma_start3A_417] : memref<201x4x256x128xf32, #tpu.memory_space<hbm>> -> memref<4x1x8x128xf32, #tpu.memory_space<hbm>>
    %dma_start3A_419 = tpu.memref_squeeze %dma_start3A_418 : memref<4x1x8x128xf32, #tpu.memory_space<hbm>> -> memref<4x8x128xf32, #tpu.memory_space<hbm>>
    %dma_start3A_420 = arith.constant 4 : i32
    %dma_start3A_421 = arith.constant 0 : i32
    %dma_start3A_422 = tpu.memref_slice %arg4[%dma_start3A_420, %dma_start3A_411, %mul3A_410, %dma_start3A_421] : memref<201x4x256x128xf32, #tpu.memory_space<hbm>> -> memref<4x1x8x128xf32, #tpu.memory_space<hbm>>
    %dma_start3A_423 = tpu.memref_squeeze %dma_start3A_422 : memref<4x1x8x128xf32, #tpu.memory_space<hbm>> -> memref<4x8x128xf32, #tpu.memory_space<hbm>>
    %dma_start3A_424 = arith.constant 0 : i32
    %dma_start3A_425 = arith.constant 24 : i32
    %dma_start3A_426 = arith.constant 0 : i32
    %dma_start3A_427 = tpu.memref_slice %arg9[%dma_start3A_424, %dma_start3A_425, %dma_start3A_426] : memref<4x32x128xf32, #tpu.memory_space<vmem>> -> memref<4x8x128xf32, #tpu.memory_space<vmem>>
    tpu.enqueue_dma source(%dma_start3A_427 : memref<4x8x128xf32, #tpu.memory_space<vmem>>) target(%dma_start3A_423 : memref<4x8x128xf32, #tpu.memory_space<hbm>>) target_semaphore(%arg14 : memref<!tpu.dma_semaphore, #tpu.memory_space<semaphore_mem>>)
    %scan3A_428 = arith.constant 0 : i32
    %scan3A_429 = arith.constant 0 : i32
    %scan3A_430 = arith.constant 23 : i32
    %scan3A_431 = arith.addi %scan3A_429, %scan3A_430 : i32
    %scan3A_432 = arith.constant 1 : i32
    scf.for %scan3A_1028 = %scan3A_429 to %scan3A_431 step %scan3A_432  : i32 {
      %add3A_1029 = arith.constant 1 : i32
      %add3A_1030 = arith.addi %scan3A_1028, %add3A_1029 : i32
      %dma_wait3A_1031 = arith.constant 0 : i32
      %dma_wait3A_1032 = arith.constant 0 : i32
      %dma_wait3A_1033 = arith.constant 0 : i32
      %dma_wait3A_1034 = arith.constant 0 : i32
      %dma_wait3A_1035 = tpu.memref_slice %arg6[%dma_wait3A_1033, %dma_wait3A_1034] : memref<512x32xf32, #tpu.memory_space<vmem>> -> memref<128x32xf32, #tpu.memory_space<vmem>>
      %dma_wait3A_1036 = arith.constant 0 : i32
      %dma_wait3A_1037 = tpu.memref_slice %arg5[%dma_wait3A_1031, %dma_wait3A_1032, %dma_wait3A_1036] : memref<25x8x128xi32, #tpu.memory_space<vmem>> -> memref<1x1x128xi32, #tpu.memory_space<vmem>>
      %dma_wait3A_1038 = tpu.memref_squeeze %dma_wait3A_1037 : memref<1x1x128xi32, #tpu.memory_space<vmem>> -> memref<128xi32, #tpu.memory_space<vmem>>
      %dma_wait3A_1039 = arith.constant 0 : i32
      %dma_wait3A_1040 = arith.constant 0 : i32
      %dma_wait3A_1041 = tpu.memref_slice %arg3[%dma_wait3A_1039, %dma_wait3A_1040] : memref<1000000x32xf32, #tpu.memory_space<hbm>> -> memref<1000000x32xf32, #tpu.memory_space<hbm>>
      tpu.wait_indirect_dma semaphore(%arg11 : memref<!tpu.dma_semaphore, #tpu.memory_space<semaphore_mem>>) src(%dma_wait3A_1041 : memref<1000000x32xf32, #tpu.memory_space<hbm>>) dst(%dma_wait3A_1035 : memref<128x32xf32, #tpu.memory_space<vmem>>)
      %dma_wait3A_1042 = arith.constant 0 : i32
      %dma_wait3A_1043 = arith.constant 0 : i32
      %dma_wait3A_1044 = arith.constant 128 : i32
      %dma_wait3A_1045 = arith.constant 0 : i32
      %dma_wait3A_1046 = tpu.memref_slice %arg6[%dma_wait3A_1044, %dma_wait3A_1045] : memref<512x32xf32, #tpu.memory_space<vmem>> -> memref<128x32xf32, #tpu.memory_space<vmem>>
      %dma_wait3A_1047 = arith.constant 0 : i32
      %dma_wait3A_1048 = tpu.memref_slice %arg5[%dma_wait3A_1042, %dma_wait3A_1043, %dma_wait3A_1047] : memref<25x8x128xi32, #tpu.memory_space<vmem>> -> memref<1x1x128xi32, #tpu.memory_space<vmem>>
      %dma_wait3A_1049 = tpu.memref_squeeze %dma_wait3A_1048 : memref<1x1x128xi32, #tpu.memory_space<vmem>> -> memref<128xi32, #tpu.memory_space<vmem>>
      %dma_wait3A_1050 = arith.constant 0 : i32
      %dma_wait3A_1051 = arith.constant 0 : i32
      %dma_wait3A_1052 = tpu.memref_slice %arg3[%dma_wait3A_1050, %dma_wait3A_1051] : memref<1000000x32xf32, #tpu.memory_space<hbm>> -> memref<1000000x32xf32, #tpu.memory_space<hbm>>
      tpu.wait_indirect_dma semaphore(%arg11 : memref<!tpu.dma_semaphore, #tpu.memory_space<semaphore_mem>>) src(%dma_wait3A_1052 : memref<1000000x32xf32, #tpu.memory_space<hbm>>) dst(%dma_wait3A_1046 : memref<128x32xf32, #tpu.memory_space<vmem>>)
      %dma_wait3A_1053 = arith.constant 0 : i32
      %dma_wait3A_1054 = arith.constant 0 : i32
      %dma_wait3A_1055 = arith.constant 256 : i32
      %dma_wait3A_1056 = arith.constant 0 : i32
      %dma_wait3A_1057 = tpu.memref_slice %arg6[%dma_wait3A_1055, %dma_wait3A_1056] : memref<512x32xf32, #tpu.memory_space<vmem>> -> memref<128x32xf32, #tpu.memory_space<vmem>>
      %dma_wait3A_1058 = arith.constant 0 : i32
      %dma_wait3A_1059 = tpu.memref_slice %arg5[%dma_wait3A_1053, %dma_wait3A_1054, %dma_wait3A_1058] : memref<25x8x128xi32, #tpu.memory_space<vmem>> -> memref<1x1x128xi32, #tpu.memory_space<vmem>>
      %dma_wait3A_1060 = tpu.memref_squeeze %dma_wait3A_1059 : memref<1x1x128xi32, #tpu.memory_space<vmem>> -> memref<128xi32, #tpu.memory_space<vmem>>
      %dma_wait3A_1061 = arith.constant 0 : i32
      %dma_wait3A_1062 = arith.constant 0 : i32
      %dma_wait3A_1063 = tpu.memref_slice %arg3[%dma_wait3A_1061, %dma_wait3A_1062] : memref<1000000x32xf32, #tpu.memory_space<hbm>> -> memref<1000000x32xf32, #tpu.memory_space<hbm>>
      tpu.wait_indirect_dma semaphore(%arg11 : memref<!tpu.dma_semaphore, #tpu.memory_space<semaphore_mem>>) src(%dma_wait3A_1063 : memref<1000000x32xf32, #tpu.memory_space<hbm>>) dst(%dma_wait3A_1057 : memref<128x32xf32, #tpu.memory_space<vmem>>)
      %dma_wait3A_1064 = arith.constant 0 : i32
      %dma_wait3A_1065 = arith.constant 0 : i32
      %dma_wait3A_1066 = arith.constant 384 : i32
      %dma_wait3A_1067 = arith.constant 0 : i32
      %dma_wait3A_1068 = tpu.memref_slice %arg6[%dma_wait3A_1066, %dma_wait3A_1067] : memref<512x32xf32, #tpu.memory_space<vmem>> -> memref<128x32xf32, #tpu.memory_space<vmem>>
      %dma_wait3A_1069 = arith.constant 0 : i32
      %dma_wait3A_1070 = tpu.memref_slice %arg5[%dma_wait3A_1064, %dma_wait3A_1065, %dma_wait3A_1069] : memref<25x8x128xi32, #tpu.memory_space<vmem>> -> memref<1x1x128xi32, #tpu.memory_space<vmem>>
      %dma_wait3A_1071 = tpu.memref_squeeze %dma_wait3A_1070 : memref<1x1x128xi32, #tpu.memory_space<vmem>> -> memref<128xi32, #tpu.memory_space<vmem>>
      %dma_wait3A_1072 = arith.constant 0 : i32
      %dma_wait3A_1073 = arith.constant 0 : i32
      %dma_wait3A_1074 = tpu.memref_slice %arg3[%dma_wait3A_1072, %dma_wait3A_1073] : memref<1000000x32xf32, #tpu.memory_space<hbm>> -> memref<1000000x32xf32, #tpu.memory_space<hbm>>
      tpu.wait_indirect_dma semaphore(%arg11 : memref<!tpu.dma_semaphore, #tpu.memory_space<semaphore_mem>>) src(%dma_wait3A_1074 : memref<1000000x32xf32, #tpu.memory_space<hbm>>) dst(%dma_wait3A_1068 : memref<128x32xf32, #tpu.memory_space<vmem>>)
      %dma_start3A_1075 = arith.constant 4 : i32
      %dma_start3A_1076 = arith.constant 0 : i32
      %dma_start3A_1077 = arith.constant 0 : i32
      %dma_start3A_1078 = tpu.memref_slice %arg7[%dma_start3A_1076, %dma_start3A_1077] : memref<512x32xf32, #tpu.memory_space<vmem>> -> memref<128x32xf32, #tpu.memory_space<vmem>>
      %dma_start3A_1079 = arith.constant 0 : i32
      %dma_start3A_1080 = tpu.memref_slice %arg5[%add3A_1030, %dma_start3A_1075, %dma_start3A_1079] : memref<25x8x128xi32, #tpu.memory_space<vmem>> -> memref<1x1x128xi32, #tpu.memory_space<vmem>>
      %dma_start3A_1081 = tpu.memref_squeeze %dma_start3A_1080 : memref<1x1x128xi32, #tpu.memory_space<vmem>> -> memref<128xi32, #tpu.memory_space<vmem>>
      %dma_start3A_1082 = arith.constant 0 : i32
      %dma_start3A_1083 = arith.constant 0 : i32
      %dma_start3A_1084 = tpu.memref_slice %arg3[%dma_start3A_1082, %dma_start3A_1083] : memref<1000000x32xf32, #tpu.memory_space<hbm>> -> memref<1000000x32xf32, #tpu.memory_space<hbm>>
      tpu.enqueue_indirect_dma source(%dma_start3A_1084 : memref<1000000x32xf32, #tpu.memory_space<hbm>>) target(%dma_start3A_1078 : memref<128x32xf32, #tpu.memory_space<vmem>>) offsets(%dma_start3A_1081 : memref<128xi32, #tpu.memory_space<vmem>>) semaphore(%arg12 : memref<!tpu.dma_semaphore, #tpu.memory_space<semaphore_mem>>)
      %dma_start3A_1085 = arith.constant 5 : i32
      %dma_start3A_1086 = arith.constant 128 : i32
      %dma_start3A_1087 = arith.constant 0 : i32
      %dma_start3A_1088 = tpu.memref_slice %arg7[%dma_start3A_1086, %dma_start3A_1087] : memref<512x32xf32, #tpu.memory_space<vmem>> -> memref<128x32xf32, #tpu.memory_space<vmem>>
      %dma_start3A_1089 = arith.constant 0 : i32
      %dma_start3A_1090 = tpu.memref_slice %arg5[%add3A_1030, %dma_start3A_1085, %dma_start3A_1089] : memref<25x8x128xi32, #tpu.memory_space<vmem>> -> memref<1x1x128xi32, #tpu.memory_space<vmem>>
      %dma_start3A_1091 = tpu.memref_squeeze %dma_start3A_1090 : memref<1x1x128xi32, #tpu.memory_space<vmem>> -> memref<128xi32, #tpu.memory_space<vmem>>
      %dma_start3A_1092 = arith.constant 0 : i32
      %dma_start3A_1093 = arith.constant 0 : i32
      %dma_start3A_1094 = tpu.memref_slice %arg3[%dma_start3A_1092, %dma_start3A_1093] : memref<1000000x32xf32, #tpu.memory_space<hbm>> -> memref<1000000x32xf32, #tpu.memory_space<hbm>>
      tpu.enqueue_indirect_dma source(%dma_start3A_1094 : memref<1000000x32xf32, #tpu.memory_space<hbm>>) target(%dma_start3A_1088 : memref<128x32xf32, #tpu.memory_space<vmem>>) offsets(%dma_start3A_1091 : memref<128xi32, #tpu.memory_space<vmem>>) semaphore(%arg12 : memref<!tpu.dma_semaphore, #tpu.memory_space<semaphore_mem>>)
      %dma_start3A_1095 = arith.constant 6 : i32
      %dma_start3A_1096 = arith.constant 256 : i32
      %dma_start3A_1097 = arith.constant 0 : i32
      %dma_start3A_1098 = tpu.memref_slice %arg7[%dma_start3A_1096, %dma_start3A_1097] : memref<512x32xf32, #tpu.memory_space<vmem>> -> memref<128x32xf32, #tpu.memory_space<vmem>>
      %dma_start3A_1099 = arith.constant 0 : i32
      %dma_start3A_1100 = tpu.memref_slice %arg5[%add3A_1030, %dma_start3A_1095, %dma_start3A_1099] : memref<25x8x128xi32, #tpu.memory_space<vmem>> -> memref<1x1x128xi32, #tpu.memory_space<vmem>>
      %dma_start3A_1101 = tpu.memref_squeeze %dma_start3A_1100 : memref<1x1x128xi32, #tpu.memory_space<vmem>> -> memref<128xi32, #tpu.memory_space<vmem>>
      %dma_start3A_1102 = arith.constant 0 : i32
      %dma_start3A_1103 = arith.constant 0 : i32
      %dma_start3A_1104 = tpu.memref_slice %arg3[%dma_start3A_1102, %dma_start3A_1103] : memref<1000000x32xf32, #tpu.memory_space<hbm>> -> memref<1000000x32xf32, #tpu.memory_space<hbm>>
      tpu.enqueue_indirect_dma source(%dma_start3A_1104 : memref<1000000x32xf32, #tpu.memory_space<hbm>>) target(%dma_start3A_1098 : memref<128x32xf32, #tpu.memory_space<vmem>>) offsets(%dma_start3A_1101 : memref<128xi32, #tpu.memory_space<vmem>>) semaphore(%arg12 : memref<!tpu.dma_semaphore, #tpu.memory_space<semaphore_mem>>)
      %dma_start3A_1105 = arith.constant 7 : i32
      %dma_start3A_1106 = arith.constant 384 : i32
      %dma_start3A_1107 = arith.constant 0 : i32
      %dma_start3A_1108 = tpu.memref_slice %arg7[%dma_start3A_1106, %dma_start3A_1107] : memref<512x32xf32, #tpu.memory_space<vmem>> -> memref<128x32xf32, #tpu.memory_space<vmem>>
      %dma_start3A_1109 = arith.constant 0 : i32
      %dma_start3A_1110 = tpu.memref_slice %arg5[%add3A_1030, %dma_start3A_1105, %dma_start3A_1109] : memref<25x8x128xi32, #tpu.memory_space<vmem>> -> memref<1x1x128xi32, #tpu.memory_space<vmem>>
      %dma_start3A_1111 = tpu.memref_squeeze %dma_start3A_1110 : memref<1x1x128xi32, #tpu.memory_space<vmem>> -> memref<128xi32, #tpu.memory_space<vmem>>
      %dma_start3A_1112 = arith.constant 0 : i32
      %dma_start3A_1113 = arith.constant 0 : i32
      %dma_start3A_1114 = tpu.memref_slice %arg3[%dma_start3A_1112, %dma_start3A_1113] : memref<1000000x32xf32, #tpu.memory_space<hbm>> -> memref<1000000x32xf32, #tpu.memory_space<hbm>>
      tpu.enqueue_indirect_dma source(%dma_start3A_1114 : memref<1000000x32xf32, #tpu.memory_space<hbm>>) target(%dma_start3A_1108 : memref<128x32xf32, #tpu.memory_space<vmem>>) offsets(%dma_start3A_1111 : memref<128xi32, #tpu.memory_space<vmem>>) semaphore(%arg12 : memref<!tpu.dma_semaphore, #tpu.memory_space<semaphore_mem>>)
      %mul3A_1115 = arith.constant 8 : i32
      %mul3A_1116 = arith.muli %add3A, %mul3A_1115 : i32
      %dma_wait3A_1117 = arith.constant 0 : i32
      %dma_wait3A_1118 = arith.constant 0 : i32
      %dma_wait3A_1119 = arith.constant 0 : i32
      %dma_wait3A_1120 = arith.constant 0 : i32
      %dma_wait3A_1121 = tpu.memref_slice %arg8[%dma_wait3A_1118, %dma_wait3A_1119, %dma_wait3A_1120] : memref<4x32x128xf32, #tpu.memory_space<vmem>> -> memref<4x8x128xf32, #tpu.memory_space<vmem>>
      %dma_wait3A_1122 = arith.constant 0 : i32
      %dma_wait3A_1123 = arith.constant 0 : i32
      %dma_wait3A_1124 = tpu.memref_slice %arg4[%dma_wait3A_1122, %dma_wait3A_1117, %mul3A_1116, %dma_wait3A_1123] : memref<201x4x256x128xf32, #tpu.memory_space<hbm>> -> memref<4x1x8x128xf32, #tpu.memory_space<hbm>>
      %dma_wait3A_1125 = tpu.memref_squeeze %dma_wait3A_1124 : memref<4x1x8x128xf32, #tpu.memory_space<hbm>> -> memref<4x8x128xf32, #tpu.memory_space<hbm>>
      %dma_wait3A_1126 = arith.constant 0 : i32
      %dma_wait3A_1127 = arith.constant 0 : i32
      %dma_wait3A_1128 = tpu.memref_slice %arg4[%dma_wait3A_1126, %dma_wait3A_1117, %mul3A_1116, %dma_wait3A_1127] : memref<201x4x256x128xf32, #tpu.memory_space<hbm>> -> memref<4x1x8x128xf32, #tpu.memory_space<hbm>>
      %dma_wait3A_1129 = tpu.memref_squeeze %dma_wait3A_1128 : memref<4x1x8x128xf32, #tpu.memory_space<hbm>> -> memref<4x8x128xf32, #tpu.memory_space<hbm>>
      %dma_wait3A_1130 = arith.constant 0 : i32
      %dma_wait3A_1131 = arith.constant 0 : i32
      %dma_wait3A_1132 = arith.constant 0 : i32
      %dma_wait3A_1133 = tpu.memref_slice %arg8[%dma_wait3A_1130, %dma_wait3A_1131, %dma_wait3A_1132] : memref<4x32x128xf32, #tpu.memory_space<vmem>> -> memref<4x8x128xf32, #tpu.memory_space<vmem>>
      tpu.wait_dma2 semaphore(%arg13 : memref<!tpu.dma_semaphore, #tpu.memory_space<semaphore_mem>>) src(%dma_wait3A_1133 : memref<4x8x128xf32, #tpu.memory_space<vmem>>) dst(%dma_wait3A_1129 : memref<4x8x128xf32, #tpu.memory_space<hbm>>)
      %mul3A_1134 = arith.constant 8 : i32
      %mul3A_1135 = arith.muli %add3A, %mul3A_1134 : i32
      %dma_wait3A_1136 = arith.constant 1 : i32
      %dma_wait3A_1137 = arith.constant 0 : i32
      %dma_wait3A_1138 = arith.constant 8 : i32
      %dma_wait3A_1139 = arith.constant 0 : i32
      %dma_wait3A_1140 = tpu.memref_slice %arg8[%dma_wait3A_1137, %dma_wait3A_1138, %dma_wait3A_1139] : memref<4x32x128xf32, #tpu.memory_space<vmem>> -> memref<4x8x128xf32, #tpu.memory_space<vmem>>
      %dma_wait3A_1141 = arith.constant 0 : i32
      %dma_wait3A_1142 = arith.constant 0 : i32
      %dma_wait3A_1143 = tpu.memref_slice %arg4[%dma_wait3A_1141, %dma_wait3A_1136, %mul3A_1135, %dma_wait3A_1142] : memref<201x4x256x128xf32, #tpu.memory_space<hbm>> -> memref<4x1x8x128xf32, #tpu.memory_space<hbm>>
      %dma_wait3A_1144 = tpu.memref_squeeze %dma_wait3A_1143 : memref<4x1x8x128xf32, #tpu.memory_space<hbm>> -> memref<4x8x128xf32, #tpu.memory_space<hbm>>
      %dma_wait3A_1145 = arith.constant 0 : i32
      %dma_wait3A_1146 = arith.constant 0 : i32
      %dma_wait3A_1147 = tpu.memref_slice %arg4[%dma_wait3A_1145, %dma_wait3A_1136, %mul3A_1135, %dma_wait3A_1146] : memref<201x4x256x128xf32, #tpu.memory_space<hbm>> -> memref<4x1x8x128xf32, #tpu.memory_space<hbm>>
      %dma_wait3A_1148 = tpu.memref_squeeze %dma_wait3A_1147 : memref<4x1x8x128xf32, #tpu.memory_space<hbm>> -> memref<4x8x128xf32, #tpu.memory_space<hbm>>
      %dma_wait3A_1149 = arith.constant 0 : i32
      %dma_wait3A_1150 = arith.constant 8 : i32
      %dma_wait3A_1151 = arith.constant 0 : i32
      %dma_wait3A_1152 = tpu.memref_slice %arg8[%dma_wait3A_1149, %dma_wait3A_1150, %dma_wait3A_1151] : memref<4x32x128xf32, #tpu.memory_space<vmem>> -> memref<4x8x128xf32, #tpu.memory_space<vmem>>
      tpu.wait_dma2 semaphore(%arg13 : memref<!tpu.dma_semaphore, #tpu.memory_space<semaphore_mem>>) src(%dma_wait3A_1152 : memref<4x8x128xf32, #tpu.memory_space<vmem>>) dst(%dma_wait3A_1148 : memref<4x8x128xf32, #tpu.memory_space<hbm>>)
      %mul3A_1153 = arith.constant 8 : i32
      %mul3A_1154 = arith.muli %add3A, %mul3A_1153 : i32
      %dma_wait3A_1155 = arith.constant 2 : i32
      %dma_wait3A_1156 = arith.constant 0 : i32
      %dma_wait3A_1157 = arith.constant 16 : i32
      %dma_wait3A_1158 = arith.constant 0 : i32
      %dma_wait3A_1159 = tpu.memref_slice %arg8[%dma_wait3A_1156, %dma_wait3A_1157, %dma_wait3A_1158] : memref<4x32x128xf32, #tpu.memory_space<vmem>> -> memref<4x8x128xf32, #tpu.memory_space<vmem>>
      %dma_wait3A_1160 = arith.constant 0 : i32
      %dma_wait3A_1161 = arith.constant 0 : i32
      %dma_wait3A_1162 = tpu.memref_slice %arg4[%dma_wait3A_1160, %dma_wait3A_1155, %mul3A_1154, %dma_wait3A_1161] : memref<201x4x256x128xf32, #tpu.memory_space<hbm>> -> memref<4x1x8x128xf32, #tpu.memory_space<hbm>>
      %dma_wait3A_1163 = tpu.memref_squeeze %dma_wait3A_1162 : memref<4x1x8x128xf32, #tpu.memory_space<hbm>> -> memref<4x8x128xf32, #tpu.memory_space<hbm>>
      %dma_wait3A_1164 = arith.constant 0 : i32
      %dma_wait3A_1165 = arith.constant 0 : i32
      %dma_wait3A_1166 = tpu.memref_slice %arg4[%dma_wait3A_1164, %dma_wait3A_1155, %mul3A_1154, %dma_wait3A_1165] : memref<201x4x256x128xf32, #tpu.memory_space<hbm>> -> memref<4x1x8x128xf32, #tpu.memory_space<hbm>>
      %dma_wait3A_1167 = tpu.memref_squeeze %dma_wait3A_1166 : memref<4x1x8x128xf32, #tpu.memory_space<hbm>> -> memref<4x8x128xf32, #tpu.memory_space<hbm>>
      %dma_wait3A_1168 = arith.constant 0 : i32
      %dma_wait3A_1169 = arith.constant 16 : i32
      %dma_wait3A_1170 = arith.constant 0 : i32
      %dma_wait3A_1171 = tpu.memref_slice %arg8[%dma_wait3A_1168, %dma_wait3A_1169, %dma_wait3A_1170] : memref<4x32x128xf32, #tpu.memory_space<vmem>> -> memref<4x8x128xf32, #tpu.memory_space<vmem>>
      tpu.wait_dma2 semaphore(%arg13 : memref<!tpu.dma_semaphore, #tpu.memory_space<semaphore_mem>>) src(%dma_wait3A_1171 : memref<4x8x128xf32, #tpu.memory_space<vmem>>) dst(%dma_wait3A_1167 : memref<4x8x128xf32, #tpu.memory_space<hbm>>)
      %mul3A_1172 = arith.constant 8 : i32
      %mul3A_1173 = arith.muli %add3A, %mul3A_1172 : i32
      %dma_wait3A_1174 = arith.constant 3 : i32
      %dma_wait3A_1175 = arith.constant 0 : i32
      %dma_wait3A_1176 = arith.constant 24 : i32
      %dma_wait3A_1177 = arith.constant 0 : i32
      %dma_wait3A_1178 = tpu.memref_slice %arg8[%dma_wait3A_1175, %dma_wait3A_1176, %dma_wait3A_1177] : memref<4x32x128xf32, #tpu.memory_space<vmem>> -> memref<4x8x128xf32, #tpu.memory_space<vmem>>
      %dma_wait3A_1179 = arith.constant 0 : i32
      %dma_wait3A_1180 = arith.constant 0 : i32
      %dma_wait3A_1181 = tpu.memref_slice %arg4[%dma_wait3A_1179, %dma_wait3A_1174, %mul3A_1173, %dma_wait3A_1180] : memref<201x4x256x128xf32, #tpu.memory_space<hbm>> -> memref<4x1x8x128xf32, #tpu.memory_space<hbm>>
      %dma_wait3A_1182 = tpu.memref_squeeze %dma_wait3A_1181 : memref<4x1x8x128xf32, #tpu.memory_space<hbm>> -> memref<4x8x128xf32, #tpu.memory_space<hbm>>
      %dma_wait3A_1183 = arith.constant 0 : i32
      %dma_wait3A_1184 = arith.constant 0 : i32
      %dma_wait3A_1185 = tpu.memref_slice %arg4[%dma_wait3A_1183, %dma_wait3A_1174, %mul3A_1173, %dma_wait3A_1184] : memref<201x4x256x128xf32, #tpu.memory_space<hbm>> -> memref<4x1x8x128xf32, #tpu.memory_space<hbm>>
      %dma_wait3A_1186 = tpu.memref_squeeze %dma_wait3A_1185 : memref<4x1x8x128xf32, #tpu.memory_space<hbm>> -> memref<4x8x128xf32, #tpu.memory_space<hbm>>
      %dma_wait3A_1187 = arith.constant 0 : i32
      %dma_wait3A_1188 = arith.constant 24 : i32
      %dma_wait3A_1189 = arith.constant 0 : i32
      %dma_wait3A_1190 = tpu.memref_slice %arg8[%dma_wait3A_1187, %dma_wait3A_1188, %dma_wait3A_1189] : memref<4x32x128xf32, #tpu.memory_space<vmem>> -> memref<4x8x128xf32, #tpu.memory_space<vmem>>
      tpu.wait_dma2 semaphore(%arg13 : memref<!tpu.dma_semaphore, #tpu.memory_space<semaphore_mem>>) src(%dma_wait3A_1190 : memref<4x8x128xf32, #tpu.memory_space<vmem>>) dst(%dma_wait3A_1186 : memref<4x8x128xf32, #tpu.memory_space<hbm>>)
      %parallel_loop3A_1191 = arith.constant 0 : i32
      %parallel_loop3A_1192 = arith.constant 128 : i32
      %parallel_loop3A_1193 = arith.constant 1 : i32
      scf.for %parallel_loop3A_1503 = %parallel_loop3A_1191 to %parallel_loop3A_1192 step %parallel_loop3A_1193  : i32 {
        %parallel_loop3A_1504 = arith.constant 5 : i32
        %parallel_loop3A_1505 = arith.shrsi %parallel_loop3A_1503, %parallel_loop3A_1504 : i32
        %parallel_loop3A_1506 = arith.constant 31 : i32
        %parallel_loop3A_1507 = arith.andi %parallel_loop3A_1503, %parallel_loop3A_1506 : i32
        %parallel_loop3A_1508 = arith.constant 128 : i32
        %parallel_loop3A_1509 = arith.muli %parallel_loop3A_1505, %parallel_loop3A_1508 : i32
        %parallel_loop3A_1510 = vector.broadcast %parallel_loop3A_1509 : i32 to vector<16xi32>
        %parallel_loop3A_1511 = vector.broadcast %parallel_loop3A_1507 : i32 to vector<16xi32>
        %parallel_loop3A_1512 = arith.addi %add3A_24, %parallel_loop3A_1510 : vector<16xi32>
        %parallel_loop3A_1513 = tpu.vector_load_idx %arg6[%parallel_loop3A_1512, %parallel_loop3A_1511] : memref<512x32xf32, #tpu.memory_space<vmem>>[vector<16xi32>, vector<16xi32>], vector<16xf32>,
        %parallel_loop3A_1514 = arith.index_cast %parallel_loop3A_1505 : i32 to index
        %parallel_loop3A_1515 = arith.index_cast %parallel_loop3A_1507 : i32 to index
        %parallel_loop3A_1516 = arith.constant 0 : index
        %parallel_loop3A_1517 = tpu.vector_load %arg8[%parallel_loop3A_1514, %parallel_loop3A_1515, %parallel_loop3A_1516] {strides = array<i32>} : memref<4x32x128xf32, #tpu.memory_space<vmem>>, vector<16xf32>,
        tpu.vector_store %arg8[%parallel_loop3A_1514, %parallel_loop3A_1515, %parallel_loop3A_1516], %parallel_loop3A_1513 {strides = array<i32>} : memref<4x32x128xf32, #tpu.memory_space<vmem>>, vector<16xf32>,
        %parallel_loop3A_1518 = arith.addi %add3A_28, %parallel_loop3A_1510 : vector<16xi32>
        %parallel_loop3A_1519 = tpu.vector_load_idx %arg6[%parallel_loop3A_1518, %parallel_loop3A_1511] : memref<512x32xf32, #tpu.memory_space<vmem>>[vector<16xi32>, vector<16xi32>], vector<16xf32>,
        %parallel_loop3A_1520 = arith.index_cast %parallel_loop3A_1505 : i32 to index
        %parallel_loop3A_1521 = arith.index_cast %parallel_loop3A_1507 : i32 to index
        %parallel_loop3A_1522 = arith.constant 16 : index
        %parallel_loop3A_1523 = tpu.vector_load %arg8[%parallel_loop3A_1520, %parallel_loop3A_1521, %parallel_loop3A_1522] {strides = array<i32>} : memref<4x32x128xf32, #tpu.memory_space<vmem>>, vector<16xf32>,
        tpu.vector_store %arg8[%parallel_loop3A_1520, %parallel_loop3A_1521, %parallel_loop3A_1522], %parallel_loop3A_1519 {strides = array<i32>} : memref<4x32x128xf32, #tpu.memory_space<vmem>>, vector<16xf32>,
        %parallel_loop3A_1524 = arith.addi %add3A_32, %parallel_loop3A_1510 : vector<16xi32>
        %parallel_loop3A_1525 = tpu.vector_load_idx %arg6[%parallel_loop3A_1524, %parallel_loop3A_1511] : memref<512x32xf32, #tpu.memory_space<vmem>>[vector<16xi32>, vector<16xi32>], vector<16xf32>,
        %parallel_loop3A_1526 = arith.index_cast %parallel_loop3A_1505 : i32 to index
        %parallel_loop3A_1527 = arith.index_cast %parallel_loop3A_1507 : i32 to index
        %parallel_loop3A_1528 = arith.constant 32 : index
        %parallel_loop3A_1529 = tpu.vector_load %arg8[%parallel_loop3A_1526, %parallel_loop3A_1527, %parallel_loop3A_1528] {strides = array<i32>} : memref<4x32x128xf32, #tpu.memory_space<vmem>>, vector<16xf32>,
        tpu.vector_store %arg8[%parallel_loop3A_1526, %parallel_loop3A_1527, %parallel_loop3A_1528], %parallel_loop3A_1525 {strides = array<i32>} : memref<4x32x128xf32, #tpu.memory_space<vmem>>, vector<16xf32>,
        %parallel_loop3A_1530 = arith.addi %add3A_36, %parallel_loop3A_1510 : vector<16xi32>
        %parallel_loop3A_1531 = tpu.vector_load_idx %arg6[%parallel_loop3A_1530, %parallel_loop3A_1511] : memref<512x32xf32, #tpu.memory_space<vmem>>[vector<16xi32>, vector<16xi32>], vector<16xf32>,
        %parallel_loop3A_1532 = arith.index_cast %parallel_loop3A_1505 : i32 to index
        %parallel_loop3A_1533 = arith.index_cast %parallel_loop3A_1507 : i32 to index
        %parallel_loop3A_1534 = arith.constant 48 : index
        %parallel_loop3A_1535 = tpu.vector_load %arg8[%parallel_loop3A_1532, %parallel_loop3A_1533, %parallel_loop3A_1534] {strides = array<i32>} : memref<4x32x128xf32, #tpu.memory_space<vmem>>, vector<16xf32>,
        tpu.vector_store %arg8[%parallel_loop3A_1532, %parallel_loop3A_1533, %parallel_loop3A_1534], %parallel_loop3A_1531 {strides = array<i32>} : memref<4x32x128xf32, #tpu.memory_space<vmem>>, vector<16xf32>,
        %parallel_loop3A_1536 = arith.addi %add3A_40, %parallel_loop3A_1510 : vector<16xi32>
        %parallel_loop3A_1537 = tpu.vector_load_idx %arg6[%parallel_loop3A_1536, %parallel_loop3A_1511] : memref<512x32xf32, #tpu.memory_space<vmem>>[vector<16xi32>, vector<16xi32>], vector<16xf32>,
        %parallel_loop3A_1538 = arith.index_cast %parallel_loop3A_1505 : i32 to index
        %parallel_loop3A_1539 = arith.index_cast %parallel_loop3A_1507 : i32 to index
        %parallel_loop3A_1540 = arith.constant 64 : index
        %parallel_loop3A_1541 = tpu.vector_load %arg8[%parallel_loop3A_1538, %parallel_loop3A_1539, %parallel_loop3A_1540] {strides = array<i32>} : memref<4x32x128xf32, #tpu.memory_space<vmem>>, vector<16xf32>,
        tpu.vector_store %arg8[%parallel_loop3A_1538, %parallel_loop3A_1539, %parallel_loop3A_1540], %parallel_loop3A_1537 {strides = array<i32>} : memref<4x32x128xf32, #tpu.memory_space<vmem>>, vector<16xf32>,
        %parallel_loop3A_1542 = arith.addi %add3A_44, %parallel_loop3A_1510 : vector<16xi32>
        %parallel_loop3A_1543 = tpu.vector_load_idx %arg6[%parallel_loop3A_1542, %parallel_loop3A_1511] : memref<512x32xf32, #tpu.memory_space<vmem>>[vector<16xi32>, vector<16xi32>], vector<16xf32>,
        %parallel_loop3A_1544 = arith.index_cast %parallel_loop3A_1505 : i32 to index
        %parallel_loop3A_1545 = arith.index_cast %parallel_loop3A_1507 : i32 to index
        %parallel_loop3A_1546 = arith.constant 80 : index
        %parallel_loop3A_1547 = tpu.vector_load %arg8[%parallel_loop3A_1544, %parallel_loop3A_1545, %parallel_loop3A_1546] {strides = array<i32>} : memref<4x32x128xf32, #tpu.memory_space<vmem>>, vector<16xf32>,
        tpu.vector_store %arg8[%parallel_loop3A_1544, %parallel_loop3A_1545, %parallel_loop3A_1546], %parallel_loop3A_1543 {strides = array<i32>} : memref<4x32x128xf32, #tpu.memory_space<vmem>>, vector<16xf32>,
        %parallel_loop3A_1548 = arith.addi %add3A_48, %parallel_loop3A_1510 : vector<16xi32>
        %parallel_loop3A_1549 = tpu.vector_load_idx %arg6[%parallel_loop3A_1548, %parallel_loop3A_1511] : memref<512x32xf32, #tpu.memory_space<vmem>>[vector<16xi32>, vector<16xi32>], vector<16xf32>,
        %parallel_loop3A_1550 = arith.index_cast %parallel_loop3A_1505 : i32 to index
        %parallel_loop3A_1551 = arith.index_cast %parallel_loop3A_1507 : i32 to index
        %parallel_loop3A_1552 = arith.constant 96 : index
        %parallel_loop3A_1553 = tpu.vector_load %arg8[%parallel_loop3A_1550, %parallel_loop3A_1551, %parallel_loop3A_1552] {strides = array<i32>} : memref<4x32x128xf32, #tpu.memory_space<vmem>>, vector<16xf32>,
        tpu.vector_store %arg8[%parallel_loop3A_1550, %parallel_loop3A_1551, %parallel_loop3A_1552], %parallel_loop3A_1549 {strides = array<i32>} : memref<4x32x128xf32, #tpu.memory_space<vmem>>, vector<16xf32>,
        %parallel_loop3A_1554 = arith.addi %add3A_52, %parallel_loop3A_1510 : vector<16xi32>
        %parallel_loop3A_1555 = tpu.vector_load_idx %arg6[%parallel_loop3A_1554, %parallel_loop3A_1511] : memref<512x32xf32, #tpu.memory_space<vmem>>[vector<16xi32>, vector<16xi32>], vector<16xf32>,
        %parallel_loop3A_1556 = arith.index_cast %parallel_loop3A_1505 : i32 to index
        %parallel_loop3A_1557 = arith.index_cast %parallel_loop3A_1507 : i32 to index
        %parallel_loop3A_1558 = arith.constant 112 : index
        %parallel_loop3A_1559 = tpu.vector_load %arg8[%parallel_loop3A_1556, %parallel_loop3A_1557, %parallel_loop3A_1558] {strides = array<i32>} : memref<4x32x128xf32, #tpu.memory_space<vmem>>, vector<16xf32>,
        tpu.vector_store %arg8[%parallel_loop3A_1556, %parallel_loop3A_1557, %parallel_loop3A_1558], %parallel_loop3A_1555 {strides = array<i32>} : memref<4x32x128xf32, #tpu.memory_space<vmem>>, vector<16xf32>,
      } {sc.loop_unroll_factor = 4 : i64, sc.parallel_access}
      %mul3A_1194 = arith.constant 8 : i32
      %mul3A_1195 = arith.muli %add3A_1030, %mul3A_1194 : i32
      %add3A_1196 = arith.constant 0 : i32
      %add3A_1197 = arith.addi %mul3A_1195, %add3A_1196 : i32
      %mul3A_1198 = arith.constant 8 : i32
      %mul3A_1199 = arith.muli %add3A, %mul3A_1198 : i32
      %dma_start3A_1200 = arith.constant 0 : i32
      %dma_start3A_1201 = arith.constant 0 : i32
      %dma_start3A_1202 = arith.constant 0 : i32
      %dma_start3A_1203 = arith.constant 0 : i32
      %dma_start3A_1204 = tpu.memref_slice %arg8[%dma_start3A_1201, %dma_start3A_1202, %dma_start3A_1203] : memref<4x32x128xf32, #tpu.memory_space<vmem>> -> memref<4x8x128xf32, #tpu.memory_space<vmem>>
      %dma_start3A_1205 = arith.constant 0 : i32
      %dma_start3A_1206 = tpu.memref_slice %arg4[%add3A_1197, %dma_start3A_1200, %mul3A_1199, %dma_start3A_1205] : memref<201x4x256x128xf32, #tpu.memory_space<hbm>> -> memref<4x1x8x128xf32, #tpu.memory_space<hbm>>
      %dma_start3A_1207 = tpu.memref_squeeze %dma_start3A_1206 : memref<4x1x8x128xf32, #tpu.memory_space<hbm>> -> memref<4x8x128xf32, #tpu.memory_space<hbm>>
      %dma_start3A_1208 = arith.constant 0 : i32
      %dma_start3A_1209 = tpu.memref_slice %arg4[%add3A_1197, %dma_start3A_1200, %mul3A_1199, %dma_start3A_1208] : memref<201x4x256x128xf32, #tpu.memory_space<hbm>> -> memref<4x1x8x128xf32, #tpu.memory_space<hbm>>
      %dma_start3A_1210 = tpu.memref_squeeze %dma_start3A_1209 : memref<4x1x8x128xf32, #tpu.memory_space<hbm>> -> memref<4x8x128xf32, #tpu.memory_space<hbm>>
      %dma_start3A_1211 = arith.constant 0 : i32
      %dma_start3A_1212 = arith.constant 0 : i32
      %dma_start3A_1213 = arith.constant 0 : i32
      %dma_start3A_1214 = tpu.memref_slice %arg8[%dma_start3A_1211, %dma_start3A_1212, %dma_start3A_1213] : memref<4x32x128xf32, #tpu.memory_space<vmem>> -> memref<4x8x128xf32, #tpu.memory_space<vmem>>
      tpu.enqueue_dma source(%dma_start3A_1214 : memref<4x8x128xf32, #tpu.memory_space<vmem>>) target(%dma_start3A_1210 : memref<4x8x128xf32, #tpu.memory_space<hbm>>) target_semaphore(%arg13 : memref<!tpu.dma_semaphore, #tpu.memory_space<semaphore_mem>>)
      %mul3A_1215 = arith.constant 8 : i32
      %mul3A_1216 = arith.muli %add3A, %mul3A_1215 : i32
      %dma_start3A_1217 = arith.constant 1 : i32
      %dma_start3A_1218 = arith.constant 0 : i32
      %dma_start3A_1219 = arith.constant 8 : i32
      %dma_start3A_1220 = arith.constant 0 : i32
      %dma_start3A_1221 = tpu.memref_slice %arg8[%dma_start3A_1218, %dma_start3A_1219, %dma_start3A_1220] : memref<4x32x128xf32, #tpu.memory_space<vmem>> -> memref<4x8x128xf32, #tpu.memory_space<vmem>>
      %dma_start3A_1222 = arith.constant 0 : i32
      %dma_start3A_1223 = tpu.memref_slice %arg4[%add3A_1197, %dma_start3A_1217, %mul3A_1216, %dma_start3A_1222] : memref<201x4x256x128xf32, #tpu.memory_space<hbm>> -> memref<4x1x8x128xf32, #tpu.memory_space<hbm>>
      %dma_start3A_1224 = tpu.memref_squeeze %dma_start3A_1223 : memref<4x1x8x128xf32, #tpu.memory_space<hbm>> -> memref<4x8x128xf32, #tpu.memory_space<hbm>>
      %dma_start3A_1225 = arith.constant 0 : i32
      %dma_start3A_1226 = tpu.memref_slice %arg4[%add3A_1197, %dma_start3A_1217, %mul3A_1216, %dma_start3A_1225] : memref<201x4x256x128xf32, #tpu.memory_space<hbm>> -> memref<4x1x8x128xf32, #tpu.memory_space<hbm>>
      %dma_start3A_1227 = tpu.memref_squeeze %dma_start3A_1226 : memref<4x1x8x128xf32, #tpu.memory_space<hbm>> -> memref<4x8x128xf32, #tpu.memory_space<hbm>>
      %dma_start3A_1228 = arith.constant 0 : i32
      %dma_start3A_1229 = arith.constant 8 : i32
      %dma_start3A_1230 = arith.constant 0 : i32
      %dma_start3A_1231 = tpu.memref_slice %arg8[%dma_start3A_1228, %dma_start3A_1229, %dma_start3A_1230] : memref<4x32x128xf32, #tpu.memory_space<vmem>> -> memref<4x8x128xf32, #tpu.memory_space<vmem>>
      tpu.enqueue_dma source(%dma_start3A_1231 : memref<4x8x128xf32, #tpu.memory_space<vmem>>) target(%dma_start3A_1227 : memref<4x8x128xf32, #tpu.memory_space<hbm>>) target_semaphore(%arg13 : memref<!tpu.dma_semaphore, #tpu.memory_space<semaphore_mem>>)
      %mul3A_1232 = arith.constant 8 : i32
      %mul3A_1233 = arith.muli %add3A, %mul3A_1232 : i32
      %dma_start3A_1234 = arith.constant 2 : i32
      %dma_start3A_1235 = arith.constant 0 : i32
      %dma_start3A_1236 = arith.constant 16 : i32
      %dma_start3A_1237 = arith.constant 0 : i32
      %dma_start3A_1238 = tpu.memref_slice %arg8[%dma_start3A_1235, %dma_start3A_1236, %dma_start3A_1237] : memref<4x32x128xf32, #tpu.memory_space<vmem>> -> memref<4x8x128xf32, #tpu.memory_space<vmem>>
      %dma_start3A_1239 = arith.constant 0 : i32
      %dma_start3A_1240 = tpu.memref_slice %arg4[%add3A_1197, %dma_start3A_1234, %mul3A_1233, %dma_start3A_1239] : memref<201x4x256x128xf32, #tpu.memory_space<hbm>> -> memref<4x1x8x128xf32, #tpu.memory_space<hbm>>
      %dma_start3A_1241 = tpu.memref_squeeze %dma_start3A_1240 : memref<4x1x8x128xf32, #tpu.memory_space<hbm>> -> memref<4x8x128xf32, #tpu.memory_space<hbm>>
      %dma_start3A_1242 = arith.constant 0 : i32
      %dma_start3A_1243 = tpu.memref_slice %arg4[%add3A_1197, %dma_start3A_1234, %mul3A_1233, %dma_start3A_1242] : memref<201x4x256x128xf32, #tpu.memory_space<hbm>> -> memref<4x1x8x128xf32, #tpu.memory_space<hbm>>
      %dma_start3A_1244 = tpu.memref_squeeze %dma_start3A_1243 : memref<4x1x8x128xf32, #tpu.memory_space<hbm>> -> memref<4x8x128xf32, #tpu.memory_space<hbm>>
      %dma_start3A_1245 = arith.constant 0 : i32
      %dma_start3A_1246 = arith.constant 16 : i32
      %dma_start3A_1247 = arith.constant 0 : i32
      %dma_start3A_1248 = tpu.memref_slice %arg8[%dma_start3A_1245, %dma_start3A_1246, %dma_start3A_1247] : memref<4x32x128xf32, #tpu.memory_space<vmem>> -> memref<4x8x128xf32, #tpu.memory_space<vmem>>
      tpu.enqueue_dma source(%dma_start3A_1248 : memref<4x8x128xf32, #tpu.memory_space<vmem>>) target(%dma_start3A_1244 : memref<4x8x128xf32, #tpu.memory_space<hbm>>) target_semaphore(%arg13 : memref<!tpu.dma_semaphore, #tpu.memory_space<semaphore_mem>>)
      %mul3A_1249 = arith.constant 8 : i32
      %mul3A_1250 = arith.muli %add3A, %mul3A_1249 : i32
      %dma_start3A_1251 = arith.constant 3 : i32
      %dma_start3A_1252 = arith.constant 0 : i32
      %dma_start3A_1253 = arith.constant 24 : i32
      %dma_start3A_1254 = arith.constant 0 : i32
      %dma_start3A_1255 = tpu.memref_slice %arg8[%dma_start3A_1252, %dma_start3A_1253, %dma_start3A_1254] : memref<4x32x128xf32, #tpu.memory_space<vmem>> -> memref<4x8x128xf32, #tpu.memory_space<vmem>>
      %dma_start3A_1256 = arith.constant 0 : i32
      %dma_start3A_1257 = tpu.memref_slice %arg4[%add3A_1197, %dma_start3A_1251, %mul3A_1250, %dma_start3A_1256] : memref<201x4x256x128xf32, #tpu.memory_space<hbm>> -> memref<4x1x8x128xf32, #tpu.memory_space<hbm>>
      %dma_start3A_1258 = tpu.memref_squeeze %dma_start3A_1257 : memref<4x1x8x128xf32, #tpu.memory_space<hbm>> -> memref<4x8x128xf32, #tpu.memory_space<hbm>>
      %dma_start3A_1259 = arith.constant 0 : i32
      %dma_start3A_1260 = tpu.memref_slice %arg4[%add3A_1197, %dma_start3A_1251, %mul3A_1250, %dma_start3A_1259] : memref<201x4x256x128xf32, #tpu.memory_space<hbm>> -> memref<4x1x8x128xf32, #tpu.memory_space<hbm>>
      %dma_start3A_1261 = tpu.memref_squeeze %dma_start3A_1260 : memref<4x1x8x128xf32, #tpu.memory_space<hbm>> -> memref<4x8x128xf32, #tpu.memory_space<hbm>>
      %dma_start3A_1262 = arith.constant 0 : i32
      %dma_start3A_1263 = arith.constant 24 : i32
      %dma_start3A_1264 = arith.constant 0 : i32
      %dma_start3A_1265 = tpu.memref_slice %arg8[%dma_start3A_1262, %dma_start3A_1263, %dma_start3A_1264] : memref<4x32x128xf32, #tpu.memory_space<vmem>> -> memref<4x8x128xf32, #tpu.memory_space<vmem>>
      tpu.enqueue_dma source(%dma_start3A_1265 : memref<4x8x128xf32, #tpu.memory_space<vmem>>) target(%dma_start3A_1261 : memref<4x8x128xf32, #tpu.memory_space<hbm>>) target_semaphore(%arg13 : memref<!tpu.dma_semaphore, #tpu.memory_space<semaphore_mem>>)
      %dma_wait3A_1266 = arith.constant 0 : i32
      %dma_wait3A_1267 = arith.constant 0 : i32
      %dma_wait3A_1268 = arith.constant 0 : i32
      %dma_wait3A_1269 = arith.constant 0 : i32
      %dma_wait3A_1270 = tpu.memref_slice %arg7[%dma_wait3A_1268, %dma_wait3A_1269] : memref<512x32xf32, #tpu.memory_space<vmem>> -> memref<128x32xf32, #tpu.memory_space<vmem>>
      %dma_wait3A_1271 = arith.constant 0 : i32
      %dma_wait3A_1272 = tpu.memref_slice %arg5[%dma_wait3A_1266, %dma_wait3A_1267, %dma_wait3A_1271] : memref<25x8x128xi32, #tpu.memory_space<vmem>> -> memref<1x1x128xi32, #tpu.memory_space<vmem>>
      %dma_wait3A_1273 = tpu.memref_squeeze %dma_wait3A_1272 : memref<1x1x128xi32, #tpu.memory_space<vmem>> -> memref<128xi32, #tpu.memory_space<vmem>>
      %dma_wait3A_1274 = arith.constant 0 : i32
      %dma_wait3A_1275 = arith.constant 0 : i32
      %dma_wait3A_1276 = tpu.memref_slice %arg3[%dma_wait3A_1274, %dma_wait3A_1275] : memref<1000000x32xf32, #tpu.memory_space<hbm>> -> memref<1000000x32xf32, #tpu.memory_space<hbm>>
      tpu.wait_indirect_dma semaphore(%arg12 : memref<!tpu.dma_semaphore, #tpu.memory_space<semaphore_mem>>) src(%dma_wait3A_1276 : memref<1000000x32xf32, #tpu.memory_space<hbm>>) dst(%dma_wait3A_1270 : memref<128x32xf32, #tpu.memory_space<vmem>>)
      %dma_wait3A_1277 = arith.constant 0 : i32
      %dma_wait3A_1278 = arith.constant 0 : i32
      %dma_wait3A_1279 = arith.constant 128 : i32
      %dma_wait3A_1280 = arith.constant 0 : i32
      %dma_wait3A_1281 = tpu.memref_slice %arg7[%dma_wait3A_1279, %dma_wait3A_1280] : memref<512x32xf32, #tpu.memory_space<vmem>> -> memref<128x32xf32, #tpu.memory_space<vmem>>
      %dma_wait3A_1282 = arith.constant 0 : i32
      %dma_wait3A_1283 = tpu.memref_slice %arg5[%dma_wait3A_1277, %dma_wait3A_1278, %dma_wait3A_1282] : memref<25x8x128xi32, #tpu.memory_space<vmem>> -> memref<1x1x128xi32, #tpu.memory_space<vmem>>
      %dma_wait3A_1284 = tpu.memref_squeeze %dma_wait3A_1283 : memref<1x1x128xi32, #tpu.memory_space<vmem>> -> memref<128xi32, #tpu.memory_space<vmem>>
      %dma_wait3A_1285 = arith.constant 0 : i32
      %dma_wait3A_1286 = arith.constant 0 : i32
      %dma_wait3A_1287 = tpu.memref_slice %arg3[%dma_wait3A_1285, %dma_wait3A_1286] : memref<1000000x32xf32, #tpu.memory_space<hbm>> -> memref<1000000x32xf32, #tpu.memory_space<hbm>>
      tpu.wait_indirect_dma semaphore(%arg12 : memref<!tpu.dma_semaphore, #tpu.memory_space<semaphore_mem>>) src(%dma_wait3A_1287 : memref<1000000x32xf32, #tpu.memory_space<hbm>>) dst(%dma_wait3A_1281 : memref<128x32xf32, #tpu.memory_space<vmem>>)
      %dma_wait3A_1288 = arith.constant 0 : i32
      %dma_wait3A_1289 = arith.constant 0 : i32
      %dma_wait3A_1290 = arith.constant 256 : i32
      %dma_wait3A_1291 = arith.constant 0 : i32
      %dma_wait3A_1292 = tpu.memref_slice %arg7[%dma_wait3A_1290, %dma_wait3A_1291] : memref<512x32xf32, #tpu.memory_space<vmem>> -> memref<128x32xf32, #tpu.memory_space<vmem>>
      %dma_wait3A_1293 = arith.constant 0 : i32
      %dma_wait3A_1294 = tpu.memref_slice %arg5[%dma_wait3A_1288, %dma_wait3A_1289, %dma_wait3A_1293] : memref<25x8x128xi32, #tpu.memory_space<vmem>> -> memref<1x1x128xi32, #tpu.memory_space<vmem>>
      %dma_wait3A_1295 = tpu.memref_squeeze %dma_wait3A_1294 : memref<1x1x128xi32, #tpu.memory_space<vmem>> -> memref<128xi32, #tpu.memory_space<vmem>>
      %dma_wait3A_1296 = arith.constant 0 : i32
      %dma_wait3A_1297 = arith.constant 0 : i32
      %dma_wait3A_1298 = tpu.memref_slice %arg3[%dma_wait3A_1296, %dma_wait3A_1297] : memref<1000000x32xf32, #tpu.memory_space<hbm>> -> memref<1000000x32xf32, #tpu.memory_space<hbm>>
      tpu.wait_indirect_dma semaphore(%arg12 : memref<!tpu.dma_semaphore, #tpu.memory_space<semaphore_mem>>) src(%dma_wait3A_1298 : memref<1000000x32xf32, #tpu.memory_space<hbm>>) dst(%dma_wait3A_1292 : memref<128x32xf32, #tpu.memory_space<vmem>>)
      %dma_wait3A_1299 = arith.constant 0 : i32
      %dma_wait3A_1300 = arith.constant 0 : i32
      %dma_wait3A_1301 = arith.constant 384 : i32
      %dma_wait3A_1302 = arith.constant 0 : i32
      %dma_wait3A_1303 = tpu.memref_slice %arg7[%dma_wait3A_1301, %dma_wait3A_1302] : memref<512x32xf32, #tpu.memory_space<vmem>> -> memref<128x32xf32, #tpu.memory_space<vmem>>
      %dma_wait3A_1304 = arith.constant 0 : i32
      %dma_wait3A_1305 = tpu.memref_slice %arg5[%dma_wait3A_1299, %dma_wait3A_1300, %dma_wait3A_1304] : memref<25x8x128xi32, #tpu.memory_space<vmem>> -> memref<1x1x128xi32, #tpu.memory_space<vmem>>
      %dma_wait3A_1306 = tpu.memref_squeeze %dma_wait3A_1305 : memref<1x1x128xi32, #tpu.memory_space<vmem>> -> memref<128xi32, #tpu.memory_space<vmem>>
      %dma_wait3A_1307 = arith.constant 0 : i32
      %dma_wait3A_1308 = arith.constant 0 : i32
      %dma_wait3A_1309 = tpu.memref_slice %arg3[%dma_wait3A_1307, %dma_wait3A_1308] : memref<1000000x32xf32, #tpu.memory_space<hbm>> -> memref<1000000x32xf32, #tpu.memory_space<hbm>>
      tpu.wait_indirect_dma semaphore(%arg12 : memref<!tpu.dma_semaphore, #tpu.memory_space<semaphore_mem>>) src(%dma_wait3A_1309 : memref<1000000x32xf32, #tpu.memory_space<hbm>>) dst(%dma_wait3A_1303 : memref<128x32xf32, #tpu.memory_space<vmem>>)
      %add3A_1310 = arith.constant 1 : i32
      %add3A_1311 = arith.addi %add3A_1030, %add3A_1310 : i32
      %dma_start3A_1312 = arith.constant 0 : i32
      %dma_start3A_1313 = arith.constant 0 : i32
      %dma_start3A_1314 = arith.constant 0 : i32
      %dma_start3A_1315 = tpu.memref_slice %arg6[%dma_start3A_1313, %dma_start3A_1314] : memref<512x32xf32, #tpu.memory_space<vmem>> -> memref<128x32xf32, #tpu.memory_space<vmem>>
      %dma_start3A_1316 = arith.constant 0 : i32
      %dma_start3A_1317 = tpu.memref_slice %arg5[%add3A_1311, %dma_start3A_1312, %dma_start3A_1316] : memref<25x8x128xi32, #tpu.memory_space<vmem>> -> memref<1x1x128xi32, #tpu.memory_space<vmem>>
      %dma_start3A_1318 = tpu.memref_squeeze %dma_start3A_1317 : memref<1x1x128xi32, #tpu.memory_space<vmem>> -> memref<128xi32, #tpu.memory_space<vmem>>
      %dma_start3A_1319 = arith.constant 0 : i32
      %dma_start3A_1320 = arith.constant 0 : i32
      %dma_start3A_1321 = tpu.memref_slice %arg3[%dma_start3A_1319, %dma_start3A_1320] : memref<1000000x32xf32, #tpu.memory_space<hbm>> -> memref<1000000x32xf32, #tpu.memory_space<hbm>>
      tpu.enqueue_indirect_dma source(%dma_start3A_1321 : memref<1000000x32xf32, #tpu.memory_space<hbm>>) target(%dma_start3A_1315 : memref<128x32xf32, #tpu.memory_space<vmem>>) offsets(%dma_start3A_1318 : memref<128xi32, #tpu.memory_space<vmem>>) semaphore(%arg11 : memref<!tpu.dma_semaphore, #tpu.memory_space<semaphore_mem>>)
      %dma_start3A_1322 = arith.constant 1 : i32
      %dma_start3A_1323 = arith.constant 128 : i32
      %dma_start3A_1324 = arith.constant 0 : i32
      %dma_start3A_1325 = tpu.memref_slice %arg6[%dma_start3A_1323, %dma_start3A_1324] : memref<512x32xf32, #tpu.memory_space<vmem>> -> memref<128x32xf32, #tpu.memory_space<vmem>>
      %dma_start3A_1326 = arith.constant 0 : i32
      %dma_start3A_1327 = tpu.memref_slice %arg5[%add3A_1311, %dma_start3A_1322, %dma_start3A_1326] : memref<25x8x128xi32, #tpu.memory_space<vmem>> -> memref<1x1x128xi32, #tpu.memory_space<vmem>>
      %dma_start3A_1328 = tpu.memref_squeeze %dma_start3A_1327 : memref<1x1x128xi32, #tpu.memory_space<vmem>> -> memref<128xi32, #tpu.memory_space<vmem>>
      %dma_start3A_1329 = arith.constant 0 : i32
      %dma_start3A_1330 = arith.constant 0 : i32
      %dma_start3A_1331 = tpu.memref_slice %arg3[%dma_start3A_1329, %dma_start3A_1330] : memref<1000000x32xf32, #tpu.memory_space<hbm>> -> memref<1000000x32xf32, #tpu.memory_space<hbm>>
      tpu.enqueue_indirect_dma source(%dma_start3A_1331 : memref<1000000x32xf32, #tpu.memory_space<hbm>>) target(%dma_start3A_1325 : memref<128x32xf32, #tpu.memory_space<vmem>>) offsets(%dma_start3A_1328 : memref<128xi32, #tpu.memory_space<vmem>>) semaphore(%arg11 : memref<!tpu.dma_semaphore, #tpu.memory_space<semaphore_mem>>)
      %dma_start3A_1332 = arith.constant 2 : i32
      %dma_start3A_1333 = arith.constant 256 : i32
      %dma_start3A_1334 = arith.constant 0 : i32
      %dma_start3A_1335 = tpu.memref_slice %arg6[%dma_start3A_1333, %dma_start3A_1334] : memref<512x32xf32, #tpu.memory_space<vmem>> -> memref<128x32xf32, #tpu.memory_space<vmem>>
      %dma_start3A_1336 = arith.constant 0 : i32
      %dma_start3A_1337 = tpu.memref_slice %arg5[%add3A_1311, %dma_start3A_1332, %dma_start3A_1336] : memref<25x8x128xi32, #tpu.memory_space<vmem>> -> memref<1x1x128xi32, #tpu.memory_space<vmem>>
      %dma_start3A_1338 = tpu.memref_squeeze %dma_start3A_1337 : memref<1x1x128xi32, #tpu.memory_space<vmem>> -> memref<128xi32, #tpu.memory_space<vmem>>
      %dma_start3A_1339 = arith.constant 0 : i32
      %dma_start3A_1340 = arith.constant 0 : i32
      %dma_start3A_1341 = tpu.memref_slice %arg3[%dma_start3A_1339, %dma_start3A_1340] : memref<1000000x32xf32, #tpu.memory_space<hbm>> -> memref<1000000x32xf32, #tpu.memory_space<hbm>>
      tpu.enqueue_indirect_dma source(%dma_start3A_1341 : memref<1000000x32xf32, #tpu.memory_space<hbm>>) target(%dma_start3A_1335 : memref<128x32xf32, #tpu.memory_space<vmem>>) offsets(%dma_start3A_1338 : memref<128xi32, #tpu.memory_space<vmem>>) semaphore(%arg11 : memref<!tpu.dma_semaphore, #tpu.memory_space<semaphore_mem>>)
      %dma_start3A_1342 = arith.constant 3 : i32
      %dma_start3A_1343 = arith.constant 384 : i32
      %dma_start3A_1344 = arith.constant 0 : i32
      %dma_start3A_1345 = tpu.memref_slice %arg6[%dma_start3A_1343, %dma_start3A_1344] : memref<512x32xf32, #tpu.memory_space<vmem>> -> memref<128x32xf32, #tpu.memory_space<vmem>>
      %dma_start3A_1346 = arith.constant 0 : i32
      %dma_start3A_1347 = tpu.memref_slice %arg5[%add3A_1311, %dma_start3A_1342, %dma_start3A_1346] : memref<25x8x128xi32, #tpu.memory_space<vmem>> -> memref<1x1x128xi32, #tpu.memory_space<vmem>>
      %dma_start3A_1348 = tpu.memref_squeeze %dma_start3A_1347 : memref<1x1x128xi32, #tpu.memory_space<vmem>> -> memref<128xi32, #tpu.memory_space<vmem>>
      %dma_start3A_1349 = arith.constant 0 : i32
      %dma_start3A_1350 = arith.constant 0 : i32
      %dma_start3A_1351 = tpu.memref_slice %arg3[%dma_start3A_1349, %dma_start3A_1350] : memref<1000000x32xf32, #tpu.memory_space<hbm>> -> memref<1000000x32xf32, #tpu.memory_space<hbm>>
      tpu.enqueue_indirect_dma source(%dma_start3A_1351 : memref<1000000x32xf32, #tpu.memory_space<hbm>>) target(%dma_start3A_1345 : memref<128x32xf32, #tpu.memory_space<vmem>>) offsets(%dma_start3A_1348 : memref<128xi32, #tpu.memory_space<vmem>>) semaphore(%arg11 : memref<!tpu.dma_semaphore, #tpu.memory_space<semaphore_mem>>)
      %mul3A_1352 = arith.constant 8 : i32
      %mul3A_1353 = arith.muli %add3A, %mul3A_1352 : i32
      %dma_wait3A_1354 = arith.constant 0 : i32
      %dma_wait3A_1355 = arith.constant 0 : i32
      %dma_wait3A_1356 = arith.constant 0 : i32
      %dma_wait3A_1357 = arith.constant 0 : i32
      %dma_wait3A_1358 = tpu.memref_slice %arg9[%dma_wait3A_1355, %dma_wait3A_1356, %dma_wait3A_1357] : memref<4x32x128xf32, #tpu.memory_space<vmem>> -> memref<4x8x128xf32, #tpu.memory_space<vmem>>
      %dma_wait3A_1359 = arith.constant 0 : i32
      %dma_wait3A_1360 = arith.constant 0 : i32
      %dma_wait3A_1361 = tpu.memref_slice %arg4[%dma_wait3A_1359, %dma_wait3A_1354, %mul3A_1353, %dma_wait3A_1360] : memref<201x4x256x128xf32, #tpu.memory_space<hbm>> -> memref<4x1x8x128xf32, #tpu.memory_space<hbm>>
      %dma_wait3A_1362 = tpu.memref_squeeze %dma_wait3A_1361 : memref<4x1x8x128xf32, #tpu.memory_space<hbm>> -> memref<4x8x128xf32, #tpu.memory_space<hbm>>
      %dma_wait3A_1363 = arith.constant 0 : i32
      %dma_wait3A_1364 = arith.constant 0 : i32
      %dma_wait3A_1365 = tpu.memref_slice %arg4[%dma_wait3A_1363, %dma_wait3A_1354, %mul3A_1353, %dma_wait3A_1364] : memref<201x4x256x128xf32, #tpu.memory_space<hbm>> -> memref<4x1x8x128xf32, #tpu.memory_space<hbm>>
      %dma_wait3A_1366 = tpu.memref_squeeze %dma_wait3A_1365 : memref<4x1x8x128xf32, #tpu.memory_space<hbm>> -> memref<4x8x128xf32, #tpu.memory_space<hbm>>
      %dma_wait3A_1367 = arith.constant 0 : i32
      %dma_wait3A_1368 = arith.constant 0 : i32
      %dma_wait3A_1369 = arith.constant 0 : i32
      %dma_wait3A_1370 = tpu.memref_slice %arg9[%dma_wait3A_1367, %dma_wait3A_1368, %dma_wait3A_1369] : memref<4x32x128xf32, #tpu.memory_space<vmem>> -> memref<4x8x128xf32, #tpu.memory_space<vmem>>
      tpu.wait_dma2 semaphore(%arg14 : memref<!tpu.dma_semaphore, #tpu.memory_space<semaphore_mem>>) src(%dma_wait3A_1370 : memref<4x8x128xf32, #tpu.memory_space<vmem>>) dst(%dma_wait3A_1366 : memref<4x8x128xf32, #tpu.memory_space<hbm>>)
      %mul3A_1371 = arith.constant 8 : i32
      %mul3A_1372 = arith.muli %add3A, %mul3A_1371 : i32
      %dma_wait3A_1373 = arith.constant 1 : i32
      %dma_wait3A_1374 = arith.constant 0 : i32
      %dma_wait3A_1375 = arith.constant 8 : i32
      %dma_wait3A_1376 = arith.constant 0 : i32
      %dma_wait3A_1377 = tpu.memref_slice %arg9[%dma_wait3A_1374, %dma_wait3A_1375, %dma_wait3A_1376] : memref<4x32x128xf32, #tpu.memory_space<vmem>> -> memref<4x8x128xf32, #tpu.memory_space<vmem>>
      %dma_wait3A_1378 = arith.constant 0 : i32
      %dma_wait3A_1379 = arith.constant 0 : i32
      %dma_wait3A_1380 = tpu.memref_slice %arg4[%dma_wait3A_1378, %dma_wait3A_1373, %mul3A_1372, %dma_wait3A_1379] : memref<201x4x256x128xf32, #tpu.memory_space<hbm>> -> memref<4x1x8x128xf32, #tpu.memory_space<hbm>>
      %dma_wait3A_1381 = tpu.memref_squeeze %dma_wait3A_1380 : memref<4x1x8x128xf32, #tpu.memory_space<hbm>> -> memref<4x8x128xf32, #tpu.memory_space<hbm>>
      %dma_wait3A_1382 = arith.constant 0 : i32
      %dma_wait3A_1383 = arith.constant 0 : i32
      %dma_wait3A_1384 = tpu.memref_slice %arg4[%dma_wait3A_1382, %dma_wait3A_1373, %mul3A_1372, %dma_wait3A_1383] : memref<201x4x256x128xf32, #tpu.memory_space<hbm>> -> memref<4x1x8x128xf32, #tpu.memory_space<hbm>>
      %dma_wait3A_1385 = tpu.memref_squeeze %dma_wait3A_1384 : memref<4x1x8x128xf32, #tpu.memory_space<hbm>> -> memref<4x8x128xf32, #tpu.memory_space<hbm>>
      %dma_wait3A_1386 = arith.constant 0 : i32
      %dma_wait3A_1387 = arith.constant 8 : i32
      %dma_wait3A_1388 = arith.constant 0 : i32
      %dma_wait3A_1389 = tpu.memref_slice %arg9[%dma_wait3A_1386, %dma_wait3A_1387, %dma_wait3A_1388] : memref<4x32x128xf32, #tpu.memory_space<vmem>> -> memref<4x8x128xf32, #tpu.memory_space<vmem>>
      tpu.wait_dma2 semaphore(%arg14 : memref<!tpu.dma_semaphore, #tpu.memory_space<semaphore_mem>>) src(%dma_wait3A_1389 : memref<4x8x128xf32, #tpu.memory_space<vmem>>) dst(%dma_wait3A_1385 : memref<4x8x128xf32, #tpu.memory_space<hbm>>)
      %mul3A_1390 = arith.constant 8 : i32
      %mul3A_1391 = arith.muli %add3A, %mul3A_1390 : i32
      %dma_wait3A_1392 = arith.constant 2 : i32
      %dma_wait3A_1393 = arith.constant 0 : i32
      %dma_wait3A_1394 = arith.constant 16 : i32
      %dma_wait3A_1395 = arith.constant 0 : i32
      %dma_wait3A_1396 = tpu.memref_slice %arg9[%dma_wait3A_1393, %dma_wait3A_1394, %dma_wait3A_1395] : memref<4x32x128xf32, #tpu.memory_space<vmem>> -> memref<4x8x128xf32, #tpu.memory_space<vmem>>
      %dma_wait3A_1397 = arith.constant 0 : i32
      %dma_wait3A_1398 = arith.constant 0 : i32
      %dma_wait3A_1399 = tpu.memref_slice %arg4[%dma_wait3A_1397, %dma_wait3A_1392, %mul3A_1391, %dma_wait3A_1398] : memref<201x4x256x128xf32, #tpu.memory_space<hbm>> -> memref<4x1x8x128xf32, #tpu.memory_space<hbm>>
      %dma_wait3A_1400 = tpu.memref_squeeze %dma_wait3A_1399 : memref<4x1x8x128xf32, #tpu.memory_space<hbm>> -> memref<4x8x128xf32, #tpu.memory_space<hbm>>
      %dma_wait3A_1401 = arith.constant 0 : i32
      %dma_wait3A_1402 = arith.constant 0 : i32
      %dma_wait3A_1403 = tpu.memref_slice %arg4[%dma_wait3A_1401, %dma_wait3A_1392, %mul3A_1391, %dma_wait3A_1402] : memref<201x4x256x128xf32, #tpu.memory_space<hbm>> -> memref<4x1x8x128xf32, #tpu.memory_space<hbm>>
      %dma_wait3A_1404 = tpu.memref_squeeze %dma_wait3A_1403 : memref<4x1x8x128xf32, #tpu.memory_space<hbm>> -> memref<4x8x128xf32, #tpu.memory_space<hbm>>
      %dma_wait3A_1405 = arith.constant 0 : i32
      %dma_wait3A_1406 = arith.constant 16 : i32
      %dma_wait3A_1407 = arith.constant 0 : i32
      %dma_wait3A_1408 = tpu.memref_slice %arg9[%dma_wait3A_1405, %dma_wait3A_1406, %dma_wait3A_1407] : memref<4x32x128xf32, #tpu.memory_space<vmem>> -> memref<4x8x128xf32, #tpu.memory_space<vmem>>
      tpu.wait_dma2 semaphore(%arg14 : memref<!tpu.dma_semaphore, #tpu.memory_space<semaphore_mem>>) src(%dma_wait3A_1408 : memref<4x8x128xf32, #tpu.memory_space<vmem>>) dst(%dma_wait3A_1404 : memref<4x8x128xf32, #tpu.memory_space<hbm>>)
      %mul3A_1409 = arith.constant 8 : i32
      %mul3A_1410 = arith.muli %add3A, %mul3A_1409 : i32
      %dma_wait3A_1411 = arith.constant 3 : i32
      %dma_wait3A_1412 = arith.constant 0 : i32
      %dma_wait3A_1413 = arith.constant 24 : i32
      %dma_wait3A_1414 = arith.constant 0 : i32
      %dma_wait3A_1415 = tpu.memref_slice %arg9[%dma_wait3A_1412, %dma_wait3A_1413, %dma_wait3A_1414] : memref<4x32x128xf32, #tpu.memory_space<vmem>> -> memref<4x8x128xf32, #tpu.memory_space<vmem>>
      %dma_wait3A_1416 = arith.constant 0 : i32
      %dma_wait3A_1417 = arith.constant 0 : i32
      %dma_wait3A_1418 = tpu.memref_slice %arg4[%dma_wait3A_1416, %dma_wait3A_1411, %mul3A_1410, %dma_wait3A_1417] : memref<201x4x256x128xf32, #tpu.memory_space<hbm>> -> memref<4x1x8x128xf32, #tpu.memory_space<hbm>>
      %dma_wait3A_1419 = tpu.memref_squeeze %dma_wait3A_1418 : memref<4x1x8x128xf32, #tpu.memory_space<hbm>> -> memref<4x8x128xf32, #tpu.memory_space<hbm>>
      %dma_wait3A_1420 = arith.constant 0 : i32
      %dma_wait3A_1421 = arith.constant 0 : i32
      %dma_wait3A_1422 = tpu.memref_slice %arg4[%dma_wait3A_1420, %dma_wait3A_1411, %mul3A_1410, %dma_wait3A_1421] : memref<201x4x256x128xf32, #tpu.memory_space<hbm>> -> memref<4x1x8x128xf32, #tpu.memory_space<hbm>>
      %dma_wait3A_1423 = tpu.memref_squeeze %dma_wait3A_1422 : memref<4x1x8x128xf32, #tpu.memory_space<hbm>> -> memref<4x8x128xf32, #tpu.memory_space<hbm>>
      %dma_wait3A_1424 = arith.constant 0 : i32
      %dma_wait3A_1425 = arith.constant 24 : i32
      %dma_wait3A_1426 = arith.constant 0 : i32
      %dma_wait3A_1427 = tpu.memref_slice %arg9[%dma_wait3A_1424, %dma_wait3A_1425, %dma_wait3A_1426] : memref<4x32x128xf32, #tpu.memory_space<vmem>> -> memref<4x8x128xf32, #tpu.memory_space<vmem>>
      tpu.wait_dma2 semaphore(%arg14 : memref<!tpu.dma_semaphore, #tpu.memory_space<semaphore_mem>>) src(%dma_wait3A_1427 : memref<4x8x128xf32, #tpu.memory_space<vmem>>) dst(%dma_wait3A_1423 : memref<4x8x128xf32, #tpu.memory_space<hbm>>)
      %parallel_loop3A_1428 = arith.constant 0 : i32
      %parallel_loop3A_1429 = arith.constant 128 : i32
      %parallel_loop3A_1430 = arith.constant 1 : i32
      scf.for %parallel_loop3A_1503 = %parallel_loop3A_1428 to %parallel_loop3A_1429 step %parallel_loop3A_1430  : i32 {
        %parallel_loop3A_1504 = arith.constant 5 : i32
        %parallel_loop3A_1505 = arith.shrsi %parallel_loop3A_1503, %parallel_loop3A_1504 : i32
        %parallel_loop3A_1506 = arith.constant 31 : i32
        %parallel_loop3A_1507 = arith.andi %parallel_loop3A_1503, %parallel_loop3A_1506 : i32
        %parallel_loop3A_1508 = arith.constant 128 : i32
        %parallel_loop3A_1509 = arith.muli %parallel_loop3A_1505, %parallel_loop3A_1508 : i32
        %parallel_loop3A_1510 = vector.broadcast %parallel_loop3A_1509 : i32 to vector<16xi32>
        %parallel_loop3A_1511 = vector.broadcast %parallel_loop3A_1507 : i32 to vector<16xi32>
        %parallel_loop3A_1512 = arith.addi %add3A_24, %parallel_loop3A_1510 : vector<16xi32>
        %parallel_loop3A_1513 = tpu.vector_load_idx %arg7[%parallel_loop3A_1512, %parallel_loop3A_1511] : memref<512x32xf32, #tpu.memory_space<vmem>>[vector<16xi32>, vector<16xi32>], vector<16xf32>,
        %parallel_loop3A_1514 = arith.index_cast %parallel_loop3A_1505 : i32 to index
        %parallel_loop3A_1515 = arith.index_cast %parallel_loop3A_1507 : i32 to index
        %parallel_loop3A_1516 = arith.constant 0 : index
        %parallel_loop3A_1517 = tpu.vector_load %arg9[%parallel_loop3A_1514, %parallel_loop3A_1515, %parallel_loop3A_1516] {strides = array<i32>} : memref<4x32x128xf32, #tpu.memory_space<vmem>>, vector<16xf32>,
        tpu.vector_store %arg9[%parallel_loop3A_1514, %parallel_loop3A_1515, %parallel_loop3A_1516], %parallel_loop3A_1513 {strides = array<i32>} : memref<4x32x128xf32, #tpu.memory_space<vmem>>, vector<16xf32>,
        %parallel_loop3A_1518 = arith.addi %add3A_28, %parallel_loop3A_1510 : vector<16xi32>
        %parallel_loop3A_1519 = tpu.vector_load_idx %arg7[%parallel_loop3A_1518, %parallel_loop3A_1511] : memref<512x32xf32, #tpu.memory_space<vmem>>[vector<16xi32>, vector<16xi32>], vector<16xf32>,
        %parallel_loop3A_1520 = arith.index_cast %parallel_loop3A_1505 : i32 to index
        %parallel_loop3A_1521 = arith.index_cast %parallel_loop3A_1507 : i32 to index
        %parallel_loop3A_1522 = arith.constant 16 : index
        %parallel_loop3A_1523 = tpu.vector_load %arg9[%parallel_loop3A_1520, %parallel_loop3A_1521, %parallel_loop3A_1522] {strides = array<i32>} : memref<4x32x128xf32, #tpu.memory_space<vmem>>, vector<16xf32>,
        tpu.vector_store %arg9[%parallel_loop3A_1520, %parallel_loop3A_1521, %parallel_loop3A_1522], %parallel_loop3A_1519 {strides = array<i32>} : memref<4x32x128xf32, #tpu.memory_space<vmem>>, vector<16xf32>,
        %parallel_loop3A_1524 = arith.addi %add3A_32, %parallel_loop3A_1510 : vector<16xi32>
        %parallel_loop3A_1525 = tpu.vector_load_idx %arg7[%parallel_loop3A_1524, %parallel_loop3A_1511] : memref<512x32xf32, #tpu.memory_space<vmem>>[vector<16xi32>, vector<16xi32>], vector<16xf32>,
        %parallel_loop3A_1526 = arith.index_cast %parallel_loop3A_1505 : i32 to index
        %parallel_loop3A_1527 = arith.index_cast %parallel_loop3A_1507 : i32 to index
        %parallel_loop3A_1528 = arith.constant 32 : index
        %parallel_loop3A_1529 = tpu.vector_load %arg9[%parallel_loop3A_1526, %parallel_loop3A_1527, %parallel_loop3A_1528] {strides = array<i32>} : memref<4x32x128xf32, #tpu.memory_space<vmem>>, vector<16xf32>,
        tpu.vector_store %arg9[%parallel_loop3A_1526, %parallel_loop3A_1527, %parallel_loop3A_1528], %parallel_loop3A_1525 {strides = array<i32>} : memref<4x32x128xf32, #tpu.memory_space<vmem>>, vector<16xf32>,
        %parallel_loop3A_1530 = arith.addi %add3A_36, %parallel_loop3A_1510 : vector<16xi32>
        %parallel_loop3A_1531 = tpu.vector_load_idx %arg7[%parallel_loop3A_1530, %parallel_loop3A_1511] : memref<512x32xf32, #tpu.memory_space<vmem>>[vector<16xi32>, vector<16xi32>], vector<16xf32>,
        %parallel_loop3A_1532 = arith.index_cast %parallel_loop3A_1505 : i32 to index
        %parallel_loop3A_1533 = arith.index_cast %parallel_loop3A_1507 : i32 to index
        %parallel_loop3A_1534 = arith.constant 48 : index
        %parallel_loop3A_1535 = tpu.vector_load %arg9[%parallel_loop3A_1532, %parallel_loop3A_1533, %parallel_loop3A_1534] {strides = array<i32>} : memref<4x32x128xf32, #tpu.memory_space<vmem>>, vector<16xf32>,
        tpu.vector_store %arg9[%parallel_loop3A_1532, %parallel_loop3A_1533, %parallel_loop3A_1534], %parallel_loop3A_1531 {strides = array<i32>} : memref<4x32x128xf32, #tpu.memory_space<vmem>>, vector<16xf32>,
        %parallel_loop3A_1536 = arith.addi %add3A_40, %parallel_loop3A_1510 : vector<16xi32>
        %parallel_loop3A_1537 = tpu.vector_load_idx %arg7[%parallel_loop3A_1536, %parallel_loop3A_1511] : memref<512x32xf32, #tpu.memory_space<vmem>>[vector<16xi32>, vector<16xi32>], vector<16xf32>,
        %parallel_loop3A_1538 = arith.index_cast %parallel_loop3A_1505 : i32 to index
        %parallel_loop3A_1539 = arith.index_cast %parallel_loop3A_1507 : i32 to index
        %parallel_loop3A_1540 = arith.constant 64 : index
        %parallel_loop3A_1541 = tpu.vector_load %arg9[%parallel_loop3A_1538, %parallel_loop3A_1539, %parallel_loop3A_1540] {strides = array<i32>} : memref<4x32x128xf32, #tpu.memory_space<vmem>>, vector<16xf32>,
        tpu.vector_store %arg9[%parallel_loop3A_1538, %parallel_loop3A_1539, %parallel_loop3A_1540], %parallel_loop3A_1537 {strides = array<i32>} : memref<4x32x128xf32, #tpu.memory_space<vmem>>, vector<16xf32>,
        %parallel_loop3A_1542 = arith.addi %add3A_44, %parallel_loop3A_1510 : vector<16xi32>
        %parallel_loop3A_1543 = tpu.vector_load_idx %arg7[%parallel_loop3A_1542, %parallel_loop3A_1511] : memref<512x32xf32, #tpu.memory_space<vmem>>[vector<16xi32>, vector<16xi32>], vector<16xf32>,
        %parallel_loop3A_1544 = arith.index_cast %parallel_loop3A_1505 : i32 to index
        %parallel_loop3A_1545 = arith.index_cast %parallel_loop3A_1507 : i32 to index
        %parallel_loop3A_1546 = arith.constant 80 : index
        %parallel_loop3A_1547 = tpu.vector_load %arg9[%parallel_loop3A_1544, %parallel_loop3A_1545, %parallel_loop3A_1546] {strides = array<i32>} : memref<4x32x128xf32, #tpu.memory_space<vmem>>, vector<16xf32>,
        tpu.vector_store %arg9[%parallel_loop3A_1544, %parallel_loop3A_1545, %parallel_loop3A_1546], %parallel_loop3A_1543 {strides = array<i32>} : memref<4x32x128xf32, #tpu.memory_space<vmem>>, vector<16xf32>,
        %parallel_loop3A_1548 = arith.addi %add3A_48, %parallel_loop3A_1510 : vector<16xi32>
        %parallel_loop3A_1549 = tpu.vector_load_idx %arg7[%parallel_loop3A_1548, %parallel_loop3A_1511] : memref<512x32xf32, #tpu.memory_space<vmem>>[vector<16xi32>, vector<16xi32>], vector<16xf32>,
        %parallel_loop3A_1550 = arith.index_cast %parallel_loop3A_1505 : i32 to index
        %parallel_loop3A_1551 = arith.index_cast %parallel_loop3A_1507 : i32 to index
        %parallel_loop3A_1552 = arith.constant 96 : index
        %parallel_loop3A_1553 = tpu.vector_load %arg9[%parallel_loop3A_1550, %parallel_loop3A_1551, %parallel_loop3A_1552] {strides = array<i32>} : memref<4x32x128xf32, #tpu.memory_space<vmem>>, vector<16xf32>,
        tpu.vector_store %arg9[%parallel_loop3A_1550, %parallel_loop3A_1551, %parallel_loop3A_1552], %parallel_loop3A_1549 {strides = array<i32>} : memref<4x32x128xf32, #tpu.memory_space<vmem>>, vector<16xf32>,
        %parallel_loop3A_1554 = arith.addi %add3A_52, %parallel_loop3A_1510 : vector<16xi32>
        %parallel_loop3A_1555 = tpu.vector_load_idx %arg7[%parallel_loop3A_1554, %parallel_loop3A_1511] : memref<512x32xf32, #tpu.memory_space<vmem>>[vector<16xi32>, vector<16xi32>], vector<16xf32>,
        %parallel_loop3A_1556 = arith.index_cast %parallel_loop3A_1505 : i32 to index
        %parallel_loop3A_1557 = arith.index_cast %parallel_loop3A_1507 : i32 to index
        %parallel_loop3A_1558 = arith.constant 112 : index
        %parallel_loop3A_1559 = tpu.vector_load %arg9[%parallel_loop3A_1556, %parallel_loop3A_1557, %parallel_loop3A_1558] {strides = array<i32>} : memref<4x32x128xf32, #tpu.memory_space<vmem>>, vector<16xf32>,
        tpu.vector_store %arg9[%parallel_loop3A_1556, %parallel_loop3A_1557, %parallel_loop3A_1558], %parallel_loop3A_1555 {strides = array<i32>} : memref<4x32x128xf32, #tpu.memory_space<vmem>>, vector<16xf32>,
      } {sc.loop_unroll_factor = 4 : i64, sc.parallel_access}
      %mul3A_1431 = arith.constant 8 : i32
      %mul3A_1432 = arith.muli %add3A_1030, %mul3A_1431 : i32
      %add3A_1433 = arith.constant 4 : i32
      %add3A_1434 = arith.addi %mul3A_1432, %add3A_1433 : i32
      %mul3A_1435 = arith.constant 8 : i32
      %mul3A_1436 = arith.muli %add3A, %mul3A_1435 : i32
      %dma_start3A_1437 = arith.constant 0 : i32
      %dma_start3A_1438 = arith.constant 0 : i32
      %dma_start3A_1439 = arith.constant 0 : i32
      %dma_start3A_1440 = arith.constant 0 : i32
      %dma_start3A_1441 = tpu.memref_slice %arg9[%dma_start3A_1438, %dma_start3A_1439, %dma_start3A_1440] : memref<4x32x128xf32, #tpu.memory_space<vmem>> -> memref<4x8x128xf32, #tpu.memory_space<vmem>>
      %dma_start3A_1442 = arith.constant 0 : i32
      %dma_start3A_1443 = tpu.memref_slice %arg4[%add3A_1434, %dma_start3A_1437, %mul3A_1436, %dma_start3A_1442] : memref<201x4x256x128xf32, #tpu.memory_space<hbm>> -> memref<4x1x8x128xf32, #tpu.memory_space<hbm>>
      %dma_start3A_1444 = tpu.memref_squeeze %dma_start3A_1443 : memref<4x1x8x128xf32, #tpu.memory_space<hbm>> -> memref<4x8x128xf32, #tpu.memory_space<hbm>>
      %dma_start3A_1445 = arith.constant 0 : i32
      %dma_start3A_1446 = tpu.memref_slice %arg4[%add3A_1434, %dma_start3A_1437, %mul3A_1436, %dma_start3A_1445] : memref<201x4x256x128xf32, #tpu.memory_space<hbm>> -> memref<4x1x8x128xf32, #tpu.memory_space<hbm>>
      %dma_start3A_1447 = tpu.memref_squeeze %dma_start3A_1446 : memref<4x1x8x128xf32, #tpu.memory_space<hbm>> -> memref<4x8x128xf32, #tpu.memory_space<hbm>>
      %dma_start3A_1448 = arith.constant 0 : i32
      %dma_start3A_1449 = arith.constant 0 : i32
      %dma_start3A_1450 = arith.constant 0 : i32
      %dma_start3A_1451 = tpu.memref_slice %arg9[%dma_start3A_1448, %dma_start3A_1449, %dma_start3A_1450] : memref<4x32x128xf32, #tpu.memory_space<vmem>> -> memref<4x8x128xf32, #tpu.memory_space<vmem>>
      tpu.enqueue_dma source(%dma_start3A_1451 : memref<4x8x128xf32, #tpu.memory_space<vmem>>) target(%dma_start3A_1447 : memref<4x8x128xf32, #tpu.memory_space<hbm>>) target_semaphore(%arg14 : memref<!tpu.dma_semaphore, #tpu.memory_space<semaphore_mem>>)
      %mul3A_1452 = arith.constant 8 : i32
      %mul3A_1453 = arith.muli %add3A, %mul3A_1452 : i32
      %dma_start3A_1454 = arith.constant 1 : i32
      %dma_start3A_1455 = arith.constant 0 : i32
      %dma_start3A_1456 = arith.constant 8 : i32
      %dma_start3A_1457 = arith.constant 0 : i32
      %dma_start3A_1458 = tpu.memref_slice %arg9[%dma_start3A_1455, %dma_start3A_1456, %dma_start3A_1457] : memref<4x32x128xf32, #tpu.memory_space<vmem>> -> memref<4x8x128xf32, #tpu.memory_space<vmem>>
      %dma_start3A_1459 = arith.constant 0 : i32
      %dma_start3A_1460 = tpu.memref_slice %arg4[%add3A_1434, %dma_start3A_1454, %mul3A_1453, %dma_start3A_1459] : memref<201x4x256x128xf32, #tpu.memory_space<hbm>> -> memref<4x1x8x128xf32, #tpu.memory_space<hbm>>
      %dma_start3A_1461 = tpu.memref_squeeze %dma_start3A_1460 : memref<4x1x8x128xf32, #tpu.memory_space<hbm>> -> memref<4x8x128xf32, #tpu.memory_space<hbm>>
      %dma_start3A_1462 = arith.constant 0 : i32
      %dma_start3A_1463 = tpu.memref_slice %arg4[%add3A_1434, %dma_start3A_1454, %mul3A_1453, %dma_start3A_1462] : memref<201x4x256x128xf32, #tpu.memory_space<hbm>> -> memref<4x1x8x128xf32, #tpu.memory_space<hbm>>
      %dma_start3A_1464 = tpu.memref_squeeze %dma_start3A_1463 : memref<4x1x8x128xf32, #tpu.memory_space<hbm>> -> memref<4x8x128xf32, #tpu.memory_space<hbm>>
      %dma_start3A_1465 = arith.constant 0 : i32
      %dma_start3A_1466 = arith.constant 8 : i32
      %dma_start3A_1467 = arith.constant 0 : i32
      %dma_start3A_1468 = tpu.memref_slice %arg9[%dma_start3A_1465, %dma_start3A_1466, %dma_start3A_1467] : memref<4x32x128xf32, #tpu.memory_space<vmem>> -> memref<4x8x128xf32, #tpu.memory_space<vmem>>
      tpu.enqueue_dma source(%dma_start3A_1468 : memref<4x8x128xf32, #tpu.memory_space<vmem>>) target(%dma_start3A_1464 : memref<4x8x128xf32, #tpu.memory_space<hbm>>) target_semaphore(%arg14 : memref<!tpu.dma_semaphore, #tpu.memory_space<semaphore_mem>>)
      %mul3A_1469 = arith.constant 8 : i32
      %mul3A_1470 = arith.muli %add3A, %mul3A_1469 : i32
      %dma_start3A_1471 = arith.constant 2 : i32
      %dma_start3A_1472 = arith.constant 0 : i32
      %dma_start3A_1473 = arith.constant 16 : i32
      %dma_start3A_1474 = arith.constant 0 : i32
      %dma_start3A_1475 = tpu.memref_slice %arg9[%dma_start3A_1472, %dma_start3A_1473, %dma_start3A_1474] : memref<4x32x128xf32, #tpu.memory_space<vmem>> -> memref<4x8x128xf32, #tpu.memory_space<vmem>>
      %dma_start3A_1476 = arith.constant 0 : i32
      %dma_start3A_1477 = tpu.memref_slice %arg4[%add3A_1434, %dma_start3A_1471, %mul3A_1470, %dma_start3A_1476] : memref<201x4x256x128xf32, #tpu.memory_space<hbm>> -> memref<4x1x8x128xf32, #tpu.memory_space<hbm>>
      %dma_start3A_1478 = tpu.memref_squeeze %dma_start3A_1477 : memref<4x1x8x128xf32, #tpu.memory_space<hbm>> -> memref<4x8x128xf32, #tpu.memory_space<hbm>>
      %dma_start3A_1479 = arith.constant 0 : i32
      %dma_start3A_1480 = tpu.memref_slice %arg4[%add3A_1434, %dma_start3A_1471, %mul3A_1470, %dma_start3A_1479] : memref<201x4x256x128xf32, #tpu.memory_space<hbm>> -> memref<4x1x8x128xf32, #tpu.memory_space<hbm>>
      %dma_start3A_1481 = tpu.memref_squeeze %dma_start3A_1480 : memref<4x1x8x128xf32, #tpu.memory_space<hbm>> -> memref<4x8x128xf32, #tpu.memory_space<hbm>>
      %dma_start3A_1482 = arith.constant 0 : i32
      %dma_start3A_1483 = arith.constant 16 : i32
      %dma_start3A_1484 = arith.constant 0 : i32
      %dma_start3A_1485 = tpu.memref_slice %arg9[%dma_start3A_1482, %dma_start3A_1483, %dma_start3A_1484] : memref<4x32x128xf32, #tpu.memory_space<vmem>> -> memref<4x8x128xf32, #tpu.memory_space<vmem>>
      tpu.enqueue_dma source(%dma_start3A_1485 : memref<4x8x128xf32, #tpu.memory_space<vmem>>) target(%dma_start3A_1481 : memref<4x8x128xf32, #tpu.memory_space<hbm>>) target_semaphore(%arg14 : memref<!tpu.dma_semaphore, #tpu.memory_space<semaphore_mem>>)
      %mul3A_1486 = arith.constant 8 : i32
      %mul3A_1487 = arith.muli %add3A, %mul3A_1486 : i32
      %dma_start3A_1488 = arith.constant 3 : i32
      %dma_start3A_1489 = arith.constant 0 : i32
      %dma_start3A_1490 = arith.constant 24 : i32
      %dma_start3A_1491 = arith.constant 0 : i32
      %dma_start3A_1492 = tpu.memref_slice %arg9[%dma_start3A_1489, %dma_start3A_1490, %dma_start3A_1491] : memref<4x32x128xf32, #tpu.memory_space<vmem>> -> memref<4x8x128xf32, #tpu.memory_space<vmem>>
      %dma_start3A_1493 = arith.constant 0 : i32
      %dma_start3A_1494 = tpu.memref_slice %arg4[%add3A_1434, %dma_start3A_1488, %mul3A_1487, %dma_start3A_1493] : memref<201x4x256x128xf32, #tpu.memory_space<hbm>> -> memref<4x1x8x128xf32, #tpu.memory_space<hbm>>
      %dma_start3A_1495 = tpu.memref_squeeze %dma_start3A_1494 : memref<4x1x8x128xf32, #tpu.memory_space<hbm>> -> memref<4x8x128xf32, #tpu.memory_space<hbm>>
      %dma_start3A_1496 = arith.constant 0 : i32
      %dma_start3A_1497 = tpu.memref_slice %arg4[%add3A_1434, %dma_start3A_1488, %mul3A_1487, %dma_start3A_1496] : memref<201x4x256x128xf32, #tpu.memory_space<hbm>> -> memref<4x1x8x128xf32, #tpu.memory_space<hbm>>
      %dma_start3A_1498 = tpu.memref_squeeze %dma_start3A_1497 : memref<4x1x8x128xf32, #tpu.memory_space<hbm>> -> memref<4x8x128xf32, #tpu.memory_space<hbm>>
      %dma_start3A_1499 = arith.constant 0 : i32
      %dma_start3A_1500 = arith.constant 24 : i32
      %dma_start3A_1501 = arith.constant 0 : i32
      %dma_start3A_1502 = tpu.memref_slice %arg9[%dma_start3A_1499, %dma_start3A_1500, %dma_start3A_1501] : memref<4x32x128xf32, #tpu.memory_space<vmem>> -> memref<4x8x128xf32, #tpu.memory_space<vmem>>
      tpu.enqueue_dma source(%dma_start3A_1502 : memref<4x8x128xf32, #tpu.memory_space<vmem>>) target(%dma_start3A_1498 : memref<4x8x128xf32, #tpu.memory_space<hbm>>) target_semaphore(%arg14 : memref<!tpu.dma_semaphore, #tpu.memory_space<semaphore_mem>>)
    }
    %scan3A_433 = arith.constant 23 : i32
    %dma_wait3A_434 = arith.constant 0 : i32
    %dma_wait3A_435 = arith.constant 0 : i32
    %dma_wait3A_436 = arith.constant 0 : i32
    %dma_wait3A_437 = arith.constant 0 : i32
    %dma_wait3A_438 = tpu.memref_slice %arg6[%dma_wait3A_436, %dma_wait3A_437] : memref<512x32xf32, #tpu.memory_space<vmem>> -> memref<128x32xf32, #tpu.memory_space<vmem>>
    %dma_wait3A_439 = arith.constant 0 : i32
    %dma_wait3A_440 = tpu.memref_slice %arg5[%dma_wait3A_434, %dma_wait3A_435, %dma_wait3A_439] : memref<25x8x128xi32, #tpu.memory_space<vmem>> -> memref<1x1x128xi32, #tpu.memory_space<vmem>>
    %dma_wait3A_441 = tpu.memref_squeeze %dma_wait3A_440 : memref<1x1x128xi32, #tpu.memory_space<vmem>> -> memref<128xi32, #tpu.memory_space<vmem>>
    %dma_wait3A_442 = arith.constant 0 : i32
    %dma_wait3A_443 = arith.constant 0 : i32
    %dma_wait3A_444 = tpu.memref_slice %arg3[%dma_wait3A_442, %dma_wait3A_443] : memref<1000000x32xf32, #tpu.memory_space<hbm>> -> memref<1000000x32xf32, #tpu.memory_space<hbm>>
    tpu.wait_indirect_dma semaphore(%arg11 : memref<!tpu.dma_semaphore, #tpu.memory_space<semaphore_mem>>) src(%dma_wait3A_444 : memref<1000000x32xf32, #tpu.memory_space<hbm>>) dst(%dma_wait3A_438 : memref<128x32xf32, #tpu.memory_space<vmem>>)
    %dma_wait3A_445 = arith.constant 0 : i32
    %dma_wait3A_446 = arith.constant 0 : i32
    %dma_wait3A_447 = arith.constant 128 : i32
    %dma_wait3A_448 = arith.constant 0 : i32
    %dma_wait3A_449 = tpu.memref_slice %arg6[%dma_wait3A_447, %dma_wait3A_448] : memref<512x32xf32, #tpu.memory_space<vmem>> -> memref<128x32xf32, #tpu.memory_space<vmem>>
    %dma_wait3A_450 = arith.constant 0 : i32
    %dma_wait3A_451 = tpu.memref_slice %arg5[%dma_wait3A_445, %dma_wait3A_446, %dma_wait3A_450] : memref<25x8x128xi32, #tpu.memory_space<vmem>> -> memref<1x1x128xi32, #tpu.memory_space<vmem>>
    %dma_wait3A_452 = tpu.memref_squeeze %dma_wait3A_451 : memref<1x1x128xi32, #tpu.memory_space<vmem>> -> memref<128xi32, #tpu.memory_space<vmem>>
    %dma_wait3A_453 = arith.constant 0 : i32
    %dma_wait3A_454 = arith.constant 0 : i32
    %dma_wait3A_455 = tpu.memref_slice %arg3[%dma_wait3A_453, %dma_wait3A_454] : memref<1000000x32xf32, #tpu.memory_space<hbm>> -> memref<1000000x32xf32, #tpu.memory_space<hbm>>
    tpu.wait_indirect_dma semaphore(%arg11 : memref<!tpu.dma_semaphore, #tpu.memory_space<semaphore_mem>>) src(%dma_wait3A_455 : memref<1000000x32xf32, #tpu.memory_space<hbm>>) dst(%dma_wait3A_449 : memref<128x32xf32, #tpu.memory_space<vmem>>)
    %dma_wait3A_456 = arith.constant 0 : i32
    %dma_wait3A_457 = arith.constant 0 : i32
    %dma_wait3A_458 = arith.constant 256 : i32
    %dma_wait3A_459 = arith.constant 0 : i32
    %dma_wait3A_460 = tpu.memref_slice %arg6[%dma_wait3A_458, %dma_wait3A_459] : memref<512x32xf32, #tpu.memory_space<vmem>> -> memref<128x32xf32, #tpu.memory_space<vmem>>
    %dma_wait3A_461 = arith.constant 0 : i32
    %dma_wait3A_462 = tpu.memref_slice %arg5[%dma_wait3A_456, %dma_wait3A_457, %dma_wait3A_461] : memref<25x8x128xi32, #tpu.memory_space<vmem>> -> memref<1x1x128xi32, #tpu.memory_space<vmem>>
    %dma_wait3A_463 = tpu.memref_squeeze %dma_wait3A_462 : memref<1x1x128xi32, #tpu.memory_space<vmem>> -> memref<128xi32, #tpu.memory_space<vmem>>
    %dma_wait3A_464 = arith.constant 0 : i32
    %dma_wait3A_465 = arith.constant 0 : i32
    %dma_wait3A_466 = tpu.memref_slice %arg3[%dma_wait3A_464, %dma_wait3A_465] : memref<1000000x32xf32, #tpu.memory_space<hbm>> -> memref<1000000x32xf32, #tpu.memory_space<hbm>>
    tpu.wait_indirect_dma semaphore(%arg11 : memref<!tpu.dma_semaphore, #tpu.memory_space<semaphore_mem>>) src(%dma_wait3A_466 : memref<1000000x32xf32, #tpu.memory_space<hbm>>) dst(%dma_wait3A_460 : memref<128x32xf32, #tpu.memory_space<vmem>>)
    %dma_wait3A_467 = arith.constant 0 : i32
    %dma_wait3A_468 = arith.constant 0 : i32
    %dma_wait3A_469 = arith.constant 384 : i32
    %dma_wait3A_470 = arith.constant 0 : i32
    %dma_wait3A_471 = tpu.memref_slice %arg6[%dma_wait3A_469, %dma_wait3A_470] : memref<512x32xf32, #tpu.memory_space<vmem>> -> memref<128x32xf32, #tpu.memory_space<vmem>>
    %dma_wait3A_472 = arith.constant 0 : i32
    %dma_wait3A_473 = tpu.memref_slice %arg5[%dma_wait3A_467, %dma_wait3A_468, %dma_wait3A_472] : memref<25x8x128xi32, #tpu.memory_space<vmem>> -> memref<1x1x128xi32, #tpu.memory_space<vmem>>
    %dma_wait3A_474 = tpu.memref_squeeze %dma_wait3A_473 : memref<1x1x128xi32, #tpu.memory_space<vmem>> -> memref<128xi32, #tpu.memory_space<vmem>>
    %dma_wait3A_475 = arith.constant 0 : i32
    %dma_wait3A_476 = arith.constant 0 : i32
    %dma_wait3A_477 = tpu.memref_slice %arg3[%dma_wait3A_475, %dma_wait3A_476] : memref<1000000x32xf32, #tpu.memory_space<hbm>> -> memref<1000000x32xf32, #tpu.memory_space<hbm>>
    tpu.wait_indirect_dma semaphore(%arg11 : memref<!tpu.dma_semaphore, #tpu.memory_space<semaphore_mem>>) src(%dma_wait3A_477 : memref<1000000x32xf32, #tpu.memory_space<hbm>>) dst(%dma_wait3A_471 : memref<128x32xf32, #tpu.memory_space<vmem>>)
    %dma_start3A_478 = arith.constant 24 : i32
    %dma_start3A_479 = arith.constant 4 : i32
    %dma_start3A_480 = arith.constant 0 : i32
    %dma_start3A_481 = arith.constant 0 : i32
    %dma_start3A_482 = tpu.memref_slice %arg7[%dma_start3A_480, %dma_start3A_481] : memref<512x32xf32, #tpu.memory_space<vmem>> -> memref<128x32xf32, #tpu.memory_space<vmem>>
    %dma_start3A_483 = arith.constant 0 : i32
    %dma_start3A_484 = tpu.memref_slice %arg5[%dma_start3A_478, %dma_start3A_479, %dma_start3A_483] : memref<25x8x128xi32, #tpu.memory_space<vmem>> -> memref<1x1x128xi32, #tpu.memory_space<vmem>>
    %dma_start3A_485 = tpu.memref_squeeze %dma_start3A_484 : memref<1x1x128xi32, #tpu.memory_space<vmem>> -> memref<128xi32, #tpu.memory_space<vmem>>
    %dma_start3A_486 = arith.constant 0 : i32
    %dma_start3A_487 = arith.constant 0 : i32
    %dma_start3A_488 = tpu.memref_slice %arg3[%dma_start3A_486, %dma_start3A_487] : memref<1000000x32xf32, #tpu.memory_space<hbm>> -> memref<1000000x32xf32, #tpu.memory_space<hbm>>
    tpu.enqueue_indirect_dma source(%dma_start3A_488 : memref<1000000x32xf32, #tpu.memory_space<hbm>>) target(%dma_start3A_482 : memref<128x32xf32, #tpu.memory_space<vmem>>) offsets(%dma_start3A_485 : memref<128xi32, #tpu.memory_space<vmem>>) semaphore(%arg12 : memref<!tpu.dma_semaphore, #tpu.memory_space<semaphore_mem>>)
    %dma_start3A_489 = arith.constant 24 : i32
    %dma_start3A_490 = arith.constant 5 : i32
    %dma_start3A_491 = arith.constant 128 : i32
    %dma_start3A_492 = arith.constant 0 : i32
    %dma_start3A_493 = tpu.memref_slice %arg7[%dma_start3A_491, %dma_start3A_492] : memref<512x32xf32, #tpu.memory_space<vmem>> -> memref<128x32xf32, #tpu.memory_space<vmem>>
    %dma_start3A_494 = arith.constant 0 : i32
    %dma_start3A_495 = tpu.memref_slice %arg5[%dma_start3A_489, %dma_start3A_490, %dma_start3A_494] : memref<25x8x128xi32, #tpu.memory_space<vmem>> -> memref<1x1x128xi32, #tpu.memory_space<vmem>>
    %dma_start3A_496 = tpu.memref_squeeze %dma_start3A_495 : memref<1x1x128xi32, #tpu.memory_space<vmem>> -> memref<128xi32, #tpu.memory_space<vmem>>
    %dma_start3A_497 = arith.constant 0 : i32
    %dma_start3A_498 = arith.constant 0 : i32
    %dma_start3A_499 = tpu.memref_slice %arg3[%dma_start3A_497, %dma_start3A_498] : memref<1000000x32xf32, #tpu.memory_space<hbm>> -> memref<1000000x32xf32, #tpu.memory_space<hbm>>
    tpu.enqueue_indirect_dma source(%dma_start3A_499 : memref<1000000x32xf32, #tpu.memory_space<hbm>>) target(%dma_start3A_493 : memref<128x32xf32, #tpu.memory_space<vmem>>) offsets(%dma_start3A_496 : memref<128xi32, #tpu.memory_space<vmem>>) semaphore(%arg12 : memref<!tpu.dma_semaphore, #tpu.memory_space<semaphore_mem>>)
    %dma_start3A_500 = arith.constant 24 : i32
    %dma_start3A_501 = arith.constant 6 : i32
    %dma_start3A_502 = arith.constant 256 : i32
    %dma_start3A_503 = arith.constant 0 : i32
    %dma_start3A_504 = tpu.memref_slice %arg7[%dma_start3A_502, %dma_start3A_503] : memref<512x32xf32, #tpu.memory_space<vmem>> -> memref<128x32xf32, #tpu.memory_space<vmem>>
    %dma_start3A_505 = arith.constant 0 : i32
    %dma_start3A_506 = tpu.memref_slice %arg5[%dma_start3A_500, %dma_start3A_501, %dma_start3A_505] : memref<25x8x128xi32, #tpu.memory_space<vmem>> -> memref<1x1x128xi32, #tpu.memory_space<vmem>>
    %dma_start3A_507 = tpu.memref_squeeze %dma_start3A_506 : memref<1x1x128xi32, #tpu.memory_space<vmem>> -> memref<128xi32, #tpu.memory_space<vmem>>
    %dma_start3A_508 = arith.constant 0 : i32
    %dma_start3A_509 = arith.constant 0 : i32
    %dma_start3A_510 = tpu.memref_slice %arg3[%dma_start3A_508, %dma_start3A_509] : memref<1000000x32xf32, #tpu.memory_space<hbm>> -> memref<1000000x32xf32, #tpu.memory_space<hbm>>
    tpu.enqueue_indirect_dma source(%dma_start3A_510 : memref<1000000x32xf32, #tpu.memory_space<hbm>>) target(%dma_start3A_504 : memref<128x32xf32, #tpu.memory_space<vmem>>) offsets(%dma_start3A_507 : memref<128xi32, #tpu.memory_space<vmem>>) semaphore(%arg12 : memref<!tpu.dma_semaphore, #tpu.memory_space<semaphore_mem>>)
    %dma_start3A_511 = arith.constant 24 : i32
    %dma_start3A_512 = arith.constant 7 : i32
    %dma_start3A_513 = arith.constant 384 : i32
    %dma_start3A_514 = arith.constant 0 : i32
    %dma_start3A_515 = tpu.memref_slice %arg7[%dma_start3A_513, %dma_start3A_514] : memref<512x32xf32, #tpu.memory_space<vmem>> -> memref<128x32xf32, #tpu.memory_space<vmem>>
    %dma_start3A_516 = arith.constant 0 : i32
    %dma_start3A_517 = tpu.memref_slice %arg5[%dma_start3A_511, %dma_start3A_512, %dma_start3A_516] : memref<25x8x128xi32, #tpu.memory_space<vmem>> -> memref<1x1x128xi32, #tpu.memory_space<vmem>>
    %dma_start3A_518 = tpu.memref_squeeze %dma_start3A_517 : memref<1x1x128xi32, #tpu.memory_space<vmem>> -> memref<128xi32, #tpu.memory_space<vmem>>
    %dma_start3A_519 = arith.constant 0 : i32
    %dma_start3A_520 = arith.constant 0 : i32
    %dma_start3A_521 = tpu.memref_slice %arg3[%dma_start3A_519, %dma_start3A_520] : memref<1000000x32xf32, #tpu.memory_space<hbm>> -> memref<1000000x32xf32, #tpu.memory_space<hbm>>
    tpu.enqueue_indirect_dma source(%dma_start3A_521 : memref<1000000x32xf32, #tpu.memory_space<hbm>>) target(%dma_start3A_515 : memref<128x32xf32, #tpu.memory_space<vmem>>) offsets(%dma_start3A_518 : memref<128xi32, #tpu.memory_space<vmem>>) semaphore(%arg12 : memref<!tpu.dma_semaphore, #tpu.memory_space<semaphore_mem>>)
    %mul3A_522 = arith.constant 8 : i32
    %mul3A_523 = arith.muli %add3A, %mul3A_522 : i32
    %dma_wait3A_524 = arith.constant 0 : i32
    %dma_wait3A_525 = arith.constant 0 : i32
    %dma_wait3A_526 = arith.constant 0 : i32
    %dma_wait3A_527 = arith.constant 0 : i32
    %dma_wait3A_528 = tpu.memref_slice %arg8[%dma_wait3A_525, %dma_wait3A_526, %dma_wait3A_527] : memref<4x32x128xf32, #tpu.memory_space<vmem>> -> memref<4x8x128xf32, #tpu.memory_space<vmem>>
    %dma_wait3A_529 = arith.constant 0 : i32
    %dma_wait3A_530 = arith.constant 0 : i32
    %dma_wait3A_531 = tpu.memref_slice %arg4[%dma_wait3A_529, %dma_wait3A_524, %mul3A_523, %dma_wait3A_530] : memref<201x4x256x128xf32, #tpu.memory_space<hbm>> -> memref<4x1x8x128xf32, #tpu.memory_space<hbm>>
    %dma_wait3A_532 = tpu.memref_squeeze %dma_wait3A_531 : memref<4x1x8x128xf32, #tpu.memory_space<hbm>> -> memref<4x8x128xf32, #tpu.memory_space<hbm>>
    %dma_wait3A_533 = arith.constant 0 : i32
    %dma_wait3A_534 = arith.constant 0 : i32
    %dma_wait3A_535 = tpu.memref_slice %arg4[%dma_wait3A_533, %dma_wait3A_524, %mul3A_523, %dma_wait3A_534] : memref<201x4x256x128xf32, #tpu.memory_space<hbm>> -> memref<4x1x8x128xf32, #tpu.memory_space<hbm>>
    %dma_wait3A_536 = tpu.memref_squeeze %dma_wait3A_535 : memref<4x1x8x128xf32, #tpu.memory_space<hbm>> -> memref<4x8x128xf32, #tpu.memory_space<hbm>>
    %dma_wait3A_537 = arith.constant 0 : i32
    %dma_wait3A_538 = arith.constant 0 : i32
    %dma_wait3A_539 = arith.constant 0 : i32
    %dma_wait3A_540 = tpu.memref_slice %arg8[%dma_wait3A_537, %dma_wait3A_538, %dma_wait3A_539] : memref<4x32x128xf32, #tpu.memory_space<vmem>> -> memref<4x8x128xf32, #tpu.memory_space<vmem>>
    tpu.wait_dma2 semaphore(%arg13 : memref<!tpu.dma_semaphore, #tpu.memory_space<semaphore_mem>>) src(%dma_wait3A_540 : memref<4x8x128xf32, #tpu.memory_space<vmem>>) dst(%dma_wait3A_536 : memref<4x8x128xf32, #tpu.memory_space<hbm>>)
    %mul3A_541 = arith.constant 8 : i32
    %mul3A_542 = arith.muli %add3A, %mul3A_541 : i32
    %dma_wait3A_543 = arith.constant 1 : i32
    %dma_wait3A_544 = arith.constant 0 : i32
    %dma_wait3A_545 = arith.constant 8 : i32
    %dma_wait3A_546 = arith.constant 0 : i32
    %dma_wait3A_547 = tpu.memref_slice %arg8[%dma_wait3A_544, %dma_wait3A_545, %dma_wait3A_546] : memref<4x32x128xf32, #tpu.memory_space<vmem>> -> memref<4x8x128xf32, #tpu.memory_space<vmem>>
    %dma_wait3A_548 = arith.constant 0 : i32
    %dma_wait3A_549 = arith.constant 0 : i32
    %dma_wait3A_550 = tpu.memref_slice %arg4[%dma_wait3A_548, %dma_wait3A_543, %mul3A_542, %dma_wait3A_549] : memref<201x4x256x128xf32, #tpu.memory_space<hbm>> -> memref<4x1x8x128xf32, #tpu.memory_space<hbm>>
    %dma_wait3A_551 = tpu.memref_squeeze %dma_wait3A_550 : memref<4x1x8x128xf32, #tpu.memory_space<hbm>> -> memref<4x8x128xf32, #tpu.memory_space<hbm>>
    %dma_wait3A_552 = arith.constant 0 : i32
    %dma_wait3A_553 = arith.constant 0 : i32
    %dma_wait3A_554 = tpu.memref_slice %arg4[%dma_wait3A_552, %dma_wait3A_543, %mul3A_542, %dma_wait3A_553] : memref<201x4x256x128xf32, #tpu.memory_space<hbm>> -> memref<4x1x8x128xf32, #tpu.memory_space<hbm>>
    %dma_wait3A_555 = tpu.memref_squeeze %dma_wait3A_554 : memref<4x1x8x128xf32, #tpu.memory_space<hbm>> -> memref<4x8x128xf32, #tpu.memory_space<hbm>>
    %dma_wait3A_556 = arith.constant 0 : i32
    %dma_wait3A_557 = arith.constant 8 : i32
    %dma_wait3A_558 = arith.constant 0 : i32
    %dma_wait3A_559 = tpu.memref_slice %arg8[%dma_wait3A_556, %dma_wait3A_557, %dma_wait3A_558] : memref<4x32x128xf32, #tpu.memory_space<vmem>> -> memref<4x8x128xf32, #tpu.memory_space<vmem>>
    tpu.wait_dma2 semaphore(%arg13 : memref<!tpu.dma_semaphore, #tpu.memory_space<semaphore_mem>>) src(%dma_wait3A_559 : memref<4x8x128xf32, #tpu.memory_space<vmem>>) dst(%dma_wait3A_555 : memref<4x8x128xf32, #tpu.memory_space<hbm>>)
    %mul3A_560 = arith.constant 8 : i32
    %mul3A_561 = arith.muli %add3A, %mul3A_560 : i32
    %dma_wait3A_562 = arith.constant 2 : i32
    %dma_wait3A_563 = arith.constant 0 : i32
    %dma_wait3A_564 = arith.constant 16 : i32
    %dma_wait3A_565 = arith.constant 0 : i32
    %dma_wait3A_566 = tpu.memref_slice %arg8[%dma_wait3A_563, %dma_wait3A_564, %dma_wait3A_565] : memref<4x32x128xf32, #tpu.memory_space<vmem>> -> memref<4x8x128xf32, #tpu.memory_space<vmem>>
    %dma_wait3A_567 = arith.constant 0 : i32
    %dma_wait3A_568 = arith.constant 0 : i32
    %dma_wait3A_569 = tpu.memref_slice %arg4[%dma_wait3A_567, %dma_wait3A_562, %mul3A_561, %dma_wait3A_568] : memref<201x4x256x128xf32, #tpu.memory_space<hbm>> -> memref<4x1x8x128xf32, #tpu.memory_space<hbm>>
    %dma_wait3A_570 = tpu.memref_squeeze %dma_wait3A_569 : memref<4x1x8x128xf32, #tpu.memory_space<hbm>> -> memref<4x8x128xf32, #tpu.memory_space<hbm>>
    %dma_wait3A_571 = arith.constant 0 : i32
    %dma_wait3A_572 = arith.constant 0 : i32
    %dma_wait3A_573 = tpu.memref_slice %arg4[%dma_wait3A_571, %dma_wait3A_562, %mul3A_561, %dma_wait3A_572] : memref<201x4x256x128xf32, #tpu.memory_space<hbm>> -> memref<4x1x8x128xf32, #tpu.memory_space<hbm>>
    %dma_wait3A_574 = tpu.memref_squeeze %dma_wait3A_573 : memref<4x1x8x128xf32, #tpu.memory_space<hbm>> -> memref<4x8x128xf32, #tpu.memory_space<hbm>>
    %dma_wait3A_575 = arith.constant 0 : i32
    %dma_wait3A_576 = arith.constant 16 : i32
    %dma_wait3A_577 = arith.constant 0 : i32
    %dma_wait3A_578 = tpu.memref_slice %arg8[%dma_wait3A_575, %dma_wait3A_576, %dma_wait3A_577] : memref<4x32x128xf32, #tpu.memory_space<vmem>> -> memref<4x8x128xf32, #tpu.memory_space<vmem>>
    tpu.wait_dma2 semaphore(%arg13 : memref<!tpu.dma_semaphore, #tpu.memory_space<semaphore_mem>>) src(%dma_wait3A_578 : memref<4x8x128xf32, #tpu.memory_space<vmem>>) dst(%dma_wait3A_574 : memref<4x8x128xf32, #tpu.memory_space<hbm>>)
    %mul3A_579 = arith.constant 8 : i32
    %mul3A_580 = arith.muli %add3A, %mul3A_579 : i32
    %dma_wait3A_581 = arith.constant 3 : i32
    %dma_wait3A_582 = arith.constant 0 : i32
    %dma_wait3A_583 = arith.constant 24 : i32
    %dma_wait3A_584 = arith.constant 0 : i32
    %dma_wait3A_585 = tpu.memref_slice %arg8[%dma_wait3A_582, %dma_wait3A_583, %dma_wait3A_584] : memref<4x32x128xf32, #tpu.memory_space<vmem>> -> memref<4x8x128xf32, #tpu.memory_space<vmem>>
    %dma_wait3A_586 = arith.constant 0 : i32
    %dma_wait3A_587 = arith.constant 0 : i32
    %dma_wait3A_588 = tpu.memref_slice %arg4[%dma_wait3A_586, %dma_wait3A_581, %mul3A_580, %dma_wait3A_587] : memref<201x4x256x128xf32, #tpu.memory_space<hbm>> -> memref<4x1x8x128xf32, #tpu.memory_space<hbm>>
    %dma_wait3A_589 = tpu.memref_squeeze %dma_wait3A_588 : memref<4x1x8x128xf32, #tpu.memory_space<hbm>> -> memref<4x8x128xf32, #tpu.memory_space<hbm>>
    %dma_wait3A_590 = arith.constant 0 : i32
    %dma_wait3A_591 = arith.constant 0 : i32
    %dma_wait3A_592 = tpu.memref_slice %arg4[%dma_wait3A_590, %dma_wait3A_581, %mul3A_580, %dma_wait3A_591] : memref<201x4x256x128xf32, #tpu.memory_space<hbm>> -> memref<4x1x8x128xf32, #tpu.memory_space<hbm>>
    %dma_wait3A_593 = tpu.memref_squeeze %dma_wait3A_592 : memref<4x1x8x128xf32, #tpu.memory_space<hbm>> -> memref<4x8x128xf32, #tpu.memory_space<hbm>>
    %dma_wait3A_594 = arith.constant 0 : i32
    %dma_wait3A_595 = arith.constant 24 : i32
    %dma_wait3A_596 = arith.constant 0 : i32
    %dma_wait3A_597 = tpu.memref_slice %arg8[%dma_wait3A_594, %dma_wait3A_595, %dma_wait3A_596] : memref<4x32x128xf32, #tpu.memory_space<vmem>> -> memref<4x8x128xf32, #tpu.memory_space<vmem>>
    tpu.wait_dma2 semaphore(%arg13 : memref<!tpu.dma_semaphore, #tpu.memory_space<semaphore_mem>>) src(%dma_wait3A_597 : memref<4x8x128xf32, #tpu.memory_space<vmem>>) dst(%dma_wait3A_593 : memref<4x8x128xf32, #tpu.memory_space<hbm>>)
    %parallel_loop3A_598 = arith.constant 0 : i32
    %parallel_loop3A_599 = arith.constant 128 : i32
    %parallel_loop3A_600 = arith.constant 1 : i32
    scf.for %parallel_loop3A_1028 = %parallel_loop3A_598 to %parallel_loop3A_599 step %parallel_loop3A_600  : i32 {
      %parallel_loop3A_1029 = arith.constant 5 : i32
      %parallel_loop3A_1030 = arith.shrsi %parallel_loop3A_1028, %parallel_loop3A_1029 : i32
      %parallel_loop3A_1031 = arith.constant 31 : i32
      %parallel_loop3A_1032 = arith.andi %parallel_loop3A_1028, %parallel_loop3A_1031 : i32
      %parallel_loop3A_1033 = arith.constant 128 : i32
      %parallel_loop3A_1034 = arith.muli %parallel_loop3A_1030, %parallel_loop3A_1033 : i32
      %parallel_loop3A_1035 = vector.broadcast %parallel_loop3A_1034 : i32 to vector<16xi32>
      %parallel_loop3A_1036 = vector.broadcast %parallel_loop3A_1032 : i32 to vector<16xi32>
      %parallel_loop3A_1037 = arith.addi %add3A_24, %parallel_loop3A_1035 : vector<16xi32>
      %parallel_loop3A_1038 = tpu.vector_load_idx %arg6[%parallel_loop3A_1037, %parallel_loop3A_1036] : memref<512x32xf32, #tpu.memory_space<vmem>>[vector<16xi32>, vector<16xi32>], vector<16xf32>,
      %parallel_loop3A_1039 = arith.index_cast %parallel_loop3A_1030 : i32 to index
      %parallel_loop3A_1040 = arith.index_cast %parallel_loop3A_1032 : i32 to index
      %parallel_loop3A_1041 = arith.constant 0 : index
      %parallel_loop3A_1042 = tpu.vector_load %arg8[%parallel_loop3A_1039, %parallel_loop3A_1040, %parallel_loop3A_1041] {strides = array<i32>} : memref<4x32x128xf32, #tpu.memory_space<vmem>>, vector<16xf32>,
      tpu.vector_store %arg8[%parallel_loop3A_1039, %parallel_loop3A_1040, %parallel_loop3A_1041], %parallel_loop3A_1038 {strides = array<i32>} : memref<4x32x128xf32, #tpu.memory_space<vmem>>, vector<16xf32>,
      %parallel_loop3A_1043 = arith.addi %add3A_28, %parallel_loop3A_1035 : vector<16xi32>
      %parallel_loop3A_1044 = tpu.vector_load_idx %arg6[%parallel_loop3A_1043, %parallel_loop3A_1036] : memref<512x32xf32, #tpu.memory_space<vmem>>[vector<16xi32>, vector<16xi32>], vector<16xf32>,
      %parallel_loop3A_1045 = arith.index_cast %parallel_loop3A_1030 : i32 to index
      %parallel_loop3A_1046 = arith.index_cast %parallel_loop3A_1032 : i32 to index
      %parallel_loop3A_1047 = arith.constant 16 : index
      %parallel_loop3A_1048 = tpu.vector_load %arg8[%parallel_loop3A_1045, %parallel_loop3A_1046, %parallel_loop3A_1047] {strides = array<i32>} : memref<4x32x128xf32, #tpu.memory_space<vmem>>, vector<16xf32>,
      tpu.vector_store %arg8[%parallel_loop3A_1045, %parallel_loop3A_1046, %parallel_loop3A_1047], %parallel_loop3A_1044 {strides = array<i32>} : memref<4x32x128xf32, #tpu.memory_space<vmem>>, vector<16xf32>,
      %parallel_loop3A_1049 = arith.addi %add3A_32, %parallel_loop3A_1035 : vector<16xi32>
      %parallel_loop3A_1050 = tpu.vector_load_idx %arg6[%parallel_loop3A_1049, %parallel_loop3A_1036] : memref<512x32xf32, #tpu.memory_space<vmem>>[vector<16xi32>, vector<16xi32>], vector<16xf32>,
      %parallel_loop3A_1051 = arith.index_cast %parallel_loop3A_1030 : i32 to index
      %parallel_loop3A_1052 = arith.index_cast %parallel_loop3A_1032 : i32 to index
      %parallel_loop3A_1053 = arith.constant 32 : index
      %parallel_loop3A_1054 = tpu.vector_load %arg8[%parallel_loop3A_1051, %parallel_loop3A_1052, %parallel_loop3A_1053] {strides = array<i32>} : memref<4x32x128xf32, #tpu.memory_space<vmem>>, vector<16xf32>,
      tpu.vector_store %arg8[%parallel_loop3A_1051, %parallel_loop3A_1052, %parallel_loop3A_1053], %parallel_loop3A_1050 {strides = array<i32>} : memref<4x32x128xf32, #tpu.memory_space<vmem>>, vector<16xf32>,
      %parallel_loop3A_1055 = arith.addi %add3A_36, %parallel_loop3A_1035 : vector<16xi32>
      %parallel_loop3A_1056 = tpu.vector_load_idx %arg6[%parallel_loop3A_1055, %parallel_loop3A_1036] : memref<512x32xf32, #tpu.memory_space<vmem>>[vector<16xi32>, vector<16xi32>], vector<16xf32>,
      %parallel_loop3A_1057 = arith.index_cast %parallel_loop3A_1030 : i32 to index
      %parallel_loop3A_1058 = arith.index_cast %parallel_loop3A_1032 : i32 to index
      %parallel_loop3A_1059 = arith.constant 48 : index
      %parallel_loop3A_1060 = tpu.vector_load %arg8[%parallel_loop3A_1057, %parallel_loop3A_1058, %parallel_loop3A_1059] {strides = array<i32>} : memref<4x32x128xf32, #tpu.memory_space<vmem>>, vector<16xf32>,
      tpu.vector_store %arg8[%parallel_loop3A_1057, %parallel_loop3A_1058, %parallel_loop3A_1059], %parallel_loop3A_1056 {strides = array<i32>} : memref<4x32x128xf32, #tpu.memory_space<vmem>>, vector<16xf32>,
      %parallel_loop3A_1061 = arith.addi %add3A_40, %parallel_loop3A_1035 : vector<16xi32>
      %parallel_loop3A_1062 = tpu.vector_load_idx %arg6[%parallel_loop3A_1061, %parallel_loop3A_1036] : memref<512x32xf32, #tpu.memory_space<vmem>>[vector<16xi32>, vector<16xi32>], vector<16xf32>,
      %parallel_loop3A_1063 = arith.index_cast %parallel_loop3A_1030 : i32 to index
      %parallel_loop3A_1064 = arith.index_cast %parallel_loop3A_1032 : i32 to index
      %parallel_loop3A_1065 = arith.constant 64 : index
      %parallel_loop3A_1066 = tpu.vector_load %arg8[%parallel_loop3A_1063, %parallel_loop3A_1064, %parallel_loop3A_1065] {strides = array<i32>} : memref<4x32x128xf32, #tpu.memory_space<vmem>>, vector<16xf32>,
      tpu.vector_store %arg8[%parallel_loop3A_1063, %parallel_loop3A_1064, %parallel_loop3A_1065], %parallel_loop3A_1062 {strides = array<i32>} : memref<4x32x128xf32, #tpu.memory_space<vmem>>, vector<16xf32>,
      %parallel_loop3A_1067 = arith.addi %add3A_44, %parallel_loop3A_1035 : vector<16xi32>
      %parallel_loop3A_1068 = tpu.vector_load_idx %arg6[%parallel_loop3A_1067, %parallel_loop3A_1036] : memref<512x32xf32, #tpu.memory_space<vmem>>[vector<16xi32>, vector<16xi32>], vector<16xf32>,
      %parallel_loop3A_1069 = arith.index_cast %parallel_loop3A_1030 : i32 to index
      %parallel_loop3A_1070 = arith.index_cast %parallel_loop3A_1032 : i32 to index
      %parallel_loop3A_1071 = arith.constant 80 : index
      %parallel_loop3A_1072 = tpu.vector_load %arg8[%parallel_loop3A_1069, %parallel_loop3A_1070, %parallel_loop3A_1071] {strides = array<i32>} : memref<4x32x128xf32, #tpu.memory_space<vmem>>, vector<16xf32>,
      tpu.vector_store %arg8[%parallel_loop3A_1069, %parallel_loop3A_1070, %parallel_loop3A_1071], %parallel_loop3A_1068 {strides = array<i32>} : memref<4x32x128xf32, #tpu.memory_space<vmem>>, vector<16xf32>,
      %parallel_loop3A_1073 = arith.addi %add3A_48, %parallel_loop3A_1035 : vector<16xi32>
      %parallel_loop3A_1074 = tpu.vector_load_idx %arg6[%parallel_loop3A_1073, %parallel_loop3A_1036] : memref<512x32xf32, #tpu.memory_space<vmem>>[vector<16xi32>, vector<16xi32>], vector<16xf32>,
      %parallel_loop3A_1075 = arith.index_cast %parallel_loop3A_1030 : i32 to index
      %parallel_loop3A_1076 = arith.index_cast %parallel_loop3A_1032 : i32 to index
      %parallel_loop3A_1077 = arith.constant 96 : index
      %parallel_loop3A_1078 = tpu.vector_load %arg8[%parallel_loop3A_1075, %parallel_loop3A_1076, %parallel_loop3A_1077] {strides = array<i32>} : memref<4x32x128xf32, #tpu.memory_space<vmem>>, vector<16xf32>,
      tpu.vector_store %arg8[%parallel_loop3A_1075, %parallel_loop3A_1076, %parallel_loop3A_1077], %parallel_loop3A_1074 {strides = array<i32>} : memref<4x32x128xf32, #tpu.memory_space<vmem>>, vector<16xf32>,
      %parallel_loop3A_1079 = arith.addi %add3A_52, %parallel_loop3A_1035 : vector<16xi32>
      %parallel_loop3A_1080 = tpu.vector_load_idx %arg6[%parallel_loop3A_1079, %parallel_loop3A_1036] : memref<512x32xf32, #tpu.memory_space<vmem>>[vector<16xi32>, vector<16xi32>], vector<16xf32>,
      %parallel_loop3A_1081 = arith.index_cast %parallel_loop3A_1030 : i32 to index
      %parallel_loop3A_1082 = arith.index_cast %parallel_loop3A_1032 : i32 to index
      %parallel_loop3A_1083 = arith.constant 112 : index
      %parallel_loop3A_1084 = tpu.vector_load %arg8[%parallel_loop3A_1081, %parallel_loop3A_1082, %parallel_loop3A_1083] {strides = array<i32>} : memref<4x32x128xf32, #tpu.memory_space<vmem>>, vector<16xf32>,
      tpu.vector_store %arg8[%parallel_loop3A_1081, %parallel_loop3A_1082, %parallel_loop3A_1083], %parallel_loop3A_1080 {strides = array<i32>} : memref<4x32x128xf32, #tpu.memory_space<vmem>>, vector<16xf32>,
    } {sc.loop_unroll_factor = 4 : i64, sc.parallel_access}
    %mul3A_601 = arith.constant 8 : i32
    %mul3A_602 = arith.muli %add3A, %mul3A_601 : i32
    %dma_start3A_603 = arith.constant 0 : i32
    %dma_start3A_604 = arith.constant 0 : i32
    %dma_start3A_605 = arith.constant 0 : i32
    %dma_start3A_606 = arith.constant 0 : i32
    %dma_start3A_607 = tpu.memref_slice %arg8[%dma_start3A_604, %dma_start3A_605, %dma_start3A_606] : memref<4x32x128xf32, #tpu.memory_space<vmem>> -> memref<4x8x128xf32, #tpu.memory_space<vmem>>
    %dma_start3A_608 = arith.constant 192 : i32
    %dma_start3A_609 = arith.constant 0 : i32
    %dma_start3A_610 = tpu.memref_slice %arg4[%dma_start3A_608, %dma_start3A_603, %mul3A_602, %dma_start3A_609] : memref<201x4x256x128xf32, #tpu.memory_space<hbm>> -> memref<4x1x8x128xf32, #tpu.memory_space<hbm>>
    %dma_start3A_611 = tpu.memref_squeeze %dma_start3A_610 : memref<4x1x8x128xf32, #tpu.memory_space<hbm>> -> memref<4x8x128xf32, #tpu.memory_space<hbm>>
    %dma_start3A_612 = arith.constant 192 : i32
    %dma_start3A_613 = arith.constant 0 : i32
    %dma_start3A_614 = tpu.memref_slice %arg4[%dma_start3A_612, %dma_start3A_603, %mul3A_602, %dma_start3A_613] : memref<201x4x256x128xf32, #tpu.memory_space<hbm>> -> memref<4x1x8x128xf32, #tpu.memory_space<hbm>>
    %dma_start3A_615 = tpu.memref_squeeze %dma_start3A_614 : memref<4x1x8x128xf32, #tpu.memory_space<hbm>> -> memref<4x8x128xf32, #tpu.memory_space<hbm>>
    %dma_start3A_616 = arith.constant 0 : i32
    %dma_start3A_617 = arith.constant 0 : i32
    %dma_start3A_618 = arith.constant 0 : i32
    %dma_start3A_619 = tpu.memref_slice %arg8[%dma_start3A_616, %dma_start3A_617, %dma_start3A_618] : memref<4x32x128xf32, #tpu.memory_space<vmem>> -> memref<4x8x128xf32, #tpu.memory_space<vmem>>
    tpu.enqueue_dma source(%dma_start3A_619 : memref<4x8x128xf32, #tpu.memory_space<vmem>>) target(%dma_start3A_615 : memref<4x8x128xf32, #tpu.memory_space<hbm>>) target_semaphore(%arg13 : memref<!tpu.dma_semaphore, #tpu.memory_space<semaphore_mem>>)
    %mul3A_620 = arith.constant 8 : i32
    %mul3A_621 = arith.muli %add3A, %mul3A_620 : i32
    %dma_start3A_622 = arith.constant 1 : i32
    %dma_start3A_623 = arith.constant 0 : i32
    %dma_start3A_624 = arith.constant 8 : i32
    %dma_start3A_625 = arith.constant 0 : i32
    %dma_start3A_626 = tpu.memref_slice %arg8[%dma_start3A_623, %dma_start3A_624, %dma_start3A_625] : memref<4x32x128xf32, #tpu.memory_space<vmem>> -> memref<4x8x128xf32, #tpu.memory_space<vmem>>
    %dma_start3A_627 = arith.constant 192 : i32
    %dma_start3A_628 = arith.constant 0 : i32
    %dma_start3A_629 = tpu.memref_slice %arg4[%dma_start3A_627, %dma_start3A_622, %mul3A_621, %dma_start3A_628] : memref<201x4x256x128xf32, #tpu.memory_space<hbm>> -> memref<4x1x8x128xf32, #tpu.memory_space<hbm>>
    %dma_start3A_630 = tpu.memref_squeeze %dma_start3A_629 : memref<4x1x8x128xf32, #tpu.memory_space<hbm>> -> memref<4x8x128xf32, #tpu.memory_space<hbm>>
    %dma_start3A_631 = arith.constant 192 : i32
    %dma_start3A_632 = arith.constant 0 : i32
    %dma_start3A_633 = tpu.memref_slice %arg4[%dma_start3A_631, %dma_start3A_622, %mul3A_621, %dma_start3A_632] : memref<201x4x256x128xf32, #tpu.memory_space<hbm>> -> memref<4x1x8x128xf32, #tpu.memory_space<hbm>>
    %dma_start3A_634 = tpu.memref_squeeze %dma_start3A_633 : memref<4x1x8x128xf32, #tpu.memory_space<hbm>> -> memref<4x8x128xf32, #tpu.memory_space<hbm>>
    %dma_start3A_635 = arith.constant 0 : i32
    %dma_start3A_636 = arith.constant 8 : i32
    %dma_start3A_637 = arith.constant 0 : i32
    %dma_start3A_638 = tpu.memref_slice %arg8[%dma_start3A_635, %dma_start3A_636, %dma_start3A_637] : memref<4x32x128xf32, #tpu.memory_space<vmem>> -> memref<4x8x128xf32, #tpu.memory_space<vmem>>
    tpu.enqueue_dma source(%dma_start3A_638 : memref<4x8x128xf32, #tpu.memory_space<vmem>>) target(%dma_start3A_634 : memref<4x8x128xf32, #tpu.memory_space<hbm>>) target_semaphore(%arg13 : memref<!tpu.dma_semaphore, #tpu.memory_space<semaphore_mem>>)
    %mul3A_639 = arith.constant 8 : i32
    %mul3A_640 = arith.muli %add3A, %mul3A_639 : i32
    %dma_start3A_641 = arith.constant 2 : i32
    %dma_start3A_642 = arith.constant 0 : i32
    %dma_start3A_643 = arith.constant 16 : i32
    %dma_start3A_644 = arith.constant 0 : i32
    %dma_start3A_645 = tpu.memref_slice %arg8[%dma_start3A_642, %dma_start3A_643, %dma_start3A_644] : memref<4x32x128xf32, #tpu.memory_space<vmem>> -> memref<4x8x128xf32, #tpu.memory_space<vmem>>
    %dma_start3A_646 = arith.constant 192 : i32
    %dma_start3A_647 = arith.constant 0 : i32
    %dma_start3A_648 = tpu.memref_slice %arg4[%dma_start3A_646, %dma_start3A_641, %mul3A_640, %dma_start3A_647] : memref<201x4x256x128xf32, #tpu.memory_space<hbm>> -> memref<4x1x8x128xf32, #tpu.memory_space<hbm>>
    %dma_start3A_649 = tpu.memref_squeeze %dma_start3A_648 : memref<4x1x8x128xf32, #tpu.memory_space<hbm>> -> memref<4x8x128xf32, #tpu.memory_space<hbm>>
    %dma_start3A_650 = arith.constant 192 : i32
    %dma_start3A_651 = arith.constant 0 : i32
    %dma_start3A_652 = tpu.memref_slice %arg4[%dma_start3A_650, %dma_start3A_641, %mul3A_640, %dma_start3A_651] : memref<201x4x256x128xf32, #tpu.memory_space<hbm>> -> memref<4x1x8x128xf32, #tpu.memory_space<hbm>>
    %dma_start3A_653 = tpu.memref_squeeze %dma_start3A_652 : memref<4x1x8x128xf32, #tpu.memory_space<hbm>> -> memref<4x8x128xf32, #tpu.memory_space<hbm>>
    %dma_start3A_654 = arith.constant 0 : i32
    %dma_start3A_655 = arith.constant 16 : i32
    %dma_start3A_656 = arith.constant 0 : i32
    %dma_start3A_657 = tpu.memref_slice %arg8[%dma_start3A_654, %dma_start3A_655, %dma_start3A_656] : memref<4x32x128xf32, #tpu.memory_space<vmem>> -> memref<4x8x128xf32, #tpu.memory_space<vmem>>
    tpu.enqueue_dma source(%dma_start3A_657 : memref<4x8x128xf32, #tpu.memory_space<vmem>>) target(%dma_start3A_653 : memref<4x8x128xf32, #tpu.memory_space<hbm>>) target_semaphore(%arg13 : memref<!tpu.dma_semaphore, #tpu.memory_space<semaphore_mem>>)
    %mul3A_658 = arith.constant 8 : i32
    %mul3A_659 = arith.muli %add3A, %mul3A_658 : i32
    %dma_start3A_660 = arith.constant 3 : i32
    %dma_start3A_661 = arith.constant 0 : i32
    %dma_start3A_662 = arith.constant 24 : i32
    %dma_start3A_663 = arith.constant 0 : i32
    %dma_start3A_664 = tpu.memref_slice %arg8[%dma_start3A_661, %dma_start3A_662, %dma_start3A_663] : memref<4x32x128xf32, #tpu.memory_space<vmem>> -> memref<4x8x128xf32, #tpu.memory_space<vmem>>
    %dma_start3A_665 = arith.constant 192 : i32
    %dma_start3A_666 = arith.constant 0 : i32
    %dma_start3A_667 = tpu.memref_slice %arg4[%dma_start3A_665, %dma_start3A_660, %mul3A_659, %dma_start3A_666] : memref<201x4x256x128xf32, #tpu.memory_space<hbm>> -> memref<4x1x8x128xf32, #tpu.memory_space<hbm>>
    %dma_start3A_668 = tpu.memref_squeeze %dma_start3A_667 : memref<4x1x8x128xf32, #tpu.memory_space<hbm>> -> memref<4x8x128xf32, #tpu.memory_space<hbm>>
    %dma_start3A_669 = arith.constant 192 : i32
    %dma_start3A_670 = arith.constant 0 : i32
    %dma_start3A_671 = tpu.memref_slice %arg4[%dma_start3A_669, %dma_start3A_660, %mul3A_659, %dma_start3A_670] : memref<201x4x256x128xf32, #tpu.memory_space<hbm>> -> memref<4x1x8x128xf32, #tpu.memory_space<hbm>>
    %dma_start3A_672 = tpu.memref_squeeze %dma_start3A_671 : memref<4x1x8x128xf32, #tpu.memory_space<hbm>> -> memref<4x8x128xf32, #tpu.memory_space<hbm>>
    %dma_start3A_673 = arith.constant 0 : i32
    %dma_start3A_674 = arith.constant 24 : i32
    %dma_start3A_675 = arith.constant 0 : i32
    %dma_start3A_676 = tpu.memref_slice %arg8[%dma_start3A_673, %dma_start3A_674, %dma_start3A_675] : memref<4x32x128xf32, #tpu.memory_space<vmem>> -> memref<4x8x128xf32, #tpu.memory_space<vmem>>
    tpu.enqueue_dma source(%dma_start3A_676 : memref<4x8x128xf32, #tpu.memory_space<vmem>>) target(%dma_start3A_672 : memref<4x8x128xf32, #tpu.memory_space<hbm>>) target_semaphore(%arg13 : memref<!tpu.dma_semaphore, #tpu.memory_space<semaphore_mem>>)
    %dma_wait3A_677 = arith.constant 0 : i32
    %dma_wait3A_678 = arith.constant 0 : i32
    %dma_wait3A_679 = arith.constant 0 : i32
    %dma_wait3A_680 = arith.constant 0 : i32
    %dma_wait3A_681 = tpu.memref_slice %arg7[%dma_wait3A_679, %dma_wait3A_680] : memref<512x32xf32, #tpu.memory_space<vmem>> -> memref<128x32xf32, #tpu.memory_space<vmem>>
    %dma_wait3A_682 = arith.constant 0 : i32
    %dma_wait3A_683 = tpu.memref_slice %arg5[%dma_wait3A_677, %dma_wait3A_678, %dma_wait3A_682] : memref<25x8x128xi32, #tpu.memory_space<vmem>> -> memref<1x1x128xi32, #tpu.memory_space<vmem>>
    %dma_wait3A_684 = tpu.memref_squeeze %dma_wait3A_683 : memref<1x1x128xi32, #tpu.memory_space<vmem>> -> memref<128xi32, #tpu.memory_space<vmem>>
    %dma_wait3A_685 = arith.constant 0 : i32
    %dma_wait3A_686 = arith.constant 0 : i32
    %dma_wait3A_687 = tpu.memref_slice %arg3[%dma_wait3A_685, %dma_wait3A_686] : memref<1000000x32xf32, #tpu.memory_space<hbm>> -> memref<1000000x32xf32, #tpu.memory_space<hbm>>
    tpu.wait_indirect_dma semaphore(%arg12 : memref<!tpu.dma_semaphore, #tpu.memory_space<semaphore_mem>>) src(%dma_wait3A_687 : memref<1000000x32xf32, #tpu.memory_space<hbm>>) dst(%dma_wait3A_681 : memref<128x32xf32, #tpu.memory_space<vmem>>)
    %dma_wait3A_688 = arith.constant 0 : i32
    %dma_wait3A_689 = arith.constant 0 : i32
    %dma_wait3A_690 = arith.constant 128 : i32
    %dma_wait3A_691 = arith.constant 0 : i32
    %dma_wait3A_692 = tpu.memref_slice %arg7[%dma_wait3A_690, %dma_wait3A_691] : memref<512x32xf32, #tpu.memory_space<vmem>> -> memref<128x32xf32, #tpu.memory_space<vmem>>
    %dma_wait3A_693 = arith.constant 0 : i32
    %dma_wait3A_694 = tpu.memref_slice %arg5[%dma_wait3A_688, %dma_wait3A_689, %dma_wait3A_693] : memref<25x8x128xi32, #tpu.memory_space<vmem>> -> memref<1x1x128xi32, #tpu.memory_space<vmem>>
    %dma_wait3A_695 = tpu.memref_squeeze %dma_wait3A_694 : memref<1x1x128xi32, #tpu.memory_space<vmem>> -> memref<128xi32, #tpu.memory_space<vmem>>
    %dma_wait3A_696 = arith.constant 0 : i32
    %dma_wait3A_697 = arith.constant 0 : i32
    %dma_wait3A_698 = tpu.memref_slice %arg3[%dma_wait3A_696, %dma_wait3A_697] : memref<1000000x32xf32, #tpu.memory_space<hbm>> -> memref<1000000x32xf32, #tpu.memory_space<hbm>>
    tpu.wait_indirect_dma semaphore(%arg12 : memref<!tpu.dma_semaphore, #tpu.memory_space<semaphore_mem>>) src(%dma_wait3A_698 : memref<1000000x32xf32, #tpu.memory_space<hbm>>) dst(%dma_wait3A_692 : memref<128x32xf32, #tpu.memory_space<vmem>>)
    %dma_wait3A_699 = arith.constant 0 : i32
    %dma_wait3A_700 = arith.constant 0 : i32
    %dma_wait3A_701 = arith.constant 256 : i32
    %dma_wait3A_702 = arith.constant 0 : i32
    %dma_wait3A_703 = tpu.memref_slice %arg7[%dma_wait3A_701, %dma_wait3A_702] : memref<512x32xf32, #tpu.memory_space<vmem>> -> memref<128x32xf32, #tpu.memory_space<vmem>>
    %dma_wait3A_704 = arith.constant 0 : i32
    %dma_wait3A_705 = tpu.memref_slice %arg5[%dma_wait3A_699, %dma_wait3A_700, %dma_wait3A_704] : memref<25x8x128xi32, #tpu.memory_space<vmem>> -> memref<1x1x128xi32, #tpu.memory_space<vmem>>
    %dma_wait3A_706 = tpu.memref_squeeze %dma_wait3A_705 : memref<1x1x128xi32, #tpu.memory_space<vmem>> -> memref<128xi32, #tpu.memory_space<vmem>>
    %dma_wait3A_707 = arith.constant 0 : i32
    %dma_wait3A_708 = arith.constant 0 : i32
    %dma_wait3A_709 = tpu.memref_slice %arg3[%dma_wait3A_707, %dma_wait3A_708] : memref<1000000x32xf32, #tpu.memory_space<hbm>> -> memref<1000000x32xf32, #tpu.memory_space<hbm>>
    tpu.wait_indirect_dma semaphore(%arg12 : memref<!tpu.dma_semaphore, #tpu.memory_space<semaphore_mem>>) src(%dma_wait3A_709 : memref<1000000x32xf32, #tpu.memory_space<hbm>>) dst(%dma_wait3A_703 : memref<128x32xf32, #tpu.memory_space<vmem>>)
    %dma_wait3A_710 = arith.constant 0 : i32
    %dma_wait3A_711 = arith.constant 0 : i32
    %dma_wait3A_712 = arith.constant 384 : i32
    %dma_wait3A_713 = arith.constant 0 : i32
    %dma_wait3A_714 = tpu.memref_slice %arg7[%dma_wait3A_712, %dma_wait3A_713] : memref<512x32xf32, #tpu.memory_space<vmem>> -> memref<128x32xf32, #tpu.memory_space<vmem>>
    %dma_wait3A_715 = arith.constant 0 : i32
    %dma_wait3A_716 = tpu.memref_slice %arg5[%dma_wait3A_710, %dma_wait3A_711, %dma_wait3A_715] : memref<25x8x128xi32, #tpu.memory_space<vmem>> -> memref<1x1x128xi32, #tpu.memory_space<vmem>>
    %dma_wait3A_717 = tpu.memref_squeeze %dma_wait3A_716 : memref<1x1x128xi32, #tpu.memory_space<vmem>> -> memref<128xi32, #tpu.memory_space<vmem>>
    %dma_wait3A_718 = arith.constant 0 : i32
    %dma_wait3A_719 = arith.constant 0 : i32
    %dma_wait3A_720 = tpu.memref_slice %arg3[%dma_wait3A_718, %dma_wait3A_719] : memref<1000000x32xf32, #tpu.memory_space<hbm>> -> memref<1000000x32xf32, #tpu.memory_space<hbm>>
    tpu.wait_indirect_dma semaphore(%arg12 : memref<!tpu.dma_semaphore, #tpu.memory_space<semaphore_mem>>) src(%dma_wait3A_720 : memref<1000000x32xf32, #tpu.memory_space<hbm>>) dst(%dma_wait3A_714 : memref<128x32xf32, #tpu.memory_space<vmem>>)
    %mul3A_721 = arith.constant 8 : i32
    %mul3A_722 = arith.muli %add3A, %mul3A_721 : i32
    %dma_wait3A_723 = arith.constant 0 : i32
    %dma_wait3A_724 = arith.constant 0 : i32
    %dma_wait3A_725 = arith.constant 0 : i32
    %dma_wait3A_726 = arith.constant 0 : i32
    %dma_wait3A_727 = tpu.memref_slice %arg9[%dma_wait3A_724, %dma_wait3A_725, %dma_wait3A_726] : memref<4x32x128xf32, #tpu.memory_space<vmem>> -> memref<4x8x128xf32, #tpu.memory_space<vmem>>
    %dma_wait3A_728 = arith.constant 0 : i32
    %dma_wait3A_729 = arith.constant 0 : i32
    %dma_wait3A_730 = tpu.memref_slice %arg4[%dma_wait3A_728, %dma_wait3A_723, %mul3A_722, %dma_wait3A_729] : memref<201x4x256x128xf32, #tpu.memory_space<hbm>> -> memref<4x1x8x128xf32, #tpu.memory_space<hbm>>
    %dma_wait3A_731 = tpu.memref_squeeze %dma_wait3A_730 : memref<4x1x8x128xf32, #tpu.memory_space<hbm>> -> memref<4x8x128xf32, #tpu.memory_space<hbm>>
    %dma_wait3A_732 = arith.constant 0 : i32
    %dma_wait3A_733 = arith.constant 0 : i32
    %dma_wait3A_734 = tpu.memref_slice %arg4[%dma_wait3A_732, %dma_wait3A_723, %mul3A_722, %dma_wait3A_733] : memref<201x4x256x128xf32, #tpu.memory_space<hbm>> -> memref<4x1x8x128xf32, #tpu.memory_space<hbm>>
    %dma_wait3A_735 = tpu.memref_squeeze %dma_wait3A_734 : memref<4x1x8x128xf32, #tpu.memory_space<hbm>> -> memref<4x8x128xf32, #tpu.memory_space<hbm>>
    %dma_wait3A_736 = arith.constant 0 : i32
    %dma_wait3A_737 = arith.constant 0 : i32
    %dma_wait3A_738 = arith.constant 0 : i32
    %dma_wait3A_739 = tpu.memref_slice %arg9[%dma_wait3A_736, %dma_wait3A_737, %dma_wait3A_738] : memref<4x32x128xf32, #tpu.memory_space<vmem>> -> memref<4x8x128xf32, #tpu.memory_space<vmem>>
    tpu.wait_dma2 semaphore(%arg14 : memref<!tpu.dma_semaphore, #tpu.memory_space<semaphore_mem>>) src(%dma_wait3A_739 : memref<4x8x128xf32, #tpu.memory_space<vmem>>) dst(%dma_wait3A_735 : memref<4x8x128xf32, #tpu.memory_space<hbm>>)
    %mul3A_740 = arith.constant 8 : i32
    %mul3A_741 = arith.muli %add3A, %mul3A_740 : i32
    %dma_wait3A_742 = arith.constant 1 : i32
    %dma_wait3A_743 = arith.constant 0 : i32
    %dma_wait3A_744 = arith.constant 8 : i32
    %dma_wait3A_745 = arith.constant 0 : i32
    %dma_wait3A_746 = tpu.memref_slice %arg9[%dma_wait3A_743, %dma_wait3A_744, %dma_wait3A_745] : memref<4x32x128xf32, #tpu.memory_space<vmem>> -> memref<4x8x128xf32, #tpu.memory_space<vmem>>
    %dma_wait3A_747 = arith.constant 0 : i32
    %dma_wait3A_748 = arith.constant 0 : i32
    %dma_wait3A_749 = tpu.memref_slice %arg4[%dma_wait3A_747, %dma_wait3A_742, %mul3A_741, %dma_wait3A_748] : memref<201x4x256x128xf32, #tpu.memory_space<hbm>> -> memref<4x1x8x128xf32, #tpu.memory_space<hbm>>
    %dma_wait3A_750 = tpu.memref_squeeze %dma_wait3A_749 : memref<4x1x8x128xf32, #tpu.memory_space<hbm>> -> memref<4x8x128xf32, #tpu.memory_space<hbm>>
    %dma_wait3A_751 = arith.constant 0 : i32
    %dma_wait3A_752 = arith.constant 0 : i32
    %dma_wait3A_753 = tpu.memref_slice %arg4[%dma_wait3A_751, %dma_wait3A_742, %mul3A_741, %dma_wait3A_752] : memref<201x4x256x128xf32, #tpu.memory_space<hbm>> -> memref<4x1x8x128xf32, #tpu.memory_space<hbm>>
    %dma_wait3A_754 = tpu.memref_squeeze %dma_wait3A_753 : memref<4x1x8x128xf32, #tpu.memory_space<hbm>> -> memref<4x8x128xf32, #tpu.memory_space<hbm>>
    %dma_wait3A_755 = arith.constant 0 : i32
    %dma_wait3A_756 = arith.constant 8 : i32
    %dma_wait3A_757 = arith.constant 0 : i32
    %dma_wait3A_758 = tpu.memref_slice %arg9[%dma_wait3A_755, %dma_wait3A_756, %dma_wait3A_757] : memref<4x32x128xf32, #tpu.memory_space<vmem>> -> memref<4x8x128xf32, #tpu.memory_space<vmem>>
    tpu.wait_dma2 semaphore(%arg14 : memref<!tpu.dma_semaphore, #tpu.memory_space<semaphore_mem>>) src(%dma_wait3A_758 : memref<4x8x128xf32, #tpu.memory_space<vmem>>) dst(%dma_wait3A_754 : memref<4x8x128xf32, #tpu.memory_space<hbm>>)
    %mul3A_759 = arith.constant 8 : i32
    %mul3A_760 = arith.muli %add3A, %mul3A_759 : i32
    %dma_wait3A_761 = arith.constant 2 : i32
    %dma_wait3A_762 = arith.constant 0 : i32
    %dma_wait3A_763 = arith.constant 16 : i32
    %dma_wait3A_764 = arith.constant 0 : i32
    %dma_wait3A_765 = tpu.memref_slice %arg9[%dma_wait3A_762, %dma_wait3A_763, %dma_wait3A_764] : memref<4x32x128xf32, #tpu.memory_space<vmem>> -> memref<4x8x128xf32, #tpu.memory_space<vmem>>
    %dma_wait3A_766 = arith.constant 0 : i32
    %dma_wait3A_767 = arith.constant 0 : i32
    %dma_wait3A_768 = tpu.memref_slice %arg4[%dma_wait3A_766, %dma_wait3A_761, %mul3A_760, %dma_wait3A_767] : memref<201x4x256x128xf32, #tpu.memory_space<hbm>> -> memref<4x1x8x128xf32, #tpu.memory_space<hbm>>
    %dma_wait3A_769 = tpu.memref_squeeze %dma_wait3A_768 : memref<4x1x8x128xf32, #tpu.memory_space<hbm>> -> memref<4x8x128xf32, #tpu.memory_space<hbm>>
    %dma_wait3A_770 = arith.constant 0 : i32
    %dma_wait3A_771 = arith.constant 0 : i32
    %dma_wait3A_772 = tpu.memref_slice %arg4[%dma_wait3A_770, %dma_wait3A_761, %mul3A_760, %dma_wait3A_771] : memref<201x4x256x128xf32, #tpu.memory_space<hbm>> -> memref<4x1x8x128xf32, #tpu.memory_space<hbm>>
    %dma_wait3A_773 = tpu.memref_squeeze %dma_wait3A_772 : memref<4x1x8x128xf32, #tpu.memory_space<hbm>> -> memref<4x8x128xf32, #tpu.memory_space<hbm>>
    %dma_wait3A_774 = arith.constant 0 : i32
    %dma_wait3A_775 = arith.constant 16 : i32
    %dma_wait3A_776 = arith.constant 0 : i32
    %dma_wait3A_777 = tpu.memref_slice %arg9[%dma_wait3A_774, %dma_wait3A_775, %dma_wait3A_776] : memref<4x32x128xf32, #tpu.memory_space<vmem>> -> memref<4x8x128xf32, #tpu.memory_space<vmem>>
    tpu.wait_dma2 semaphore(%arg14 : memref<!tpu.dma_semaphore, #tpu.memory_space<semaphore_mem>>) src(%dma_wait3A_777 : memref<4x8x128xf32, #tpu.memory_space<vmem>>) dst(%dma_wait3A_773 : memref<4x8x128xf32, #tpu.memory_space<hbm>>)
    %mul3A_778 = arith.constant 8 : i32
    %mul3A_779 = arith.muli %add3A, %mul3A_778 : i32
    %dma_wait3A_780 = arith.constant 3 : i32
    %dma_wait3A_781 = arith.constant 0 : i32
    %dma_wait3A_782 = arith.constant 24 : i32
    %dma_wait3A_783 = arith.constant 0 : i32
    %dma_wait3A_784 = tpu.memref_slice %arg9[%dma_wait3A_781, %dma_wait3A_782, %dma_wait3A_783] : memref<4x32x128xf32, #tpu.memory_space<vmem>> -> memref<4x8x128xf32, #tpu.memory_space<vmem>>
    %dma_wait3A_785 = arith.constant 0 : i32
    %dma_wait3A_786 = arith.constant 0 : i32
    %dma_wait3A_787 = tpu.memref_slice %arg4[%dma_wait3A_785, %dma_wait3A_780, %mul3A_779, %dma_wait3A_786] : memref<201x4x256x128xf32, #tpu.memory_space<hbm>> -> memref<4x1x8x128xf32, #tpu.memory_space<hbm>>
    %dma_wait3A_788 = tpu.memref_squeeze %dma_wait3A_787 : memref<4x1x8x128xf32, #tpu.memory_space<hbm>> -> memref<4x8x128xf32, #tpu.memory_space<hbm>>
    %dma_wait3A_789 = arith.constant 0 : i32
    %dma_wait3A_790 = arith.constant 0 : i32
    %dma_wait3A_791 = tpu.memref_slice %arg4[%dma_wait3A_789, %dma_wait3A_780, %mul3A_779, %dma_wait3A_790] : memref<201x4x256x128xf32, #tpu.memory_space<hbm>> -> memref<4x1x8x128xf32, #tpu.memory_space<hbm>>
    %dma_wait3A_792 = tpu.memref_squeeze %dma_wait3A_791 : memref<4x1x8x128xf32, #tpu.memory_space<hbm>> -> memref<4x8x128xf32, #tpu.memory_space<hbm>>
    %dma_wait3A_793 = arith.constant 0 : i32
    %dma_wait3A_794 = arith.constant 24 : i32
    %dma_wait3A_795 = arith.constant 0 : i32
    %dma_wait3A_796 = tpu.memref_slice %arg9[%dma_wait3A_793, %dma_wait3A_794, %dma_wait3A_795] : memref<4x32x128xf32, #tpu.memory_space<vmem>> -> memref<4x8x128xf32, #tpu.memory_space<vmem>>
    tpu.wait_dma2 semaphore(%arg14 : memref<!tpu.dma_semaphore, #tpu.memory_space<semaphore_mem>>) src(%dma_wait3A_796 : memref<4x8x128xf32, #tpu.memory_space<vmem>>) dst(%dma_wait3A_792 : memref<4x8x128xf32, #tpu.memory_space<hbm>>)
    %parallel_loop3A_797 = arith.constant 0 : i32
    %parallel_loop3A_798 = arith.constant 128 : i32
    %parallel_loop3A_799 = arith.constant 1 : i32
    scf.for %parallel_loop3A_1028 = %parallel_loop3A_797 to %parallel_loop3A_798 step %parallel_loop3A_799  : i32 {
      %parallel_loop3A_1029 = arith.constant 5 : i32
      %parallel_loop3A_1030 = arith.shrsi %parallel_loop3A_1028, %parallel_loop3A_1029 : i32
      %parallel_loop3A_1031 = arith.constant 31 : i32
      %parallel_loop3A_1032 = arith.andi %parallel_loop3A_1028, %parallel_loop3A_1031 : i32
      %parallel_loop3A_1033 = arith.constant 128 : i32
      %parallel_loop3A_1034 = arith.muli %parallel_loop3A_1030, %parallel_loop3A_1033 : i32
      %parallel_loop3A_1035 = vector.broadcast %parallel_loop3A_1034 : i32 to vector<16xi32>
      %parallel_loop3A_1036 = vector.broadcast %parallel_loop3A_1032 : i32 to vector<16xi32>
      %parallel_loop3A_1037 = arith.addi %add3A_24, %parallel_loop3A_1035 : vector<16xi32>
      %parallel_loop3A_1038 = tpu.vector_load_idx %arg7[%parallel_loop3A_1037, %parallel_loop3A_1036] : memref<512x32xf32, #tpu.memory_space<vmem>>[vector<16xi32>, vector<16xi32>], vector<16xf32>,
      %parallel_loop3A_1039 = arith.index_cast %parallel_loop3A_1030 : i32 to index
      %parallel_loop3A_1040 = arith.index_cast %parallel_loop3A_1032 : i32 to index
      %parallel_loop3A_1041 = arith.constant 0 : index
      %parallel_loop3A_1042 = tpu.vector_load %arg9[%parallel_loop3A_1039, %parallel_loop3A_1040, %parallel_loop3A_1041] {strides = array<i32>} : memref<4x32x128xf32, #tpu.memory_space<vmem>>, vector<16xf32>,
      tpu.vector_store %arg9[%parallel_loop3A_1039, %parallel_loop3A_1040, %parallel_loop3A_1041], %parallel_loop3A_1038 {strides = array<i32>} : memref<4x32x128xf32, #tpu.memory_space<vmem>>, vector<16xf32>,
      %parallel_loop3A_1043 = arith.addi %add3A_28, %parallel_loop3A_1035 : vector<16xi32>
      %parallel_loop3A_1044 = tpu.vector_load_idx %arg7[%parallel_loop3A_1043, %parallel_loop3A_1036] : memref<512x32xf32, #tpu.memory_space<vmem>>[vector<16xi32>, vector<16xi32>], vector<16xf32>,
      %parallel_loop3A_1045 = arith.index_cast %parallel_loop3A_1030 : i32 to index
      %parallel_loop3A_1046 = arith.index_cast %parallel_loop3A_1032 : i32 to index
      %parallel_loop3A_1047 = arith.constant 16 : index
      %parallel_loop3A_1048 = tpu.vector_load %arg9[%parallel_loop3A_1045, %parallel_loop3A_1046, %parallel_loop3A_1047] {strides = array<i32>} : memref<4x32x128xf32, #tpu.memory_space<vmem>>, vector<16xf32>,
      tpu.vector_store %arg9[%parallel_loop3A_1045, %parallel_loop3A_1046, %parallel_loop3A_1047], %parallel_loop3A_1044 {strides = array<i32>} : memref<4x32x128xf32, #tpu.memory_space<vmem>>, vector<16xf32>,
      %parallel_loop3A_1049 = arith.addi %add3A_32, %parallel_loop3A_1035 : vector<16xi32>
      %parallel_loop3A_1050 = tpu.vector_load_idx %arg7[%parallel_loop3A_1049, %parallel_loop3A_1036] : memref<512x32xf32, #tpu.memory_space<vmem>>[vector<16xi32>, vector<16xi32>], vector<16xf32>,
      %parallel_loop3A_1051 = arith.index_cast %parallel_loop3A_1030 : i32 to index
      %parallel_loop3A_1052 = arith.index_cast %parallel_loop3A_1032 : i32 to index
      %parallel_loop3A_1053 = arith.constant 32 : index
      %parallel_loop3A_1054 = tpu.vector_load %arg9[%parallel_loop3A_1051, %parallel_loop3A_1052, %parallel_loop3A_1053] {strides = array<i32>} : memref<4x32x128xf32, #tpu.memory_space<vmem>>, vector<16xf32>,
      tpu.vector_store %arg9[%parallel_loop3A_1051, %parallel_loop3A_1052, %parallel_loop3A_1053], %parallel_loop3A_1050 {strides = array<i32>} : memref<4x32x128xf32, #tpu.memory_space<vmem>>, vector<16xf32>,
      %parallel_loop3A_1055 = arith.addi %add3A_36, %parallel_loop3A_1035 : vector<16xi32>
      %parallel_loop3A_1056 = tpu.vector_load_idx %arg7[%parallel_loop3A_1055, %parallel_loop3A_1036] : memref<512x32xf32, #tpu.memory_space<vmem>>[vector<16xi32>, vector<16xi32>], vector<16xf32>,
      %parallel_loop3A_1057 = arith.index_cast %parallel_loop3A_1030 : i32 to index
      %parallel_loop3A_1058 = arith.index_cast %parallel_loop3A_1032 : i32 to index
      %parallel_loop3A_1059 = arith.constant 48 : index
      %parallel_loop3A_1060 = tpu.vector_load %arg9[%parallel_loop3A_1057, %parallel_loop3A_1058, %parallel_loop3A_1059] {strides = array<i32>} : memref<4x32x128xf32, #tpu.memory_space<vmem>>, vector<16xf32>,
      tpu.vector_store %arg9[%parallel_loop3A_1057, %parallel_loop3A_1058, %parallel_loop3A_1059], %parallel_loop3A_1056 {strides = array<i32>} : memref<4x32x128xf32, #tpu.memory_space<vmem>>, vector<16xf32>,
      %parallel_loop3A_1061 = arith.addi %add3A_40, %parallel_loop3A_1035 : vector<16xi32>
      %parallel_loop3A_1062 = tpu.vector_load_idx %arg7[%parallel_loop3A_1061, %parallel_loop3A_1036] : memref<512x32xf32, #tpu.memory_space<vmem>>[vector<16xi32>, vector<16xi32>], vector<16xf32>,
      %parallel_loop3A_1063 = arith.index_cast %parallel_loop3A_1030 : i32 to index
      %parallel_loop3A_1064 = arith.index_cast %parallel_loop3A_1032 : i32 to index
      %parallel_loop3A_1065 = arith.constant 64 : index
      %parallel_loop3A_1066 = tpu.vector_load %arg9[%parallel_loop3A_1063, %parallel_loop3A_1064, %parallel_loop3A_1065] {strides = array<i32>} : memref<4x32x128xf32, #tpu.memory_space<vmem>>, vector<16xf32>,
      tpu.vector_store %arg9[%parallel_loop3A_1063, %parallel_loop3A_1064, %parallel_loop3A_1065], %parallel_loop3A_1062 {strides = array<i32>} : memref<4x32x128xf32, #tpu.memory_space<vmem>>, vector<16xf32>,
      %parallel_loop3A_1067 = arith.addi %add3A_44, %parallel_loop3A_1035 : vector<16xi32>
      %parallel_loop3A_1068 = tpu.vector_load_idx %arg7[%parallel_loop3A_1067, %parallel_loop3A_1036] : memref<512x32xf32, #tpu.memory_space<vmem>>[vector<16xi32>, vector<16xi32>], vector<16xf32>,
      %parallel_loop3A_1069 = arith.index_cast %parallel_loop3A_1030 : i32 to index
      %parallel_loop3A_1070 = arith.index_cast %parallel_loop3A_1032 : i32 to index
      %parallel_loop3A_1071 = arith.constant 80 : index
      %parallel_loop3A_1072 = tpu.vector_load %arg9[%parallel_loop3A_1069, %parallel_loop3A_1070, %parallel_loop3A_1071] {strides = array<i32>} : memref<4x32x128xf32, #tpu.memory_space<vmem>>, vector<16xf32>,
      tpu.vector_store %arg9[%parallel_loop3A_1069, %parallel_loop3A_1070, %parallel_loop3A_1071], %parallel_loop3A_1068 {strides = array<i32>} : memref<4x32x128xf32, #tpu.memory_space<vmem>>, vector<16xf32>,
      %parallel_loop3A_1073 = arith.addi %add3A_48, %parallel_loop3A_1035 : vector<16xi32>
      %parallel_loop3A_1074 = tpu.vector_load_idx %arg7[%parallel_loop3A_1073, %parallel_loop3A_1036] : memref<512x32xf32, #tpu.memory_space<vmem>>[vector<16xi32>, vector<16xi32>], vector<16xf32>,
      %parallel_loop3A_1075 = arith.index_cast %parallel_loop3A_1030 : i32 to index
      %parallel_loop3A_1076 = arith.index_cast %parallel_loop3A_1032 : i32 to index
      %parallel_loop3A_1077 = arith.constant 96 : index
      %parallel_loop3A_1078 = tpu.vector_load %arg9[%parallel_loop3A_1075, %parallel_loop3A_1076, %parallel_loop3A_1077] {strides = array<i32>} : memref<4x32x128xf32, #tpu.memory_space<vmem>>, vector<16xf32>,
      tpu.vector_store %arg9[%parallel_loop3A_1075, %parallel_loop3A_1076, %parallel_loop3A_1077], %parallel_loop3A_1074 {strides = array<i32>} : memref<4x32x128xf32, #tpu.memory_space<vmem>>, vector<16xf32>,
      %parallel_loop3A_1079 = arith.addi %add3A_52, %parallel_loop3A_1035 : vector<16xi32>
      %parallel_loop3A_1080 = tpu.vector_load_idx %arg7[%parallel_loop3A_1079, %parallel_loop3A_1036] : memref<512x32xf32, #tpu.memory_space<vmem>>[vector<16xi32>, vector<16xi32>], vector<16xf32>,
      %parallel_loop3A_1081 = arith.index_cast %parallel_loop3A_1030 : i32 to index
      %parallel_loop3A_1082 = arith.index_cast %parallel_loop3A_1032 : i32 to index
      %parallel_loop3A_1083 = arith.constant 112 : index
      %parallel_loop3A_1084 = tpu.vector_load %arg9[%parallel_loop3A_1081, %parallel_loop3A_1082, %parallel_loop3A_1083] {strides = array<i32>} : memref<4x32x128xf32, #tpu.memory_space<vmem>>, vector<16xf32>,
      tpu.vector_store %arg9[%parallel_loop3A_1081, %parallel_loop3A_1082, %parallel_loop3A_1083], %parallel_loop3A_1080 {strides = array<i32>} : memref<4x32x128xf32, #tpu.memory_space<vmem>>, vector<16xf32>,
    } {sc.loop_unroll_factor = 4 : i64, sc.parallel_access}
    %mul3A_800 = arith.constant 8 : i32
    %mul3A_801 = arith.muli %add3A, %mul3A_800 : i32
    %dma_start3A_802 = arith.constant 0 : i32
    %dma_start3A_803 = arith.constant 0 : i32
    %dma_start3A_804 = arith.constant 0 : i32
    %dma_start3A_805 = arith.constant 0 : i32
    %dma_start3A_806 = tpu.memref_slice %arg9[%dma_start3A_803, %dma_start3A_804, %dma_start3A_805] : memref<4x32x128xf32, #tpu.memory_space<vmem>> -> memref<4x8x128xf32, #tpu.memory_space<vmem>>
    %dma_start3A_807 = arith.constant 196 : i32
    %dma_start3A_808 = arith.constant 0 : i32
    %dma_start3A_809 = tpu.memref_slice %arg4[%dma_start3A_807, %dma_start3A_802, %mul3A_801, %dma_start3A_808] : memref<201x4x256x128xf32, #tpu.memory_space<hbm>> -> memref<4x1x8x128xf32, #tpu.memory_space<hbm>>
    %dma_start3A_810 = tpu.memref_squeeze %dma_start3A_809 : memref<4x1x8x128xf32, #tpu.memory_space<hbm>> -> memref<4x8x128xf32, #tpu.memory_space<hbm>>
    %dma_start3A_811 = arith.constant 196 : i32
    %dma_start3A_812 = arith.constant 0 : i32
    %dma_start3A_813 = tpu.memref_slice %arg4[%dma_start3A_811, %dma_start3A_802, %mul3A_801, %dma_start3A_812] : memref<201x4x256x128xf32, #tpu.memory_space<hbm>> -> memref<4x1x8x128xf32, #tpu.memory_space<hbm>>
    %dma_start3A_814 = tpu.memref_squeeze %dma_start3A_813 : memref<4x1x8x128xf32, #tpu.memory_space<hbm>> -> memref<4x8x128xf32, #tpu.memory_space<hbm>>
    %dma_start3A_815 = arith.constant 0 : i32
    %dma_start3A_816 = arith.constant 0 : i32
    %dma_start3A_817 = arith.constant 0 : i32
    %dma_start3A_818 = tpu.memref_slice %arg9[%dma_start3A_815, %dma_start3A_816, %dma_start3A_817] : memref<4x32x128xf32, #tpu.memory_space<vmem>> -> memref<4x8x128xf32, #tpu.memory_space<vmem>>
    tpu.enqueue_dma source(%dma_start3A_818 : memref<4x8x128xf32, #tpu.memory_space<vmem>>) target(%dma_start3A_814 : memref<4x8x128xf32, #tpu.memory_space<hbm>>) target_semaphore(%arg14 : memref<!tpu.dma_semaphore, #tpu.memory_space<semaphore_mem>>)
    %mul3A_819 = arith.constant 8 : i32
    %mul3A_820 = arith.muli %add3A, %mul3A_819 : i32
    %dma_start3A_821 = arith.constant 1 : i32
    %dma_start3A_822 = arith.constant 0 : i32
    %dma_start3A_823 = arith.constant 8 : i32
    %dma_start3A_824 = arith.constant 0 : i32
    %dma_start3A_825 = tpu.memref_slice %arg9[%dma_start3A_822, %dma_start3A_823, %dma_start3A_824] : memref<4x32x128xf32, #tpu.memory_space<vmem>> -> memref<4x8x128xf32, #tpu.memory_space<vmem>>
    %dma_start3A_826 = arith.constant 196 : i32
    %dma_start3A_827 = arith.constant 0 : i32
    %dma_start3A_828 = tpu.memref_slice %arg4[%dma_start3A_826, %dma_start3A_821, %mul3A_820, %dma_start3A_827] : memref<201x4x256x128xf32, #tpu.memory_space<hbm>> -> memref<4x1x8x128xf32, #tpu.memory_space<hbm>>
    %dma_start3A_829 = tpu.memref_squeeze %dma_start3A_828 : memref<4x1x8x128xf32, #tpu.memory_space<hbm>> -> memref<4x8x128xf32, #tpu.memory_space<hbm>>
    %dma_start3A_830 = arith.constant 196 : i32
    %dma_start3A_831 = arith.constant 0 : i32
    %dma_start3A_832 = tpu.memref_slice %arg4[%dma_start3A_830, %dma_start3A_821, %mul3A_820, %dma_start3A_831] : memref<201x4x256x128xf32, #tpu.memory_space<hbm>> -> memref<4x1x8x128xf32, #tpu.memory_space<hbm>>
    %dma_start3A_833 = tpu.memref_squeeze %dma_start3A_832 : memref<4x1x8x128xf32, #tpu.memory_space<hbm>> -> memref<4x8x128xf32, #tpu.memory_space<hbm>>
    %dma_start3A_834 = arith.constant 0 : i32
    %dma_start3A_835 = arith.constant 8 : i32
    %dma_start3A_836 = arith.constant 0 : i32
    %dma_start3A_837 = tpu.memref_slice %arg9[%dma_start3A_834, %dma_start3A_835, %dma_start3A_836] : memref<4x32x128xf32, #tpu.memory_space<vmem>> -> memref<4x8x128xf32, #tpu.memory_space<vmem>>
    tpu.enqueue_dma source(%dma_start3A_837 : memref<4x8x128xf32, #tpu.memory_space<vmem>>) target(%dma_start3A_833 : memref<4x8x128xf32, #tpu.memory_space<hbm>>) target_semaphore(%arg14 : memref<!tpu.dma_semaphore, #tpu.memory_space<semaphore_mem>>)
    %mul3A_838 = arith.constant 8 : i32
    %mul3A_839 = arith.muli %add3A, %mul3A_838 : i32
    %dma_start3A_840 = arith.constant 2 : i32
    %dma_start3A_841 = arith.constant 0 : i32
    %dma_start3A_842 = arith.constant 16 : i32
    %dma_start3A_843 = arith.constant 0 : i32
    %dma_start3A_844 = tpu.memref_slice %arg9[%dma_start3A_841, %dma_start3A_842, %dma_start3A_843] : memref<4x32x128xf32, #tpu.memory_space<vmem>> -> memref<4x8x128xf32, #tpu.memory_space<vmem>>
    %dma_start3A_845 = arith.constant 196 : i32
    %dma_start3A_846 = arith.constant 0 : i32
    %dma_start3A_847 = tpu.memref_slice %arg4[%dma_start3A_845, %dma_start3A_840, %mul3A_839, %dma_start3A_846] : memref<201x4x256x128xf32, #tpu.memory_space<hbm>> -> memref<4x1x8x128xf32, #tpu.memory_space<hbm>>
    %dma_start3A_848 = tpu.memref_squeeze %dma_start3A_847 : memref<4x1x8x128xf32, #tpu.memory_space<hbm>> -> memref<4x8x128xf32, #tpu.memory_space<hbm>>
    %dma_start3A_849 = arith.constant 196 : i32
    %dma_start3A_850 = arith.constant 0 : i32
    %dma_start3A_851 = tpu.memref_slice %arg4[%dma_start3A_849, %dma_start3A_840, %mul3A_839, %dma_start3A_850] : memref<201x4x256x128xf32, #tpu.memory_space<hbm>> -> memref<4x1x8x128xf32, #tpu.memory_space<hbm>>
    %dma_start3A_852 = tpu.memref_squeeze %dma_start3A_851 : memref<4x1x8x128xf32, #tpu.memory_space<hbm>> -> memref<4x8x128xf32, #tpu.memory_space<hbm>>
    %dma_start3A_853 = arith.constant 0 : i32
    %dma_start3A_854 = arith.constant 16 : i32
    %dma_start3A_855 = arith.constant 0 : i32
    %dma_start3A_856 = tpu.memref_slice %arg9[%dma_start3A_853, %dma_start3A_854, %dma_start3A_855] : memref<4x32x128xf32, #tpu.memory_space<vmem>> -> memref<4x8x128xf32, #tpu.memory_space<vmem>>
    tpu.enqueue_dma source(%dma_start3A_856 : memref<4x8x128xf32, #tpu.memory_space<vmem>>) target(%dma_start3A_852 : memref<4x8x128xf32, #tpu.memory_space<hbm>>) target_semaphore(%arg14 : memref<!tpu.dma_semaphore, #tpu.memory_space<semaphore_mem>>)
    %mul3A_857 = arith.constant 8 : i32
    %mul3A_858 = arith.muli %add3A, %mul3A_857 : i32
    %dma_start3A_859 = arith.constant 3 : i32
    %dma_start3A_860 = arith.constant 0 : i32
    %dma_start3A_861 = arith.constant 24 : i32
    %dma_start3A_862 = arith.constant 0 : i32
    %dma_start3A_863 = tpu.memref_slice %arg9[%dma_start3A_860, %dma_start3A_861, %dma_start3A_862] : memref<4x32x128xf32, #tpu.memory_space<vmem>> -> memref<4x8x128xf32, #tpu.memory_space<vmem>>
    %dma_start3A_864 = arith.constant 196 : i32
    %dma_start3A_865 = arith.constant 0 : i32
    %dma_start3A_866 = tpu.memref_slice %arg4[%dma_start3A_864, %dma_start3A_859, %mul3A_858, %dma_start3A_865] : memref<201x4x256x128xf32, #tpu.memory_space<hbm>> -> memref<4x1x8x128xf32, #tpu.memory_space<hbm>>
    %dma_start3A_867 = tpu.memref_squeeze %dma_start3A_866 : memref<4x1x8x128xf32, #tpu.memory_space<hbm>> -> memref<4x8x128xf32, #tpu.memory_space<hbm>>
    %dma_start3A_868 = arith.constant 196 : i32
    %dma_start3A_869 = arith.constant 0 : i32
    %dma_start3A_870 = tpu.memref_slice %arg4[%dma_start3A_868, %dma_start3A_859, %mul3A_858, %dma_start3A_869] : memref<201x4x256x128xf32, #tpu.memory_space<hbm>> -> memref<4x1x8x128xf32, #tpu.memory_space<hbm>>
    %dma_start3A_871 = tpu.memref_squeeze %dma_start3A_870 : memref<4x1x8x128xf32, #tpu.memory_space<hbm>> -> memref<4x8x128xf32, #tpu.memory_space<hbm>>
    %dma_start3A_872 = arith.constant 0 : i32
    %dma_start3A_873 = arith.constant 24 : i32
    %dma_start3A_874 = arith.constant 0 : i32
    %dma_start3A_875 = tpu.memref_slice %arg9[%dma_start3A_872, %dma_start3A_873, %dma_start3A_874] : memref<4x32x128xf32, #tpu.memory_space<vmem>> -> memref<4x8x128xf32, #tpu.memory_space<vmem>>
    tpu.enqueue_dma source(%dma_start3A_875 : memref<4x8x128xf32, #tpu.memory_space<vmem>>) target(%dma_start3A_871 : memref<4x8x128xf32, #tpu.memory_space<hbm>>) target_semaphore(%arg14 : memref<!tpu.dma_semaphore, #tpu.memory_space<semaphore_mem>>)
    %mul3A_876 = arith.constant 8 : i32
    %mul3A_877 = arith.muli %add3A, %mul3A_876 : i32
    %dma_wait3A_878 = arith.constant 0 : i32
    %dma_wait3A_879 = arith.constant 0 : i32
    %dma_wait3A_880 = arith.constant 0 : i32
    %dma_wait3A_881 = arith.constant 0 : i32
    %dma_wait3A_882 = tpu.memref_slice %arg8[%dma_wait3A_879, %dma_wait3A_880, %dma_wait3A_881] : memref<4x32x128xf32, #tpu.memory_space<vmem>> -> memref<4x8x128xf32, #tpu.memory_space<vmem>>
    %dma_wait3A_883 = arith.constant 0 : i32
    %dma_wait3A_884 = arith.constant 0 : i32
    %dma_wait3A_885 = tpu.memref_slice %arg4[%dma_wait3A_883, %dma_wait3A_878, %mul3A_877, %dma_wait3A_884] : memref<201x4x256x128xf32, #tpu.memory_space<hbm>> -> memref<4x1x8x128xf32, #tpu.memory_space<hbm>>
    %dma_wait3A_886 = tpu.memref_squeeze %dma_wait3A_885 : memref<4x1x8x128xf32, #tpu.memory_space<hbm>> -> memref<4x8x128xf32, #tpu.memory_space<hbm>>
    %dma_wait3A_887 = arith.constant 0 : i32
    %dma_wait3A_888 = arith.constant 0 : i32
    %dma_wait3A_889 = tpu.memref_slice %arg4[%dma_wait3A_887, %dma_wait3A_878, %mul3A_877, %dma_wait3A_888] : memref<201x4x256x128xf32, #tpu.memory_space<hbm>> -> memref<4x1x8x128xf32, #tpu.memory_space<hbm>>
    %dma_wait3A_890 = tpu.memref_squeeze %dma_wait3A_889 : memref<4x1x8x128xf32, #tpu.memory_space<hbm>> -> memref<4x8x128xf32, #tpu.memory_space<hbm>>
    %dma_wait3A_891 = arith.constant 0 : i32
    %dma_wait3A_892 = arith.constant 0 : i32
    %dma_wait3A_893 = arith.constant 0 : i32
    %dma_wait3A_894 = tpu.memref_slice %arg8[%dma_wait3A_891, %dma_wait3A_892, %dma_wait3A_893] : memref<4x32x128xf32, #tpu.memory_space<vmem>> -> memref<4x8x128xf32, #tpu.memory_space<vmem>>
    tpu.wait_dma2 semaphore(%arg13 : memref<!tpu.dma_semaphore, #tpu.memory_space<semaphore_mem>>) src(%dma_wait3A_894 : memref<4x8x128xf32, #tpu.memory_space<vmem>>) dst(%dma_wait3A_890 : memref<4x8x128xf32, #tpu.memory_space<hbm>>)
    %mul3A_895 = arith.constant 8 : i32
    %mul3A_896 = arith.muli %add3A, %mul3A_895 : i32
    %dma_wait3A_897 = arith.constant 1 : i32
    %dma_wait3A_898 = arith.constant 0 : i32
    %dma_wait3A_899 = arith.constant 8 : i32
    %dma_wait3A_900 = arith.constant 0 : i32
    %dma_wait3A_901 = tpu.memref_slice %arg8[%dma_wait3A_898, %dma_wait3A_899, %dma_wait3A_900] : memref<4x32x128xf32, #tpu.memory_space<vmem>> -> memref<4x8x128xf32, #tpu.memory_space<vmem>>
    %dma_wait3A_902 = arith.constant 0 : i32
    %dma_wait3A_903 = arith.constant 0 : i32
    %dma_wait3A_904 = tpu.memref_slice %arg4[%dma_wait3A_902, %dma_wait3A_897, %mul3A_896, %dma_wait3A_903] : memref<201x4x256x128xf32, #tpu.memory_space<hbm>> -> memref<4x1x8x128xf32, #tpu.memory_space<hbm>>
    %dma_wait3A_905 = tpu.memref_squeeze %dma_wait3A_904 : memref<4x1x8x128xf32, #tpu.memory_space<hbm>> -> memref<4x8x128xf32, #tpu.memory_space<hbm>>
    %dma_wait3A_906 = arith.constant 0 : i32
    %dma_wait3A_907 = arith.constant 0 : i32
    %dma_wait3A_908 = tpu.memref_slice %arg4[%dma_wait3A_906, %dma_wait3A_897, %mul3A_896, %dma_wait3A_907] : memref<201x4x256x128xf32, #tpu.memory_space<hbm>> -> memref<4x1x8x128xf32, #tpu.memory_space<hbm>>
    %dma_wait3A_909 = tpu.memref_squeeze %dma_wait3A_908 : memref<4x1x8x128xf32, #tpu.memory_space<hbm>> -> memref<4x8x128xf32, #tpu.memory_space<hbm>>
    %dma_wait3A_910 = arith.constant 0 : i32
    %dma_wait3A_911 = arith.constant 8 : i32
    %dma_wait3A_912 = arith.constant 0 : i32
    %dma_wait3A_913 = tpu.memref_slice %arg8[%dma_wait3A_910, %dma_wait3A_911, %dma_wait3A_912] : memref<4x32x128xf32, #tpu.memory_space<vmem>> -> memref<4x8x128xf32, #tpu.memory_space<vmem>>
    tpu.wait_dma2 semaphore(%arg13 : memref<!tpu.dma_semaphore, #tpu.memory_space<semaphore_mem>>) src(%dma_wait3A_913 : memref<4x8x128xf32, #tpu.memory_space<vmem>>) dst(%dma_wait3A_909 : memref<4x8x128xf32, #tpu.memory_space<hbm>>)
    %mul3A_914 = arith.constant 8 : i32
    %mul3A_915 = arith.muli %add3A, %mul3A_914 : i32
    %dma_wait3A_916 = arith.constant 2 : i32
    %dma_wait3A_917 = arith.constant 0 : i32
    %dma_wait3A_918 = arith.constant 16 : i32
    %dma_wait3A_919 = arith.constant 0 : i32
    %dma_wait3A_920 = tpu.memref_slice %arg8[%dma_wait3A_917, %dma_wait3A_918, %dma_wait3A_919] : memref<4x32x128xf32, #tpu.memory_space<vmem>> -> memref<4x8x128xf32, #tpu.memory_space<vmem>>
    %dma_wait3A_921 = arith.constant 0 : i32
    %dma_wait3A_922 = arith.constant 0 : i32
    %dma_wait3A_923 = tpu.memref_slice %arg4[%dma_wait3A_921, %dma_wait3A_916, %mul3A_915, %dma_wait3A_922] : memref<201x4x256x128xf32, #tpu.memory_space<hbm>> -> memref<4x1x8x128xf32, #tpu.memory_space<hbm>>
    %dma_wait3A_924 = tpu.memref_squeeze %dma_wait3A_923 : memref<4x1x8x128xf32, #tpu.memory_space<hbm>> -> memref<4x8x128xf32, #tpu.memory_space<hbm>>
    %dma_wait3A_925 = arith.constant 0 : i32
    %dma_wait3A_926 = arith.constant 0 : i32
    %dma_wait3A_927 = tpu.memref_slice %arg4[%dma_wait3A_925, %dma_wait3A_916, %mul3A_915, %dma_wait3A_926] : memref<201x4x256x128xf32, #tpu.memory_space<hbm>> -> memref<4x1x8x128xf32, #tpu.memory_space<hbm>>
    %dma_wait3A_928 = tpu.memref_squeeze %dma_wait3A_927 : memref<4x1x8x128xf32, #tpu.memory_space<hbm>> -> memref<4x8x128xf32, #tpu.memory_space<hbm>>
    %dma_wait3A_929 = arith.constant 0 : i32
    %dma_wait3A_930 = arith.constant 16 : i32
    %dma_wait3A_931 = arith.constant 0 : i32
    %dma_wait3A_932 = tpu.memref_slice %arg8[%dma_wait3A_929, %dma_wait3A_930, %dma_wait3A_931] : memref<4x32x128xf32, #tpu.memory_space<vmem>> -> memref<4x8x128xf32, #tpu.memory_space<vmem>>
    tpu.wait_dma2 semaphore(%arg13 : memref<!tpu.dma_semaphore, #tpu.memory_space<semaphore_mem>>) src(%dma_wait3A_932 : memref<4x8x128xf32, #tpu.memory_space<vmem>>) dst(%dma_wait3A_928 : memref<4x8x128xf32, #tpu.memory_space<hbm>>)
    %mul3A_933 = arith.constant 8 : i32
    %mul3A_934 = arith.muli %add3A, %mul3A_933 : i32
    %dma_wait3A_935 = arith.constant 3 : i32
    %dma_wait3A_936 = arith.constant 0 : i32
    %dma_wait3A_937 = arith.constant 24 : i32
    %dma_wait3A_938 = arith.constant 0 : i32
    %dma_wait3A_939 = tpu.memref_slice %arg8[%dma_wait3A_936, %dma_wait3A_937, %dma_wait3A_938] : memref<4x32x128xf32, #tpu.memory_space<vmem>> -> memref<4x8x128xf32, #tpu.memory_space<vmem>>
    %dma_wait3A_940 = arith.constant 0 : i32
    %dma_wait3A_941 = arith.constant 0 : i32
    %dma_wait3A_942 = tpu.memref_slice %arg4[%dma_wait3A_940, %dma_wait3A_935, %mul3A_934, %dma_wait3A_941] : memref<201x4x256x128xf32, #tpu.memory_space<hbm>> -> memref<4x1x8x128xf32, #tpu.memory_space<hbm>>
    %dma_wait3A_943 = tpu.memref_squeeze %dma_wait3A_942 : memref<4x1x8x128xf32, #tpu.memory_space<hbm>> -> memref<4x8x128xf32, #tpu.memory_space<hbm>>
    %dma_wait3A_944 = arith.constant 0 : i32
    %dma_wait3A_945 = arith.constant 0 : i32
    %dma_wait3A_946 = tpu.memref_slice %arg4[%dma_wait3A_944, %dma_wait3A_935, %mul3A_934, %dma_wait3A_945] : memref<201x4x256x128xf32, #tpu.memory_space<hbm>> -> memref<4x1x8x128xf32, #tpu.memory_space<hbm>>
    %dma_wait3A_947 = tpu.memref_squeeze %dma_wait3A_946 : memref<4x1x8x128xf32, #tpu.memory_space<hbm>> -> memref<4x8x128xf32, #tpu.memory_space<hbm>>
    %dma_wait3A_948 = arith.constant 0 : i32
    %dma_wait3A_949 = arith.constant 24 : i32
    %dma_wait3A_950 = arith.constant 0 : i32
    %dma_wait3A_951 = tpu.memref_slice %arg8[%dma_wait3A_948, %dma_wait3A_949, %dma_wait3A_950] : memref<4x32x128xf32, #tpu.memory_space<vmem>> -> memref<4x8x128xf32, #tpu.memory_space<vmem>>
    tpu.wait_dma2 semaphore(%arg13 : memref<!tpu.dma_semaphore, #tpu.memory_space<semaphore_mem>>) src(%dma_wait3A_951 : memref<4x8x128xf32, #tpu.memory_space<vmem>>) dst(%dma_wait3A_947 : memref<4x8x128xf32, #tpu.memory_space<hbm>>)
    %mul3A_952 = arith.constant 8 : i32
    %mul3A_953 = arith.muli %add3A, %mul3A_952 : i32
    %dma_wait3A_954 = arith.constant 0 : i32
    %dma_wait3A_955 = arith.constant 0 : i32
    %dma_wait3A_956 = arith.constant 0 : i32
    %dma_wait3A_957 = arith.constant 0 : i32
    %dma_wait3A_958 = tpu.memref_slice %arg9[%dma_wait3A_955, %dma_wait3A_956, %dma_wait3A_957] : memref<4x32x128xf32, #tpu.memory_space<vmem>> -> memref<4x8x128xf32, #tpu.memory_space<vmem>>
    %dma_wait3A_959 = arith.constant 0 : i32
    %dma_wait3A_960 = arith.constant 0 : i32
    %dma_wait3A_961 = tpu.memref_slice %arg4[%dma_wait3A_959, %dma_wait3A_954, %mul3A_953, %dma_wait3A_960] : memref<201x4x256x128xf32, #tpu.memory_space<hbm>> -> memref<4x1x8x128xf32, #tpu.memory_space<hbm>>
    %dma_wait3A_962 = tpu.memref_squeeze %dma_wait3A_961 : memref<4x1x8x128xf32, #tpu.memory_space<hbm>> -> memref<4x8x128xf32, #tpu.memory_space<hbm>>
    %dma_wait3A_963 = arith.constant 0 : i32
    %dma_wait3A_964 = arith.constant 0 : i32
    %dma_wait3A_965 = tpu.memref_slice %arg4[%dma_wait3A_963, %dma_wait3A_954, %mul3A_953, %dma_wait3A_964] : memref<201x4x256x128xf32, #tpu.memory_space<hbm>> -> memref<4x1x8x128xf32, #tpu.memory_space<hbm>>
    %dma_wait3A_966 = tpu.memref_squeeze %dma_wait3A_965 : memref<4x1x8x128xf32, #tpu.memory_space<hbm>> -> memref<4x8x128xf32, #tpu.memory_space<hbm>>
    %dma_wait3A_967 = arith.constant 0 : i32
    %dma_wait3A_968 = arith.constant 0 : i32
    %dma_wait3A_969 = arith.constant 0 : i32
    %dma_wait3A_970 = tpu.memref_slice %arg9[%dma_wait3A_967, %dma_wait3A_968, %dma_wait3A_969] : memref<4x32x128xf32, #tpu.memory_space<vmem>> -> memref<4x8x128xf32, #tpu.memory_space<vmem>>
    tpu.wait_dma2 semaphore(%arg14 : memref<!tpu.dma_semaphore, #tpu.memory_space<semaphore_mem>>) src(%dma_wait3A_970 : memref<4x8x128xf32, #tpu.memory_space<vmem>>) dst(%dma_wait3A_966 : memref<4x8x128xf32, #tpu.memory_space<hbm>>)
    %mul3A_971 = arith.constant 8 : i32
    %mul3A_972 = arith.muli %add3A, %mul3A_971 : i32
    %dma_wait3A_973 = arith.constant 1 : i32
    %dma_wait3A_974 = arith.constant 0 : i32
    %dma_wait3A_975 = arith.constant 8 : i32
    %dma_wait3A_976 = arith.constant 0 : i32
    %dma_wait3A_977 = tpu.memref_slice %arg9[%dma_wait3A_974, %dma_wait3A_975, %dma_wait3A_976] : memref<4x32x128xf32, #tpu.memory_space<vmem>> -> memref<4x8x128xf32, #tpu.memory_space<vmem>>
    %dma_wait3A_978 = arith.constant 0 : i32
    %dma_wait3A_979 = arith.constant 0 : i32
    %dma_wait3A_980 = tpu.memref_slice %arg4[%dma_wait3A_978, %dma_wait3A_973, %mul3A_972, %dma_wait3A_979] : memref<201x4x256x128xf32, #tpu.memory_space<hbm>> -> memref<4x1x8x128xf32, #tpu.memory_space<hbm>>
    %dma_wait3A_981 = tpu.memref_squeeze %dma_wait3A_980 : memref<4x1x8x128xf32, #tpu.memory_space<hbm>> -> memref<4x8x128xf32, #tpu.memory_space<hbm>>
    %dma_wait3A_982 = arith.constant 0 : i32
    %dma_wait3A_983 = arith.constant 0 : i32
    %dma_wait3A_984 = tpu.memref_slice %arg4[%dma_wait3A_982, %dma_wait3A_973, %mul3A_972, %dma_wait3A_983] : memref<201x4x256x128xf32, #tpu.memory_space<hbm>> -> memref<4x1x8x128xf32, #tpu.memory_space<hbm>>
    %dma_wait3A_985 = tpu.memref_squeeze %dma_wait3A_984 : memref<4x1x8x128xf32, #tpu.memory_space<hbm>> -> memref<4x8x128xf32, #tpu.memory_space<hbm>>
    %dma_wait3A_986 = arith.constant 0 : i32
    %dma_wait3A_987 = arith.constant 8 : i32
    %dma_wait3A_988 = arith.constant 0 : i32
    %dma_wait3A_989 = tpu.memref_slice %arg9[%dma_wait3A_986, %dma_wait3A_987, %dma_wait3A_988] : memref<4x32x128xf32, #tpu.memory_space<vmem>> -> memref<4x8x128xf32, #tpu.memory_space<vmem>>
    tpu.wait_dma2 semaphore(%arg14 : memref<!tpu.dma_semaphore, #tpu.memory_space<semaphore_mem>>) src(%dma_wait3A_989 : memref<4x8x128xf32, #tpu.memory_space<vmem>>) dst(%dma_wait3A_985 : memref<4x8x128xf32, #tpu.memory_space<hbm>>)
    %mul3A_990 = arith.constant 8 : i32
    %mul3A_991 = arith.muli %add3A, %mul3A_990 : i32
    %dma_wait3A_992 = arith.constant 2 : i32
    %dma_wait3A_993 = arith.constant 0 : i32
    %dma_wait3A_994 = arith.constant 16 : i32
    %dma_wait3A_995 = arith.constant 0 : i32
    %dma_wait3A_996 = tpu.memref_slice %arg9[%dma_wait3A_993, %dma_wait3A_994, %dma_wait3A_995] : memref<4x32x128xf32, #tpu.memory_space<vmem>> -> memref<4x8x128xf32, #tpu.memory_space<vmem>>
    %dma_wait3A_997 = arith.constant 0 : i32
    %dma_wait3A_998 = arith.constant 0 : i32
    %dma_wait3A_999 = tpu.memref_slice %arg4[%dma_wait3A_997, %dma_wait3A_992, %mul3A_991, %dma_wait3A_998] : memref<201x4x256x128xf32, #tpu.memory_space<hbm>> -> memref<4x1x8x128xf32, #tpu.memory_space<hbm>>
    %dma_wait3A_1000 = tpu.memref_squeeze %dma_wait3A_999 : memref<4x1x8x128xf32, #tpu.memory_space<hbm>> -> memref<4x8x128xf32, #tpu.memory_space<hbm>>
    %dma_wait3A_1001 = arith.constant 0 : i32
    %dma_wait3A_1002 = arith.constant 0 : i32
    %dma_wait3A_1003 = tpu.memref_slice %arg4[%dma_wait3A_1001, %dma_wait3A_992, %mul3A_991, %dma_wait3A_1002] : memref<201x4x256x128xf32, #tpu.memory_space<hbm>> -> memref<4x1x8x128xf32, #tpu.memory_space<hbm>>
    %dma_wait3A_1004 = tpu.memref_squeeze %dma_wait3A_1003 : memref<4x1x8x128xf32, #tpu.memory_space<hbm>> -> memref<4x8x128xf32, #tpu.memory_space<hbm>>
    %dma_wait3A_1005 = arith.constant 0 : i32
    %dma_wait3A_1006 = arith.constant 16 : i32
    %dma_wait3A_1007 = arith.constant 0 : i32
    %dma_wait3A_1008 = tpu.memref_slice %arg9[%dma_wait3A_1005, %dma_wait3A_1006, %dma_wait3A_1007] : memref<4x32x128xf32, #tpu.memory_space<vmem>> -> memref<4x8x128xf32, #tpu.memory_space<vmem>>
    tpu.wait_dma2 semaphore(%arg14 : memref<!tpu.dma_semaphore, #tpu.memory_space<semaphore_mem>>) src(%dma_wait3A_1008 : memref<4x8x128xf32, #tpu.memory_space<vmem>>) dst(%dma_wait3A_1004 : memref<4x8x128xf32, #tpu.memory_space<hbm>>)
    %mul3A_1009 = arith.constant 8 : i32
    %mul3A_1010 = arith.muli %add3A, %mul3A_1009 : i32
    %dma_wait3A_1011 = arith.constant 3 : i32
    %dma_wait3A_1012 = arith.constant 0 : i32
    %dma_wait3A_1013 = arith.constant 24 : i32
    %dma_wait3A_1014 = arith.constant 0 : i32
    %dma_wait3A_1015 = tpu.memref_slice %arg9[%dma_wait3A_1012, %dma_wait3A_1013, %dma_wait3A_1014] : memref<4x32x128xf32, #tpu.memory_space<vmem>> -> memref<4x8x128xf32, #tpu.memory_space<vmem>>
    %dma_wait3A_1016 = arith.constant 0 : i32
    %dma_wait3A_1017 = arith.constant 0 : i32
    %dma_wait3A_1018 = tpu.memref_slice %arg4[%dma_wait3A_1016, %dma_wait3A_1011, %mul3A_1010, %dma_wait3A_1017] : memref<201x4x256x128xf32, #tpu.memory_space<hbm>> -> memref<4x1x8x128xf32, #tpu.memory_space<hbm>>
    %dma_wait3A_1019 = tpu.memref_squeeze %dma_wait3A_1018 : memref<4x1x8x128xf32, #tpu.memory_space<hbm>> -> memref<4x8x128xf32, #tpu.memory_space<hbm>>
    %dma_wait3A_1020 = arith.constant 0 : i32
    %dma_wait3A_1021 = arith.constant 0 : i32
    %dma_wait3A_1022 = tpu.memref_slice %arg4[%dma_wait3A_1020, %dma_wait3A_1011, %mul3A_1010, %dma_wait3A_1021] : memref<201x4x256x128xf32, #tpu.memory_space<hbm>> -> memref<4x1x8x128xf32, #tpu.memory_space<hbm>>
    %dma_wait3A_1023 = tpu.memref_squeeze %dma_wait3A_1022 : memref<4x1x8x128xf32, #tpu.memory_space<hbm>> -> memref<4x8x128xf32, #tpu.memory_space<hbm>>
    %dma_wait3A_1024 = arith.constant 0 : i32
    %dma_wait3A_1025 = arith.constant 24 : i32
    %dma_wait3A_1026 = arith.constant 0 : i32
    %dma_wait3A_1027 = tpu.memref_slice %arg9[%dma_wait3A_1024, %dma_wait3A_1025, %dma_wait3A_1026] : memref<4x32x128xf32, #tpu.memory_space<vmem>> -> memref<4x8x128xf32, #tpu.memory_space<vmem>>
    tpu.wait_dma2 semaphore(%arg14 : memref<!tpu.dma_semaphore, #tpu.memory_space<semaphore_mem>>) src(%dma_wait3A_1027 : memref<4x8x128xf32, #tpu.memory_space<vmem>>) dst(%dma_wait3A_1023 : memref<4x8x128xf32, #tpu.memory_space<hbm>>)
    return
  }
}

</mosaic_0001>

<sc_bundles>
// kernel: _lookup_pad.3.cloned.1.call-start
scs
__scs_entry_jumppad:
0x0: {  	(pc) =	sbr.rel $0x88, $3  }
0x1: {  	(tag) =	ssettag $0x0;
	lr =	simm.s32 $0x1  }
0x2: {  	[smem:$0x3F9F] =	sst lr;
	_ =	strace $0xD0000000  }
0x3: {  	_ = 	snop  }
0x4: {  	_ = 	snop  }
0x5: {  	_ = 	snop  }
0x6: {  	_ = 	snop  }
0x7: {  	_ = 	snop  }
__scs_overlays_trampoline_lowered:
0x8: {  	[smem:$0x3FAE] =	sst s0  }
0x9: {  	[smem:$0x3FAF] =	sst s1  }
0xa: {  	[smem:$0x3FB0] =	sst s2  }
0xb: {  	[smem:$0x3FB1] =	sst s3  }
0xc: {  	[smem:$0x3FB2] =	sst s4  }
0xd: {  	[smem:$0x3FB3] =	sst s5  }
0xe: {  	[smem:$0x3FB4] =	sst s6  }
0xf: {  	[smem:$0x3FB5] =	sst s7  }
0x10: {  	[smem:$0x3FB6] =	sst s8  }
0x11: {  	[smem:$0x3FB7] =	sst s9;
	s0 =	simm.s32 @!p0 $0x0  }
0x12: {  	s1 =	sld [smem:$0x3F9D];
	s0 =	simm.s32 @p0 $0x1  }
0x13: {  	[smem:$0x3FB8] =	sst s0;
	s0 =	simm.s32 @!p1 $0x0  }
0x14: {  	s2 =	sld [smem:$0x3F9C];
	s0 =	simm.s32 @p1 $0x1  }
0x15: {  	[smem:$0x3FB9] =	sst s0;
	s0 =	simm.s32 @!p2 $0x0  }
0x16: {  	s3 =	sld [smem:$0x3FDB];
	s0 =	simm.s32 @p2 $0x1  }
0x17: {  	s4 =	simm.s32 $0x1BF5;
	[smem:$0x3FBB] =	sst s0  }
0x18: {  	s0 =	sld [smem:$0x3F9E];
	_ =	swait.ge [sflag:s4], $0x0  }
0x19: {  	s7 =	sld [smem:$0x3F9F]  }
0x1a: {  	s8 =	sadd.s32 $0xFFFFE003, lr  }
0x1b: {  	s9 =	sadd.s32 $0xFFFFFEF7, lr;
	s5 =	simm.s32 $0xFFFFFFFF;
	p2 =	slt.u32 s8, $0xFFFFF086  }
0x1c: {  	p1 =	slt.u32 s9, $0xF7A;
	s5 =	simm.s32 @!p2 $0x0  }
0x1d: {  	s5 =	simm.s32 @p1 $0x1;
	p0 =	seq.s32 s7, s2  }
0x1e: {  	s7 =	smul.u32 @!p0 $0xF7A, s2;
	p2 =	seq.s32 @!p0 s5, $0x0  }
0x1f: {  	s9 =	smul.u32 $0xF7A, s1;
	s8 =	simm.s32 @!p0 $0x1BF5;
	p2 =	por !p2, p0  }
0x20: {  	[sflag:s8] =	ssyncset.s32 @!p0 $0xFFFFF086;
	s6 =	sadd.s32 @!p0 s3, s7;
	s7 =	simm.s32 @!p0 $0x108  }
0x21: {  	s3 =	sadd.s32 s3, s9;
	s6 =	sadd.s32 @!p0 $0x88, s6;
	s7 =	simm.s32 @p2 $0x1082  }
0x22: {  	[simem:s7], [sflag:s8] =	dma.local @!p0 [hbm:s6], $0xF7A  }
0x23: {  	s9 =	sor.u32 $0xD0000000, s2;
	s6 =	simm.s32 $0x108;
	_ =	swait.ge @!p0 [sflag:s8], $0x0  }
0x24: {  	s3 =	sadd.s32 $0x88, s3;
	s6 =	simm.s32 @!p1 $0x1082;
	[sflag:s4] =	ssyncset.s32 $0xFFFFF086  }
0x25: {  	[simem:s6], [sflag:s4] =	dma.local [hbm:s3], $0xF7A  }
0x26: {  	[smem:$0x3F9F] =	sst s1;
	(tag) =	ssettag s2;
	_ =	strace s9  }
0x27: {  	s1 =	sld [smem:$0x3FAF]  }
0x28: {  	s2 =	sld [smem:$0x3FB0]  }
0x29: {  	s4 =	sld [smem:$0x3FB2]  }
0x2a: {  	p0 =	seq.s32 s5, $0x0;
	s5 =	sld [smem:$0x3FB3]  }
0x2b: {  	s6 =	sld [smem:$0x3FB4]  }
0x2c: {  	s7 =	sld [smem:$0x3FB5]  }
0x2d: {  	s3 =	simm.s32 $0x108;
	s8 =	sld [smem:$0x3FB6]  }
0x2e: {  	s3 =	simm.s32 @!p0 $0x1082;
	s9 =	sld [smem:$0x3FB7]  }
0x2f: {  	lr =	sadd.s32 s0, s3;
	s0 =	sld [smem:$0x3FAE]  }
0x30: {  	s3 =	sld [smem:$0x3FB1]  }
0x31: {  	[smem:$0x3FBA] =	sst s10  }
0x32: {  	s10 =	sld [smem:$0x3FB8];
	_ =	sdelay $0x3  }
0x33: {  	p0 =	seq.s32 s10, $0x1;
	s10 =	sld [smem:$0x3FBA];
	_ =	sdelay $0x3  }
0x34: {  	[smem:$0x3FBA] =	sst s10  }
0x35: {  	s10 =	sld [smem:$0x3FB9];
	_ =	sdelay $0x3  }
0x36: {  	p1 =	seq.s32 s10, $0x1;
	s10 =	sld [smem:$0x3FBA];
	_ =	sdelay $0x3  }
0x37: {  	[smem:$0x3FBA] =	sst s10  }
0x38: {  	s10 =	sld [smem:$0x3FBB]  }
0x39: {  	_ = 	snop;
	(pc) =	sbr.ind lr, $3  }
0x3a: {  	_ = 	snop  }
0x3b: {  	_ = 	snop  }
0x3c: {  	p2 =	seq.s32 s10, $0x1;
	s10 =	sld [smem:$0x3FBA]  }
0x3d: {  	_ =	shalt  }
0x3e: {  	_ =	shalt  }
0x3f: {  	_ =	shalt  }
0x40: {  	_ =	shalt  }
0x41: {  	_ =	shalt  }
0x42: {  	_ =	shalt  }
0x43: {  	_ =	shalt  }
0x44: {  	_ =	shalt  }
0x45: {  	_ =	shalt  }
0x46: {  	_ =	shalt  }
0x47: {  	_ =	shalt  }
0x48: {  	_ =	shalt  }
0x49: {  	_ =	shalt  }
0x4a: {  	_ =	shalt  }
0x4b: {  	_ =	shalt  }
0x4c: {  	_ =	shalt  }
0x4d: {  	_ =	shalt  }
0x4e: {  	_ =	shalt  }
0x4f: {  	_ =	shalt  }
0x50: {  	_ =	shalt  }
0x51: {  	_ =	shalt  }
0x52: {  	_ =	shalt  }
0x53: {  	_ =	shalt  }
0x54: {  	_ =	shalt  }
0x55: {  	_ =	shalt  }
0x56: {  	_ =	shalt  }
0x57: {  	_ =	shalt  }
0x58: {  	_ =	shalt  }
0x59: {  	_ =	shalt  }
0x5a: {  	_ =	shalt  }
0x5b: {  	_ =	shalt  }
0x5c: {  	_ =	shalt  }
0x5d: {  	_ =	shalt  }
0x5e: {  	_ =	shalt  }
0x5f: {  	_ =	shalt  }
0x60: {  	_ =	shalt  }
0x61: {  	_ =	shalt  }
0x62: {  	_ =	shalt  }
0x63: {  	_ =	shalt  }
0x64: {  	_ =	shalt  }
0x65: {  	_ =	shalt  }
0x66: {  	_ =	shalt  }
0x67: {  	_ =	shalt  }
0x68: {  	_ =	shalt  }
0x69: {  	_ =	shalt  }
0x6a: {  	_ =	shalt  }
0x6b: {  	_ =	shalt  }
0x6c: {  	_ =	shalt  }
0x6d: {  	_ =	shalt  }
0x6e: {  	_ =	shalt  }
0x6f: {  	_ =	shalt  }
0x70: {  	_ =	shalt  }
0x71: {  	_ =	shalt  }
0x72: {  	_ =	shalt  }
0x73: {  	_ =	shalt  }
0x74: {  	_ =	shalt  }
0x75: {  	_ =	shalt  }
0x76: {  	_ =	shalt  }
0x77: {  	_ =	shalt  }
0x78: {  	_ =	shalt  }
0x79: {  	_ =	shalt  }
0x7a: {  	_ =	shalt  }
0x7b: {  	_ =	shalt  }
0x7c: {  	_ =	shalt  }
0x7d: {  	_ =	shalt  }
0x7e: {  	_ =	shalt  }
0x7f: {  	_ =	shalt  }
0x80: {  	_ =	shalt  }
0x81: {  	_ =	shalt  }
0x82: {  	_ =	shalt  }
0x83: {  	_ =	shalt  }
0x84: {  	_ =	shalt  }
0x85: {  	_ =	shalt  }
0x86: {  	_ =	shalt  }
0x87: {  	_ =	shalt  }
.Lfunc_end0:
.L_simem_size_0:
called_computation_lowered:
.L_overlay_start_0:
0x88: {  	s2 =	sld [smem:$0x3FD9]  }
0x89: {  	s3 =	sld [smem:$0x3FFE];
	_ =	sdelay $0x1  }
0x8a: {  	s1 =	srdreg.scid  }
0x8b: {  	s0 =	sand.u32 $0x1, s1  }
0x8c: {  	s17 =	sshll.u32 s0, $0xA;
	s2 =	sadd.s32 s3, s2  }
0x8d: {  	s2 =	sadd.s32 s2, s17  }
0x8e: {  	[smem:$0x3FC6] =	sst s2  }
0x8f: {  	_ = 	snop  }
0x90: {  	s2 =	sld [smem:$0x3FC9]  }
0x91: {  	s18 =	sld [smem:$0x3FD0];
	(tm) =	ssettm $0x1  }
0x92: {  	s4 =	sld [smem:$0x3FFB];
	_ =	sdelay $0x3  }
0x93: {  	_ =	strace s4  }
0x94: {  	s4 =	sld [smem:$0x3FFC];
	_ =	sdelay $0x3  }
0x95: {  	_ =	strace s4  }
0x96: {  	s4 =	sld [smem:$0x3FFD];
	_ =	sdelay $0x3  }
0x97: {  	_ =	strace s4  }
0x98: {  	_ =	strace $0x8FFFFFFF  }
0x99: {  	s19 =	sld [smem:$0x3FDB];
	_ =	sdelay $0x1  }
0x9a: {  	s5 =	simm.s32 $_scs_section_size  }
0x9b: {  	s6 =	simm.s32 $_size__tile_overlayer_lowered;
	s7 =	simm.s32 $_tile_overlayer_lowered  }
0x9c: {  	s22 =	simm.s32 $0x1BFF;
	s21 =	sshll.u32 s7, $0x1;
	s4 =	sadd.s32 s5, s19  }
0x9d: {  	s8 =	simm.s32 $0x0;
	s20 =	sshll.u32 s6, $0x1;
	s6 =	sadd.s32 s21, s4  }
0x9e: {  	[timem:s8], [sflag:s22] =	dma.local [hbm:s6], s20  }
0x9f: {  	_ =	swait.ge [sflag:s22], s20  }
0xa0: {  	s5 =	ssub.s32 $0x0, s20;
	[sflag:s22] =	ssyncset.done $0x0  }
0xa1: {  	[sflag:s22] =	ssyncadd.s32 s5;
	_ =	sdelay $0x1  }
0xa2: {  	s23 =	simm.s32 $0x1B8B  }
0xa3: {  	_ =	swait.ge [sflag:s23], $0x1  }
0xa4: {  	[sflag:s23] =	ssyncset.done $0x0  }
0xa5: {  	s25 =	simm.s32 $0x1B8E;
	s24 =	sld [smem:$0x3FFE];
	[sflag:s23] =	ssyncadd.s32 $0xFFFFFFFF  }
0xa6: {  	s26 =	simm.s32 $execute0_lowered;
	[smem:$0x3FD2] =	sst s25  }
0xa7: {  	s6 =	sshll.u32 s26, $0x1;
	_ =	strace $0x80000046;
	[dreg:$0x1] =	wrdreg $0xFFFFFFFF  }
0xa8: {  	s28 =	simm.s32 $_size_execute0_lowered;
	s4 =	sadd.s32 s4, s6;
	[dreg:$0x0] =	wrdreg $0x0  }
0xa9: {  	s6 =	sshll.u32 s28, $0x1;
	[dreg:$0x2] =	wrdreg s4  }
0xaa: {  	[dreg:$0x3] =	wrdreg s6  }
0xab: {  	[dreg:$0x4] =	wrdreg $0xC0  }
0xac: {  	_ =	task [dreg:s8], $0x5FFFF  }
0xad: {  	[dreg:$0x1] =	wrdreg $0xFFFFFFFF  }
0xae: {  	[dreg:$0x0] =	wrdreg $0x60  }
0xaf: {  	[dreg:$0x2] =	wrdreg s2  }
0xb0: {  	[dreg:$0x3] =	wrdreg s24  }
0xb1: {  	[dreg:$0x4] =	wrdreg s18  }
0xb2: {  	[dreg:$0x5] =	wrdreg $0x9  }
0xb3: {  	_ =	task.clear_ibuf [dreg:s8], $0x6FFFF;
	_ =	strace $0x90000046  }
0xb4: {  	s29 =	simm.s32 $0x9;
	_ =	strace $0x80000048  }
0xb5: {  	_ =	swait.ge [sflag:s29], $0x1  }
0xb6: {  	[sflag:s29] =	ssyncadd.s32 $0xFFFFFFFF  }
0xb7: {  	_ =	strace $0x90000048  }
0xb8: {  	_ =	sfence  }
0xb9: {  	s30 =	sld [smem:$0x0];
	_ =	sdelay $0x2  }
0xba: {  	s31 =	sshll.u32 s1, $0xD;
	s1 =	sshrl.u32 s1, $0x2  }
0xbb: {  	s3 =	sand.u32 $0x4000, s31;
	s1 =	sadd.s32 s1, s30  }
0xbc: {  	s0 =	sor.u32 s3, s0;
	s1 =	sshll.u32 s1, $0x11  }
0xbd: {  	s0 =	sor.u32 s1, s0  }
0xbe: {  	s0 =	sadd.s32 $0x8F2B, s0  }
0xbf: {  	[sflag:s0] =	ssyncadd.remote.s32 $0x1  }
0xc0: {  	_ =	sfence.sel $0xFFFF  }
0xc1: {  	[dreg:$0x0] =	wrdreg $0xFFFFFFFF;
	(pc) =	sbr.abs _section_cstart, $3  }
0xc2: {  	[dreg:$0x1] =	wrdreg $0xFFFFFFFF  }
0xc3: {  	_ =	task.clear_ibuf [dreg:s8], $0x2FFFF;
	_ =	strace $0x9FFFFFFF  }
0xc4: {  	(tm) =	ssettm $0x7FFFFFFF  }
0xc5: {  	_ =	shalt  }
tec
execute0_lowered:
.L_overlay_start_1:
0x0: {  	(tag) =	ssettag $0x1  }
0x1: {  	s0 =	rddreg [dreg:$0x0]  }
0x2: {  	s1 =	rddreg [dreg:$0x1]  }
0x3: {  	s7 =	rddreg [dreg:$0x2]  }
0x4: {  	s3 =	simm.s32 $0x0;
	s2 =	srdreg.scid;
	s4 =	stileid.u32  }
0x5: {  	[smem:$0x7FF] =	sst s3;
	s2 =	sand.u32 $0x1, s2;
	s11 =	sadd.s32 $0x1000, s7  }
0x6: {  	s12 =	sadd.s32 $0x2000, s7;
	_ =	strace $0x80000047;
	[dreg:$0xa] =	wrdreg s11  }
0x7: {  	s5 =	sshll.u32 s4, $0x8;
	s14 =	sadd.s32 $0x3000, s7;
	[dreg:$0xd] =	wrdreg s12  }
0x8: {  	s15 =	sadd.s32 $0x10000, s7;
	s16 =	sadd.s32 $0x11000, s7;
	[dreg:$0xf] =	wrdreg s14  }
0x9: {  	s6 =	ssub.s32 $0x2, s2;
	s2 =	sshll.u32 s2, $0x7;
	[dreg:$0x10] =	wrdreg s15  }
0xa: {  	s18 =	sadd.s32 $0x12000, s7;
	[dreg:$0x13] =	wrdreg s16;
	s8 =	sor.u32 s2, s5  }
0xb: {  	[dreg:$0x15] =	wrdreg s18;
	s0 =	sadd.s32 s0, s8  }
0xc: {  	s2 =	sadd.s32 s8, s11;
	[dreg:$0x4] =	wrdreg s0  }
0xd: {  	s4 =	sadd.s32 $0xF42800, s1;
	s13 =	sadd.s32 s8, s12;
	[dreg:$0xb] =	wrdreg s2  }
0xe: {  	s19 =	sadd.s32 $0x13000, s7;
	s17 =	sadd.s32 s8, s16;
	[dreg:$0xc] =	wrdreg s13  }
0xf: {  	s31 =	sshrl.u32 s6, $0x1;
	s20 =	sadd.s32 s8, s19;
	[dreg:$0x12] =	wrdreg s17  }
0x10: {  	s1 =	ssub.s32 s6, s31;
	s2 =	sadd.s32 s8, s14;
	[dreg:$0x17] =	wrdreg s20  }
0x11: {  	s1 =	smax.u32 s1, $0x1;
	[dreg:$0xe] =	wrdreg s2  }
0x12: {  	s0 =	sadd.s32 s7, s8;
	[dreg:$0x16] =	wrdreg s1  }
0x13: {  	s5 =	sadd.s32 $0x320000, s0;
	[dreg:$0x5] =	wrdreg s0  }
0x14: {  	s6 =	sadd.s32 $0x321000, s0;
	[dreg:$0x6] =	wrdreg s5  }
0x15: {  	s9 =	sadd.s32 $0x322000, s0;
	[dreg:$0x7] =	wrdreg s6  }
0x16: {  	s10 =	sadd.s32 $0x323000, s0;
	[dreg:$0x8] =	wrdreg s9  }
0x17: {  	s28 =	simm.s32 $0x3;
	s2 =	sadd.s32 s8, s15;
	[dreg:$0x9] =	wrdreg s10  }
0x18: {  	s29 =	simm.s32 $0x4;
	s21 =	sadd.s32 $0x300000, s0;
	[dreg:$0x11] =	wrdreg s2  }
0x19: {  	s24 =	smov.u32 s8;
	s22 =	sadd.s32 $0x301000, s0;
	[dreg:$0x18] =	wrdreg s21  }
0x1a: {  	s11 =	simm.s32 $0x80;
	s23 =	sadd.s32 $0x302000, s0;
	[dreg:$0x19] =	wrdreg s22  }
0x1b: {  	s17 =	simm.s32 $0x1;
	s25 =	sadd.s32 $0x303000, s0;
	[dreg:$0x1a] =	wrdreg s23  }
0x1c: {  	v0 =	vlaneseq.u32;
	s20 =	simm.s32 $0xA400;
	s26 =	sadd.s32 $0x310000, s0;
	[dreg:$0x1b] =	wrdreg s25  }
0x1d: {  	v0 =	vmul.u32 $0x20, v0;
	s30 =	sadd.s32 $0x311000, s0;
	s31 =	sadd.s32 $0x312000, s0;
	[dreg:$0x1c] =	wrdreg s26  }
0x1e: {  	s0 =	sadd.s32 $0x313000, s0;
	s1 =	simm.s32 $0x0;
	[dreg:$0x1d] =	wrdreg s30  }
0x1f: {  	v1 =	vimm.f32 $0.0e+00;
	v2 =	vor.u32 $0xE00, v0;
	s2 =	sadd.s32 s8, s18;
	s5 =	smov.u32 s19;
	[dreg:$0x1e] =	wrdreg s31  }
0x20: {  	v3 =	vor.u32 $0xC00, v0;
	v4 =	vor.u32 $0xA00, v0;
	v5 =	vor.u32 $0x800, v0;
	[dreg:$0x1f] =	wrdreg s0;
	s22 =	simm.s32 $0x400;
	s25 =	simm.s32 $0x6400  }
0x21: {  	v6 =	vor.u32 $0x600, v0;
	v7 =	vor.u32 $0x400, v0;
	v8 =	vor.u32 $0x200, v0;
	s26 =	simm.s32 $0x2;
	[dreg:$0x14] =	wrdreg s2;
	s2 =	simm.s32 $0x5  }
.LBB2_1:
0x22: {  	[smem:$0x7FD] =	sst s1  }
0x23: {  	s0 =	rddreg [dreg:$0x4];
	s31 =	simm.s32 $0x8000  }
0x24: {  	[tilespmem:s3], [sflag:$0x5] =	stream.strided.gather [hbm4b:s0+s22], $0x6400, s31, s22, $0x38;
	[tilespmem:$0x16800] =	vst v63  }
0x25: {  	_ =	swait.ge [sflag:s2], $0x6400  }
0x26: {  	[sflag:s2] =	ssyncset.done $0x0  }
0x27: {  	s1 =	sand.u32 $0x3F0, s3;
	s0 =	simm.s32 $0x10;
	[sflag:s2] =	ssyncadd.s32 $0xFFFF9C00  }
.LBB2_2:
0x28: {  	p0 =	sne.s32 s0, $0x3F0;
	[tilespmem:s1+$0x16400] =	vst v1;
	s1 =	smov.u32 s0;
	s0 =	sadd.s32 $0x10, s0  }
.Ltmp0:
0x29: {  	(pc) =	sbr.rel @p0 .LBB2_2-.Ltmp0, $2  }
0x2a: {  	_ =	sdelay $0x2  }
0x2b: {  	s1 =	sand.u32 $0x3F0, s1  }
0x2c: {  	[tilespmem:s1+$0x16400] =	vst v1;
	s0 =	rddreg [dreg:$0x6];
	s31 =	simm.s32 $0x16400  }
0x2d: {  	[hbm4b:s0+s3] =	stream.linear.scatter [tilespmem:s31], [sflag:$0x5], $0x400, $0x38;
	[tilespmem:$0x16800] =	vst v63  }
0x2e: {  	_ =	swait.ge [sflag:s2], $0x400  }
0x2f: {  	[sflag:s2] =	ssyncset.done $0x0  }
0x30: {  	s6 =	rddreg [dreg:$0x7];
	[sflag:s2] =	ssyncadd.s32 $0xFFFFFC00  }
0x31: {  	[hbm4b:s6+s3] =	stream.linear.scatter [tilespmem:s31], [sflag:$0x5], $0x400, $0x38;
	[tilespmem:$0x16800] =	vst v63  }
0x32: {  	_ =	swait.ge [sflag:s2], $0x400  }
0x33: {  	[sflag:s2] =	ssyncset.done $0x0  }
0x34: {  	s7 =	rddreg [dreg:$0x8];
	[sflag:s2] =	ssyncadd.s32 $0xFFFFFC00  }
0x35: {  	[hbm4b:s7+s3] =	stream.linear.scatter [tilespmem:s31], [sflag:$0x5], $0x400, $0x38;
	[tilespmem:$0x16800] =	vst v63  }
0x36: {  	_ =	swait.ge [sflag:s2], $0x400  }
0x37: {  	[sflag:s2] =	ssyncset.done $0x0  }
0x38: {  	s8 =	rddreg [dreg:$0x9];
	[sflag:s2] =	ssyncadd.s32 $0xFFFFFC00  }
0x39: {  	[hbm4b:s8+s3] =	stream.linear.scatter [tilespmem:s31], [sflag:$0x5], $0x400, $0x38;
	[tilespmem:$0x16800] =	vst v63  }
0x3a: {  	_ =	swait.ge [sflag:s2], $0x400  }
0x3b: {  	[sflag:s2] =	ssyncset.done $0x0  }
0x3c: {  	[sflag:s2] =	ssyncadd.s32 $0xFFFFFC00  }
0x3d: {  	[tilespmem:s25], [sflag:$0x1] =	stream.indirect.gather [hbm4b:s4+s11], $0x20, s3, s11, $0xb8;
	[tilespmem:$0x16800] =	vst v63  }
0x3e: {  	s9 =	simm.s32 $0x7400  }
0x3f: {  	[tilespmem:s9], [sflag:$0x1] =	stream.indirect.gather [hbm4b:s4+s11], $0x20, s11, s11, $0xb8;
	[tilespmem:$0x16800] =	vst v63  }
0x40: {  	s10 =	simm.s32 $0x100;
	s12 =	simm.s32 $0x8400  }
0x41: {  	[tilespmem:s12], [sflag:$0x1] =	stream.indirect.gather [hbm4b:s4+s11], $0x20, s10, s11, $0xb8;
	[tilespmem:$0x16800] =	vst v63  }
0x42: {  	s13 =	simm.s32 $0x180;
	s14 =	simm.s32 $0x9400  }
0x43: {  	[tilespmem:s14], [sflag:$0x1] =	stream.indirect.gather [hbm4b:s4+s11], $0x20, s13, s11, $0xb8;
	[tilespmem:$0x16800] =	vst v63  }
0x44: {  	_ =	swait.ge [sflag:s17], $0x1000  }
0x45: {  	[sflag:s17] =	ssyncset.done $0x0  }
0x46: {  	[sflag:s17] =	ssyncadd.s32 $0xFFFFF000  }
0x47: {  	_ =	swait.ge [sflag:s17], $0x1000  }
0x48: {  	[sflag:s17] =	ssyncset.done $0x0  }
0x49: {  	[sflag:s17] =	ssyncadd.s32 $0xFFFFF000  }
0x4a: {  	_ =	swait.ge [sflag:s17], $0x1000  }
0x4b: {  	[sflag:s17] =	ssyncset.done $0x0  }
0x4c: {  	[sflag:s17] =	ssyncadd.s32 $0xFFFFF000  }
0x4d: {  	s16 =	simm.s32 $0x0;
	_ =	swait.ge [sflag:s17], $0x1000  }
0x4e: {  	s18 =	simm.s32 $0x0;
	s0 =	sand.u32 $0xFFFFFF80, s16;
	[sflag:s17] =	ssyncset.done $0x0  }
0x4f: {  	s15 =	simm.s32 $0x200;
	v9 =	vmov s0;
	s7 =	sand.u32 $0x1C, s18;
	[sflag:s17] =	ssyncadd.s32 $0xFFFFF000  }
0x50: {  	v9 =	vshll.u32 v9, $0x5;
	[tilespmem:s20], [sflag:$0x2] =	stream.indirect.gather [hbm4b:s4+s11], $0x20, s15, s11, $0xb8;
	[tilespmem:$0x16800] =	vst v63  }
0x51: {  	s19 =	simm.s32 $0x280;
	s21 =	simm.s32 $0xB400;
	v10 =	vor.u32 v0, v9;
	s9 =	sor.u32 $0x1, s7  }
0x52: {  	v11 =	vor.u32 s9, v10;
	[tilespmem:s21], [sflag:$0x2] =	stream.indirect.gather [hbm4b:s4+s11], $0x20, s19, s11, $0xb8;
	[tilespmem:$0x16800] =	vst v63  }
0x53: {  	s23 =	simm.s32 $0x300;
	s1 =	simm.s32 $0x380;
	s31 =	simm.s32 $0xC400  }
0x54: {  	[tilespmem:s31], [sflag:$0x2] =	stream.indirect.gather [hbm4b:s4+s11], $0x20, s23, s11, $0xb8;
	[tilespmem:$0x16800] =	vst v63  }
0x55: {  	v14 =	vor.u32 s7, v10;
	s2 =	simm.s32 $0xD400;
	s15 =	sor.u32 $0x3, s7;
	s23 =	sor.u32 $0x2, s7  }
0x56: {  	v15 =	vor.u32 s23, v10;
	[tilespmem:s2], [sflag:$0x2] =	stream.indirect.gather [hbm4b:s4+s11], $0x20, s1, s11, $0xb8;
	[tilespmem:$0x16800] =	vst v63  }
0x57: {  	v12 =	vor.u32 v8, v9;
	v10 =	vor.u32 s15, v10;
	v11 =	vld.idx.msk [tilespmem:v11+s25+$0x0], $0xffff  }
0x58: {  	s6 =	simm.s32 $0x0;
	v13 =	vor.u32 s9, v12  }
0x59: {  	s0 =	sand.u32 $0x3FFFF000, s6  }
0x5a: {  	s8 =	sadd.s32 $0xE400, s0;
	s10 =	sshll.u32 s9, $0x7;
	v14 =	vld.idx.msk [tilespmem:v14+s25+$0x0], $0xffff  }
0x5b: {  	s0 =	sadd.s32 s10, s8;
	v15 =	vld.idx.msk [tilespmem:v15+s25+$0x0], $0xffff  }
0x5c: {  	v17 =	vor.u32 s7, v12;
	v10 =	vld.idx.msk [tilespmem:v10+s25+$0x0], $0xffff;
	[tilespmem:s0+$0x0] =	vst v11  }
0x5d: {  	s12 =	sshll.u32 s7, $0x7;
	v18 =	vor.u32 s23, v12;
	v12 =	vor.u32 s15, v12;
	v11 =	vor.u32 v7, v9;
	v13 =	vld.idx.msk [tilespmem:v13+s25+$0x0], $0xffff  }
0x5e: {  	s14 =	sadd.s32 s12, s8;
	s6 =	sshll.u32 s23, $0x7;
	v16 =	vor.u32 s9, v11  }
0x5f: {  	s13 =	sshll.u32 s15, $0x7;
	s10 =	sadd.s32 s6, s8;
	[tilespmem:s14+$0x0] =	vst v14  }
0x60: {  	s1 =	sadd.s32 s13, s8;
	[tilespmem:s10+$0x0] =	vst v15  }
0x61: {  	v15 =	vld.idx.msk [tilespmem:v17+s25+$0x0], $0xffff;
	[tilespmem:s1+$0x0] =	vst v10  }
0x62: {  	s16 =	simm.s32 $0x10;
	v17 =	vor.u32 s7, v11;
	v12 =	vld.idx.msk [tilespmem:v12+s25+$0x0], $0xffff;
	[tilespmem:s0+$0x10] =	vst v13  }
0x63: {  	s2 =	sand.u32 $0xFFFFFF80, s16;
	v13 =	vor.u32 v6, v9;
	v14 =	vld.idx.msk [tilespmem:v16+s25+$0x0], $0xffff  }
0x64: {  	v10 =	vmov s2;
	v18 =	vld.idx.msk [tilespmem:v18+s25+$0x0], $0xffff;
	v16 =	vor.u32 s9, v13  }
0x65: {  	s18 =	simm.s32 $0x4;
	v19 =	vor.u32 s23, v11;
	v10 =	vshll.u32 v10, $0x5  }
0x66: {  	s13 =	sand.u32 $0x1C, s18;
	v11 =	vor.u32 s15, v11;
	v21 =	vor.u32 v0, v10;
	[tilespmem:s14+$0x10] =	vst v15  }
0x67: {  	s21 =	sor.u32 $0x1, s13;
	v22 =	vor.u32 s13, v21;
	v17 =	vld.idx.msk [tilespmem:v17+s25+$0x0], $0xffff;
	[tilespmem:s1+$0x10] =	vst v12  }
0x68: {  	v12 =	vor.u32 s21, v21;
	[tilespmem:s0+$0x20] =	vst v14  }
0x69: {  	[tilespmem:s10+$0x10] =	vst v18;
	v18 =	vor.u32 s7, v13;
	v14 =	vor.u32 v5, v9;
	v15 =	vld.idx.msk [tilespmem:v16+s25+$0x0], $0xffff  }
0x6a: {  	v19 =	vld.idx.msk [tilespmem:v19+s25+$0x0], $0xffff;
	v16 =	vor.u32 s9, v14  }
0x6b: {  	s16 =	sor.u32 $0x2, s13;
	v20 =	vor.u32 s23, v13;
	v11 =	vld.idx.msk [tilespmem:v11+s25+$0x0], $0xffff  }
0x6c: {  	v22 =	vld.idx.msk [tilespmem:v22+s25+$0x0], $0xffff;
	[tilespmem:s14+$0x20] =	vst v17;
	v17 =	vor.u32 s16, v21  }
0x6d: {  	v24 =	vor.u32 v8, v10;
	v13 =	vor.u32 s15, v13;
	v12 =	vld.idx.msk [tilespmem:v12+s25+$0x0], $0xffff  }
0x6e: {  	s19 =	simm.s32 $0x200;
	v25 =	vor.u32 s21, v24;
	v18 =	vld.idx.msk [tilespmem:v18+s25+$0x0], $0xffff;
	[tilespmem:s0+$0x30] =	vst v15  }
0x6f: {  	s2 =	sand.u32 $0x3FFFF000, s19;
	[tilespmem:s10+$0x20] =	vst v19;
	v19 =	vor.u32 s7, v14;
	v15 =	vor.u32 v4, v9;
	v16 =	vld.idx.msk [tilespmem:v16+s25+$0x0], $0xffff  }
0x70: {  	s12 =	sor.u32 $0x3, s13;
	s31 =	sshll.u32 s21, $0x7;
	s8 =	sadd.s32 $0xE400, s2;
	v20 =	vld.idx.msk [tilespmem:v20+s25+$0x0], $0xffff;
	v23 =	vor.u32 s9, v15  }
0x71: {  	s30 =	sadd.s32 s31, s8;
	v21 =	vor.u32 s12, v21;
	[tilespmem:s1+$0x20] =	vst v11;
	v17 =	vld.idx.msk [tilespmem:v17+s25+$0x0], $0xffff  }
0x72: {  	[tilespmem:s30+$0x0] =	vst v12;
	v12 =	vld.idx.msk [tilespmem:v13+s25+$0x0], $0xffff  }
0x73: {  	s6 =	sshll.u32 s13, $0x7;
	v26 =	vor.u32 s23, v14;
	v14 =	vor.u32 s15, v14;
	[tilespmem:s14+$0x30] =	vst v18;
	v25 =	vld.idx.msk [tilespmem:v25+s25+$0x0], $0xffff  }
0x74: {  	s2 =	sadd.s32 s6, s8;
	v11 =	vld.idx.msk [tilespmem:v19+s25+$0x0], $0xffff;
	v19 =	vor.u32 s13, v24;
	[tilespmem:s0+$0x40] =	vst v16  }
0x75: {  	v28 =	vor.u32 v7, v10;
	[tilespmem:s2+$0x0] =	vst v22;
	v18 =	vld.idx.msk [tilespmem:v23+s25+$0x0], $0xffff  }
0x76: {  	s18 =	sshll.u32 s16, $0x7;
	v22 =	vor.u32 s21, v28;
	v21 =	vld.idx.msk [tilespmem:v21+s25+$0x0], $0xffff;
	[tilespmem:s10+$0x30] =	vst v20  }
0x77: {  	s6 =	sadd.s32 s18, s8;
	v13 =	vor.u32 s16, v24;
	[tilespmem:s1+$0x30] =	vst v12  }
0x78: {  	v27 =	vor.u32 s7, v15;
	v16 =	vor.u32 v3, v9;
	[tilespmem:s6+$0x0] =	vst v17;
	v14 =	vld.idx.msk [tilespmem:v14+s25+$0x0], $0xffff  }
0x79: {  	s18 =	sshll.u32 s12, $0x7;
	v23 =	vor.u32 s9, v16;
	[tilespmem:s30+$0x10] =	vst v25;
	v17 =	vld.idx.msk [tilespmem:v19+s25+$0x0], $0xffff  }
0x7a: {  	s8 =	sadd.s32 s18, s8;
	v19 =	vor.u32 s12, v24;
	[tilespmem:s0+$0x50] =	vst v18;
	v18 =	vld.idx.msk [tilespmem:v26+s25+$0x0], $0xffff  }
0x7b: {  	[tilespmem:s8+$0x0] =	vst v21;
	v22 =	vld.idx.msk [tilespmem:v22+s25+$0x0], $0xffff;
	v26 =	vor.u32 s23, v15  }
0x7c: {  	v25 =	vor.u32 v6, v10;
	[tilespmem:s14+$0x40] =	vst v11;
	v11 =	vld.idx.msk [tilespmem:v13+s25+$0x0], $0xffff;
	v13 =	vor.u32 s13, v28  }
0x7d: {  	v21 =	vor.u32 s21, v25;
	v12 =	vld.idx.msk [tilespmem:v27+s25+$0x0], $0xffff;
	[tilespmem:s1+$0x40] =	vst v14  }
0x7e: {  	v15 =	vor.u32 s15, v15;
	v20 =	vld.idx.msk [tilespmem:v23+s25+$0x0], $0xffff;
	[tilespmem:s2+$0x10] =	vst v17  }
0x7f: {  	v23 =	vor.u32 s7, v16;
	v19 =	vld.idx.msk [tilespmem:v19+s25+$0x0], $0xffff;
	[tilespmem:s10+$0x40] =	vst v18  }
0x80: {  	v17 =	vor.u32 s16, v28;
	[tilespmem:s30+$0x20] =	vst v22;
	v18 =	vld.idx.msk [tilespmem:v26+s25+$0x0], $0xffff  }
0x81: {  	v24 =	vor.u32 s23, v16;
	[tilespmem:s6+$0x10] =	vst v11;
	v13 =	vld.idx.msk [tilespmem:v13+s25+$0x0], $0xffff  }
0x82: {  	v9 =	vor.u32 v2, v9;
	[tilespmem:s14+$0x50] =	vst v12;
	v12 =	vor.u32 s12, v28;
	v11 =	vld.idx.msk [tilespmem:v21+s25+$0x0], $0xffff  }
0x83: {  	s19 =	simm.s32 $0x20;
	v32 =	vor.u32 s9, v9;
	v14 =	vor.u32 s7, v9;
	v15 =	vld.idx.msk [tilespmem:v15+s25+$0x0], $0xffff  }
0x84: {  	v16 =	vor.u32 s15, v16;
	v22 =	vor.u32 s23, v9;
	s23 =	sand.u32 $0xFFFFFF80, s19;
	v23 =	vld.idx.msk [tilespmem:v23+s25+$0x0], $0xffff;
	[tilespmem:s8+$0x10] =	vst v19  }
0x85: {  	s7 =	simm.s32 $0x8;
	v26 =	vld.idx.msk [tilespmem:v17+s25+$0x0], $0xffff;
	v17 =	vmov s23;
	v19 =	vor.u32 s13, v25;
	[tilespmem:s10+$0x50] =	vst v18  }
0x86: {  	s23 =	sand.u32 $0x1C, s7;
	[tilespmem:s0+$0x60] =	vst v20;
	v27 =	vshll.u32 v17, $0x5;
	v18 =	vld.idx.msk [tilespmem:v24+s25+$0x0], $0xffff  }
0x87: {  	v12 =	vld.idx.msk [tilespmem:v12+s25+$0x0], $0xffff;
	s18 =	sor.u32 $0x1, s23;
	[tilespmem:s30+$0x30] =	vst v11;
	v28 =	vor.u32 v0, v27  }
0x88: {  	v49 =	vld.idx.msk [tilespmem:v32+s25+$0x0], $0xffff;
	v29 =	vor.u32 s18, v28;
	[tilespmem:s1+$0x50] =	vst v15;
	v24 =	vor.u32 v5, v10  }
0x89: {  	v34 =	vor.u32 v3, v10;
	[tilespmem:s2+$0x20] =	vst v13;
	v30 =	vld.idx.msk [tilespmem:v16+s25+$0x0], $0xffff;
	v21 =	vor.u32 s21, v24  }
0x8a: {  	v42 =	vor.u32 s21, v34;
	[tilespmem:s14+$0x60] =	vst v23;
	v23 =	vor.u32 s16, v25;
	v38 =	vld.idx.msk [tilespmem:v19+s25+$0x0], $0xffff  }
0x8b: {  	v37 =	vor.u32 v2, v10;
	v33 =	vor.u32 s15, v9;
	s31 =	sor.u32 $0x2, s23;
	v31 =	vor.u32 s23, v28;
	v15 =	vld.idx.msk [tilespmem:v14+s25+$0x0], $0xffff;
	[tilespmem:s10+$0x60] =	vst v18  }
0x8c: {  	v9 =	vor.u32 s13, v37;
	[tilespmem:s6+$0x20] =	vst v26;
	v26 =	vor.u32 s31, v28;
	v22 =	vld.idx.msk [tilespmem:v22+s25+$0x0], $0xffff  }
0x8d: {  	v13 =	vor.u32 s16, v34;
	v62 =	vor.u32 v7, v27;
	[tilespmem:s8+$0x20] =	vst v12;
	v36 =	vor.u32 s13, v24;
	v29 =	vld.idx.msk [tilespmem:v29+s25+$0x0], $0xffff  }
0x8e: {  	v11 =	vor.u32 s16, v37;
	v45 =	vor.u32 v6, v27;
	[tilespmem:s1+$0x60] =	vst v30;
	v18 =	vor.u32 v4, v10;
	v21 =	vld.idx.msk [tilespmem:v21+s25+$0x0], $0xffff  }
0x8f: {  	v51 =	vor.u32 v4, v27;
	v52 =	vor.u32 v3, v27;
	v23 =	vld.idx.msk [tilespmem:v23+s25+$0x0], $0xffff;
	[tilespmem:s2+$0x30] =	vst v38;
	v35 =	vor.u32 s21, v18  }
0x90: {  	v43 =	vor.u32 s18, v62;
	v25 =	vor.u32 s12, v25;
	v41 =	vld.idx.msk [tilespmem:v31+s25+$0x0], $0xffff;
	v30 =	vor.u32 v8, v27;
	[tilespmem:s14+$0x70] =	vst v15  }
0x91: {  	v14 =	vor.u32 s13, v34;
	v26 =	vld.idx.msk [tilespmem:v26+s25+$0x0], $0xffff;
	s14 =	simm.s32 $0x400;
	v17 =	vor.u32 s13, v18;
	s13 =	sor.u32 $0x3, s23;
	[tilespmem:s10+$0x70] =	vst v22;
	v22 =	vor.u32 s18, v30  }
0x92: {  	v39 =	vor.u32 s16, v24;
	v19 =	vor.u32 s12, v24;
	s9 =	sand.u32 $0x3FFFF000, s14;
	v44 =	vld.idx.msk [tilespmem:v36+s25+$0x0], $0xffff;
	v24 =	vor.u32 s13, v28  }
0x93: {  	s19 =	sshll.u32 s18, $0x7;
	v40 =	vor.u32 s23, v51;
	v63 =	vor.u32 s23, v30;
	v16 =	vor.u32 s16, v18;
	s16 =	sadd.s32 $0xE400, s9;
	[tilespmem:s30+$0x40] =	vst v21;
	v21 =	vld.idx.msk [tilespmem:v33+s25+$0x0], $0xffff  }
0x94: {  	v53 =	vor.u32 v2, v27;
	v32 =	vor.u32 s31, v52;
	v10 =	vor.u32 s21, v37;
	s21 =	sshll.u32 s23, $0x7;
	s14 =	sadd.s32 s19, s16;
	[tilespmem:s6+$0x30] =	vst v23;
	v28 =	vld.idx.msk [tilespmem:v35+s25+$0x0], $0xffff  }
0x95: {  	v20 =	vor.u32 s31, v53;
	v12 =	vor.u32 s12, v37;
	v50 =	vld.idx.msk [tilespmem:v25+s25+$0x0], $0xffff;
	v15 =	vor.u32 s12, v34;
	s9 =	sadd.s32 s21, s16;
	[tilespmem:s14+$0x0] =	vst v29  }
0x96: {  	v31 =	vor.u32 s23, v45;
	v47 =	vor.u32 s31, v30;
	v36 =	vor.u32 s23, v62;
	[tilespmem:s9+$0x0] =	vst v41;
	v25 =	vld.idx.msk [tilespmem:v22+s25+$0x0], $0xffff  }
0x97: {  	v54 =	vor.u32 s13, v30;
	v29 =	vor.u32 v5, v27;
	v41 =	vor.u32 s18, v45;
	[tilespmem:s2+$0x40] =	vst v44;
	v24 =	vld.idx.msk [tilespmem:v24+s25+$0x0], $0xffff  }
0x98: {  	v23 =	vor.u32 s23, v29;
	v46 =	vld.idx.msk [tilespmem:v63+s25+$0x0], $0xffff;
	v35 =	vor.u32 s23, v52;
	[tilespmem:s1+$0x70] =	vst v21;
	v22 =	vor.u32 s23, v53;
	s23 =	sshll.u32 s31, $0x7  }
0x99: {  	v38 =	vor.u32 s31, v62;
	v30 =	vor.u32 s31, v45;
	v33 =	vor.u32 s13, v45;
	v45 =	vld.idx.msk [tilespmem:v39+s25+$0x0], $0xffff;
	[tilespmem:s30+$0x50] =	vst v28;
	s1 =	sadd.s32 s23, s16  }
0x9a: {  	v37 =	vor.u32 s31, v51;
	v18 =	vor.u32 s12, v18;
	v27 =	vor.u32 s31, v29;
	s31 =	sshll.u32 s13, $0x7;
	v28 =	vld.idx.msk [tilespmem:v42+s25+$0x0], $0xffff;
	[tilespmem:s1+$0x0] =	vst v26  }
0x9b: {  	v34 =	vor.u32 s18, v29;
	v44 =	vor.u32 s13, v29;
	v39 =	vor.u32 s13, v51;
	s10 =	sadd.s32 s31, s16;
	v47 =	vld.idx.msk [tilespmem:v47+s25+$0x0], $0xffff;
	[tilespmem:s14+$0x10] =	vst v25  }
0x9c: {  	v29 =	vor.u32 s13, v52;
	v21 =	vor.u32 s18, v53;
	v26 =	vor.u32 s18, v51;
	[tilespmem:s10+$0x0] =	vst v24;
	v48 =	vld.idx.msk [tilespmem:v43+s25+$0x0], $0xffff  }
0x9d: {  	[tilespmem:s8+$0x30] =	vst v50;
	v42 =	vor.u32 s13, v62;
	v24 =	vor.u32 s13, v53;
	v25 =	vor.u32 s18, v52;
	v43 =	vld.idx.msk [tilespmem:v54+s25+$0x0], $0xffff  }
.LBB2_4:
0x9e: {  	s7 =	sadd.s32 $0x4, s7;
	v50 =	vld.idx.msk [tilespmem:v17+s25+$0x0], $0xffff;
	[tilespmem:s0+$0x70] =	vst v49;
	v17 =	vmov v40;
	s0 =	smov.u32 s30;
	s30 =	smov.u32 s14  }
0x9f: {  	s12 =	sand.u32 $0x1C, s7;
	s14 =	sshll.u32 s7, $0x2;
	s13 =	sshll.u32 s7, $0x7;
	[tilespmem:s9+$0x10] =	vst v46;
	v40 =	vld.idx.msk [tilespmem:v19+s25+$0x0], $0xffff;
	v19 =	vmov v44  }
0xa0: {  	s16 =	sand.u32 $0x3FFFF000, s13;
	s15 =	sshll.u32 s12, $0x7;
	s13 =	sor.u32 $0x3, s12;
	v36 =	vld.idx.msk [tilespmem:v36+s25+$0x0], $0xffff;
	[tilespmem:s1+$0x10] =	vst v47  }
0xa1: {  	s18 =	sor.u32 $0x1, s12;
	s16 =	sadd.s32 $0xE400, s16;
	s21 =	sshll.u32 s13, $0x7;
	[tilespmem:s30+$0x20] =	vst v48;
	v38 =	vld.idx.msk [tilespmem:v38+s25+$0x0], $0xffff  }
0xa2: {  	p0 =	slt.u32 s7, $0x7C;
	s19 =	sand.u32 $0xFFFFFF80, s14;
	s14 =	sshll.u32 s18, $0x7;
	v41 =	vld.idx.msk [tilespmem:v41+s25+$0x0], $0xffff;
	[tilespmem:s6+$0x40] =	vst v45  }
0xa3: {  	v44 =	vmov s19;
	[tilespmem:s10+$0x10] =	vst v43;
	v45 =	vld.idx.msk [tilespmem:v16+s25+$0x0], $0xffff;
	v16 =	vmov v37  }
0xa4: {  	v46 =	vshll.u32 v44, $0x5;
	v37 =	vld.idx.msk [tilespmem:v42+s25+$0x0], $0xffff;
	[tilespmem:s2+$0x50] =	vst v50  }
0xa5: {  	v44 =	vor.u32 v8, v46;
	v42 =	vor.u32 v0, v46;
	v47 =	vld.idx.msk [tilespmem:v14+s25+$0x0], $0xffff;
	[tilespmem:s8+$0x40] =	vst v40;
	v14 =	vmov v35  }
0xa6: {  	v43 =	vor.u32 s13, v44;
	v35 =	vor.u32 s18, v42;
	v48 =	vor.u32 s13, v42;
	[tilespmem:s9+$0x20] =	vst v36;
	v40 =	vld.idx.msk [tilespmem:v18+s25+$0x0], $0xffff;
	v18 =	vmovc v39  }
0xa7: {  	v50 =	vor.u32 s12, v44;
	v49 =	vor.u32 s18, v44;
	v39 =	vor.u32 s12, v42;
	v51 =	vld.idx.msk [tilespmem:v31+s25+$0x0], $0xffff;
	[tilespmem:s1+$0x20] =	vst v38  }
0xa8: {  	s19 =	sor.u32 $0x2, s12;
	v52 =	vor.u32 v6, v46;
	v31 =	vor.u32 v7, v46;
	[tilespmem:s30+$0x30] =	vst v41;
	v53 =	vld.idx.msk [tilespmem:v30+s25+$0x0], $0xffff  }
0xa9: {  	s23 =	sshll.u32 s19, $0x7;
	v56 =	vor.u32 s19, v44;
	v55 =	vor.u32 s19, v42;
	v54 =	vor.u32 s18, v31;
	v57 =	vld.idx.msk [tilespmem:v34+s25+$0x0], $0xffff;
	[tilespmem:s6+$0x50] =	vst v45  }
0xaa: {  	v36 =	vor.u32 s12, v31;
	v38 =	vor.u32 s19, v31;
	v30 =	vor.u32 s19, v52;
	[tilespmem:s10+$0x20] =	vst v37;
	v45 =	vld.idx.msk [tilespmem:v13+s25+$0x0], $0xffff;
	v13 =	vmovc v32  }
0xab: {  	v41 =	vor.u32 s18, v52;
	v42 =	vor.u32 s13, v31;
	v32 =	vor.u32 v5, v46;
	v58 =	vld.idx.msk [tilespmem:v35+s25+$0x0], $0xffff;
	[tilespmem:s2+$0x60] =	vst v47  }
0xac: {  	v31 =	vor.u32 s12, v52;
	v34 =	vor.u32 s18, v32;
	v47 =	vld.idx.msk [tilespmem:v39+s25+$0x0], $0xffff;
	v39 =	vor.u32 v4, v46;
	[tilespmem:s8+$0x50] =	vst v40  }
0xad: {  	v59 =	vor.u32 v3, v46;
	v52 =	vor.u32 s13, v52;
	v60 =	vor.u32 s18, v39;
	[tilespmem:s9+$0x30] =	vst v51;
	v51 =	vld.idx.msk [tilespmem:v15+s25+$0x0], $0xffff;
	v15 =	vmovc v29  }
0xae: {  	v62 =	vor.u32 s18, v59;
	v61 =	vor.u32 s12, v32;
	v40 =	vor.u32 s12, v39;
	[tilespmem:s1+$0x30] =	vst v53;
	v53 =	vld.idx.msk [tilespmem:v9+s25+$0x0], $0xffff;
	v9 =	vmovc v22  }
0xaf: {  	v63 =	vor.u32 s19, v32;
	v44 =	vor.u32 s13, v32;
	v37 =	vor.u32 s19, v39;
	v55 =	vld.idx.msk [tilespmem:v55+s25+$0x0], $0xffff;
	[tilespmem:s30+$0x40] =	vst v57  }
0xb0: {  	v35 =	vor.u32 s12, v59;
	v39 =	vor.u32 s13, v39;
	v29 =	vor.u32 s13, v59;
	v57 =	vld.idx.msk [tilespmem:v26+s25+$0x0], $0xffff;
	[tilespmem:s6+$0x60] =	vst v45;
	v26 =	vmovc v60  }
0xb1: {  	s14 =	sadd.s32 s14, s16;
	s21 =	sadd.s32 s21, s16;
	v32 =	vor.u32 s19, v59;
	v45 =	vor.u32 v2, v46;
	[tilespmem:s0+$0x60] =	vst v28;
	v46 =	vld.idx.msk [tilespmem:v11+s25+$0x0], $0xffff;
	v11 =	vmov v20  }
0xb2: {  	v22 =	vor.u32 s12, v45;
	v20 =	vor.u32 s19, v45;
	[tilespmem:s14+$0x0] =	vst v58;
	v58 =	vld.idx.msk [tilespmem:v23+s25+$0x0], $0xffff;
	v23 =	vmov v61  }
0xb3: {  	s12 =	sadd.s32 s15, s16;
	v59 =	vor.u32 s18, v45;
	s15 =	sadd.s32 s23, s16;
	v28 =	vor.u32 s13, v45;
	v60 =	vld.idx.msk [tilespmem:v33+s25+$0x0], $0xffff;
	[tilespmem:s8+$0x60] =	vst v51;
	v33 =	vmov v52  }
0xb4: {  	[tilespmem:s12+$0x0] =	vst v47;
	v45 =	vld.idx.msk [tilespmem:v49+s25+$0x0], $0xffff  }
0xb5: {  	v51 =	vld.idx.msk [tilespmem:v48+s25+$0x0], $0xffff;
	[tilespmem:s2+$0x70] =	vst v53;
	s2 =	smov.u32 s9;
	s9 =	smov.u32 s12  }
0xb6: {  	[tilespmem:s30+$0x50] =	vst v57;
	v52 =	vld.idx.msk [tilespmem:v12+s25+$0x0], $0xffff;
	v12 =	vmov v24;
	v24 =	vmov v28  }
0xb7: {  	v28 =	vld.idx.msk [tilespmem:v25+s25+$0x0], $0xffff;
	[tilespmem:s6+$0x70] =	vst v46;
	v25 =	vmov v62;
	s6 =	smov.u32 s1;
	s1 =	smov.u32 s15  }
0xb8: {  	[tilespmem:s1+$0x0] =	vst v55;
	v49 =	vld.idx.msk [tilespmem:v10+s25+$0x0], $0xffff;
	v10 =	vmov v21;
	v21 =	vmov v59  }
.Ltmp1:
0xb9: {  	v46 =	vld.idx.msk [tilespmem:v50+s25+$0x0], $0xffff;
	[tilespmem:s2+$0x40] =	vst v58;
	(pc) =	sbr.rel @p0 .LBB2_4-.Ltmp1, $4  }
0xba: {  	[tilespmem:s14+$0x10] =	vst v45;
	v47 =	vld.idx.msk [tilespmem:v56+s25+$0x0], $0xffff  }
0xbb: {  	v48 =	vld.idx.msk [tilespmem:v54+s25+$0x0], $0xffff;
	[tilespmem:s21+$0x0] =	vst v51  }
0xbc: {  	v45 =	vld.idx.msk [tilespmem:v27+s25+$0x0], $0xffff;
	[tilespmem:s8+$0x70] =	vst v52;
	v27 =	vmov v63;
	s8 =	smov.u32 s10;
	s10 =	smov.u32 s21  }
0xbd: {  	v43 =	vld.idx.msk [tilespmem:v43+s25+$0x0], $0xffff;
	[tilespmem:s8+$0x30] =	vst v60  }
0xbe: {  	_ =	sdelay $0x2  }
0xbf: {  	[tilespmem:s9+$0x10] =	vst v46  }
0xc0: {  	v17 =	vld.idx.msk [tilespmem:v17+s25+$0x0], $0xffff;
	[tilespmem:s30+$0x60] =	vst v28  }
0xc1: {  	v36 =	vld.idx.msk [tilespmem:v36+s25+$0x0], $0xffff;
	[tilespmem:s1+$0x10] =	vst v47  }
0xc2: {  	v38 =	vld.idx.msk [tilespmem:v38+s25+$0x0], $0xffff;
	[tilespmem:s14+$0x20] =	vst v48  }
0xc3: {  	v19 =	vld.idx.msk [tilespmem:v19+s25+$0x0], $0xffff;
	[tilespmem:s10+$0x10] =	vst v43  }
0xc4: {  	[tilespmem:s6+$0x40] =	vst v45;
	v42 =	vld.idx.msk [tilespmem:v42+s25+$0x0], $0xffff  }
0xc5: {  	v41 =	vld.idx.msk [tilespmem:v41+s25+$0x0], $0xffff;
	[tilespmem:s2+$0x50] =	vst v17  }
0xc6: {  	v16 =	vld.idx.msk [tilespmem:v16+s25+$0x0], $0xffff;
	[tilespmem:s9+$0x20] =	vst v36  }
0xc7: {  	v17 =	vld.idx.msk [tilespmem:v31+s25+$0x0], $0xffff;
	[tilespmem:s1+$0x20] =	vst v38  }
0xc8: {  	[tilespmem:s8+$0x40] =	vst v19;
	v30 =	vld.idx.msk [tilespmem:v30+s25+$0x0], $0xffff  }
0xc9: {  	v14 =	vld.idx.msk [tilespmem:v14+s25+$0x0], $0xffff;
	[tilespmem:s10+$0x20] =	vst v42  }
0xca: {  	[tilespmem:s14+$0x30] =	vst v41;
	v19 =	vld.idx.msk [tilespmem:v33+s25+$0x0], $0xffff  }
0xcb: {  	v18 =	vld.idx.msk [tilespmem:v18+s25+$0x0], $0xffff;
	[tilespmem:s6+$0x50] =	vst v16  }
0xcc: {  	v16 =	vld.idx.msk [tilespmem:v34+s25+$0x0], $0xffff;
	[tilespmem:s9+$0x30] =	vst v17  }
0xcd: {  	[tilespmem:s1+$0x30] =	vst v30;
	v17 =	vld.idx.msk [tilespmem:v23+s25+$0x0], $0xffff  }
0xce: {  	[tilespmem:s2+$0x60] =	vst v14;
	v23 =	vld.idx.msk [tilespmem:v27+s25+$0x0], $0xffff  }
0xcf: {  	v13 =	vld.idx.msk [tilespmem:v13+s25+$0x0], $0xffff;
	[tilespmem:s10+$0x30] =	vst v19  }
0xd0: {  	[tilespmem:s8+$0x50] =	vst v18;
	v14 =	vld.idx.msk [tilespmem:v44+s25+$0x0], $0xffff  }
0xd1: {  	v15 =	vld.idx.msk [tilespmem:v15+s25+$0x0], $0xffff;
	[tilespmem:s14+$0x40] =	vst v16  }
0xd2: {  	v9 =	vld.idx.msk [tilespmem:v9+s25+$0x0], $0xffff;
	[tilespmem:s9+$0x40] =	vst v17  }
0xd3: {  	v16 =	vld.idx.msk [tilespmem:v40+s25+$0x0], $0xffff;
	[tilespmem:s1+$0x40] =	vst v23  }
0xd4: {  	[tilespmem:s6+$0x60] =	vst v13;
	v17 =	vld.idx.msk [tilespmem:v37+s25+$0x0], $0xffff  }
0xd5: {  	[tilespmem:s10+$0x40] =	vst v14;
	v14 =	vld.idx.msk [tilespmem:v26+s25+$0x0], $0xffff  }
0xd6: {  	[tilespmem:s8+$0x60] =	vst v15;
	v13 =	vld.idx.msk [tilespmem:v39+s25+$0x0], $0xffff  }
0xd7: {  	v11 =	vld.idx.msk [tilespmem:v11+s25+$0x0], $0xffff;
	[tilespmem:s2+$0x70] =	vst v9  }
0xd8: {  	v12 =	vld.idx.msk [tilespmem:v12+s25+$0x0], $0xffff;
	[tilespmem:s9+$0x50] =	vst v16  }
0xd9: {  	v15 =	vld.idx.msk [tilespmem:v35+s25+$0x0], $0xffff;
	[tilespmem:s1+$0x50] =	vst v17  }
0xda: {  	v16 =	vld.idx.msk [tilespmem:v32+s25+$0x0], $0xffff;
	[tilespmem:s14+$0x50] =	vst v14  }
0xdb: {  	[tilespmem:s10+$0x50] =	vst v13;
	v9 =	vld.idx.msk [tilespmem:v25+s25+$0x0], $0xffff  }
0xdc: {  	[tilespmem:s6+$0x70] =	vst v11;
	v13 =	vld.idx.msk [tilespmem:v29+s25+$0x0], $0xffff  }
0xdd: {  	[tilespmem:s8+$0x70] =	vst v12  }
0xde: {  	v10 =	vld.idx.msk [tilespmem:v10+s25+$0x0], $0xffff;
	[tilespmem:s9+$0x60] =	vst v15  }
0xdf: {  	v11 =	vld.idx.msk [tilespmem:v22+s25+$0x0], $0xffff;
	[tilespmem:s1+$0x60] =	vst v16  }
0xe0: {  	v14 =	vld.idx.msk [tilespmem:v20+s25+$0x0], $0xffff;
	[tilespmem:s14+$0x60] =	vst v9  }
0xe1: {  	[tilespmem:s10+$0x60] =	vst v13;
	v12 =	vld.idx.msk [tilespmem:v21+s25+$0x0], $0xffff  }
0xe2: {  	[tilespmem:s0+$0x70] =	vst v49;
	v9 =	vld.idx.msk [tilespmem:v24+s25+$0x0], $0xffff  }
0xe3: {  	[tilespmem:s30+$0x70] =	vst v10  }
0xe4: {  	[tilespmem:s9+$0x70] =	vst v11  }
0xe5: {  	[tilespmem:s1+$0x70] =	vst v14  }
0xe6: {  	[tilespmem:s14+$0x70] =	vst v12  }
0xe7: {  	[tilespmem:s10+$0x70] =	vst v9  }
0xe8: {  	s21 =	simm.s32 $0xE400;
	s1 =	rddreg [dreg:$0x5]  }
0xe9: {  	[hbm4b:s1+s3] =	stream.linear.scatter [tilespmem:s21], [sflag:$0x3], $0x400, $0x38;
	[tilespmem:$0x16800] =	vst v63  }
0xea: {  	s31 =	simm.s32 $0xF400;
	s23 =	sadd.s32 $0x4000, s1  }
0xeb: {  	[hbm4b:s23+s3] =	stream.linear.scatter [tilespmem:s31], [sflag:$0x3], $0x400, $0x38;
	[tilespmem:$0x16800] =	vst v63  }
0xec: {  	s6 =	simm.s32 $0x10400;
	s2 =	sadd.s32 $0x8000, s1  }
0xed: {  	[hbm4b:s2+s3] =	stream.linear.scatter [tilespmem:s6], [sflag:$0x3], $0x400, $0x38;
	[tilespmem:$0x16800] =	vst v63  }
0xee: {  	s8 =	simm.s32 $0x11400;
	s7 =	sadd.s32 $0xC000, s1  }
0xef: {  	[hbm4b:s7+s3] =	stream.linear.scatter [tilespmem:s8], [sflag:$0x3], $0x400, $0x38;
	[tilespmem:$0x16800] =	vst v63  }
0xf0: {  	s10 =	simm.s32 $0xE800;
	s9 =	rddreg [dreg:$0xb]  }
0xf1: {  	[hbm4b:s9+s3] =	stream.linear.scatter [tilespmem:s10], [sflag:$0x3], $0x400, $0x38;
	[tilespmem:$0x16800] =	vst v63  }
0xf2: {  	s13 =	simm.s32 $0xF800;
	s12 =	sadd.s32 $0x4000, s9  }
0xf3: {  	[hbm4b:s12+s3] =	stream.linear.scatter [tilespmem:s13], [sflag:$0x3], $0x400, $0x38;
	[tilespmem:$0x16800] =	vst v63  }
0xf4: {  	s15 =	simm.s32 $0x10800;
	s14 =	sadd.s32 $0x8000, s9  }
0xf5: {  	[hbm4b:s14+s3] =	stream.linear.scatter [tilespmem:s15], [sflag:$0x3], $0x400, $0x38;
	[tilespmem:$0x16800] =	vst v63  }
0xf6: {  	s18 =	simm.s32 $0x11800;
	s16 =	sadd.s32 $0xC000, s9  }
0xf7: {  	[hbm4b:s16+s3] =	stream.linear.scatter [tilespmem:s18], [sflag:$0x3], $0x400, $0x38;
	[tilespmem:$0x16800] =	vst v63  }
0xf8: {  	s19 =	rddreg [dreg:$0xc];
	s21 =	simm.s32 $0xEC00  }
0xf9: {  	[hbm4b:s19+s3] =	stream.linear.scatter [tilespmem:s21], [sflag:$0x3], $0x400, $0x38;
	[tilespmem:$0x16800] =	vst v63  }
0xfa: {  	s23 =	sadd.s32 $0x4000, s19;
	s31 =	simm.s32 $0xFC00  }
0xfb: {  	[hbm4b:s23+s3] =	stream.linear.scatter [tilespmem:s31], [sflag:$0x3], $0x400, $0x38;
	[tilespmem:$0x16800] =	vst v63  }
0xfc: {  	s6 =	sadd.s32 $0x8000, s19;
	s7 =	simm.s32 $0x10C00  }
0xfd: {  	[hbm4b:s6+s3] =	stream.linear.scatter [tilespmem:s7], [sflag:$0x3], $0x400, $0x38;
	[tilespmem:$0x16800] =	vst v63  }
0xfe: {  	s8 =	sadd.s32 $0xC000, s19;
	s9 =	simm.s32 $0x11C00  }
0xff: {  	[hbm4b:s8+s3] =	stream.linear.scatter [tilespmem:s9], [sflag:$0x3], $0x400, $0x38;
	[tilespmem:$0x16800] =	vst v63  }
0x100: {  	s10 =	rddreg [dreg:$0xe];
	s12 =	simm.s32 $0xF000  }
0x101: {  	[hbm4b:s10+s3] =	stream.linear.scatter [tilespmem:s12], [sflag:$0x3], $0x400, $0x38;
	[tilespmem:$0x16800] =	vst v63  }
0x102: {  	s13 =	sadd.s32 $0x4000, s10;
	s14 =	simm.s32 $0x10000  }
0x103: {  	[hbm4b:s13+s3] =	stream.linear.scatter [tilespmem:s14], [sflag:$0x3], $0x400, $0x38;
	[tilespmem:$0x16800] =	vst v63  }
0x104: {  	s15 =	sadd.s32 $0x8000, s10;
	s16 =	simm.s32 $0x11000  }
0x105: {  	[hbm4b:s15+s3] =	stream.linear.scatter [tilespmem:s16], [sflag:$0x3], $0x400, $0x38;
	[tilespmem:$0x16800] =	vst v63  }
0x106: {  	s18 =	sadd.s32 $0xC000, s10;
	s19 =	simm.s32 $0x12000  }
0x107: {  	[hbm4b:s18+s3] =	stream.linear.scatter [tilespmem:s19], [sflag:$0x3], $0x400, $0x38;
	[tilespmem:$0x16800] =	vst v63  }
0x108: {  	_ =	swait.ge [sflag:s26], $0x1000  }
0x109: {  	[sflag:s26] =	ssyncset.done $0x0  }
0x10a: {  	[sflag:s26] =	ssyncadd.s32 $0xFFFFF000  }
0x10b: {  	_ =	swait.ge [sflag:s26], $0x1000  }
0x10c: {  	[sflag:s26] =	ssyncset.done $0x0  }
0x10d: {  	[sflag:s26] =	ssyncadd.s32 $0xFFFFF000  }
0x10e: {  	_ =	swait.ge [sflag:s26], $0x1000  }
0x10f: {  	[sflag:s26] =	ssyncset.done $0x0  }
0x110: {  	[sflag:s26] =	ssyncadd.s32 $0xFFFFF000  }
0x111: {  	_ =	swait.ge [sflag:s26], $0x1000  }
0x112: {  	s21 =	simm.s32 $0x0;
	[sflag:s26] =	ssyncset.done $0x0  }
0x113: {  	s0 =	sand.u32 $0xFFFFFF80, s21;
	[sflag:s26] =	ssyncadd.s32 $0xFFFFF000  }
0x114: {  	[tilespmem:s25], [sflag:$0x1] =	stream.indirect.gather [hbm4b:s4+s11], $0x20, s22, s11, $0xb8;
	[tilespmem:$0x16800] =	vst v63  }
0x115: {  	v9 =	vmov s0;
	s22 =	simm.s32 $0x0  }
0x116: {  	v9 =	vshll.u32 v9, $0x5;
	s8 =	sand.u32 $0x1C, s22  }
0x117: {  	s23 =	simm.s32 $0x7400;
	s31 =	simm.s32 $0x480;
	v10 =	vor.u32 v0, v9;
	s9 =	sor.u32 $0x1, s8  }
0x118: {  	[tilespmem:s23], [sflag:$0x1] =	stream.indirect.gather [hbm4b:s4+s11], $0x20, s31, s11, $0xb8;
	v11 =	vor.u32 s9, v10;
	[tilespmem:$0x16800] =	vst v63  }
0x119: {  	s1 =	simm.s32 $0x8400;
	s2 =	simm.s32 $0x500;
	s6 =	simm.s32 $0x9400  }
0x11a: {  	[tilespmem:s1], [sflag:$0x1] =	stream.indirect.gather [hbm4b:s4+s11], $0x20, s2, s11, $0xb8;
	[tilespmem:$0x16800] =	vst v63  }
0x11b: {  	s7 =	simm.s32 $0x580;
	v14 =	vor.u32 s8, v10;
	s23 =	sor.u32 $0x2, s8;
	s15 =	sor.u32 $0x3, s8  }
0x11c: {  	v15 =	vor.u32 s23, v10;
	[tilespmem:s6], [sflag:$0x1] =	stream.indirect.gather [hbm4b:s4+s11], $0x20, s7, s11, $0xb8;
	[tilespmem:$0x16800] =	vst v63  }
0x11d: {  	v12 =	vor.u32 v8, v9;
	v10 =	vor.u32 s15, v10;
	v11 =	vld.idx.msk [tilespmem:v11+s20+$0x0], $0xffff  }
0x11e: {  	s10 =	simm.s32 $0x0;
	v13 =	vor.u32 s9, v12  }
0x11f: {  	s0 =	sand.u32 $0x3FFFF000, s10  }
0x120: {  	s12 =	sadd.s32 $0x12400, s0;
	s13 =	sshll.u32 s9, $0x7;
	v14 =	vld.idx.msk [tilespmem:v14+s20+$0x0], $0xffff  }
0x121: {  	s0 =	sadd.s32 s13, s12;
	v15 =	vld.idx.msk [tilespmem:v15+s20+$0x0], $0xffff  }
0x122: {  	v17 =	vor.u32 s8, v12;
	v10 =	vld.idx.msk [tilespmem:v10+s20+$0x0], $0xffff;
	[tilespmem:s0+$0x0] =	vst v11  }
0x123: {  	s14 =	sshll.u32 s8, $0x7;
	v18 =	vor.u32 s23, v12;
	v12 =	vor.u32 s15, v12;
	v11 =	vor.u32 v7, v9;
	v13 =	vld.idx.msk [tilespmem:v13+s20+$0x0], $0xffff  }
0x124: {  	s16 =	sshll.u32 s23, $0x7;
	s14 =	sadd.s32 s14, s12;
	v16 =	vor.u32 s9, v11  }
0x125: {  	s18 =	sshll.u32 s15, $0x7;
	s10 =	sadd.s32 s16, s12;
	[tilespmem:s14+$0x0] =	vst v14  }
0x126: {  	s1 =	sadd.s32 s18, s12;
	[tilespmem:s10+$0x0] =	vst v15  }
0x127: {  	v15 =	vld.idx.msk [tilespmem:v17+s20+$0x0], $0xffff;
	[tilespmem:s1+$0x0] =	vst v10  }
0x128: {  	s19 =	simm.s32 $0x10;
	v17 =	vor.u32 s8, v11;
	v12 =	vld.idx.msk [tilespmem:v12+s20+$0x0], $0xffff;
	[tilespmem:s0+$0x10] =	vst v13  }
0x129: {  	s2 =	sand.u32 $0xFFFFFF80, s19;
	v13 =	vor.u32 v6, v9;
	v14 =	vld.idx.msk [tilespmem:v16+s20+$0x0], $0xffff  }
0x12a: {  	v10 =	vmov s2;
	v18 =	vld.idx.msk [tilespmem:v18+s20+$0x0], $0xffff;
	v16 =	vor.u32 s9, v13  }
0x12b: {  	s21 =	simm.s32 $0x4;
	v19 =	vor.u32 s23, v11;
	v10 =	vshll.u32 v10, $0x5  }
0x12c: {  	s13 =	sand.u32 $0x1C, s21;
	v11 =	vor.u32 s15, v11;
	v21 =	vor.u32 v0, v10;
	[tilespmem:s14+$0x10] =	vst v15  }
0x12d: {  	s21 =	sor.u32 $0x1, s13;
	v22 =	vor.u32 s13, v21;
	v17 =	vld.idx.msk [tilespmem:v17+s20+$0x0], $0xffff;
	[tilespmem:s1+$0x10] =	vst v12  }
0x12e: {  	v12 =	vor.u32 s21, v21;
	[tilespmem:s0+$0x20] =	vst v14  }
0x12f: {  	[tilespmem:s10+$0x10] =	vst v18;
	v18 =	vor.u32 s8, v13;
	v14 =	vor.u32 v5, v9;
	v15 =	vld.idx.msk [tilespmem:v16+s20+$0x0], $0xffff  }
0x130: {  	v19 =	vld.idx.msk [tilespmem:v19+s20+$0x0], $0xffff;
	v16 =	vor.u32 s9, v14  }
0x131: {  	s16 =	sor.u32 $0x2, s13;
	v20 =	vor.u32 s23, v13;
	v11 =	vld.idx.msk [tilespmem:v11+s20+$0x0], $0xffff  }
0x132: {  	v22 =	vld.idx.msk [tilespmem:v22+s20+$0x0], $0xffff;
	[tilespmem:s14+$0x20] =	vst v17;
	v17 =	vor.u32 s16, v21  }
0x133: {  	v24 =	vor.u32 v8, v10;
	v13 =	vor.u32 s15, v13;
	v12 =	vld.idx.msk [tilespmem:v12+s20+$0x0], $0xffff  }
0x134: {  	s22 =	simm.s32 $0x200;
	v25 =	vor.u32 s21, v24;
	v18 =	vld.idx.msk [tilespmem:v18+s20+$0x0], $0xffff;
	[tilespmem:s0+$0x30] =	vst v15  }
0x135: {  	s2 =	sand.u32 $0x3FFFF000, s22;
	[tilespmem:s10+$0x20] =	vst v19;
	v19 =	vor.u32 s8, v14;
	v15 =	vor.u32 v4, v9;
	v16 =	vld.idx.msk [tilespmem:v16+s20+$0x0], $0xffff  }
0x136: {  	s12 =	sor.u32 $0x3, s13;
	s31 =	sshll.u32 s21, $0x7;
	s2 =	sadd.s32 $0x12400, s2;
	v20 =	vld.idx.msk [tilespmem:v20+s20+$0x0], $0xffff;
	v23 =	vor.u32 s9, v15  }
0x137: {  	s30 =	sadd.s32 s31, s2;
	v21 =	vor.u32 s12, v21;
	[tilespmem:s1+$0x20] =	vst v11;
	v17 =	vld.idx.msk [tilespmem:v17+s20+$0x0], $0xffff  }
0x138: {  	[tilespmem:s30+$0x0] =	vst v12;
	v12 =	vld.idx.msk [tilespmem:v13+s20+$0x0], $0xffff  }
0x139: {  	s7 =	sshll.u32 s13, $0x7;
	v26 =	vor.u32 s23, v14;
	v14 =	vor.u32 s15, v14;
	[tilespmem:s14+$0x30] =	vst v18;
	v25 =	vld.idx.msk [tilespmem:v25+s20+$0x0], $0xffff  }
0x13a: {  	s7 =	sadd.s32 s7, s2;
	v11 =	vld.idx.msk [tilespmem:v19+s20+$0x0], $0xffff;
	v19 =	vor.u32 s13, v24;
	[tilespmem:s0+$0x40] =	vst v16  }
0x13b: {  	v28 =	vor.u32 v7, v10;
	[tilespmem:s7+$0x0] =	vst v22;
	v18 =	vld.idx.msk [tilespmem:v23+s20+$0x0], $0xffff  }
0x13c: {  	s18 =	sshll.u32 s16, $0x7;
	v22 =	vor.u32 s21, v28;
	v21 =	vld.idx.msk [tilespmem:v21+s20+$0x0], $0xffff;
	[tilespmem:s10+$0x30] =	vst v20  }
0x13d: {  	s6 =	sadd.s32 s18, s2;
	v13 =	vor.u32 s16, v24;
	[tilespmem:s1+$0x30] =	vst v12  }
0x13e: {  	v27 =	vor.u32 s8, v15;
	[tilespmem:s6+$0x0] =	vst v17;
	v14 =	vld.idx.msk [tilespmem:v14+s20+$0x0], $0xffff  }
0x13f: {  	s19 =	sshll.u32 s12, $0x7;
	[tilespmem:s30+$0x10] =	vst v25;
	v17 =	vld.idx.msk [tilespmem:v19+s20+$0x0], $0xffff;
	v19 =	vor.u32 s12, v24;
	v16 =	vor.u32 v3, v9  }
0x140: {  	s2 =	sadd.s32 s19, s2;
	v23 =	vor.u32 s9, v16;
	[tilespmem:s0+$0x50] =	vst v18;
	v18 =	vld.idx.msk [tilespmem:v26+s20+$0x0], $0xffff  }
0x141: {  	[tilespmem:s2+$0x0] =	vst v21;
	v22 =	vld.idx.msk [tilespmem:v22+s20+$0x0], $0xffff;
	v26 =	vor.u32 s23, v15  }
0x142: {  	v25 =	vor.u32 v6, v10;
	[tilespmem:s14+$0x40] =	vst v11;
	v11 =	vld.idx.msk [tilespmem:v13+s20+$0x0], $0xffff;
	v13 =	vor.u32 s13, v28  }
0x143: {  	v21 =	vor.u32 s21, v25;
	v12 =	vld.idx.msk [tilespmem:v27+s20+$0x0], $0xffff;
	[tilespmem:s1+$0x40] =	vst v14  }
0x144: {  	v19 =	vld.idx.msk [tilespmem:v19+s20+$0x0], $0xffff;
	[tilespmem:s7+$0x10] =	vst v17;
	v15 =	vor.u32 s15, v15  }
0x145: {  	v20 =	vld.idx.msk [tilespmem:v23+s20+$0x0], $0xffff;
	v23 =	vor.u32 s8, v16;
	[tilespmem:s10+$0x40] =	vst v18  }
0x146: {  	v17 =	vor.u32 s16, v28;
	[tilespmem:s30+$0x20] =	vst v22;
	v18 =	vld.idx.msk [tilespmem:v26+s20+$0x0], $0xffff  }
0x147: {  	v24 =	vor.u32 s23, v16;
	[tilespmem:s6+$0x10] =	vst v11;
	v13 =	vld.idx.msk [tilespmem:v13+s20+$0x0], $0xffff  }
0x148: {  	v9 =	vor.u32 v2, v9;
	[tilespmem:s14+$0x50] =	vst v12;
	v12 =	vor.u32 s12, v28;
	v11 =	vld.idx.msk [tilespmem:v21+s20+$0x0], $0xffff  }
0x149: {  	s22 =	simm.s32 $0x20;
	v32 =	vor.u32 s9, v9;
	v14 =	vor.u32 s8, v9;
	v15 =	vld.idx.msk [tilespmem:v15+s20+$0x0], $0xffff  }
0x14a: {  	v22 =	vor.u32 s23, v9;
	s23 =	sand.u32 $0xFFFFFF80, s22;
	[tilespmem:s2+$0x10] =	vst v19;
	v19 =	vor.u32 s13, v25;
	v23 =	vld.idx.msk [tilespmem:v23+s20+$0x0], $0xffff  }
0x14b: {  	v16 =	vor.u32 s15, v16;
	s8 =	simm.s32 $0x8;
	v26 =	vld.idx.msk [tilespmem:v17+s20+$0x0], $0xffff;
	v17 =	vmov s23;
	[tilespmem:s10+$0x50] =	vst v18  }
0x14c: {  	[tilespmem:s7+$0x20] =	vst v13;
	s23 =	sand.u32 $0x1C, s8;
	v27 =	vshll.u32 v17, $0x5;
	v18 =	vld.idx.msk [tilespmem:v24+s20+$0x0], $0xffff  }
0x14d: {  	v12 =	vld.idx.msk [tilespmem:v12+s20+$0x0], $0xffff;
	[tilespmem:s0+$0x60] =	vst v20;
	s18 =	sor.u32 $0x1, s23;
	v28 =	vor.u32 v0, v27  }
0x14e: {  	v46 =	vld.idx.msk [tilespmem:v32+s20+$0x0], $0xffff;
	v29 =	vor.u32 s18, v28;
	[tilespmem:s1+$0x50] =	vst v15;
	v24 =	vor.u32 v5, v10  }
0x14f: {  	v55 =	vld.idx.msk [tilespmem:v19+s20+$0x0], $0xffff;
	[tilespmem:s14+$0x60] =	vst v23;
	v21 =	vor.u32 s21, v24  }
0x150: {  	v31 =	vor.u32 v4, v10;
	s31 =	sor.u32 $0x2, s23;
	v23 =	vor.u32 s16, v25;
	v30 =	vld.idx.msk [tilespmem:v16+s20+$0x0], $0xffff;
	[tilespmem:s6+$0x20] =	vst v26  }
0x151: {  	v52 =	vor.u32 v3, v10;
	v53 =	vor.u32 s21, v31;
	v26 =	vor.u32 s31, v28;
	v14 =	vld.idx.msk [tilespmem:v14+s20+$0x0], $0xffff;
	[tilespmem:s10+$0x60] =	vst v18  }
0x152: {  	v56 =	vor.u32 s21, v52;
	v51 =	vor.u32 s15, v9;
	v25 =	vor.u32 s12, v25;
	v22 =	vld.idx.msk [tilespmem:v22+s20+$0x0], $0xffff  }
0x153: {  	[tilespmem:s30+$0x30] =	vst v11;
	v13 =	vor.u32 s16, v52;
	v57 =	vor.u32 v7, v27;
	v29 =	vld.idx.msk [tilespmem:v29+s20+$0x0], $0xffff;
	v18 =	vor.u32 s23, v28  }
0x154: {  	v17 =	vor.u32 s13, v31;
	v19 =	vor.u32 s13, v52;
	[tilespmem:s2+$0x20] =	vst v12;
	v60 =	vor.u32 s18, v57;
	v21 =	vld.idx.msk [tilespmem:v21+s20+$0x0], $0xffff  }
0x155: {  	v62 =	vor.u32 v6, v27;
	v36 =	vor.u32 s23, v57;
	v16 =	vor.u32 s16, v31;
	v23 =	vld.idx.msk [tilespmem:v23+s20+$0x0], $0xffff;
	[tilespmem:s1+$0x60] =	vst v30  }
0x156: {  	v10 =	vor.u32 v2, v10;
	v54 =	vor.u32 s13, v24;
	v30 =	vor.u32 v8, v27;
	v58 =	vld.idx.msk [tilespmem:v26+s20+$0x0], $0xffff;
	[tilespmem:s14+$0x70] =	vst v14  }
0x157: {  	v40 =	vor.u32 s16, v24;
	v11 =	vor.u32 s16, v10;
	s16 =	sor.u32 $0x3, s23;
	v50 =	vld.idx.msk [tilespmem:v25+s20+$0x0], $0xffff;
	s14 =	simm.s32 $0x400;
	[tilespmem:s10+$0x70] =	vst v22;
	v22 =	vor.u32 s18, v30  }
0x158: {  	v12 =	vor.u32 s12, v52;
	[tilespmem:s7+$0x30] =	vst v55;
	s9 =	sand.u32 $0x3FFFF000, s14;
	v38 =	vld.idx.msk [tilespmem:v18+s20+$0x0], $0xffff;
	v18 =	vor.u32 s12, v24;
	v24 =	vor.u32 s16, v28  }
0x159: {  	v52 =	vor.u32 v3, v27;
	v39 =	vor.u32 s31, v57;
	v9 =	vor.u32 s21, v10;
	s21 =	sshll.u32 s18, $0x7;
	s19 =	sadd.s32 $0x12400, s9;
	[tilespmem:s30+$0x40] =	vst v21;
	v21 =	vld.idx.msk [tilespmem:v51+s20+$0x0], $0xffff  }
0x15a: {  	v35 =	vor.u32 s23, v52;
	v33 =	vor.u32 s31, v52;
	v59 =	vor.u32 s23, v30;
	s14 =	sadd.s32 s21, s19;
	[tilespmem:s6+$0x30] =	vst v23;
	v28 =	vld.idx.msk [tilespmem:v53+s20+$0x0], $0xffff  }
0x15b: {  	s22 =	sshll.u32 s23, $0x7;
	v15 =	vor.u32 s13, v10;
	v10 =	vor.u32 s12, v10;
	v14 =	vor.u32 s12, v31;
	v61 =	vld.idx.msk [tilespmem:v54+s20+$0x0], $0xffff;
	[tilespmem:s14+$0x0] =	vst v29  }
0x15c: {  	v63 =	vor.u32 s31, v30;
	v31 =	vor.u32 s23, v62;
	s9 =	sadd.s32 s22, s19;
	v29 =	vor.u32 v5, v27;
	[tilespmem:s2+$0x30] =	vst v50;
	v25 =	vld.idx.msk [tilespmem:v22+s20+$0x0], $0xffff  }
0x15d: {  	v54 =	vor.u32 s16, v30;
	v51 =	vor.u32 v4, v27;
	v53 =	vor.u32 v2, v27;
	v24 =	vld.idx.msk [tilespmem:v24+s20+$0x0], $0xffff;
	[tilespmem:s9+$0x0] =	vst v38  }
0x15e: {  	v23 =	vor.u32 s23, v29;
	v47 =	vld.idx.msk [tilespmem:v40+s20+$0x0], $0xffff;
	v41 =	vor.u32 s23, v51;
	[tilespmem:s1+$0x70] =	vst v21;
	v22 =	vor.u32 s23, v53;
	s23 =	sshll.u32 s31, $0x7  }
0x15f: {  	v42 =	vor.u32 s16, v57;
	v34 =	vor.u32 s16, v62;
	v30 =	vor.u32 s31, v62;
	v48 =	vld.idx.msk [tilespmem:v59+s20+$0x0], $0xffff;
	[tilespmem:s30+$0x50] =	vst v28;
	s1 =	sadd.s32 s23, s19  }
0x160: {  	v37 =	vor.u32 s31, v51;
	v20 =	vor.u32 s31, v53;
	v28 =	vor.u32 s31, v29;
	s31 =	sshll.u32 s16, $0x7;
	v26 =	vld.idx.msk [tilespmem:v56+s20+$0x0], $0xffff;
	[tilespmem:s1+$0x0] =	vst v58  }
0x161: {  	v32 =	vor.u32 s18, v29;
	v44 =	vor.u32 s16, v29;
	v27 =	vor.u32 s18, v51;
	s10 =	sadd.s32 s31, s19;
	v49 =	vld.idx.msk [tilespmem:v63+s20+$0x0], $0xffff;
	[tilespmem:s14+$0x10] =	vst v25  }
0x162: {  	v40 =	vor.u32 s16, v51;
	v38 =	vor.u32 s18, v62;
	v21 =	vor.u32 s18, v53;
	[tilespmem:s10+$0x0] =	vst v24;
	v45 =	vld.idx.msk [tilespmem:v60+s20+$0x0], $0xffff  }
0x163: {  	[tilespmem:s7+$0x40] =	vst v61;
	v29 =	vor.u32 s16, v52;
	v24 =	vor.u32 s16, v53;
	v25 =	vor.u32 s18, v52;
	v43 =	vld.idx.msk [tilespmem:v54+s20+$0x0], $0xffff  }
.LBB2_6:
0x164: {  	s8 =	sadd.s32 $0x4, s8;
	v50 =	vld.idx.msk [tilespmem:v17+s20+$0x0], $0xffff;
	[tilespmem:s0+$0x70] =	vst v46;
	v17 =	vmov v41;
	s0 =	smov.u32 s30;
	s30 =	smov.u32 s14  }
0x165: {  	s12 =	sand.u32 $0x1C, s8;
	s14 =	sshll.u32 s8, $0x2;
	s13 =	sshll.u32 s8, $0x7;
	[tilespmem:s9+$0x10] =	vst v48;
	v41 =	vld.idx.msk [tilespmem:v18+s20+$0x0], $0xffff;
	v18 =	vmov v44  }
0x166: {  	s16 =	sand.u32 $0x3FFFF000, s13;
	s15 =	sshll.u32 s12, $0x7;
	s13 =	sor.u32 $0x3, s12;
	v36 =	vld.idx.msk [tilespmem:v36+s20+$0x0], $0xffff;
	[tilespmem:s1+$0x10] =	vst v49  }
0x167: {  	s18 =	sor.u32 $0x1, s12;
	s16 =	sadd.s32 $0x12400, s16;
	s21 =	sshll.u32 s13, $0x7;
	[tilespmem:s30+$0x20] =	vst v45;
	v39 =	vld.idx.msk [tilespmem:v39+s20+$0x0], $0xffff  }
0x168: {  	p0 =	slt.u32 s8, $0x7C;
	s19 =	sand.u32 $0xFFFFFF80, s14;
	s14 =	sshll.u32 s18, $0x7;
	v38 =	vld.idx.msk [tilespmem:v38+s20+$0x0], $0xffff;
	[tilespmem:s6+$0x40] =	vst v47  }
0x169: {  	v44 =	vmov s19;
	[tilespmem:s10+$0x10] =	vst v43;
	v45 =	vld.idx.msk [tilespmem:v16+s20+$0x0], $0xffff;
	v16 =	vmov v37  }
0x16a: {  	v46 =	vshll.u32 v44, $0x5;
	v37 =	vld.idx.msk [tilespmem:v42+s20+$0x0], $0xffff;
	[tilespmem:s7+$0x50] =	vst v50  }
0x16b: {  	v44 =	vor.u32 v8, v46;
	v42 =	vor.u32 v0, v46;
	v47 =	vld.idx.msk [tilespmem:v19+s20+$0x0], $0xffff;
	[tilespmem:s2+$0x40] =	vst v41;
	v19 =	vmov v35  }
0x16c: {  	v43 =	vor.u32 s13, v44;
	v35 =	vor.u32 s18, v42;
	v48 =	vor.u32 s13, v42;
	[tilespmem:s9+$0x20] =	vst v36;
	v41 =	vld.idx.msk [tilespmem:v14+s20+$0x0], $0xffff;
	v14 =	vmovc v40  }
0x16d: {  	v49 =	vor.u32 s12, v44;
	v50 =	vor.u32 s18, v44;
	v40 =	vor.u32 s12, v42;
	v51 =	vld.idx.msk [tilespmem:v31+s20+$0x0], $0xffff;
	[tilespmem:s1+$0x20] =	vst v39  }
0x16e: {  	s19 =	sor.u32 $0x2, s12;
	v52 =	vor.u32 v6, v46;
	v31 =	vor.u32 v7, v46;
	[tilespmem:s30+$0x30] =	vst v38;
	v53 =	vld.idx.msk [tilespmem:v30+s20+$0x0], $0xffff  }
0x16f: {  	s23 =	sshll.u32 s19, $0x7;
	v56 =	vor.u32 s19, v44;
	v55 =	vor.u32 s19, v42;
	v54 =	vor.u32 s18, v31;
	v57 =	vld.idx.msk [tilespmem:v32+s20+$0x0], $0xffff;
	[tilespmem:s6+$0x50] =	vst v45  }
0x170: {  	v36 =	vor.u32 s12, v31;
	v39 =	vor.u32 s19, v31;
	v30 =	vor.u32 s19, v52;
	[tilespmem:s10+$0x20] =	vst v37;
	v45 =	vld.idx.msk [tilespmem:v13+s20+$0x0], $0xffff;
	v13 =	vmovc v33  }
0x171: {  	v38 =	vor.u32 s18, v52;
	v42 =	vor.u32 s13, v31;
	v33 =	vor.u32 v5, v46;
	v58 =	vld.idx.msk [tilespmem:v35+s20+$0x0], $0xffff;
	[tilespmem:s7+$0x60] =	vst v47  }
0x172: {  	v31 =	vor.u32 s12, v52;
	v32 =	vor.u32 s18, v33;
	v47 =	vld.idx.msk [tilespmem:v40+s20+$0x0], $0xffff;
	v40 =	vor.u32 v4, v46;
	[tilespmem:s2+$0x50] =	vst v41  }
0x173: {  	v59 =	vor.u32 v3, v46;
	v52 =	vor.u32 s13, v52;
	v60 =	vor.u32 s18, v40;
	[tilespmem:s9+$0x30] =	vst v51;
	v51 =	vld.idx.msk [tilespmem:v12+s20+$0x0], $0xffff;
	v12 =	vmovc v29  }
0x174: {  	v62 =	vor.u32 s18, v59;
	v61 =	vor.u32 s12, v33;
	v41 =	vor.u32 s12, v40;
	[tilespmem:s1+$0x30] =	vst v53;
	v53 =	vld.idx.msk [tilespmem:v15+s20+$0x0], $0xffff;
	v15 =	vmovc v22  }
0x175: {  	v63 =	vor.u32 s19, v33;
	v44 =	vor.u32 s13, v33;
	v37 =	vor.u32 s19, v40;
	v55 =	vld.idx.msk [tilespmem:v55+s20+$0x0], $0xffff;
	[tilespmem:s30+$0x40] =	vst v57  }
0x176: {  	v35 =	vor.u32 s12, v59;
	v40 =	vor.u32 s13, v40;
	v29 =	vor.u32 s13, v59;
	v57 =	vld.idx.msk [tilespmem:v27+s20+$0x0], $0xffff;
	[tilespmem:s6+$0x60] =	vst v45;
	v27 =	vmovc v60  }
0x177: {  	s14 =	sadd.s32 s14, s16;
	s21 =	sadd.s32 s21, s16;
	v33 =	vor.u32 s19, v59;
	v45 =	vor.u32 v2, v46;
	[tilespmem:s0+$0x60] =	vst v26;
	v46 =	vld.idx.msk [tilespmem:v11+s20+$0x0], $0xffff;
	v11 =	vmov v20  }
0x178: {  	v22 =	vor.u32 s12, v45;
	v20 =	vor.u32 s19, v45;
	[tilespmem:s14+$0x0] =	vst v58;
	v58 =	vld.idx.msk [tilespmem:v23+s20+$0x0], $0xffff;
	v23 =	vmov v61  }
0x179: {  	s12 =	sadd.s32 s15, s16;
	v59 =	vor.u32 s18, v45;
	s15 =	sadd.s32 s23, s16;
	v26 =	vor.u32 s13, v45;
	v60 =	vld.idx.msk [tilespmem:v34+s20+$0x0], $0xffff;
	[tilespmem:s2+$0x60] =	vst v51;
	v34 =	vmov v52  }
0x17a: {  	[tilespmem:s12+$0x0] =	vst v47;
	v45 =	vld.idx.msk [tilespmem:v50+s20+$0x0], $0xffff  }
0x17b: {  	v47 =	vld.idx.msk [tilespmem:v48+s20+$0x0], $0xffff;
	[tilespmem:s7+$0x70] =	vst v53;
	s7 =	smov.u32 s9;
	s9 =	smov.u32 s12  }
0x17c: {  	[tilespmem:s30+$0x50] =	vst v57;
	v50 =	vld.idx.msk [tilespmem:v10+s20+$0x0], $0xffff;
	v10 =	vmov v24;
	v24 =	vmov v26  }
0x17d: {  	v26 =	vld.idx.msk [tilespmem:v25+s20+$0x0], $0xffff;
	[tilespmem:s6+$0x70] =	vst v46;
	v25 =	vmov v62;
	s6 =	smov.u32 s1;
	s1 =	smov.u32 s15  }
0x17e: {  	[tilespmem:s1+$0x0] =	vst v55;
	v46 =	vld.idx.msk [tilespmem:v9+s20+$0x0], $0xffff;
	v9 =	vmov v21;
	v21 =	vmov v59  }
.Ltmp2:
0x17f: {  	v48 =	vld.idx.msk [tilespmem:v49+s20+$0x0], $0xffff;
	[tilespmem:s7+$0x40] =	vst v58;
	(pc) =	sbr.rel @p0 .LBB2_6-.Ltmp2, $4  }
0x180: {  	[tilespmem:s14+$0x10] =	vst v45;
	v49 =	vld.idx.msk [tilespmem:v56+s20+$0x0], $0xffff  }
0x181: {  	v45 =	vld.idx.msk [tilespmem:v54+s20+$0x0], $0xffff;
	[tilespmem:s21+$0x0] =	vst v47  }
0x182: {  	v47 =	vld.idx.msk [tilespmem:v28+s20+$0x0], $0xffff;
	[tilespmem:s2+$0x70] =	vst v50;
	v28 =	vmov v63;
	s2 =	smov.u32 s10;
	s10 =	smov.u32 s21  }
0x183: {  	v43 =	vld.idx.msk [tilespmem:v43+s20+$0x0], $0xffff;
	[tilespmem:s2+$0x30] =	vst v60  }
0x184: {  	_ =	sdelay $0x3  }
0x185: {  	v17 =	vld.idx.msk [tilespmem:v17+s20+$0x0], $0xffff;
	[tilespmem:s9+$0x10] =	vst v48  }
0x186: {  	v63 =	vld.idx.msk [tilespmem:v36+s20+$0x0], $0xffff;
	[tilespmem:s1+$0x10] =	vst v49  }
0x187: {  	v48 =	vld.idx.msk [tilespmem:v39+s20+$0x0], $0xffff;
	[tilespmem:s14+$0x20] =	vst v45  }
0x188: {  	v18 =	vld.idx.msk [tilespmem:v18+s20+$0x0], $0xffff;
	[tilespmem:s6+$0x40] =	vst v47  }
0x189: {  	[tilespmem:s10+$0x10] =	vst v43;
	v16 =	vld.idx.msk [tilespmem:v16+s20+$0x0], $0xffff  }
0x18a: {  	[tilespmem:s7+$0x50] =	vst v17;
	v49 =	vld.idx.msk [tilespmem:v42+s20+$0x0], $0xffff  }
0x18b: {  	v53 =	vld.idx.msk [tilespmem:v38+s20+$0x0], $0xffff;
	[tilespmem:s9+$0x20] =	vst v63  }
0x18c: {  	v50 =	vld.idx.msk [tilespmem:v31+s20+$0x0], $0xffff;
	[tilespmem:s1+$0x20] =	vst v48  }
0x18d: {  	[tilespmem:s2+$0x40] =	vst v18;
	v51 =	vld.idx.msk [tilespmem:v30+s20+$0x0], $0xffff  }
0x18e: {  	v17 =	vld.idx.msk [tilespmem:v19+s20+$0x0], $0xffff;
	[tilespmem:s6+$0x50] =	vst v16  }
0x18f: {  	[tilespmem:s10+$0x20] =	vst v49;
	v13 =	vld.idx.msk [tilespmem:v13+s20+$0x0], $0xffff  }
0x190: {  	[tilespmem:s14+$0x30] =	vst v53;
	v52 =	vld.idx.msk [tilespmem:v34+s20+$0x0], $0xffff  }
0x191: {  	v14 =	vld.idx.msk [tilespmem:v14+s20+$0x0], $0xffff;
	[tilespmem:s9+$0x30] =	vst v50  }
0x192: {  	[tilespmem:s1+$0x30] =	vst v51;
	v54 =	vld.idx.msk [tilespmem:v23+s20+$0x0], $0xffff  }
0x193: {  	[tilespmem:s7+$0x60] =	vst v17;
	v55 =	vld.idx.msk [tilespmem:v28+s20+$0x0], $0xffff  }
0x194: {  	v57 =	vld.idx.msk [tilespmem:v32+s20+$0x0], $0xffff;
	[tilespmem:s6+$0x60] =	vst v13  }
0x195: {  	[tilespmem:s10+$0x30] =	vst v52;
	v11 =	vld.idx.msk [tilespmem:v11+s20+$0x0], $0xffff  }
0x196: {  	[tilespmem:s2+$0x50] =	vst v14;
	v56 =	vld.idx.msk [tilespmem:v44+s20+$0x0], $0xffff  }
0x197: {  	v15 =	vld.idx.msk [tilespmem:v15+s20+$0x0], $0xffff;
	[tilespmem:s9+$0x40] =	vst v54  }
0x198: {  	v58 =	vld.idx.msk [tilespmem:v41+s20+$0x0], $0xffff;
	[tilespmem:s1+$0x40] =	vst v55  }
0x199: {  	[tilespmem:s14+$0x40] =	vst v57;
	v59 =	vld.idx.msk [tilespmem:v37+s20+$0x0], $0xffff  }
0x19a: {  	v60 =	vld.idx.msk [tilespmem:v27+s20+$0x0], $0xffff;
	[tilespmem:s6+$0x70] =	vst v11  }
0x19b: {  	v11 =	vld.idx.msk [tilespmem:v12+s20+$0x0], $0xffff;
	[tilespmem:s10+$0x40] =	vst v56  }
0x19c: {  	[tilespmem:s7+$0x70] =	vst v15;
	v15 =	vld.idx.msk [tilespmem:v40+s20+$0x0], $0xffff  }
0x19d: {  	[tilespmem:s9+$0x50] =	vst v58  }
0x19e: {  	v61 =	vld.idx.msk [tilespmem:v35+s20+$0x0], $0xffff;
	[tilespmem:s1+$0x50] =	vst v59  }
0x19f: {  	[tilespmem:s14+$0x50] =	vst v60;
	v62 =	vld.idx.msk [tilespmem:v33+s20+$0x0], $0xffff  }
0x1a0: {  	[tilespmem:s2+$0x60] =	vst v11;
	v11 =	vld.idx.msk [tilespmem:v25+s20+$0x0], $0xffff  }
0x1a1: {  	v10 =	vld.idx.msk [tilespmem:v10+s20+$0x0], $0xffff;
	[tilespmem:s10+$0x50] =	vst v15  }
0x1a2: {  	[tilespmem:s30+$0x60] =	vst v26;
	v63 =	vld.idx.msk [tilespmem:v29+s20+$0x0], $0xffff  }
0x1a3: {  	[tilespmem:s9+$0x60] =	vst v61  }
0x1a4: {  	v9 =	vld.idx.msk [tilespmem:v9+s20+$0x0], $0xffff;
	[tilespmem:s1+$0x60] =	vst v62  }
0x1a5: {  	v12 =	vld.idx.msk [tilespmem:v22+s20+$0x0], $0xffff;
	[tilespmem:s14+$0x60] =	vst v11  }
0x1a6: {  	v13 =	vld.idx.msk [tilespmem:v20+s20+$0x0], $0xffff;
	[tilespmem:s2+$0x70] =	vst v10  }
0x1a7: {  	v10 =	vld.idx.msk [tilespmem:v21+s20+$0x0], $0xffff;
	[tilespmem:s10+$0x60] =	vst v63  }
0x1a8: {  	[tilespmem:s0+$0x70] =	vst v46;
	v11 =	vld.idx.msk [tilespmem:v24+s20+$0x0], $0xffff  }
0x1a9: {  	[tilespmem:s30+$0x70] =	vst v9  }
0x1aa: {  	[tilespmem:s9+$0x70] =	vst v12  }
0x1ab: {  	[tilespmem:s1+$0x70] =	vst v13  }
0x1ac: {  	[tilespmem:s14+$0x70] =	vst v10  }
0x1ad: {  	[tilespmem:s10+$0x70] =	vst v11  }
0x1ae: {  	s30 =	simm.s32 $0x0;
	s9 =	simm.s32 $0x12400;
	s1 =	rddreg [dreg:$0x11]  }
0x1af: {  	[hbm4b:s1+s30] =	stream.linear.scatter [tilespmem:s9], [sflag:$0x4], $0x400, $0x38;
	[tilespmem:$0x16800] =	vst v63  }
0x1b0: {  	s12 =	simm.s32 $0x13400;
	s10 =	sadd.s32 $0x4000, s1  }
0x1b1: {  	[hbm4b:s10+s30] =	stream.linear.scatter [tilespmem:s12], [sflag:$0x4], $0x400, $0x38;
	[tilespmem:$0x16800] =	vst v63  }
0x1b2: {  	s14 =	simm.s32 $0x14400;
	s13 =	sadd.s32 $0x8000, s1  }
0x1b3: {  	[hbm4b:s13+s30] =	stream.linear.scatter [tilespmem:s14], [sflag:$0x4], $0x400, $0x38;
	[tilespmem:$0x16800] =	vst v63  }
0x1b4: {  	s16 =	simm.s32 $0x15400;
	s15 =	sadd.s32 $0xC000, s1  }
0x1b5: {  	[hbm4b:s15+s30] =	stream.linear.scatter [tilespmem:s16], [sflag:$0x4], $0x400, $0x38;
	[tilespmem:$0x16800] =	vst v63  }
0x1b6: {  	s19 =	simm.s32 $0x12800;
	s18 =	rddreg [dreg:$0x12]  }
0x1b7: {  	[hbm4b:s18+s30] =	stream.linear.scatter [tilespmem:s19], [sflag:$0x4], $0x400, $0x38;
	[tilespmem:$0x16800] =	vst v63  }
0x1b8: {  	s22 =	simm.s32 $0x13800;
	s21 =	sadd.s32 $0x4000, s18  }
0x1b9: {  	[hbm4b:s21+s30] =	stream.linear.scatter [tilespmem:s22], [sflag:$0x4], $0x400, $0x38;
	[tilespmem:$0x16800] =	vst v63  }
0x1ba: {  	s31 =	simm.s32 $0x14800;
	s23 =	sadd.s32 $0x8000, s18  }
0x1bb: {  	[hbm4b:s23+s30] =	stream.linear.scatter [tilespmem:s31], [sflag:$0x4], $0x400, $0x38;
	[tilespmem:$0x16800] =	vst v63  }
0x1bc: {  	s2 =	simm.s32 $0x15800;
	s1 =	sadd.s32 $0xC000, s18  }
0x1bd: {  	[hbm4b:s1+s30] =	stream.linear.scatter [tilespmem:s2], [sflag:$0x4], $0x400, $0x38;
	[tilespmem:$0x16800] =	vst v63  }
0x1be: {  	s7 =	simm.s32 $0x12C00;
	s6 =	rddreg [dreg:$0x14]  }
0x1bf: {  	[hbm4b:s6+s30] =	stream.linear.scatter [tilespmem:s7], [sflag:$0x4], $0x400, $0x38;
	[tilespmem:$0x16800] =	vst v63  }
0x1c0: {  	s8 =	sadd.s32 $0x4000, s6;
	s9 =	simm.s32 $0x13C00  }
0x1c1: {  	[hbm4b:s8+s30] =	stream.linear.scatter [tilespmem:s9], [sflag:$0x4], $0x400, $0x38;
	[tilespmem:$0x16800] =	vst v63  }
0x1c2: {  	s10 =	sadd.s32 $0x8000, s6;
	s12 =	simm.s32 $0x14C00  }
0x1c3: {  	[hbm4b:s10+s30] =	stream.linear.scatter [tilespmem:s12], [sflag:$0x4], $0x400, $0x38;
	[tilespmem:$0x16800] =	vst v63  }
0x1c4: {  	s13 =	sadd.s32 $0xC000, s6;
	s14 =	simm.s32 $0x15C00  }
0x1c5: {  	[hbm4b:s13+s30] =	stream.linear.scatter [tilespmem:s14], [sflag:$0x4], $0x400, $0x38;
	[tilespmem:$0x16800] =	vst v63  }
0x1c6: {  	s15 =	rddreg [dreg:$0x17];
	s16 =	simm.s32 $0x13000  }
0x1c7: {  	[hbm4b:s15+s30] =	stream.linear.scatter [tilespmem:s16], [sflag:$0x4], $0x400, $0x38;
	[tilespmem:$0x16800] =	vst v63  }
0x1c8: {  	s18 =	sadd.s32 $0x4000, s15;
	s19 =	simm.s32 $0x14000  }
0x1c9: {  	[hbm4b:s18+s30] =	stream.linear.scatter [tilespmem:s19], [sflag:$0x4], $0x400, $0x38;
	[tilespmem:$0x16800] =	vst v63  }
0x1ca: {  	s21 =	sadd.s32 $0x8000, s15;
	s22 =	simm.s32 $0x15000  }
0x1cb: {  	[hbm4b:s21+s30] =	stream.linear.scatter [tilespmem:s22], [sflag:$0x4], $0x400, $0x38;
	[tilespmem:$0x16800] =	vst v63  }
0x1cc: {  	s23 =	sadd.s32 $0xC000, s15;
	s31 =	simm.s32 $0x16000  }
0x1cd: {  	[hbm4b:s23+s30] =	stream.linear.scatter [tilespmem:s31], [sflag:$0x4], $0x400, $0x38;
	[tilespmem:$0x16800] =	vst v63  }
.LBB2_8:
0x1ce: {  	_ =	swait.ge [sflag:s17], $0x1000  }
0x1cf: {  	[sflag:s17] =	ssyncset.done $0x0  }
0x1d0: {  	[sflag:s17] =	ssyncadd.s32 $0xFFFFF000  }
0x1d1: {  	_ =	swait.ge [sflag:s17], $0x1000  }
0x1d2: {  	[sflag:s17] =	ssyncset.done $0x0  }
0x1d3: {  	[sflag:s17] =	ssyncadd.s32 $0xFFFFF000  }
0x1d4: {  	_ =	swait.ge [sflag:s17], $0x1000  }
0x1d5: {  	[sflag:s17] =	ssyncset.done $0x0  }
0x1d6: {  	s31 =	sadd.s32 $0x1, s30;
	[sflag:s17] =	ssyncadd.s32 $0xFFFFF000  }
0x1d7: {  	s0 =	sshll.u32 s31, $0xA;
	_ =	swait.ge [sflag:s17], $0x1000  }
0x1d8: {  	s0 =	sand.u32 $0x3FFFFC00, s0;
	[sflag:s17] =	ssyncset.done $0x0  }
0x1d9: {  	s1 =	sor.u32 $0x200, s0;
	[sflag:s17] =	ssyncadd.s32 $0xFFFFF000  }
0x1da: {  	[tilespmem:s20], [sflag:$0x2] =	stream.indirect.gather [hbm4b:s4+s11], $0x20, s1, s11, $0xb8;
	[tilespmem:$0x16800] =	vst v63  }
0x1db: {  	s2 =	simm.s32 $0xB400;
	s10 =	sor.u32 $0x280, s0  }
0x1dc: {  	[tilespmem:s2], [sflag:$0x2] =	stream.indirect.gather [hbm4b:s4+s11], $0x20, s10, s11, $0xb8;
	[tilespmem:$0x16800] =	vst v63  }
0x1dd: {  	s13 =	simm.s32 $0xC400;
	s12 =	sor.u32 $0x300, s0  }
0x1de: {  	[tilespmem:s13], [sflag:$0x2] =	stream.indirect.gather [hbm4b:s4+s11], $0x20, s12, s11, $0xb8;
	[tilespmem:$0x16800] =	vst v63  }
0x1df: {  	s14 =	simm.s32 $0xD400;
	s0 =	sor.u32 $0x380, s0  }
0x1e0: {  	[tilespmem:s14], [sflag:$0x2] =	stream.indirect.gather [hbm4b:s4+s11], $0x20, s0, s11, $0xb8;
	[tilespmem:$0x16800] =	vst v63  }
0x1e1: {  	_ =	swait.ge [sflag:s28], $0x1000  }
0x1e2: {  	[sflag:s28] =	ssyncset.done $0x0  }
0x1e3: {  	s15 =	simm.s32 $0x0;
	[sflag:s28] =	ssyncadd.s32 $0xFFFFF000  }
0x1e4: {  	s0 =	sand.u32 $0xFFFFFF80, s15;
	_ =	swait.ge [sflag:s28], $0x1000  }
0x1e5: {  	s16 =	simm.s32 $0x0;
	v9 =	vmov s0;
	[sflag:s28] =	ssyncset.done $0x0  }
0x1e6: {  	s9 =	sand.u32 $0x1C, s16;
	v9 =	vshll.u32 v9, $0x5;
	[sflag:s28] =	ssyncadd.s32 $0xFFFFF000  }
0x1e7: {  	s10 =	sor.u32 $0x1, s9;
	v10 =	vor.u32 v0, v9;
	_ =	swait.ge [sflag:s28], $0x1000  }
0x1e8: {  	v11 =	vor.u32 s10, v10;
	[sflag:s28] =	ssyncset.done $0x0  }
0x1e9: {  	s18 =	simm.s32 $0x0;
	[sflag:s28] =	ssyncadd.s32 $0xFFFFF000  }
0x1ea: {  	s21 =	sshll.u32 s10, $0x7;
	s0 =	sand.u32 $0x3FFFF000, s18;
	_ =	swait.ge [sflag:s28], $0x1000  }
0x1eb: {  	s12 =	sor.u32 $0x2, s9;
	s19 =	sadd.s32 $0xE400, s0;
	v14 =	vor.u32 s9, v10;
	[sflag:s28] =	ssyncset.done $0x0  }
0x1ec: {  	s0 =	sadd.s32 s21, s19;
	s21 =	sor.u32 $0x3, s9;
	v15 =	vor.u32 s12, v10;
	[sflag:s28] =	ssyncadd.s32 $0xFFFFF000  }
0x1ed: {  	v12 =	vor.u32 v8, v9;
	v10 =	vor.u32 s21, v10;
	v11 =	vld.idx.msk [tilespmem:v11+s25+$0x0], $0xffff  }
0x1ee: {  	v13 =	vor.u32 s10, v12;
	_ =	sdelay $0x1  }
0x1ef: {  	v14 =	vld.idx.msk [tilespmem:v14+s25+$0x0], $0xffff  }
0x1f0: {  	v15 =	vld.idx.msk [tilespmem:v15+s25+$0x0], $0xffff  }
0x1f1: {  	v17 =	vor.u32 s9, v12;
	v10 =	vld.idx.msk [tilespmem:v10+s25+$0x0], $0xffff;
	[tilespmem:s0+$0x0] =	vst v11  }
0x1f2: {  	s22 =	sshll.u32 s9, $0x7;
	v18 =	vor.u32 s12, v12;
	v12 =	vor.u32 s21, v12;
	v11 =	vor.u32 v7, v9;
	v13 =	vld.idx.msk [tilespmem:v13+s25+$0x0], $0xffff  }
0x1f3: {  	s6 =	sshll.u32 s12, $0x7;
	s15 =	sadd.s32 s22, s19;
	v16 =	vor.u32 s10, v11  }
0x1f4: {  	s14 =	sadd.s32 s6, s19;
	s23 =	sshll.u32 s21, $0x7;
	[tilespmem:s15+$0x0] =	vst v14  }
0x1f5: {  	s1 =	sadd.s32 s23, s19;
	[tilespmem:s14+$0x0] =	vst v15  }
0x1f6: {  	[tilespmem:s1+$0x0] =	vst v10;
	v15 =	vld.idx.msk [tilespmem:v17+s25+$0x0], $0xffff  }
0x1f7: {  	s6 =	simm.s32 $0x10;
	v12 =	vld.idx.msk [tilespmem:v12+s25+$0x0], $0xffff;
	[tilespmem:s0+$0x10] =	vst v13  }
0x1f8: {  	s2 =	sand.u32 $0xFFFFFF80, s6;
	v17 =	vor.u32 s9, v11;
	v13 =	vor.u32 v6, v9;
	v14 =	vld.idx.msk [tilespmem:v16+s25+$0x0], $0xffff  }
0x1f9: {  	s7 =	simm.s32 $0x4;
	v10 =	vmov s2;
	v18 =	vld.idx.msk [tilespmem:v18+s25+$0x0], $0xffff;
	v16 =	vor.u32 s10, v13  }
0x1fa: {  	s16 =	sand.u32 $0x1C, s7;
	v19 =	vor.u32 s12, v11;
	v10 =	vshll.u32 v10, $0x5  }
0x1fb: {  	s23 =	sor.u32 $0x1, s16;
	v11 =	vor.u32 s21, v11;
	v21 =	vor.u32 v0, v10;
	[tilespmem:s15+$0x10] =	vst v15  }
0x1fc: {  	[tilespmem:s1+$0x10] =	vst v12;
	v12 =	vor.u32 s23, v21  }
0x1fd: {  	v22 =	vor.u32 s16, v21;
	v17 =	vld.idx.msk [tilespmem:v17+s25+$0x0], $0xffff;
	[tilespmem:s0+$0x20] =	vst v14  }
0x1fe: {  	[tilespmem:s14+$0x10] =	vst v18;
	v18 =	vor.u32 s9, v13;
	v14 =	vor.u32 v5, v9;
	v15 =	vld.idx.msk [tilespmem:v16+s25+$0x0], $0xffff  }
0x1ff: {  	v19 =	vld.idx.msk [tilespmem:v19+s25+$0x0], $0xffff;
	v16 =	vor.u32 s10, v14  }
0x200: {  	v20 =	vor.u32 s12, v13;
	v11 =	vld.idx.msk [tilespmem:v11+s25+$0x0], $0xffff  }
0x201: {  	s18 =	sor.u32 $0x2, s16;
	v13 =	vor.u32 s21, v13;
	v12 =	vld.idx.msk [tilespmem:v12+s25+$0x0], $0xffff  }
0x202: {  	s8 =	simm.s32 $0x200;
	v24 =	vor.u32 v8, v10;
	v22 =	vld.idx.msk [tilespmem:v22+s25+$0x0], $0xffff;
	[tilespmem:s15+$0x20] =	vst v17;
	v17 =	vor.u32 s18, v21  }
0x203: {  	s2 =	sand.u32 $0x3FFFF000, s8;
	v25 =	vor.u32 s23, v24;
	v18 =	vld.idx.msk [tilespmem:v18+s25+$0x0], $0xffff;
	[tilespmem:s0+$0x30] =	vst v15  }
0x204: {  	s19 =	sshll.u32 s23, $0x7;
	s7 =	sadd.s32 $0xE400, s2;
	[tilespmem:s14+$0x20] =	vst v19;
	v19 =	vor.u32 s9, v14;
	v15 =	vor.u32 v4, v9;
	v16 =	vld.idx.msk [tilespmem:v16+s25+$0x0], $0xffff  }
0x205: {  	s2 =	sadd.s32 s19, s7;
	[tilespmem:s1+$0x20] =	vst v11;
	v20 =	vld.idx.msk [tilespmem:v20+s25+$0x0], $0xffff;
	v23 =	vor.u32 s10, v15  }
0x206: {  	s13 =	sor.u32 $0x3, s16;
	[tilespmem:s2+$0x0] =	vst v12;
	v12 =	vld.idx.msk [tilespmem:v13+s25+$0x0], $0xffff  }
0x207: {  	v21 =	vor.u32 s13, v21;
	v17 =	vld.idx.msk [tilespmem:v17+s25+$0x0], $0xffff  }
0x208: {  	s6 =	sshll.u32 s16, $0x7;
	v26 =	vor.u32 s12, v14;
	v14 =	vor.u32 s21, v14;
	v25 =	vld.idx.msk [tilespmem:v25+s25+$0x0], $0xffff;
	[tilespmem:s15+$0x30] =	vst v18  }
0x209: {  	s6 =	sadd.s32 s6, s7;
	v11 =	vld.idx.msk [tilespmem:v19+s25+$0x0], $0xffff;
	v19 =	vor.u32 s16, v24;
	[tilespmem:s0+$0x40] =	vst v16  }
0x20a: {  	v28 =	vor.u32 v7, v10;
	[tilespmem:s6+$0x0] =	vst v22;
	v18 =	vld.idx.msk [tilespmem:v23+s25+$0x0], $0xffff  }
0x20b: {  	s8 =	sshll.u32 s18, $0x7;
	v22 =	vor.u32 s23, v28;
	[tilespmem:s14+$0x30] =	vst v20  }
0x20c: {  	s8 =	sadd.s32 s8, s7;
	v13 =	vor.u32 s18, v24;
	v21 =	vld.idx.msk [tilespmem:v21+s25+$0x0], $0xffff;
	[tilespmem:s1+$0x30] =	vst v12  }
0x20d: {  	v27 =	vor.u32 s9, v15;
	[tilespmem:s8+$0x0] =	vst v17;
	v14 =	vld.idx.msk [tilespmem:v14+s25+$0x0], $0xffff  }
0x20e: {  	[tilespmem:s2+$0x10] =	vst v25;
	v16 =	vor.u32 v3, v9;
	v17 =	vld.idx.msk [tilespmem:v19+s25+$0x0], $0xffff;
	v19 =	vor.u32 s13, v24  }
0x20f: {  	v23 =	vor.u32 s10, v16;
	[tilespmem:s0+$0x50] =	vst v18;
	v18 =	vld.idx.msk [tilespmem:v26+s25+$0x0], $0xffff  }
0x210: {  	s19 =	sshll.u32 s13, $0x7;
	v22 =	vld.idx.msk [tilespmem:v22+s25+$0x0], $0xffff;
	v26 =	vor.u32 s12, v15  }
0x211: {  	s7 =	sadd.s32 s19, s7;
	[tilespmem:s15+$0x40] =	vst v11;
	v11 =	vld.idx.msk [tilespmem:v13+s25+$0x0], $0xffff  }
0x212: {  	v25 =	vor.u32 v6, v10;
	[tilespmem:s7+$0x0] =	vst v21;
	v13 =	vor.u32 s16, v28;
	v12 =	vld.idx.msk [tilespmem:v27+s25+$0x0], $0xffff  }
0x213: {  	v21 =	vor.u32 s23, v25;
	[tilespmem:s1+$0x40] =	vst v14;
	v19 =	vld.idx.msk [tilespmem:v19+s25+$0x0], $0xffff  }
0x214: {  	v15 =	vor.u32 s21, v15;
	v20 =	vld.idx.msk [tilespmem:v23+s25+$0x0], $0xffff;
	[tilespmem:s14+$0x40] =	vst v18  }
0x215: {  	[tilespmem:s2+$0x20] =	vst v22;
	v23 =	vor.u32 s9, v16;
	v18 =	vld.idx.msk [tilespmem:v26+s25+$0x0], $0xffff  }
0x216: {  	v24 =	vor.u32 s12, v16;
	[tilespmem:s6+$0x10] =	vst v17  }
0x217: {  	v17 =	vor.u32 s18, v28;
	[tilespmem:s8+$0x10] =	vst v11;
	v13 =	vld.idx.msk [tilespmem:v13+s25+$0x0], $0xffff  }
0x218: {  	v9 =	vor.u32 v2, v9;
	v11 =	vld.idx.msk [tilespmem:v21+s25+$0x0], $0xffff;
	[tilespmem:s15+$0x50] =	vst v12;
	v12 =	vor.u32 s13, v28  }
0x219: {  	v32 =	vor.u32 s10, v9;
	[tilespmem:s7+$0x10] =	vst v19;
	v15 =	vld.idx.msk [tilespmem:v15+s25+$0x0], $0xffff  }
0x21a: {  	s22 =	simm.s32 $0x20;
	v19 =	vor.u32 s16, v25;
	v23 =	vld.idx.msk [tilespmem:v23+s25+$0x0], $0xffff;
	[tilespmem:s14+$0x50] =	vst v18  }
0x21b: {  	s19 =	sand.u32 $0xFFFFFF80, s22;
	v14 =	vor.u32 s9, v9;
	v16 =	vor.u32 s21, v16;
	v18 =	vld.idx.msk [tilespmem:v24+s25+$0x0], $0xffff  }
0x21c: {  	v22 =	vor.u32 s12, v9;
	s9 =	simm.s32 $0x8;
	[tilespmem:s6+$0x20] =	vst v13;
	v26 =	vld.idx.msk [tilespmem:v17+s25+$0x0], $0xffff;
	v17 =	vmov s19;
	v24 =	vor.u32 v5, v10  }
0x21d: {  	s22 =	sand.u32 $0x1C, s9;
	v12 =	vld.idx.msk [tilespmem:v12+s25+$0x0], $0xffff;
	[tilespmem:s0+$0x60] =	vst v20;
	v27 =	vshll.u32 v17, $0x5;
	v21 =	vor.u32 s23, v24  }
0x21e: {  	s12 =	sor.u32 $0x1, s22;
	v49 =	vld.idx.msk [tilespmem:v32+s25+$0x0], $0xffff;
	v28 =	vor.u32 v0, v27;
	[tilespmem:s1+$0x50] =	vst v15  }
0x21f: {  	v29 =	vor.u32 s12, v28;
	v38 =	vld.idx.msk [tilespmem:v19+s25+$0x0], $0xffff;
	[tilespmem:s15+$0x60] =	vst v23  }
0x220: {  	v34 =	vor.u32 v3, v10;
	v23 =	vor.u32 s18, v25;
	v30 =	vld.idx.msk [tilespmem:v16+s25+$0x0], $0xffff;
	[tilespmem:s14+$0x60] =	vst v18  }
0x221: {  	v37 =	vor.u32 v2, v10;
	v42 =	vor.u32 s23, v34;
	[tilespmem:s2+$0x30] =	vst v11;
	v31 =	vor.u32 s22, v28;
	v22 =	vld.idx.msk [tilespmem:v22+s25+$0x0], $0xffff  }
0x222: {  	v33 =	vor.u32 s21, v9;
	v9 =	vor.u32 s16, v37;
	v18 =	vor.u32 v4, v10;
	v21 =	vld.idx.msk [tilespmem:v21+s25+$0x0], $0xffff  }
0x223: {  	s21 =	sor.u32 $0x2, s22;
	v11 =	vor.u32 s18, v37;
	v13 =	vor.u32 s18, v34;
	[tilespmem:s7+$0x20] =	vst v12;
	v15 =	vld.idx.msk [tilespmem:v14+s25+$0x0], $0xffff;
	v35 =	vor.u32 s23, v18  }
0x224: {  	v62 =	vor.u32 v7, v27;
	v45 =	vor.u32 v6, v27;
	[tilespmem:s8+$0x20] =	vst v26;
	v26 =	vor.u32 s21, v28;
	v29 =	vld.idx.msk [tilespmem:v29+s25+$0x0], $0xffff  }
0x225: {  	v51 =	vor.u32 v4, v27;
	v25 =	vor.u32 s13, v25;
	v36 =	vor.u32 s16, v24;
	v23 =	vld.idx.msk [tilespmem:v23+s25+$0x0], $0xffff;
	[tilespmem:s1+$0x60] =	vst v30  }
0x226: {  	v39 =	vor.u32 s18, v24;
	v41 =	vld.idx.msk [tilespmem:v31+s25+$0x0], $0xffff;
	v30 =	vor.u32 v8, v27;
	v10 =	vor.u32 s23, v37;
	[tilespmem:s14+$0x70] =	vst v22  }
0x227: {  	v14 =	vor.u32 s16, v34;
	v17 =	vor.u32 s16, v18;
	s23 =	simm.s32 $0x400;
	s16 =	sor.u32 $0x3, s22;
	v22 =	vor.u32 s12, v30;
	[tilespmem:s2+$0x40] =	vst v21;
	v21 =	vld.idx.msk [tilespmem:v33+s25+$0x0], $0xffff  }
0x228: {  	v52 =	vor.u32 v3, v27;
	v19 =	vor.u32 s13, v24;
	[tilespmem:s6+$0x30] =	vst v38;
	s10 =	sand.u32 $0x3FFFF000, s23;
	v24 =	vor.u32 s16, v28;
	v28 =	vld.idx.msk [tilespmem:v35+s25+$0x0], $0xffff  }
0x229: {  	v53 =	vor.u32 v2, v27;
	v43 =	vor.u32 s12, v62;
	v40 =	vor.u32 s22, v51;
	v26 =	vld.idx.msk [tilespmem:v26+s25+$0x0], $0xffff;
	[tilespmem:s15+$0x70] =	vst v15;
	s15 =	sshll.u32 s12, $0x7;
	s14 =	sadd.s32 $0xE400, s10  }
0x22a: {  	v32 =	vor.u32 s21, v52;
	v20 =	vor.u32 s21, v53;
	v31 =	vor.u32 s22, v45;
	v44 =	vld.idx.msk [tilespmem:v36+s25+$0x0], $0xffff;
	[tilespmem:s8+$0x30] =	vst v23;
	s15 =	sadd.s32 s15, s14  }
0x22b: {  	v50 =	vld.idx.msk [tilespmem:v25+s25+$0x0], $0xffff;
	v63 =	vor.u32 s22, v30;
	v16 =	vor.u32 s18, v18;
	v36 =	vor.u32 s22, v62;
	[tilespmem:s15+$0x0] =	vst v29  }
0x22c: {  	v47 =	vor.u32 s21, v30;
	s18 =	sshll.u32 s22, $0x7;
	v54 =	vor.u32 s16, v30;
	v30 =	vor.u32 s21, v45;
	v25 =	vld.idx.msk [tilespmem:v22+s25+$0x0], $0xffff;
	[tilespmem:s1+$0x70] =	vst v21  }
0x22d: {  	v33 =	vor.u32 s16, v45;
	v24 =	vld.idx.msk [tilespmem:v24+s25+$0x0], $0xffff;
	v35 =	vor.u32 s22, v52;
	v29 =	vor.u32 v5, v27;
	s1 =	sadd.s32 s18, s14;
	[tilespmem:s2+$0x50] =	vst v28  }
0x22e: {  	v23 =	vor.u32 s22, v29;
	v22 =	vor.u32 s22, v53;
	s22 =	sshll.u32 s21, $0x7;
	[tilespmem:s1+$0x0] =	vst v41;
	v41 =	vor.u32 s12, v45;
	v45 =	vld.idx.msk [tilespmem:v39+s25+$0x0], $0xffff  }
0x22f: {  	v12 =	vor.u32 s13, v37;
	v38 =	vor.u32 s21, v62;
	v15 =	vor.u32 s13, v34;
	[tilespmem:s6+$0x40] =	vst v44;
	s10 =	sadd.s32 s22, s14;
	v28 =	vld.idx.msk [tilespmem:v42+s25+$0x0], $0xffff  }
0x230: {  	v37 =	vor.u32 s21, v51;
	v18 =	vor.u32 s13, v18;
	s23 =	sshll.u32 s16, $0x7;
	v27 =	vor.u32 s21, v29;
	[tilespmem:s10+$0x0] =	vst v26;
	v46 =	vld.idx.msk [tilespmem:v63+s25+$0x0], $0xffff  }
0x231: {  	v34 =	vor.u32 s12, v29;
	v44 =	vor.u32 s16, v29;
	v29 =	vor.u32 s16, v52;
	s14 =	sadd.s32 s23, s14;
	v47 =	vld.idx.msk [tilespmem:v47+s25+$0x0], $0xffff;
	[tilespmem:s15+$0x10] =	vst v25  }
0x232: {  	v21 =	vor.u32 s12, v53;
	v39 =	vor.u32 s16, v51;
	v26 =	vor.u32 s12, v51;
	[tilespmem:s14+$0x0] =	vst v24;
	v48 =	vld.idx.msk [tilespmem:v43+s25+$0x0], $0xffff  }
0x233: {  	[tilespmem:s7+$0x30] =	vst v50;
	v42 =	vor.u32 s16, v62;
	v24 =	vor.u32 s16, v53;
	v25 =	vor.u32 s12, v52;
	v43 =	vld.idx.msk [tilespmem:v54+s25+$0x0], $0xffff  }
.LBB2_9:
0x234: {  	s9 =	sadd.s32 $0x4, s9;
	v50 =	vld.idx.msk [tilespmem:v17+s25+$0x0], $0xffff;
	[tilespmem:s0+$0x70] =	vst v49;
	v17 =	vmov v40;
	s0 =	smov.u32 s2;
	s2 =	smov.u32 s15  }
0x235: {  	s12 =	sand.u32 $0x1C, s9;
	s15 =	sshll.u32 s9, $0x2;
	s13 =	sshll.u32 s9, $0x7;
	[tilespmem:s1+$0x10] =	vst v46;
	v40 =	vld.idx.msk [tilespmem:v19+s25+$0x0], $0xffff;
	v19 =	vmov v44  }
0x236: {  	s18 =	sand.u32 $0x3FFFF000, s13;
	s16 =	sshll.u32 s12, $0x7;
	s13 =	sor.u32 $0x3, s12;
	v36 =	vld.idx.msk [tilespmem:v36+s25+$0x0], $0xffff;
	[tilespmem:s10+$0x10] =	vst v47  }
0x237: {  	s21 =	sor.u32 $0x1, s12;
	s18 =	sadd.s32 $0xE400, s18;
	s23 =	sshll.u32 s13, $0x7;
	[tilespmem:s2+$0x20] =	vst v48;
	v38 =	vld.idx.msk [tilespmem:v38+s25+$0x0], $0xffff  }
0x238: {  	p0 =	slt.u32 s9, $0x7C;
	s19 =	sand.u32 $0xFFFFFF80, s15;
	s15 =	sshll.u32 s21, $0x7;
	v41 =	vld.idx.msk [tilespmem:v41+s25+$0x0], $0xffff;
	[tilespmem:s8+$0x40] =	vst v45  }
0x239: {  	v44 =	vmov s19;
	[tilespmem:s14+$0x10] =	vst v43;
	v45 =	vld.idx.msk [tilespmem:v16+s25+$0x0], $0xffff;
	v16 =	vmov v37  }
0x23a: {  	v46 =	vshll.u32 v44, $0x5;
	v37 =	vld.idx.msk [tilespmem:v42+s25+$0x0], $0xffff;
	[tilespmem:s6+$0x50] =	vst v50  }
0x23b: {  	v44 =	vor.u32 v8, v46;
	v42 =	vor.u32 v0, v46;
	v47 =	vld.idx.msk [tilespmem:v14+s25+$0x0], $0xffff;
	[tilespmem:s7+$0x40] =	vst v40;
	v14 =	vmov v35  }
0x23c: {  	v43 =	vor.u32 s13, v44;
	v35 =	vor.u32 s21, v42;
	v48 =	vor.u32 s13, v42;
	[tilespmem:s1+$0x20] =	vst v36;
	v40 =	vld.idx.msk [tilespmem:v18+s25+$0x0], $0xffff;
	v18 =	vmovc v39  }
0x23d: {  	v50 =	vor.u32 s12, v44;
	v49 =	vor.u32 s21, v44;
	v39 =	vor.u32 s12, v42;
	v51 =	vld.idx.msk [tilespmem:v31+s25+$0x0], $0xffff;
	[tilespmem:s10+$0x20] =	vst v38  }
0x23e: {  	s19 =	sor.u32 $0x2, s12;
	v52 =	vor.u32 v6, v46;
	v31 =	vor.u32 v7, v46;
	[tilespmem:s2+$0x30] =	vst v41;
	v53 =	vld.idx.msk [tilespmem:v30+s25+$0x0], $0xffff  }
0x23f: {  	s22 =	sshll.u32 s19, $0x7;
	v56 =	vor.u32 s19, v44;
	v55 =	vor.u32 s19, v42;
	v54 =	vor.u32 s21, v31;
	v57 =	vld.idx.msk [tilespmem:v34+s25+$0x0], $0xffff;
	[tilespmem:s8+$0x50] =	vst v45  }
0x240: {  	v36 =	vor.u32 s12, v31;
	v38 =	vor.u32 s19, v31;
	v30 =	vor.u32 s19, v52;
	[tilespmem:s14+$0x20] =	vst v37;
	v45 =	vld.idx.msk [tilespmem:v13+s25+$0x0], $0xffff;
	v13 =	vmovc v32  }
0x241: {  	v41 =	vor.u32 s21, v52;
	v42 =	vor.u32 s13, v31;
	v32 =	vor.u32 v5, v46;
	v58 =	vld.idx.msk [tilespmem:v35+s25+$0x0], $0xffff;
	[tilespmem:s6+$0x60] =	vst v47  }
0x242: {  	v31 =	vor.u32 s12, v52;
	v34 =	vor.u32 s21, v32;
	v47 =	vld.idx.msk [tilespmem:v39+s25+$0x0], $0xffff;
	v39 =	vor.u32 v4, v46;
	[tilespmem:s7+$0x50] =	vst v40  }
0x243: {  	v59 =	vor.u32 v3, v46;
	v52 =	vor.u32 s13, v52;
	v60 =	vor.u32 s21, v39;
	[tilespmem:s1+$0x30] =	vst v51;
	v51 =	vld.idx.msk [tilespmem:v15+s25+$0x0], $0xffff;
	v15 =	vmovc v29  }
0x244: {  	v62 =	vor.u32 s21, v59;
	v61 =	vor.u32 s12, v32;
	v40 =	vor.u32 s12, v39;
	[tilespmem:s10+$0x30] =	vst v53;
	v53 =	vld.idx.msk [tilespmem:v9+s25+$0x0], $0xffff;
	v9 =	vmovc v22  }
0x245: {  	v63 =	vor.u32 s19, v32;
	v44 =	vor.u32 s13, v32;
	v37 =	vor.u32 s19, v39;
	v55 =	vld.idx.msk [tilespmem:v55+s25+$0x0], $0xffff;
	[tilespmem:s2+$0x40] =	vst v57  }
0x246: {  	v35 =	vor.u32 s12, v59;
	v39 =	vor.u32 s13, v39;
	v29 =	vor.u32 s13, v59;
	v57 =	vld.idx.msk [tilespmem:v26+s25+$0x0], $0xffff;
	[tilespmem:s8+$0x60] =	vst v45;
	v26 =	vmovc v60  }
0x247: {  	s15 =	sadd.s32 s15, s18;
	s23 =	sadd.s32 s23, s18;
	v32 =	vor.u32 s19, v59;
	v45 =	vor.u32 v2, v46;
	[tilespmem:s0+$0x60] =	vst v28;
	v46 =	vld.idx.msk [tilespmem:v11+s25+$0x0], $0xffff;
	v11 =	vmov v20  }
0x248: {  	v22 =	vor.u32 s12, v45;
	v20 =	vor.u32 s19, v45;
	[tilespmem:s15+$0x0] =	vst v58;
	v58 =	vld.idx.msk [tilespmem:v23+s25+$0x0], $0xffff;
	v23 =	vmov v61  }
0x249: {  	s12 =	sadd.s32 s16, s18;
	v59 =	vor.u32 s21, v45;
	s16 =	sadd.s32 s22, s18;
	v28 =	vor.u32 s13, v45;
	v60 =	vld.idx.msk [tilespmem:v33+s25+$0x0], $0xffff;
	[tilespmem:s7+$0x60] =	vst v51;
	v33 =	vmov v52  }
0x24a: {  	[tilespmem:s12+$0x0] =	vst v47;
	v45 =	vld.idx.msk [tilespmem:v49+s25+$0x0], $0xffff  }
0x24b: {  	v51 =	vld.idx.msk [tilespmem:v48+s25+$0x0], $0xffff;
	[tilespmem:s6+$0x70] =	vst v53;
	s6 =	smov.u32 s1;
	s1 =	smov.u32 s12  }
0x24c: {  	[tilespmem:s2+$0x50] =	vst v57;
	v52 =	vld.idx.msk [tilespmem:v12+s25+$0x0], $0xffff;
	v12 =	vmov v24;
	v24 =	vmov v28  }
0x24d: {  	v28 =	vld.idx.msk [tilespmem:v25+s25+$0x0], $0xffff;
	[tilespmem:s8+$0x70] =	vst v46;
	v25 =	vmov v62;
	s8 =	smov.u32 s10;
	s10 =	smov.u32 s16  }
0x24e: {  	[tilespmem:s10+$0x0] =	vst v55;
	v49 =	vld.idx.msk [tilespmem:v10+s25+$0x0], $0xffff;
	v10 =	vmov v21;
	v21 =	vmov v59  }
.Ltmp3:
0x24f: {  	v46 =	vld.idx.msk [tilespmem:v50+s25+$0x0], $0xffff;
	[tilespmem:s6+$0x40] =	vst v58;
	(pc) =	sbr.rel @p0 .LBB2_9-.Ltmp3, $4  }
0x250: {  	[tilespmem:s15+$0x10] =	vst v45;
	v47 =	vld.idx.msk [tilespmem:v56+s25+$0x0], $0xffff  }
0x251: {  	v48 =	vld.idx.msk [tilespmem:v54+s25+$0x0], $0xffff;
	[tilespmem:s23+$0x0] =	vst v51  }
0x252: {  	v45 =	vld.idx.msk [tilespmem:v27+s25+$0x0], $0xffff;
	[tilespmem:s7+$0x70] =	vst v52;
	v27 =	vmov v63;
	s7 =	smov.u32 s14;
	s14 =	smov.u32 s23  }
0x253: {  	v43 =	vld.idx.msk [tilespmem:v43+s25+$0x0], $0xffff;
	[tilespmem:s7+$0x30] =	vst v60  }
0x254: {  	_ =	sdelay $0x2  }
0x255: {  	[tilespmem:s1+$0x10] =	vst v46  }
0x256: {  	v17 =	vld.idx.msk [tilespmem:v17+s25+$0x0], $0xffff;
	[tilespmem:s2+$0x60] =	vst v28  }
0x257: {  	v36 =	vld.idx.msk [tilespmem:v36+s25+$0x0], $0xffff;
	[tilespmem:s10+$0x10] =	vst v47  }
0x258: {  	v38 =	vld.idx.msk [tilespmem:v38+s25+$0x0], $0xffff;
	[tilespmem:s15+$0x20] =	vst v48  }
0x259: {  	v19 =	vld.idx.msk [tilespmem:v19+s25+$0x0], $0xffff;
	[tilespmem:s14+$0x10] =	vst v43  }
0x25a: {  	[tilespmem:s8+$0x40] =	vst v45;
	v42 =	vld.idx.msk [tilespmem:v42+s25+$0x0], $0xffff  }
0x25b: {  	v41 =	vld.idx.msk [tilespmem:v41+s25+$0x0], $0xffff;
	[tilespmem:s6+$0x50] =	vst v17  }
0x25c: {  	v16 =	vld.idx.msk [tilespmem:v16+s25+$0x0], $0xffff;
	[tilespmem:s1+$0x20] =	vst v36  }
0x25d: {  	v17 =	vld.idx.msk [tilespmem:v31+s25+$0x0], $0xffff;
	[tilespmem:s10+$0x20] =	vst v38  }
0x25e: {  	[tilespmem:s7+$0x40] =	vst v19;
	v30 =	vld.idx.msk [tilespmem:v30+s25+$0x0], $0xffff  }
0x25f: {  	v14 =	vld.idx.msk [tilespmem:v14+s25+$0x0], $0xffff;
	[tilespmem:s14+$0x20] =	vst v42  }
0x260: {  	[tilespmem:s15+$0x30] =	vst v41;
	v19 =	vld.idx.msk [tilespmem:v33+s25+$0x0], $0xffff  }
0x261: {  	v18 =	vld.idx.msk [tilespmem:v18+s25+$0x0], $0xffff;
	[tilespmem:s8+$0x50] =	vst v16  }
0x262: {  	v16 =	vld.idx.msk [tilespmem:v34+s25+$0x0], $0xffff;
	[tilespmem:s1+$0x30] =	vst v17  }
0x263: {  	[tilespmem:s10+$0x30] =	vst v30;
	v17 =	vld.idx.msk [tilespmem:v23+s25+$0x0], $0xffff  }
0x264: {  	[tilespmem:s6+$0x60] =	vst v14;
	v23 =	vld.idx.msk [tilespmem:v27+s25+$0x0], $0xffff  }
0x265: {  	v13 =	vld.idx.msk [tilespmem:v13+s25+$0x0], $0xffff;
	[tilespmem:s14+$0x30] =	vst v19  }
0x266: {  	[tilespmem:s7+$0x50] =	vst v18;
	v14 =	vld.idx.msk [tilespmem:v44+s25+$0x0], $0xffff  }
0x267: {  	v15 =	vld.idx.msk [tilespmem:v15+s25+$0x0], $0xffff;
	[tilespmem:s15+$0x40] =	vst v16  }
0x268: {  	v9 =	vld.idx.msk [tilespmem:v9+s25+$0x0], $0xffff;
	[tilespmem:s1+$0x40] =	vst v17  }
0x269: {  	v16 =	vld.idx.msk [tilespmem:v40+s25+$0x0], $0xffff;
	[tilespmem:s10+$0x40] =	vst v23  }
0x26a: {  	[tilespmem:s8+$0x60] =	vst v13;
	v17 =	vld.idx.msk [tilespmem:v37+s25+$0x0], $0xffff  }
0x26b: {  	[tilespmem:s14+$0x40] =	vst v14;
	v14 =	vld.idx.msk [tilespmem:v26+s25+$0x0], $0xffff  }
0x26c: {  	[tilespmem:s7+$0x60] =	vst v15;
	v13 =	vld.idx.msk [tilespmem:v39+s25+$0x0], $0xffff  }
0x26d: {  	v11 =	vld.idx.msk [tilespmem:v11+s25+$0x0], $0xffff;
	[tilespmem:s6+$0x70] =	vst v9  }
0x26e: {  	v12 =	vld.idx.msk [tilespmem:v12+s25+$0x0], $0xffff;
	[tilespmem:s1+$0x50] =	vst v16  }
0x26f: {  	v15 =	vld.idx.msk [tilespmem:v35+s25+$0x0], $0xffff;
	[tilespmem:s10+$0x50] =	vst v17  }
0x270: {  	v16 =	vld.idx.msk [tilespmem:v32+s25+$0x0], $0xffff;
	[tilespmem:s15+$0x50] =	vst v14  }
0x271: {  	[tilespmem:s14+$0x50] =	vst v13;
	v9 =	vld.idx.msk [tilespmem:v25+s25+$0x0], $0xffff  }
0x272: {  	[tilespmem:s8+$0x70] =	vst v11;
	v13 =	vld.idx.msk [tilespmem:v29+s25+$0x0], $0xffff  }
0x273: {  	[tilespmem:s7+$0x70] =	vst v12  }
0x274: {  	v10 =	vld.idx.msk [tilespmem:v10+s25+$0x0], $0xffff;
	[tilespmem:s1+$0x60] =	vst v15  }
0x275: {  	v11 =	vld.idx.msk [tilespmem:v22+s25+$0x0], $0xffff;
	[tilespmem:s10+$0x60] =	vst v16  }
0x276: {  	v14 =	vld.idx.msk [tilespmem:v20+s25+$0x0], $0xffff;
	[tilespmem:s15+$0x60] =	vst v9  }
0x277: {  	[tilespmem:s14+$0x60] =	vst v13;
	v12 =	vld.idx.msk [tilespmem:v21+s25+$0x0], $0xffff  }
0x278: {  	[tilespmem:s0+$0x70] =	vst v49;
	v9 =	vld.idx.msk [tilespmem:v24+s25+$0x0], $0xffff  }
0x279: {  	[tilespmem:s2+$0x70] =	vst v10  }
0x27a: {  	[tilespmem:s1+$0x70] =	vst v11  }
0x27b: {  	s6 =	sshll.u32 s31, $0x11;
	[tilespmem:s10+$0x70] =	vst v14  }
0x27c: {  	s0 =	sor.u32 s24, s6;
	s7 =	rddreg [dreg:$0x2];
	[tilespmem:s15+$0x70] =	vst v12  }
0x27d: {  	s8 =	simm.s32 $0xE400;
	s1 =	sadd.s32 s7, s0;
	[tilespmem:s14+$0x70] =	vst v9  }
0x27e: {  	[hbm4b:s1+s3] =	stream.linear.scatter [tilespmem:s8], [sflag:$0x3], $0x400, $0x38;
	[tilespmem:$0x16800] =	vst v63  }
0x27f: {  	s9 =	sadd.s32 $0x4000, s1;
	s10 =	simm.s32 $0xF400  }
0x280: {  	[hbm4b:s9+s3] =	stream.linear.scatter [tilespmem:s10], [sflag:$0x3], $0x400, $0x38;
	[tilespmem:$0x16800] =	vst v63  }
0x281: {  	s13 =	simm.s32 $0x10400;
	s12 =	sadd.s32 $0x8000, s1  }
0x282: {  	[hbm4b:s12+s3] =	stream.linear.scatter [tilespmem:s13], [sflag:$0x3], $0x400, $0x38;
	[tilespmem:$0x16800] =	vst v63  }
0x283: {  	s14 =	simm.s32 $0x11400;
	s1 =	sadd.s32 $0xC000, s1;
	s15 =	rddreg [dreg:$0xa]  }
0x284: {  	[hbm4b:s1+s3] =	stream.linear.scatter [tilespmem:s14], [sflag:$0x3], $0x400, $0x38;
	[tilespmem:$0x16800] =	vst v63  }
0x285: {  	s16 =	simm.s32 $0xE800;
	s1 =	sadd.s32 s0, s15  }
0x286: {  	[hbm4b:s1+s3] =	stream.linear.scatter [tilespmem:s16], [sflag:$0x3], $0x400, $0x38;
	[tilespmem:$0x16800] =	vst v63  }
0x287: {  	s19 =	simm.s32 $0xF800;
	s18 =	sadd.s32 $0x4000, s1  }
0x288: {  	[hbm4b:s18+s3] =	stream.linear.scatter [tilespmem:s19], [sflag:$0x3], $0x400, $0x38;
	[tilespmem:$0x16800] =	vst v63  }
0x289: {  	s22 =	simm.s32 $0x10800;
	s21 =	sadd.s32 $0x8000, s1  }
0x28a: {  	[hbm4b:s21+s3] =	stream.linear.scatter [tilespmem:s22], [sflag:$0x3], $0x400, $0x38;
	[tilespmem:$0x16800] =	vst v63  }
0x28b: {  	s23 =	simm.s32 $0x11800;
	s2 =	rddreg [dreg:$0xd];
	s1 =	sadd.s32 $0xC000, s1  }
0x28c: {  	[hbm4b:s1+s3] =	stream.linear.scatter [tilespmem:s23], [sflag:$0x3], $0x400, $0x38;
	[tilespmem:$0x16800] =	vst v63  }
0x28d: {  	s6 =	simm.s32 $0xEC00;
	s1 =	sadd.s32 s0, s2  }
0x28e: {  	[hbm4b:s1+s3] =	stream.linear.scatter [tilespmem:s6], [sflag:$0x3], $0x400, $0x38;
	[tilespmem:$0x16800] =	vst v63  }
0x28f: {  	s8 =	simm.s32 $0xFC00;
	s7 =	sadd.s32 $0x4000, s1  }
0x290: {  	[hbm4b:s7+s3] =	stream.linear.scatter [tilespmem:s8], [sflag:$0x3], $0x400, $0x38;
	[tilespmem:$0x16800] =	vst v63  }
0x291: {  	s10 =	simm.s32 $0x10C00;
	s9 =	sadd.s32 $0x8000, s1  }
0x292: {  	[hbm4b:s9+s3] =	stream.linear.scatter [tilespmem:s10], [sflag:$0x3], $0x400, $0x38;
	[tilespmem:$0x16800] =	vst v63  }
0x293: {  	s12 =	simm.s32 $0x11C00;
	s13 =	rddreg [dreg:$0xf];
	s1 =	sadd.s32 $0xC000, s1  }
0x294: {  	[hbm4b:s1+s3] =	stream.linear.scatter [tilespmem:s12], [sflag:$0x3], $0x400, $0x38;
	[tilespmem:$0x16800] =	vst v63  }
0x295: {  	s14 =	simm.s32 $0xF000;
	s1 =	sadd.s32 s0, s13  }
0x296: {  	[hbm4b:s1+s3] =	stream.linear.scatter [tilespmem:s14], [sflag:$0x3], $0x400, $0x38;
	[tilespmem:$0x16800] =	vst v63  }
0x297: {  	s16 =	simm.s32 $0x10000;
	s15 =	sadd.s32 $0x4000, s1  }
0x298: {  	[hbm4b:s15+s3] =	stream.linear.scatter [tilespmem:s16], [sflag:$0x3], $0x400, $0x38;
	[tilespmem:$0x16800] =	vst v63  }
0x299: {  	s19 =	simm.s32 $0x11000;
	s18 =	sadd.s32 $0x8000, s1  }
0x29a: {  	[hbm4b:s18+s3] =	stream.linear.scatter [tilespmem:s19], [sflag:$0x3], $0x400, $0x38;
	[tilespmem:$0x16800] =	vst v63  }
0x29b: {  	s21 =	simm.s32 $0x12000;
	s1 =	sadd.s32 $0xC000, s1  }
0x29c: {  	[hbm4b:s1+s3] =	stream.linear.scatter [tilespmem:s21], [sflag:$0x3], $0x400, $0x38;
	[tilespmem:$0x16800] =	vst v63  }
0x29d: {  	_ =	swait.ge [sflag:s26], $0x1000  }
0x29e: {  	[sflag:s26] =	ssyncset.done $0x0  }
0x29f: {  	[sflag:s26] =	ssyncadd.s32 $0xFFFFF000  }
0x2a0: {  	_ =	swait.ge [sflag:s26], $0x1000  }
0x2a1: {  	[sflag:s26] =	ssyncset.done $0x0  }
0x2a2: {  	[sflag:s26] =	ssyncadd.s32 $0xFFFFF000  }
0x2a3: {  	_ =	swait.ge [sflag:s26], $0x1000  }
0x2a4: {  	[sflag:s26] =	ssyncset.done $0x0  }
0x2a5: {  	[sflag:s26] =	ssyncadd.s32 $0xFFFFF000  }
0x2a6: {  	s22 =	sshll.u32 s30, $0xA;
	_ =	swait.ge [sflag:s26], $0x1000  }
0x2a7: {  	s1 =	sand.u32 $0x3FFFFC00, s22;
	[sflag:s26] =	ssyncset.done $0x0  }
0x2a8: {  	s23 =	sadd.s32 $0x800, s1;
	[sflag:s26] =	ssyncadd.s32 $0xFFFFF000  }
0x2a9: {  	[tilespmem:s25], [sflag:$0x1] =	stream.indirect.gather [hbm4b:s4+s11], $0x20, s23, s11, $0xb8;
	[tilespmem:$0x16800] =	vst v63  }
0x2aa: {  	s7 =	simm.s32 $0x7400;
	s6 =	sadd.s32 $0x880, s1  }
0x2ab: {  	[tilespmem:s7], [sflag:$0x1] =	stream.indirect.gather [hbm4b:s4+s11], $0x20, s6, s11, $0xb8;
	[tilespmem:$0x16800] =	vst v63  }
0x2ac: {  	s9 =	simm.s32 $0x8400;
	s8 =	sadd.s32 $0x900, s1  }
0x2ad: {  	[tilespmem:s9], [sflag:$0x1] =	stream.indirect.gather [hbm4b:s4+s11], $0x20, s8, s11, $0xb8;
	[tilespmem:$0x16800] =	vst v63  }
0x2ae: {  	s10 =	simm.s32 $0x9400;
	s1 =	sadd.s32 $0x980, s1  }
0x2af: {  	[tilespmem:s10], [sflag:$0x1] =	stream.indirect.gather [hbm4b:s4+s11], $0x20, s1, s11, $0xb8;
	[tilespmem:$0x16800] =	vst v63  }
0x2b0: {  	_ =	swait.ge [sflag:s29], $0x1000  }
0x2b1: {  	[sflag:s29] =	ssyncset.done $0x0  }
0x2b2: {  	s12 =	simm.s32 $0x0;
	[sflag:s29] =	ssyncadd.s32 $0xFFFFF000  }
0x2b3: {  	s1 =	sand.u32 $0xFFFFFF80, s12;
	_ =	swait.ge [sflag:s29], $0x1000  }
0x2b4: {  	s13 =	simm.s32 $0x0;
	v9 =	vmov s1;
	[sflag:s29] =	ssyncset.done $0x0  }
0x2b5: {  	s9 =	sand.u32 $0x1C, s13;
	v9 =	vshll.u32 v9, $0x5;
	[sflag:s29] =	ssyncadd.s32 $0xFFFFF000  }
0x2b6: {  	s10 =	sor.u32 $0x1, s9;
	v10 =	vor.u32 v0, v9;
	_ =	swait.ge [sflag:s29], $0x1000  }
0x2b7: {  	v11 =	vor.u32 s10, v10;
	[sflag:s29] =	ssyncset.done $0x0  }
0x2b8: {  	[sflag:s29] =	ssyncadd.s32 $0xFFFFF000  }
0x2b9: {  	_ =	swait.ge [sflag:s29], $0x1000  }
0x2ba: {  	s12 =	sor.u32 $0x2, s9;
	v14 =	vor.u32 s9, v10;
	[sflag:s29] =	ssyncset.done $0x0  }
0x2bb: {  	s21 =	sor.u32 $0x3, s9;
	v15 =	vor.u32 s12, v10;
	[sflag:s29] =	ssyncadd.s32 $0xFFFFF000  }
0x2bc: {  	v12 =	vor.u32 v8, v9;
	v10 =	vor.u32 s21, v10;
	v11 =	vld.idx.msk [tilespmem:v11+s20+$0x0], $0xffff  }
0x2bd: {  	s14 =	simm.s32 $0x0;
	v13 =	vor.u32 s10, v12  }
0x2be: {  	s1 =	sand.u32 $0x3FFFF000, s14  }
0x2bf: {  	s15 =	sshll.u32 s10, $0x7;
	s1 =	sadd.s32 $0x12400, s1;
	v14 =	vld.idx.msk [tilespmem:v14+s20+$0x0], $0xffff  }
0x2c0: {  	s30 =	sadd.s32 s15, s1;
	v15 =	vld.idx.msk [tilespmem:v15+s20+$0x0], $0xffff  }
0x2c1: {  	v17 =	vor.u32 s9, v12;
	v10 =	vld.idx.msk [tilespmem:v10+s20+$0x0], $0xffff;
	[tilespmem:s30+$0x0] =	vst v11  }
0x2c2: {  	s16 =	sshll.u32 s9, $0x7;
	v18 =	vor.u32 s12, v12;
	v12 =	vor.u32 s21, v12;
	v11 =	vor.u32 v7, v9;
	v13 =	vld.idx.msk [tilespmem:v13+s20+$0x0], $0xffff  }
0x2c3: {  	s18 =	sshll.u32 s12, $0x7;
	s15 =	sadd.s32 s16, s1;
	v16 =	vor.u32 s10, v11  }
0x2c4: {  	s19 =	sshll.u32 s21, $0x7;
	s14 =	sadd.s32 s18, s1;
	[tilespmem:s15+$0x0] =	vst v14  }
0x2c5: {  	s1 =	sadd.s32 s19, s1;
	[tilespmem:s14+$0x0] =	vst v15  }
0x2c6: {  	[tilespmem:s1+$0x0] =	vst v10;
	v15 =	vld.idx.msk [tilespmem:v17+s20+$0x0], $0xffff  }
0x2c7: {  	s22 =	simm.s32 $0x10;
	v12 =	vld.idx.msk [tilespmem:v12+s20+$0x0], $0xffff;
	[tilespmem:s30+$0x10] =	vst v13  }
0x2c8: {  	s2 =	sand.u32 $0xFFFFFF80, s22;
	v17 =	vor.u32 s9, v11;
	v13 =	vor.u32 v6, v9;
	v14 =	vld.idx.msk [tilespmem:v16+s20+$0x0], $0xffff  }
0x2c9: {  	s23 =	simm.s32 $0x4;
	v10 =	vmov s2;
	v18 =	vld.idx.msk [tilespmem:v18+s20+$0x0], $0xffff;
	v16 =	vor.u32 s10, v13  }
0x2ca: {  	s16 =	sand.u32 $0x1C, s23;
	v19 =	vor.u32 s12, v11;
	v10 =	vshll.u32 v10, $0x5  }
0x2cb: {  	s23 =	sor.u32 $0x1, s16;
	v11 =	vor.u32 s21, v11;
	v21 =	vor.u32 v0, v10;
	[tilespmem:s15+$0x10] =	vst v15  }
0x2cc: {  	[tilespmem:s1+$0x10] =	vst v12;
	v12 =	vor.u32 s23, v21  }
0x2cd: {  	v22 =	vor.u32 s16, v21;
	v17 =	vld.idx.msk [tilespmem:v17+s20+$0x0], $0xffff;
	[tilespmem:s30+$0x20] =	vst v14  }
0x2ce: {  	[tilespmem:s14+$0x10] =	vst v18;
	v18 =	vor.u32 s9, v13;
	v14 =	vor.u32 v5, v9;
	v15 =	vld.idx.msk [tilespmem:v16+s20+$0x0], $0xffff  }
0x2cf: {  	v19 =	vld.idx.msk [tilespmem:v19+s20+$0x0], $0xffff;
	v16 =	vor.u32 s10, v14  }
0x2d0: {  	v20 =	vor.u32 s12, v13;
	v11 =	vld.idx.msk [tilespmem:v11+s20+$0x0], $0xffff  }
0x2d1: {  	v24 =	vor.u32 v8, v10;
	v13 =	vor.u32 s21, v13;
	v12 =	vld.idx.msk [tilespmem:v12+s20+$0x0], $0xffff  }
0x2d2: {  	s6 =	simm.s32 $0x200;
	s18 =	sor.u32 $0x2, s16;
	v25 =	vor.u32 s23, v24;
	v22 =	vld.idx.msk [tilespmem:v22+s20+$0x0], $0xffff;
	[tilespmem:s15+$0x20] =	vst v17  }
0x2d3: {  	s2 =	sand.u32 $0x3FFFF000, s6;
	v17 =	vor.u32 s18, v21;
	v18 =	vld.idx.msk [tilespmem:v18+s20+$0x0], $0xffff;
	[tilespmem:s30+$0x30] =	vst v15  }
0x2d4: {  	s7 =	sshll.u32 s23, $0x7;
	s6 =	sadd.s32 $0x12400, s2;
	[tilespmem:s14+$0x20] =	vst v19;
	v19 =	vor.u32 s9, v14;
	v15 =	vor.u32 v4, v9;
	v16 =	vld.idx.msk [tilespmem:v16+s20+$0x0], $0xffff  }
0x2d5: {  	s13 =	sor.u32 $0x3, s16;
	s8 =	sshll.u32 s16, $0x7;
	s2 =	sadd.s32 s7, s6;
	[tilespmem:s1+$0x20] =	vst v11;
	v20 =	vld.idx.msk [tilespmem:v20+s20+$0x0], $0xffff;
	v23 =	vor.u32 s10, v15  }
0x2d6: {  	s8 =	sadd.s32 s8, s6;
	v21 =	vor.u32 s13, v21;
	[tilespmem:s2+$0x0] =	vst v12;
	v12 =	vld.idx.msk [tilespmem:v13+s20+$0x0], $0xffff  }
0x2d7: {  	v28 =	vor.u32 v7, v10;
	v26 =	vor.u32 s12, v14;
	v14 =	vor.u32 s21, v14;
	[tilespmem:s8+$0x0] =	vst v22;
	v25 =	vld.idx.msk [tilespmem:v25+s20+$0x0], $0xffff  }
0x2d8: {  	v22 =	vor.u32 s23, v28;
	v17 =	vld.idx.msk [tilespmem:v17+s20+$0x0], $0xffff;
	[tilespmem:s15+$0x30] =	vst v18  }
0x2d9: {  	v11 =	vld.idx.msk [tilespmem:v19+s20+$0x0], $0xffff;
	v19 =	vor.u32 s16, v24;
	[tilespmem:s30+$0x40] =	vst v16  }
0x2da: {  	v18 =	vld.idx.msk [tilespmem:v23+s20+$0x0], $0xffff  }
0x2db: {  	v21 =	vld.idx.msk [tilespmem:v21+s20+$0x0], $0xffff;
	[tilespmem:s1+$0x30] =	vst v12  }
0x2dc: {  	s19 =	sshll.u32 s18, $0x7;
	v13 =	vor.u32 s18, v24;
	v14 =	vld.idx.msk [tilespmem:v14+s20+$0x0], $0xffff;
	[tilespmem:s2+$0x10] =	vst v25  }
0x2dd: {  	s7 =	sadd.s32 s19, s6;
	[tilespmem:s14+$0x30] =	vst v20;
	v27 =	vor.u32 s9, v15;
	v22 =	vld.idx.msk [tilespmem:v22+s20+$0x0], $0xffff  }
0x2de: {  	s22 =	sshll.u32 s13, $0x7;
	[tilespmem:s7+$0x0] =	vst v17;
	v16 =	vor.u32 v3, v9;
	v17 =	vld.idx.msk [tilespmem:v19+s20+$0x0], $0xffff;
	v19 =	vor.u32 s13, v24  }
0x2df: {  	s6 =	sadd.s32 s22, s6;
	v23 =	vor.u32 s10, v16;
	[tilespmem:s30+$0x50] =	vst v18;
	v18 =	vld.idx.msk [tilespmem:v26+s20+$0x0], $0xffff  }
0x2e0: {  	v25 =	vor.u32 v6, v10;
	[tilespmem:s6+$0x0] =	vst v21;
	v26 =	vor.u32 s12, v15  }
0x2e1: {  	v21 =	vor.u32 s23, v25;
	[tilespmem:s15+$0x40] =	vst v11;
	v11 =	vld.idx.msk [tilespmem:v13+s20+$0x0], $0xffff  }
0x2e2: {  	v13 =	vor.u32 s16, v28;
	v12 =	vld.idx.msk [tilespmem:v27+s20+$0x0], $0xffff;
	[tilespmem:s1+$0x40] =	vst v14  }
0x2e3: {  	[tilespmem:s2+$0x20] =	vst v22;
	v19 =	vld.idx.msk [tilespmem:v19+s20+$0x0], $0xffff;
	v15 =	vor.u32 s21, v15  }
0x2e4: {  	v20 =	vld.idx.msk [tilespmem:v23+s20+$0x0], $0xffff;
	v23 =	vor.u32 s9, v16;
	[tilespmem:s14+$0x40] =	vst v18  }
0x2e5: {  	[tilespmem:s8+$0x10] =	vst v17;
	v17 =	vor.u32 s18, v28;
	v18 =	vld.idx.msk [tilespmem:v26+s20+$0x0], $0xffff  }
0x2e6: {  	v24 =	vor.u32 s12, v16;
	[tilespmem:s7+$0x10] =	vst v11;
	v11 =	vld.idx.msk [tilespmem:v21+s20+$0x0], $0xffff  }
0x2e7: {  	v9 =	vor.u32 v2, v9;
	v13 =	vld.idx.msk [tilespmem:v13+s20+$0x0], $0xffff;
	[tilespmem:s15+$0x50] =	vst v12;
	v12 =	vor.u32 s13, v28  }
0x2e8: {  	v32 =	vor.u32 s10, v9;
	v15 =	vld.idx.msk [tilespmem:v15+s20+$0x0], $0xffff  }
0x2e9: {  	s22 =	simm.s32 $0x20;
	[tilespmem:s6+$0x10] =	vst v19;
	v19 =	vor.u32 s16, v25;
	v23 =	vld.idx.msk [tilespmem:v23+s20+$0x0], $0xffff  }
0x2ea: {  	s19 =	sand.u32 $0xFFFFFF80, s22;
	v16 =	vor.u32 s21, v16;
	v26 =	vld.idx.msk [tilespmem:v17+s20+$0x0], $0xffff;
	[tilespmem:s14+$0x50] =	vst v18  }
0x2eb: {  	v14 =	vor.u32 s9, v9;
	s9 =	simm.s32 $0x8;
	v17 =	vmov s19;
	v18 =	vld.idx.msk [tilespmem:v24+s20+$0x0], $0xffff  }
0x2ec: {  	v22 =	vor.u32 s12, v9;
	s22 =	sand.u32 $0x1C, s9;
	v12 =	vld.idx.msk [tilespmem:v12+s20+$0x0], $0xffff;
	[tilespmem:s30+$0x60] =	vst v20;
	v27 =	vshll.u32 v17, $0x5;
	v24 =	vor.u32 v5, v10  }
0x2ed: {  	s12 =	sor.u32 $0x1, s22;
	[tilespmem:s8+$0x20] =	vst v13;
	v46 =	vld.idx.msk [tilespmem:v32+s20+$0x0], $0xffff;
	v28 =	vor.u32 v0, v27;
	v21 =	vor.u32 s23, v24  }
0x2ee: {  	v29 =	vor.u32 s12, v28;
	v55 =	vld.idx.msk [tilespmem:v19+s20+$0x0], $0xffff;
	[tilespmem:s1+$0x50] =	vst v15  }
0x2ef: {  	v31 =	vor.u32 v4, v10;
	v52 =	vor.u32 v3, v10;
	[tilespmem:s15+$0x60] =	vst v23;
	v23 =	vor.u32 s18, v25;
	v30 =	vld.idx.msk [tilespmem:v16+s20+$0x0], $0xffff  }
0x2f0: {  	v53 =	vor.u32 s23, v31;
	v56 =	vor.u32 s23, v52;
	v25 =	vor.u32 s13, v25;
	v14 =	vld.idx.msk [tilespmem:v14+s20+$0x0], $0xffff;
	[tilespmem:s14+$0x60] =	vst v18  }
0x2f1: {  	v51 =	vor.u32 s21, v9;
	[tilespmem:s2+$0x30] =	vst v11;
	v18 =	vor.u32 s22, v28;
	v22 =	vld.idx.msk [tilespmem:v22+s20+$0x0], $0xffff  }
0x2f2: {  	v13 =	vor.u32 s18, v52;
	v17 =	vor.u32 s16, v31;
	v57 =	vor.u32 v7, v27;
	[tilespmem:s6+$0x20] =	vst v12;
	v21 =	vld.idx.msk [tilespmem:v21+s20+$0x0], $0xffff  }
0x2f3: {  	s21 =	sor.u32 $0x2, s22;
	v62 =	vor.u32 v6, v27;
	v19 =	vor.u32 s16, v52;
	v12 =	vor.u32 s13, v52;
	[tilespmem:s7+$0x20] =	vst v26;
	v29 =	vld.idx.msk [tilespmem:v29+s20+$0x0], $0xffff  }
0x2f4: {  	v26 =	vor.u32 s21, v28;
	v10 =	vor.u32 v2, v10;
	v54 =	vor.u32 s16, v24;
	[tilespmem:s8+$0x30] =	vst v55;
	v23 =	vld.idx.msk [tilespmem:v23+s20+$0x0], $0xffff  }
0x2f5: {  	v15 =	vor.u32 s16, v10;
	v40 =	vor.u32 s18, v24;
	[tilespmem:s1+$0x60] =	vst v30;
	v30 =	vor.u32 v8, v27;
	v50 =	vld.idx.msk [tilespmem:v25+s20+$0x0], $0xffff  }
0x2f6: {  	v60 =	vor.u32 s12, v57;
	v9 =	vor.u32 s23, v10;
	s23 =	simm.s32 $0x400;
	s16 =	sor.u32 $0x3, s22;
	v38 =	vld.idx.msk [tilespmem:v18+s20+$0x0], $0xffff;
	[tilespmem:s14+$0x70] =	vst v22;
	v22 =	vor.u32 s12, v30  }
0x2f7: {  	v52 =	vor.u32 v3, v27;
	s10 =	sand.u32 $0x3FFFF000, s23;
	v18 =	vor.u32 s13, v24;
	v24 =	vor.u32 s16, v28;
	[tilespmem:s2+$0x40] =	vst v21;
	v21 =	vld.idx.msk [tilespmem:v51+s20+$0x0], $0xffff  }
0x2f8: {  	v36 =	vor.u32 s22, v57;
	v39 =	vor.u32 s21, v57;
	v35 =	vor.u32 s22, v52;
	[tilespmem:s15+$0x70] =	vst v14;
	s15 =	sshll.u32 s12, $0x7;
	s14 =	sadd.s32 $0x12400, s10;
	v28 =	vld.idx.msk [tilespmem:v53+s20+$0x0], $0xffff  }
0x2f9: {  	v16 =	vor.u32 s18, v31;
	v33 =	vor.u32 s21, v52;
	v11 =	vor.u32 s18, v10;
	v58 =	vld.idx.msk [tilespmem:v26+s20+$0x0], $0xffff;
	[tilespmem:s7+$0x30] =	vst v23;
	s15 =	sadd.s32 s15, s14  }
0x2fa: {  	v10 =	vor.u32 s13, v10;
	v14 =	vor.u32 s13, v31;
	v59 =	vor.u32 s22, v30;
	v61 =	vld.idx.msk [tilespmem:v54+s20+$0x0], $0xffff;
	[tilespmem:s15+$0x0] =	vst v29  }
0x2fb: {  	v63 =	vor.u32 s21, v30;
	v31 =	vor.u32 s22, v62;
	[tilespmem:s6+$0x30] =	vst v50;
	v51 =	vor.u32 v4, v27;
	v25 =	vld.idx.msk [tilespmem:v22+s20+$0x0], $0xffff  }
0x2fc: {  	s18 =	sshll.u32 s22, $0x7;
	v54 =	vor.u32 s16, v30;
	v53 =	vor.u32 v2, v27;
	v29 =	vor.u32 v5, v27;
	v24 =	vld.idx.msk [tilespmem:v24+s20+$0x0], $0xffff;
	[tilespmem:s1+$0x70] =	vst v21  }
0x2fd: {  	v47 =	vld.idx.msk [tilespmem:v40+s20+$0x0], $0xffff;
	v41 =	vor.u32 s22, v51;
	v23 =	vor.u32 s22, v29;
	v22 =	vor.u32 s22, v53;
	s22 =	sshll.u32 s21, $0x7;
	s1 =	sadd.s32 s18, s14;
	[tilespmem:s2+$0x50] =	vst v28  }
0x2fe: {  	v42 =	vor.u32 s16, v57;
	v34 =	vor.u32 s16, v62;
	v30 =	vor.u32 s21, v62;
	s10 =	sadd.s32 s22, s14;
	[tilespmem:s1+$0x0] =	vst v38;
	v26 =	vld.idx.msk [tilespmem:v56+s20+$0x0], $0xffff  }
0x2ff: {  	s23 =	sshll.u32 s16, $0x7;
	v37 =	vor.u32 s21, v51;
	v40 =	vor.u32 s16, v51;
	v20 =	vor.u32 s21, v53;
	[tilespmem:s10+$0x0] =	vst v58;
	v48 =	vld.idx.msk [tilespmem:v59+s20+$0x0], $0xffff  }
0x300: {  	v27 =	vor.u32 s12, v51;
	v32 =	vor.u32 s12, v29;
	v44 =	vor.u32 s16, v29;
	s14 =	sadd.s32 s23, s14;
	v49 =	vld.idx.msk [tilespmem:v63+s20+$0x0], $0xffff;
	[tilespmem:s15+$0x10] =	vst v25  }
0x301: {  	v21 =	vor.u32 s12, v53;
	v28 =	vor.u32 s21, v29;
	v38 =	vor.u32 s12, v62;
	[tilespmem:s14+$0x0] =	vst v24;
	v45 =	vld.idx.msk [tilespmem:v60+s20+$0x0], $0xffff  }
0x302: {  	[tilespmem:s8+$0x40] =	vst v61;
	v29 =	vor.u32 s16, v52;
	v24 =	vor.u32 s16, v53;
	v25 =	vor.u32 s12, v52;
	v43 =	vld.idx.msk [tilespmem:v54+s20+$0x0], $0xffff  }
.LBB2_11:
0x303: {  	s9 =	sadd.s32 $0x4, s9;
	v50 =	vld.idx.msk [tilespmem:v17+s20+$0x0], $0xffff;
	[tilespmem:s30+$0x70] =	vst v46;
	v17 =	vmov v41;
	s30 =	smov.u32 s2;
	s2 =	smov.u32 s15  }
0x304: {  	s12 =	sand.u32 $0x1C, s9;
	s15 =	sshll.u32 s9, $0x2;
	s13 =	sshll.u32 s9, $0x7;
	[tilespmem:s1+$0x10] =	vst v48;
	v41 =	vld.idx.msk [tilespmem:v18+s20+$0x0], $0xffff;
	v18 =	vmov v44  }
0x305: {  	s18 =	sand.u32 $0x3FFFF000, s13;
	s16 =	sshll.u32 s12, $0x7;
	s13 =	sor.u32 $0x3, s12;
	v36 =	vld.idx.msk [tilespmem:v36+s20+$0x0], $0xffff;
	[tilespmem:s10+$0x10] =	vst v49  }
0x306: {  	s21 =	sor.u32 $0x1, s12;
	s18 =	sadd.s32 $0x12400, s18;
	s23 =	sshll.u32 s13, $0x7;
	[tilespmem:s2+$0x20] =	vst v45;
	v39 =	vld.idx.msk [tilespmem:v39+s20+$0x0], $0xffff  }
0x307: {  	p0 =	slt.u32 s9, $0x7C;
	s19 =	sand.u32 $0xFFFFFF80, s15;
	s15 =	sshll.u32 s21, $0x7;
	v38 =	vld.idx.msk [tilespmem:v38+s20+$0x0], $0xffff;
	[tilespmem:s7+$0x40] =	vst v47  }
0x308: {  	v44 =	vmov s19;
	[tilespmem:s14+$0x10] =	vst v43;
	v45 =	vld.idx.msk [tilespmem:v16+s20+$0x0], $0xffff;
	v16 =	vmov v37  }
0x309: {  	v46 =	vshll.u32 v44, $0x5;
	v37 =	vld.idx.msk [tilespmem:v42+s20+$0x0], $0xffff;
	[tilespmem:s8+$0x50] =	vst v50  }
0x30a: {  	v44 =	vor.u32 v8, v46;
	v42 =	vor.u32 v0, v46;
	v47 =	vld.idx.msk [tilespmem:v19+s20+$0x0], $0xffff;
	[tilespmem:s6+$0x40] =	vst v41;
	v19 =	vmov v35  }
0x30b: {  	v43 =	vor.u32 s13, v44;
	v35 =	vor.u32 s21, v42;
	v48 =	vor.u32 s13, v42;
	[tilespmem:s1+$0x20] =	vst v36;
	v41 =	vld.idx.msk [tilespmem:v14+s20+$0x0], $0xffff;
	v14 =	vmovc v40  }
0x30c: {  	v49 =	vor.u32 s12, v44;
	v50 =	vor.u32 s21, v44;
	v40 =	vor.u32 s12, v42;
	v51 =	vld.idx.msk [tilespmem:v31+s20+$0x0], $0xffff;
	[tilespmem:s10+$0x20] =	vst v39  }
0x30d: {  	s19 =	sor.u32 $0x2, s12;
	v52 =	vor.u32 v6, v46;
	v31 =	vor.u32 v7, v46;
	[tilespmem:s2+$0x30] =	vst v38;
	v53 =	vld.idx.msk [tilespmem:v30+s20+$0x0], $0xffff  }
0x30e: {  	s22 =	sshll.u32 s19, $0x7;
	v56 =	vor.u32 s19, v44;
	v55 =	vor.u32 s19, v42;
	v54 =	vor.u32 s21, v31;
	v57 =	vld.idx.msk [tilespmem:v32+s20+$0x0], $0xffff;
	[tilespmem:s7+$0x50] =	vst v45  }
0x30f: {  	v36 =	vor.u32 s12, v31;
	v39 =	vor.u32 s19, v31;
	v30 =	vor.u32 s19, v52;
	[tilespmem:s14+$0x20] =	vst v37;
	v45 =	vld.idx.msk [tilespmem:v13+s20+$0x0], $0xffff;
	v13 =	vmovc v33  }
0x310: {  	v38 =	vor.u32 s21, v52;
	v42 =	vor.u32 s13, v31;
	v33 =	vor.u32 v5, v46;
	v58 =	vld.idx.msk [tilespmem:v35+s20+$0x0], $0xffff;
	[tilespmem:s8+$0x60] =	vst v47  }
0x311: {  	v31 =	vor.u32 s12, v52;
	v32 =	vor.u32 s21, v33;
	v47 =	vld.idx.msk [tilespmem:v40+s20+$0x0], $0xffff;
	v40 =	vor.u32 v4, v46;
	[tilespmem:s6+$0x50] =	vst v41  }
0x312: {  	v59 =	vor.u32 v3, v46;
	v52 =	vor.u32 s13, v52;
	v60 =	vor.u32 s21, v40;
	[tilespmem:s1+$0x30] =	vst v51;
	v51 =	vld.idx.msk [tilespmem:v12+s20+$0x0], $0xffff;
	v12 =	vmovc v29  }
0x313: {  	v62 =	vor.u32 s21, v59;
	v61 =	vor.u32 s12, v33;
	v41 =	vor.u32 s12, v40;
	[tilespmem:s10+$0x30] =	vst v53;
	v53 =	vld.idx.msk [tilespmem:v15+s20+$0x0], $0xffff;
	v15 =	vmovc v22  }
0x314: {  	v63 =	vor.u32 s19, v33;
	v44 =	vor.u32 s13, v33;
	v37 =	vor.u32 s19, v40;
	v55 =	vld.idx.msk [tilespmem:v55+s20+$0x0], $0xffff;
	[tilespmem:s2+$0x40] =	vst v57  }
0x315: {  	v35 =	vor.u32 s12, v59;
	v40 =	vor.u32 s13, v40;
	v29 =	vor.u32 s13, v59;
	v57 =	vld.idx.msk [tilespmem:v27+s20+$0x0], $0xffff;
	[tilespmem:s7+$0x60] =	vst v45;
	v27 =	vmovc v60  }
0x316: {  	s15 =	sadd.s32 s15, s18;
	s23 =	sadd.s32 s23, s18;
	v33 =	vor.u32 s19, v59;
	v45 =	vor.u32 v2, v46;
	[tilespmem:s30+$0x60] =	vst v26;
	v46 =	vld.idx.msk [tilespmem:v11+s20+$0x0], $0xffff;
	v11 =	vmov v20  }
0x317: {  	v22 =	vor.u32 s12, v45;
	v20 =	vor.u32 s19, v45;
	[tilespmem:s15+$0x0] =	vst v58;
	v58 =	vld.idx.msk [tilespmem:v23+s20+$0x0], $0xffff;
	v23 =	vmov v61  }
0x318: {  	s12 =	sadd.s32 s16, s18;
	v59 =	vor.u32 s21, v45;
	s16 =	sadd.s32 s22, s18;
	v26 =	vor.u32 s13, v45;
	v60 =	vld.idx.msk [tilespmem:v34+s20+$0x0], $0xffff;
	[tilespmem:s6+$0x60] =	vst v51;
	v34 =	vmov v52  }
0x319: {  	[tilespmem:s12+$0x0] =	vst v47;
	v45 =	vld.idx.msk [tilespmem:v50+s20+$0x0], $0xffff  }
0x31a: {  	v47 =	vld.idx.msk [tilespmem:v48+s20+$0x0], $0xffff;
	[tilespmem:s8+$0x70] =	vst v53;
	s8 =	smov.u32 s1;
	s1 =	smov.u32 s12  }
0x31b: {  	[tilespmem:s2+$0x50] =	vst v57;
	v50 =	vld.idx.msk [tilespmem:v10+s20+$0x0], $0xffff;
	v10 =	vmov v24;
	v24 =	vmov v26  }
0x31c: {  	v26 =	vld.idx.msk [tilespmem:v25+s20+$0x0], $0xffff;
	[tilespmem:s7+$0x70] =	vst v46;
	v25 =	vmov v62;
	s7 =	smov.u32 s10;
	s10 =	smov.u32 s16  }
0x31d: {  	[tilespmem:s10+$0x0] =	vst v55;
	v46 =	vld.idx.msk [tilespmem:v9+s20+$0x0], $0xffff;
	v9 =	vmov v21;
	v21 =	vmov v59  }
.Ltmp4:
0x31e: {  	v48 =	vld.idx.msk [tilespmem:v49+s20+$0x0], $0xffff;
	[tilespmem:s8+$0x40] =	vst v58;
	(pc) =	sbr.rel @p0 .LBB2_11-.Ltmp4, $4  }
0x31f: {  	[tilespmem:s15+$0x10] =	vst v45;
	v49 =	vld.idx.msk [tilespmem:v56+s20+$0x0], $0xffff  }
0x320: {  	v45 =	vld.idx.msk [tilespmem:v54+s20+$0x0], $0xffff;
	[tilespmem:s23+$0x0] =	vst v47  }
0x321: {  	v47 =	vld.idx.msk [tilespmem:v28+s20+$0x0], $0xffff;
	[tilespmem:s6+$0x70] =	vst v50;
	v28 =	vmov v63;
	s6 =	smov.u32 s14;
	s14 =	smov.u32 s23  }
0x322: {  	v43 =	vld.idx.msk [tilespmem:v43+s20+$0x0], $0xffff;
	[tilespmem:s6+$0x30] =	vst v60  }
0x323: {  	_ =	sdelay $0x3  }
0x324: {  	v17 =	vld.idx.msk [tilespmem:v17+s20+$0x0], $0xffff;
	[tilespmem:s1+$0x10] =	vst v48  }
0x325: {  	v63 =	vld.idx.msk [tilespmem:v36+s20+$0x0], $0xffff;
	[tilespmem:s10+$0x10] =	vst v49  }
0x326: {  	v48 =	vld.idx.msk [tilespmem:v39+s20+$0x0], $0xffff;
	[tilespmem:s15+$0x20] =	vst v45  }
0x327: {  	v18 =	vld.idx.msk [tilespmem:v18+s20+$0x0], $0xffff;
	[tilespmem:s7+$0x40] =	vst v47  }
0x328: {  	[tilespmem:s14+$0x10] =	vst v43;
	v16 =	vld.idx.msk [tilespmem:v16+s20+$0x0], $0xffff  }
0x329: {  	[tilespmem:s8+$0x50] =	vst v17;
	v49 =	vld.idx.msk [tilespmem:v42+s20+$0x0], $0xffff  }
0x32a: {  	v53 =	vld.idx.msk [tilespmem:v38+s20+$0x0], $0xffff;
	[tilespmem:s1+$0x20] =	vst v63  }
0x32b: {  	v50 =	vld.idx.msk [tilespmem:v31+s20+$0x0], $0xffff;
	[tilespmem:s10+$0x20] =	vst v48  }
0x32c: {  	[tilespmem:s6+$0x40] =	vst v18;
	v51 =	vld.idx.msk [tilespmem:v30+s20+$0x0], $0xffff  }
0x32d: {  	v17 =	vld.idx.msk [tilespmem:v19+s20+$0x0], $0xffff;
	[tilespmem:s7+$0x50] =	vst v16  }
0x32e: {  	[tilespmem:s14+$0x20] =	vst v49;
	v13 =	vld.idx.msk [tilespmem:v13+s20+$0x0], $0xffff  }
0x32f: {  	[tilespmem:s15+$0x30] =	vst v53;
	v52 =	vld.idx.msk [tilespmem:v34+s20+$0x0], $0xffff  }
0x330: {  	v14 =	vld.idx.msk [tilespmem:v14+s20+$0x0], $0xffff;
	[tilespmem:s1+$0x30] =	vst v50  }
0x331: {  	[tilespmem:s10+$0x30] =	vst v51;
	v54 =	vld.idx.msk [tilespmem:v23+s20+$0x0], $0xffff  }
0x332: {  	[tilespmem:s8+$0x60] =	vst v17;
	v55 =	vld.idx.msk [tilespmem:v28+s20+$0x0], $0xffff  }
0x333: {  	v57 =	vld.idx.msk [tilespmem:v32+s20+$0x0], $0xffff;
	[tilespmem:s7+$0x60] =	vst v13  }
0x334: {  	[tilespmem:s14+$0x30] =	vst v52;
	v11 =	vld.idx.msk [tilespmem:v11+s20+$0x0], $0xffff  }
0x335: {  	[tilespmem:s6+$0x50] =	vst v14;
	v56 =	vld.idx.msk [tilespmem:v44+s20+$0x0], $0xffff  }
0x336: {  	v15 =	vld.idx.msk [tilespmem:v15+s20+$0x0], $0xffff;
	[tilespmem:s1+$0x40] =	vst v54  }
0x337: {  	v58 =	vld.idx.msk [tilespmem:v41+s20+$0x0], $0xffff;
	[tilespmem:s10+$0x40] =	vst v55  }
0x338: {  	[tilespmem:s15+$0x40] =	vst v57;
	v59 =	vld.idx.msk [tilespmem:v37+s20+$0x0], $0xffff  }
0x339: {  	v60 =	vld.idx.msk [tilespmem:v27+s20+$0x0], $0xffff;
	[tilespmem:s7+$0x70] =	vst v11  }
0x33a: {  	v11 =	vld.idx.msk [tilespmem:v12+s20+$0x0], $0xffff;
	[tilespmem:s14+$0x40] =	vst v56  }
0x33b: {  	[tilespmem:s8+$0x70] =	vst v15;
	v15 =	vld.idx.msk [tilespmem:v40+s20+$0x0], $0xffff  }
0x33c: {  	[tilespmem:s1+$0x50] =	vst v58  }
0x33d: {  	v61 =	vld.idx.msk [tilespmem:v35+s20+$0x0], $0xffff;
	[tilespmem:s10+$0x50] =	vst v59  }
0x33e: {  	[tilespmem:s15+$0x50] =	vst v60;
	v62 =	vld.idx.msk [tilespmem:v33+s20+$0x0], $0xffff  }
0x33f: {  	[tilespmem:s6+$0x60] =	vst v11;
	v11 =	vld.idx.msk [tilespmem:v25+s20+$0x0], $0xffff  }
0x340: {  	v10 =	vld.idx.msk [tilespmem:v10+s20+$0x0], $0xffff;
	[tilespmem:s14+$0x50] =	vst v15  }
0x341: {  	[tilespmem:s2+$0x60] =	vst v26;
	v63 =	vld.idx.msk [tilespmem:v29+s20+$0x0], $0xffff  }
0x342: {  	[tilespmem:s1+$0x60] =	vst v61  }
0x343: {  	v9 =	vld.idx.msk [tilespmem:v9+s20+$0x0], $0xffff;
	[tilespmem:s10+$0x60] =	vst v62  }
0x344: {  	v12 =	vld.idx.msk [tilespmem:v22+s20+$0x0], $0xffff;
	[tilespmem:s15+$0x60] =	vst v11  }
0x345: {  	v13 =	vld.idx.msk [tilespmem:v20+s20+$0x0], $0xffff;
	[tilespmem:s6+$0x70] =	vst v10  }
0x346: {  	v10 =	vld.idx.msk [tilespmem:v21+s20+$0x0], $0xffff;
	[tilespmem:s14+$0x60] =	vst v63  }
0x347: {  	[tilespmem:s30+$0x70] =	vst v46;
	v11 =	vld.idx.msk [tilespmem:v24+s20+$0x0], $0xffff  }
0x348: {  	[tilespmem:s2+$0x70] =	vst v9  }
0x349: {  	[tilespmem:s1+$0x70] =	vst v12  }
0x34a: {  	[tilespmem:s10+$0x70] =	vst v13  }
0x34b: {  	[tilespmem:s15+$0x70] =	vst v10  }
0x34c: {  	[tilespmem:s14+$0x70] =	vst v11  }
0x34d: {  	s1 =	rddreg [dreg:$0x10]  }
0x34e: {  	s9 =	simm.s32 $0x12400;
	s1 =	sadd.s32 s0, s1  }
0x34f: {  	[hbm4b:s1+s3] =	stream.linear.scatter [tilespmem:s9], [sflag:$0x4], $0x400, $0x38;
	[tilespmem:$0x16800] =	vst v63  }
0x350: {  	s12 =	simm.s32 $0x13400;
	s10 =	sadd.s32 $0x4000, s1  }
0x351: {  	[hbm4b:s10+s3] =	stream.linear.scatter [tilespmem:s12], [sflag:$0x4], $0x400, $0x38;
	[tilespmem:$0x16800] =	vst v63  }
0x352: {  	s14 =	simm.s32 $0x14400;
	s13 =	sadd.s32 $0x8000, s1  }
0x353: {  	[hbm4b:s13+s3] =	stream.linear.scatter [tilespmem:s14], [sflag:$0x4], $0x400, $0x38;
	[tilespmem:$0x16800] =	vst v63  }
0x354: {  	s15 =	simm.s32 $0x15400;
	s16 =	rddreg [dreg:$0x13];
	s1 =	sadd.s32 $0xC000, s1  }
0x355: {  	[hbm4b:s1+s3] =	stream.linear.scatter [tilespmem:s15], [sflag:$0x4], $0x400, $0x38;
	[tilespmem:$0x16800] =	vst v63  }
0x356: {  	s18 =	simm.s32 $0x12800;
	s1 =	sadd.s32 s0, s16  }
0x357: {  	[hbm4b:s1+s3] =	stream.linear.scatter [tilespmem:s18], [sflag:$0x4], $0x400, $0x38;
	[tilespmem:$0x16800] =	vst v63  }
0x358: {  	s21 =	simm.s32 $0x13800;
	s19 =	sadd.s32 $0x4000, s1  }
0x359: {  	[hbm4b:s19+s3] =	stream.linear.scatter [tilespmem:s21], [sflag:$0x4], $0x400, $0x38;
	[tilespmem:$0x16800] =	vst v63  }
0x35a: {  	s23 =	simm.s32 $0x14800;
	s22 =	sadd.s32 $0x8000, s1  }
0x35b: {  	[hbm4b:s22+s3] =	stream.linear.scatter [tilespmem:s23], [sflag:$0x4], $0x400, $0x38;
	[tilespmem:$0x16800] =	vst v63  }
0x35c: {  	s6 =	simm.s32 $0x15800;
	s7 =	rddreg [dreg:$0x15];
	s1 =	sadd.s32 $0xC000, s1  }
0x35d: {  	[hbm4b:s1+s3] =	stream.linear.scatter [tilespmem:s6], [sflag:$0x4], $0x400, $0x38;
	[tilespmem:$0x16800] =	vst v63  }
0x35e: {  	s8 =	simm.s32 $0x12C00;
	s1 =	sadd.s32 s0, s7  }
0x35f: {  	[hbm4b:s1+s3] =	stream.linear.scatter [tilespmem:s8], [sflag:$0x4], $0x400, $0x38;
	[tilespmem:$0x16800] =	vst v63  }
0x360: {  	s10 =	simm.s32 $0x13C00;
	s9 =	sadd.s32 $0x4000, s1  }
0x361: {  	[hbm4b:s9+s3] =	stream.linear.scatter [tilespmem:s10], [sflag:$0x4], $0x400, $0x38;
	[tilespmem:$0x16800] =	vst v63  }
0x362: {  	s13 =	simm.s32 $0x14C00;
	s12 =	sadd.s32 $0x8000, s1  }
0x363: {  	[hbm4b:s12+s3] =	stream.linear.scatter [tilespmem:s13], [sflag:$0x4], $0x400, $0x38;
	[tilespmem:$0x16800] =	vst v63  }
0x364: {  	s14 =	simm.s32 $0x15C00;
	s1 =	sadd.s32 $0xC000, s1  }
0x365: {  	[hbm4b:s1+s3] =	stream.linear.scatter [tilespmem:s14], [sflag:$0x4], $0x400, $0x38;
	[tilespmem:$0x16800] =	vst v63  }
0x366: {  	s15 =	sadd.s32 s0, s5;
	s16 =	simm.s32 $0x13000  }
0x367: {  	[hbm4b:s15+s3] =	stream.linear.scatter [tilespmem:s16], [sflag:$0x4], $0x400, $0x38;
	[tilespmem:$0x16800] =	vst v63  }
0x368: {  	p0 =	sne.s32 s31, $0x17;
	s18 =	sadd.s32 $0x4000, s15;
	s19 =	simm.s32 $0x14000  }
0x369: {  	[hbm4b:s18+s3] =	stream.linear.scatter [tilespmem:s19], [sflag:$0x4], $0x400, $0x38;
	[tilespmem:$0x16800] =	vst v63  }
.Ltmp5:
0x36a: {  	_ = 	snop;
	(pc) =	sbr.rel @p0 .LBB2_8-.Ltmp5, $4  }
0x36b: {  	s21 =	sadd.s32 $0x8000, s15;
	s22 =	simm.s32 $0x15000  }
0x36c: {  	[hbm4b:s21+s3] =	stream.linear.scatter [tilespmem:s22], [sflag:$0x4], $0x400, $0x38;
	[tilespmem:$0x16800] =	vst v63  }
0x36d: {  	s30 =	smov.u32 s31;
	s23 =	simm.s32 $0x16000;
	s0 =	sadd.s32 $0xC000, s15  }
0x36e: {  	[hbm4b:s0+s3] =	stream.linear.scatter [tilespmem:s23], [sflag:$0x4], $0x400, $0x38;
	[tilespmem:$0x16800] =	vst v63  }
0x36f: {  	_ =	swait.ge [sflag:s17], $0x1000  }
0x370: {  	[sflag:s17] =	ssyncset.done $0x0  }
0x371: {  	[sflag:s17] =	ssyncadd.s32 $0xFFFFF000  }
0x372: {  	_ =	swait.ge [sflag:s17], $0x1000  }
0x373: {  	[sflag:s17] =	ssyncset.done $0x0  }
0x374: {  	[sflag:s17] =	ssyncadd.s32 $0xFFFFF000  }
0x375: {  	_ =	swait.ge [sflag:s17], $0x1000  }
0x376: {  	[sflag:s17] =	ssyncset.done $0x0  }
0x377: {  	[sflag:s17] =	ssyncadd.s32 $0xFFFFF000  }
0x378: {  	_ =	swait.ge [sflag:s17], $0x1000  }
0x379: {  	[sflag:s17] =	ssyncset.done $0x0  }
0x37a: {  	s0 =	simm.s32 $0x6200;
	[sflag:s17] =	ssyncadd.s32 $0xFFFFF000  }
0x37b: {  	[tilespmem:s20], [sflag:$0x2] =	stream.indirect.gather [hbm4b:s4+s11], $0x20, s0, s11, $0xb8;
	[tilespmem:$0x16800] =	vst v63  }
0x37c: {  	s9 =	simm.s32 $0xB400;
	s1 =	simm.s32 $0x6280  }
0x37d: {  	[tilespmem:s9], [sflag:$0x2] =	stream.indirect.gather [hbm4b:s4+s11], $0x20, s1, s11, $0xb8;
	[tilespmem:$0x16800] =	vst v63  }
0x37e: {  	s10 =	simm.s32 $0xC400;
	s12 =	simm.s32 $0x6300  }
0x37f: {  	[tilespmem:s10], [sflag:$0x2] =	stream.indirect.gather [hbm4b:s4+s11], $0x20, s12, s11, $0xb8;
	[tilespmem:$0x16800] =	vst v63  }
0x380: {  	s13 =	simm.s32 $0xD400;
	s14 =	simm.s32 $0x6380  }
0x381: {  	[tilespmem:s13], [sflag:$0x2] =	stream.indirect.gather [hbm4b:s4+s11], $0x20, s14, s11, $0xb8;
	[tilespmem:$0x16800] =	vst v63  }
0x382: {  	_ =	swait.ge [sflag:s28], $0x1000  }
0x383: {  	[sflag:s28] =	ssyncset.done $0x0  }
0x384: {  	s15 =	simm.s32 $0x0;
	[sflag:s28] =	ssyncadd.s32 $0xFFFFF000  }
0x385: {  	s0 =	sand.u32 $0xFFFFFF80, s15;
	_ =	swait.ge [sflag:s28], $0x1000  }
0x386: {  	s16 =	simm.s32 $0x0;
	v9 =	vmov s0;
	[sflag:s28] =	ssyncset.done $0x0  }
0x387: {  	s9 =	sand.u32 $0x1C, s16;
	v9 =	vshll.u32 v9, $0x5;
	[sflag:s28] =	ssyncadd.s32 $0xFFFFF000  }
0x388: {  	v10 =	vor.u32 v0, v9;
	s10 =	sor.u32 $0x1, s9;
	_ =	swait.ge [sflag:s28], $0x1000  }
0x389: {  	v11 =	vor.u32 s10, v10;
	[sflag:s28] =	ssyncset.done $0x0  }
0x38a: {  	[sflag:s28] =	ssyncadd.s32 $0xFFFFF000  }
0x38b: {  	_ =	swait.ge [sflag:s28], $0x1000  }
0x38c: {  	v14 =	vor.u32 s9, v10;
	s12 =	sor.u32 $0x2, s9;
	[sflag:s28] =	ssyncset.done $0x0  }
0x38d: {  	s21 =	sor.u32 $0x3, s9;
	v15 =	vor.u32 s12, v10;
	[sflag:s28] =	ssyncadd.s32 $0xFFFFF000  }
0x38e: {  	v12 =	vor.u32 v8, v9;
	v10 =	vor.u32 s21, v10;
	v11 =	vld.idx.msk [tilespmem:v11+s25+$0x0], $0xffff  }
0x38f: {  	s18 =	simm.s32 $0x0;
	v13 =	vor.u32 s10, v12  }
0x390: {  	s0 =	sand.u32 $0x3FFFF000, s18  }
0x391: {  	s19 =	sadd.s32 $0xE400, s0;
	s22 =	sshll.u32 s10, $0x7;
	v14 =	vld.idx.msk [tilespmem:v14+s25+$0x0], $0xffff  }
0x392: {  	s0 =	sadd.s32 s22, s19;
	v15 =	vld.idx.msk [tilespmem:v15+s25+$0x0], $0xffff  }
0x393: {  	v17 =	vor.u32 s9, v12;
	v10 =	vld.idx.msk [tilespmem:v10+s25+$0x0], $0xffff;
	[tilespmem:s0+$0x0] =	vst v11  }
0x394: {  	s2 =	sshll.u32 s9, $0x7;
	v18 =	vor.u32 s12, v12;
	v12 =	vor.u32 s21, v12;
	v11 =	vor.u32 v7, v9;
	v13 =	vld.idx.msk [tilespmem:v13+s25+$0x0], $0xffff  }
0x395: {  	s15 =	sadd.s32 s2, s19;
	s6 =	sshll.u32 s12, $0x7;
	v16 =	vor.u32 s10, v11  }
0x396: {  	s23 =	sshll.u32 s21, $0x7;
	s14 =	sadd.s32 s6, s19;
	[tilespmem:s15+$0x0] =	vst v14  }
0x397: {  	s1 =	sadd.s32 s23, s19;
	[tilespmem:s14+$0x0] =	vst v15  }
0x398: {  	[tilespmem:s1+$0x0] =	vst v10;
	v15 =	vld.idx.msk [tilespmem:v17+s25+$0x0], $0xffff  }
0x399: {  	v12 =	vld.idx.msk [tilespmem:v12+s25+$0x0], $0xffff;
	[tilespmem:s0+$0x10] =	vst v13  }
0x39a: {  	s30 =	simm.s32 $0x10;
	v17 =	vor.u32 s9, v11;
	v13 =	vor.u32 v6, v9;
	v14 =	vld.idx.msk [tilespmem:v16+s25+$0x0], $0xffff  }
0x39b: {  	s2 =	sand.u32 $0xFFFFFF80, s30;
	v16 =	vor.u32 s10, v13  }
0x39c: {  	s31 =	simm.s32 $0x4;
	v10 =	vmov s2;
	v18 =	vld.idx.msk [tilespmem:v18+s25+$0x0], $0xffff  }
0x39d: {  	s16 =	sand.u32 $0x1C, s31;
	v19 =	vor.u32 s12, v11;
	v10 =	vshll.u32 v10, $0x5;
	[tilespmem:s15+$0x10] =	vst v15  }
0x39e: {  	s23 =	sor.u32 $0x1, s16;
	v11 =	vor.u32 s21, v11;
	v21 =	vor.u32 v0, v10;
	[tilespmem:s1+$0x10] =	vst v12  }
0x39f: {  	v12 =	vor.u32 s23, v21;
	v17 =	vld.idx.msk [tilespmem:v17+s25+$0x0], $0xffff;
	[tilespmem:s0+$0x20] =	vst v14  }
0x3a0: {  	v22 =	vor.u32 s16, v21;
	v14 =	vor.u32 v5, v9;
	v15 =	vld.idx.msk [tilespmem:v16+s25+$0x0], $0xffff  }
0x3a1: {  	[tilespmem:s14+$0x10] =	vst v18;
	v16 =	vor.u32 s10, v14  }
0x3a2: {  	v18 =	vor.u32 s9, v13;
	v19 =	vld.idx.msk [tilespmem:v19+s25+$0x0], $0xffff  }
0x3a3: {  	v20 =	vor.u32 s12, v13;
	v11 =	vld.idx.msk [tilespmem:v11+s25+$0x0], $0xffff  }
0x3a4: {  	s18 =	sor.u32 $0x2, s16;
	v13 =	vor.u32 s21, v13;
	v12 =	vld.idx.msk [tilespmem:v12+s25+$0x0], $0xffff;
	[tilespmem:s15+$0x20] =	vst v17  }
0x3a5: {  	s7 =	simm.s32 $0x200;
	v24 =	vor.u32 v8, v10;
	v22 =	vld.idx.msk [tilespmem:v22+s25+$0x0], $0xffff;
	v17 =	vor.u32 s18, v21;
	[tilespmem:s0+$0x30] =	vst v15  }
0x3a6: {  	s2 =	sand.u32 $0x3FFFF000, s7;
	v25 =	vor.u32 s23, v24;
	v15 =	vor.u32 v4, v9;
	v16 =	vld.idx.msk [tilespmem:v16+s25+$0x0], $0xffff  }
0x3a7: {  	s13 =	sor.u32 $0x3, s16;
	s8 =	sshll.u32 s23, $0x7;
	s7 =	sadd.s32 $0xE400, s2;
	[tilespmem:s14+$0x20] =	vst v19;
	v18 =	vld.idx.msk [tilespmem:v18+s25+$0x0], $0xffff;
	v23 =	vor.u32 s10, v15  }
0x3a8: {  	s2 =	sadd.s32 s8, s7;
	v21 =	vor.u32 s13, v21;
	[tilespmem:s1+$0x20] =	vst v11;
	v20 =	vld.idx.msk [tilespmem:v20+s25+$0x0], $0xffff  }
0x3a9: {  	v19 =	vor.u32 s9, v14;
	[tilespmem:s2+$0x0] =	vst v12;
	v12 =	vld.idx.msk [tilespmem:v13+s25+$0x0], $0xffff  }
0x3aa: {  	v17 =	vld.idx.msk [tilespmem:v17+s25+$0x0], $0xffff  }
0x3ab: {  	s6 =	sshll.u32 s16, $0x7;
	v26 =	vor.u32 s12, v14;
	v14 =	vor.u32 s21, v14;
	v25 =	vld.idx.msk [tilespmem:v25+s25+$0x0], $0xffff;
	[tilespmem:s0+$0x40] =	vst v16  }
0x3ac: {  	s6 =	sadd.s32 s6, s7;
	v28 =	vor.u32 v7, v10;
	[tilespmem:s15+$0x30] =	vst v18;
	v18 =	vld.idx.msk [tilespmem:v23+s25+$0x0], $0xffff  }
0x3ad: {  	[tilespmem:s6+$0x0] =	vst v22;
	v22 =	vor.u32 s23, v28;
	v21 =	vld.idx.msk [tilespmem:v21+s25+$0x0], $0xffff  }
0x3ae: {  	[tilespmem:s14+$0x30] =	vst v20;
	v11 =	vld.idx.msk [tilespmem:v19+s25+$0x0], $0xffff;
	v19 =	vor.u32 s16, v24  }
0x3af: {  	v13 =	vor.u32 s18, v24;
	[tilespmem:s1+$0x30] =	vst v12  }
0x3b0: {  	s8 =	sshll.u32 s18, $0x7;
	v27 =	vor.u32 s9, v15;
	v14 =	vld.idx.msk [tilespmem:v14+s25+$0x0], $0xffff;
	[tilespmem:s2+$0x10] =	vst v25;
	v16 =	vor.u32 v3, v9  }
0x3b1: {  	s19 =	sshll.u32 s13, $0x7;
	s8 =	sadd.s32 s8, s7;
	v23 =	vor.u32 s10, v16;
	[tilespmem:s0+$0x50] =	vst v18;
	v18 =	vld.idx.msk [tilespmem:v26+s25+$0x0], $0xffff  }
0x3b2: {  	s7 =	sadd.s32 s19, s7;
	[tilespmem:s8+$0x0] =	vst v17;
	v22 =	vld.idx.msk [tilespmem:v22+s25+$0x0], $0xffff;
	v26 =	vor.u32 s12, v15  }
0x3b3: {  	v25 =	vor.u32 v6, v10;
	[tilespmem:s7+$0x0] =	vst v21;
	v17 =	vld.idx.msk [tilespmem:v19+s25+$0x0], $0xffff;
	v19 =	vor.u32 s13, v24  }
0x3b4: {  	v21 =	vor.u32 s23, v25;
	[tilespmem:s15+$0x40] =	vst v11;
	v11 =	vld.idx.msk [tilespmem:v13+s25+$0x0], $0xffff  }
0x3b5: {  	v13 =	vor.u32 s16, v28;
	v12 =	vld.idx.msk [tilespmem:v27+s25+$0x0], $0xffff;
	[tilespmem:s1+$0x40] =	vst v14  }
0x3b6: {  	v15 =	vor.u32 s21, v15;
	v20 =	vld.idx.msk [tilespmem:v23+s25+$0x0], $0xffff;
	[tilespmem:s14+$0x40] =	vst v18  }
0x3b7: {  	[tilespmem:s2+$0x20] =	vst v22;
	v23 =	vor.u32 s9, v16;
	v18 =	vld.idx.msk [tilespmem:v26+s25+$0x0], $0xffff  }
0x3b8: {  	v24 =	vor.u32 s12, v16;
	v19 =	vld.idx.msk [tilespmem:v19+s25+$0x0], $0xffff;
	[tilespmem:s6+$0x10] =	vst v17  }
0x3b9: {  	v17 =	vor.u32 s18, v28;
	[tilespmem:s8+$0x10] =	vst v11;
	v11 =	vld.idx.msk [tilespmem:v21+s25+$0x0], $0xffff  }
0x3ba: {  	v9 =	vor.u32 v2, v9;
	v13 =	vld.idx.msk [tilespmem:v13+s25+$0x0], $0xffff;
	[tilespmem:s15+$0x50] =	vst v12;
	v12 =	vor.u32 s13, v28  }
0x3bb: {  	v32 =	vor.u32 s10, v9;
	v15 =	vld.idx.msk [tilespmem:v15+s25+$0x0], $0xffff  }
0x3bc: {  	s19 =	simm.s32 $0x20;
	v16 =	vor.u32 s21, v16;
	v23 =	vld.idx.msk [tilespmem:v23+s25+$0x0], $0xffff;
	[tilespmem:s14+$0x50] =	vst v18  }
0x3bd: {  	s22 =	sand.u32 $0xFFFFFF80, s19;
	v14 =	vor.u32 s9, v9;
	[tilespmem:s7+$0x10] =	vst v19;
	v18 =	vld.idx.msk [tilespmem:v24+s25+$0x0], $0xffff  }
0x3be: {  	v22 =	vor.u32 s12, v9;
	s9 =	simm.s32 $0x8;
	[tilespmem:s2+$0x30] =	vst v11;
	v26 =	vld.idx.msk [tilespmem:v17+s25+$0x0], $0xffff;
	v17 =	vmov s22;
	v24 =	vor.u32 v5, v10  }
0x3bf: {  	s30 =	sand.u32 $0x1C, s9;
	v12 =	vld.idx.msk [tilespmem:v12+s25+$0x0], $0xffff;
	[tilespmem:s0+$0x60] =	vst v20;
	v27 =	vshll.u32 v17, $0x5;
	v21 =	vor.u32 s23, v24  }
0x3c0: {  	s12 =	sor.u32 $0x1, s30;
	v19 =	vor.u32 s16, v25;
	v49 =	vld.idx.msk [tilespmem:v32+s25+$0x0], $0xffff;
	v28 =	vor.u32 v0, v27;
	[tilespmem:s1+$0x50] =	vst v15  }
0x3c1: {  	v29 =	vor.u32 s12, v28;
	[tilespmem:s15+$0x60] =	vst v23;
	v30 =	vld.idx.msk [tilespmem:v16+s25+$0x0], $0xffff  }
0x3c2: {  	v34 =	vor.u32 v3, v10;
	v23 =	vor.u32 s18, v25;
	v15 =	vld.idx.msk [tilespmem:v14+s25+$0x0], $0xffff;
	[tilespmem:s14+$0x60] =	vst v18  }
0x3c3: {  	v37 =	vor.u32 v2, v10;
	v42 =	vor.u32 s23, v34;
	[tilespmem:s6+$0x20] =	vst v13;
	v31 =	vor.u32 s30, v28;
	v22 =	vld.idx.msk [tilespmem:v22+s25+$0x0], $0xffff  }
0x3c4: {  	v33 =	vor.u32 s21, v9;
	v9 =	vor.u32 s16, v37;
	[tilespmem:s7+$0x20] =	vst v12;
	v18 =	vor.u32 v4, v10;
	v21 =	vld.idx.msk [tilespmem:v21+s25+$0x0], $0xffff  }
0x3c5: {  	s31 =	sor.u32 $0x2, s30;
	v11 =	vor.u32 s18, v37;
	v13 =	vor.u32 s18, v34;
	v38 =	vld.idx.msk [tilespmem:v19+s25+$0x0], $0xffff;
	[tilespmem:s8+$0x20] =	vst v26;
	v35 =	vor.u32 s23, v18  }
0x3c6: {  	v62 =	vor.u32 v7, v27;
	v45 =	vor.u32 v6, v27;
	v26 =	vor.u32 s31, v28;
	v29 =	vld.idx.msk [tilespmem:v29+s25+$0x0], $0xffff;
	[tilespmem:s1+$0x60] =	vst v30  }
0x3c7: {  	v51 =	vor.u32 v4, v27;
	v52 =	vor.u32 v3, v27;
	v36 =	vor.u32 s16, v24;
	v23 =	vld.idx.msk [tilespmem:v23+s25+$0x0], $0xffff;
	[tilespmem:s15+$0x70] =	vst v15  }
0x3c8: {  	v43 =	vor.u32 s12, v62;
	v25 =	vor.u32 s13, v25;
	v41 =	vld.idx.msk [tilespmem:v31+s25+$0x0], $0xffff;
	v30 =	vor.u32 v8, v27;
	[tilespmem:s14+$0x70] =	vst v22  }
0x3c9: {  	v14 =	vor.u32 s16, v34;
	s15 =	simm.s32 $0x400;
	v17 =	vor.u32 s16, v18;
	s16 =	sor.u32 $0x3, s30;
	v22 =	vor.u32 s12, v30;
	[tilespmem:s2+$0x40] =	vst v21;
	v21 =	vld.idx.msk [tilespmem:v33+s25+$0x0], $0xffff  }
0x3ca: {  	v39 =	vor.u32 s18, v24;
	v19 =	vor.u32 s13, v24;
	s10 =	sand.u32 $0x3FFFF000, s15;
	v24 =	vor.u32 s16, v28;
	v28 =	vld.idx.msk [tilespmem:v35+s25+$0x0], $0xffff  }
0x3cb: {  	s22 =	sshll.u32 s12, $0x7;
	v53 =	vor.u32 v2, v27;
	v40 =	vor.u32 s30, v51;
	[tilespmem:s6+$0x30] =	vst v38;
	v26 =	vld.idx.msk [tilespmem:v26+s25+$0x0], $0xffff;
	v16 =	vor.u32 s18, v18;
	s18 =	sadd.s32 $0xE400, s10  }
0x3cc: {  	v32 =	vor.u32 s31, v52;
	v20 =	vor.u32 s31, v53;
	v31 =	vor.u32 s30, v45;
	v44 =	vld.idx.msk [tilespmem:v36+s25+$0x0], $0xffff;
	s15 =	sadd.s32 s22, s18;
	[tilespmem:s8+$0x30] =	vst v23  }
0x3cd: {  	v50 =	vld.idx.msk [tilespmem:v25+s25+$0x0], $0xffff;
	v10 =	vor.u32 s23, v37;
	v63 =	vor.u32 s30, v30;
	[tilespmem:s15+$0x0] =	vst v29;
	v29 =	vor.u32 v5, v27  }
0x3ce: {  	v47 =	vor.u32 s31, v30;
	v36 =	vor.u32 s30, v62;
	s23 =	sshll.u32 s30, $0x7;
	v23 =	vor.u32 s30, v29;
	v25 =	vld.idx.msk [tilespmem:v22+s25+$0x0], $0xffff;
	[tilespmem:s1+$0x70] =	vst v21  }
0x3cf: {  	v54 =	vor.u32 s16, v30;
	v30 =	vor.u32 s31, v45;
	v33 =	vor.u32 s16, v45;
	v24 =	vld.idx.msk [tilespmem:v24+s25+$0x0], $0xffff;
	s1 =	sadd.s32 s23, s18;
	[tilespmem:s2+$0x50] =	vst v28  }
0x3d0: {  	v35 =	vor.u32 s30, v52;
	v22 =	vor.u32 s30, v53;
	s30 =	sshll.u32 s31, $0x7;
	[tilespmem:s1+$0x0] =	vst v41;
	v41 =	vor.u32 s12, v45;
	v45 =	vld.idx.msk [tilespmem:v39+s25+$0x0], $0xffff  }
0x3d1: {  	v12 =	vor.u32 s13, v37;
	v38 =	vor.u32 s31, v62;
	v15 =	vor.u32 s13, v34;
	[tilespmem:s6+$0x40] =	vst v44;
	s10 =	sadd.s32 s30, s18;
	v28 =	vld.idx.msk [tilespmem:v42+s25+$0x0], $0xffff  }
0x3d2: {  	v37 =	vor.u32 s31, v51;
	v18 =	vor.u32 s13, v18;
	v27 =	vor.u32 s31, v29;
	s31 =	sshll.u32 s16, $0x7;
	[tilespmem:s10+$0x0] =	vst v26;
	v46 =	vld.idx.msk [tilespmem:v63+s25+$0x0], $0xffff  }
0x3d3: {  	v34 =	vor.u32 s12, v29;
	v44 =	vor.u32 s16, v29;
	v29 =	vor.u32 s16, v52;
	s14 =	sadd.s32 s31, s18;
	v47 =	vld.idx.msk [tilespmem:v47+s25+$0x0], $0xffff;
	[tilespmem:s15+$0x10] =	vst v25  }
0x3d4: {  	v21 =	vor.u32 s12, v53;
	v39 =	vor.u32 s16, v51;
	v26 =	vor.u32 s12, v51;
	[tilespmem:s14+$0x0] =	vst v24;
	v48 =	vld.idx.msk [tilespmem:v43+s25+$0x0], $0xffff  }
0x3d5: {  	[tilespmem:s7+$0x30] =	vst v50;
	v42 =	vor.u32 s16, v62;
	v24 =	vor.u32 s16, v53;
	v25 =	vor.u32 s12, v52;
	v43 =	vld.idx.msk [tilespmem:v54+s25+$0x0], $0xffff  }
.LBB2_14:
0x3d6: {  	s9 =	sadd.s32 $0x4, s9;
	v50 =	vld.idx.msk [tilespmem:v17+s25+$0x0], $0xffff;
	[tilespmem:s0+$0x70] =	vst v49;
	v17 =	vmov v40;
	s0 =	smov.u32 s2;
	s2 =	smov.u32 s15  }
0x3d7: {  	s12 =	sand.u32 $0x1C, s9;
	s15 =	sshll.u32 s9, $0x2;
	s13 =	sshll.u32 s9, $0x7;
	[tilespmem:s1+$0x10] =	vst v46;
	v40 =	vld.idx.msk [tilespmem:v19+s25+$0x0], $0xffff;
	v19 =	vmov v44  }
0x3d8: {  	s18 =	sand.u32 $0x3FFFF000, s13;
	s16 =	sshll.u32 s12, $0x7;
	s13 =	sor.u32 $0x3, s12;
	v36 =	vld.idx.msk [tilespmem:v36+s25+$0x0], $0xffff;
	[tilespmem:s10+$0x10] =	vst v47  }
0x3d9: {  	s21 =	sor.u32 $0x1, s12;
	s18 =	sadd.s32 $0xE400, s18;
	s23 =	sshll.u32 s13, $0x7;
	[tilespmem:s2+$0x20] =	vst v48;
	v38 =	vld.idx.msk [tilespmem:v38+s25+$0x0], $0xffff  }
0x3da: {  	p0 =	slt.u32 s9, $0x7C;
	s19 =	sand.u32 $0xFFFFFF80, s15;
	s15 =	sshll.u32 s21, $0x7;
	v41 =	vld.idx.msk [tilespmem:v41+s25+$0x0], $0xffff;
	[tilespmem:s8+$0x40] =	vst v45  }
0x3db: {  	v44 =	vmov s19;
	[tilespmem:s14+$0x10] =	vst v43;
	v45 =	vld.idx.msk [tilespmem:v16+s25+$0x0], $0xffff;
	v16 =	vmov v37  }
0x3dc: {  	v46 =	vshll.u32 v44, $0x5;
	v37 =	vld.idx.msk [tilespmem:v42+s25+$0x0], $0xffff;
	[tilespmem:s6+$0x50] =	vst v50  }
0x3dd: {  	v44 =	vor.u32 v8, v46;
	v42 =	vor.u32 v0, v46;
	v47 =	vld.idx.msk [tilespmem:v14+s25+$0x0], $0xffff;
	[tilespmem:s7+$0x40] =	vst v40;
	v14 =	vmov v35  }
0x3de: {  	v43 =	vor.u32 s13, v44;
	v35 =	vor.u32 s21, v42;
	v48 =	vor.u32 s13, v42;
	[tilespmem:s1+$0x20] =	vst v36;
	v40 =	vld.idx.msk [tilespmem:v18+s25+$0x0], $0xffff;
	v18 =	vmovc v39  }
0x3df: {  	v50 =	vor.u32 s12, v44;
	v49 =	vor.u32 s21, v44;
	v39 =	vor.u32 s12, v42;
	v51 =	vld.idx.msk [tilespmem:v31+s25+$0x0], $0xffff;
	[tilespmem:s10+$0x20] =	vst v38  }
0x3e0: {  	s19 =	sor.u32 $0x2, s12;
	v52 =	vor.u32 v6, v46;
	v31 =	vor.u32 v7, v46;
	[tilespmem:s2+$0x30] =	vst v41;
	v53 =	vld.idx.msk [tilespmem:v30+s25+$0x0], $0xffff  }
0x3e1: {  	s22 =	sshll.u32 s19, $0x7;
	v56 =	vor.u32 s19, v44;
	v55 =	vor.u32 s19, v42;
	v54 =	vor.u32 s21, v31;
	v57 =	vld.idx.msk [tilespmem:v34+s25+$0x0], $0xffff;
	[tilespmem:s8+$0x50] =	vst v45  }
0x3e2: {  	v36 =	vor.u32 s12, v31;
	v38 =	vor.u32 s19, v31;
	v30 =	vor.u32 s19, v52;
	[tilespmem:s14+$0x20] =	vst v37;
	v45 =	vld.idx.msk [tilespmem:v13+s25+$0x0], $0xffff;
	v13 =	vmovc v32  }
0x3e3: {  	v41 =	vor.u32 s21, v52;
	v42 =	vor.u32 s13, v31;
	v32 =	vor.u32 v5, v46;
	v58 =	vld.idx.msk [tilespmem:v35+s25+$0x0], $0xffff;
	[tilespmem:s6+$0x60] =	vst v47  }
0x3e4: {  	v31 =	vor.u32 s12, v52;
	v34 =	vor.u32 s21, v32;
	v47 =	vld.idx.msk [tilespmem:v39+s25+$0x0], $0xffff;
	v39 =	vor.u32 v4, v46;
	[tilespmem:s7+$0x50] =	vst v40  }
0x3e5: {  	v59 =	vor.u32 v3, v46;
	v52 =	vor.u32 s13, v52;
	v60 =	vor.u32 s21, v39;
	[tilespmem:s1+$0x30] =	vst v51;
	v51 =	vld.idx.msk [tilespmem:v15+s25+$0x0], $0xffff;
	v15 =	vmovc v29  }
0x3e6: {  	v62 =	vor.u32 s21, v59;
	v61 =	vor.u32 s12, v32;
	v40 =	vor.u32 s12, v39;
	[tilespmem:s10+$0x30] =	vst v53;
	v53 =	vld.idx.msk [tilespmem:v9+s25+$0x0], $0xffff;
	v9 =	vmovc v22  }
0x3e7: {  	v63 =	vor.u32 s19, v32;
	v44 =	vor.u32 s13, v32;
	v37 =	vor.u32 s19, v39;
	v55 =	vld.idx.msk [tilespmem:v55+s25+$0x0], $0xffff;
	[tilespmem:s2+$0x40] =	vst v57  }
0x3e8: {  	v35 =	vor.u32 s12, v59;
	v39 =	vor.u32 s13, v39;
	v29 =	vor.u32 s13, v59;
	v57 =	vld.idx.msk [tilespmem:v26+s25+$0x0], $0xffff;
	[tilespmem:s8+$0x60] =	vst v45;
	v26 =	vmovc v60  }
0x3e9: {  	s15 =	sadd.s32 s15, s18;
	s23 =	sadd.s32 s23, s18;
	v32 =	vor.u32 s19, v59;
	v45 =	vor.u32 v2, v46;
	[tilespmem:s0+$0x60] =	vst v28;
	v46 =	vld.idx.msk [tilespmem:v11+s25+$0x0], $0xffff;
	v11 =	vmov v20  }
0x3ea: {  	v22 =	vor.u32 s12, v45;
	v20 =	vor.u32 s19, v45;
	[tilespmem:s15+$0x0] =	vst v58;
	v58 =	vld.idx.msk [tilespmem:v23+s25+$0x0], $0xffff;
	v23 =	vmov v61  }
0x3eb: {  	s12 =	sadd.s32 s16, s18;
	v59 =	vor.u32 s21, v45;
	s16 =	sadd.s32 s22, s18;
	v28 =	vor.u32 s13, v45;
	v60 =	vld.idx.msk [tilespmem:v33+s25+$0x0], $0xffff;
	[tilespmem:s7+$0x60] =	vst v51;
	v33 =	vmov v52  }
0x3ec: {  	[tilespmem:s12+$0x0] =	vst v47;
	v45 =	vld.idx.msk [tilespmem:v49+s25+$0x0], $0xffff  }
0x3ed: {  	v51 =	vld.idx.msk [tilespmem:v48+s25+$0x0], $0xffff;
	[tilespmem:s6+$0x70] =	vst v53;
	s6 =	smov.u32 s1;
	s1 =	smov.u32 s12  }
0x3ee: {  	[tilespmem:s2+$0x50] =	vst v57;
	v52 =	vld.idx.msk [tilespmem:v12+s25+$0x0], $0xffff;
	v12 =	vmov v24;
	v24 =	vmov v28  }
0x3ef: {  	v28 =	vld.idx.msk [tilespmem:v25+s25+$0x0], $0xffff;
	[tilespmem:s8+$0x70] =	vst v46;
	v25 =	vmov v62;
	s8 =	smov.u32 s10;
	s10 =	smov.u32 s16  }
0x3f0: {  	[tilespmem:s10+$0x0] =	vst v55;
	v49 =	vld.idx.msk [tilespmem:v10+s25+$0x0], $0xffff;
	v10 =	vmov v21;
	v21 =	vmov v59  }
.Ltmp6:
0x3f1: {  	v46 =	vld.idx.msk [tilespmem:v50+s25+$0x0], $0xffff;
	[tilespmem:s6+$0x40] =	vst v58;
	(pc) =	sbr.rel @p0 .LBB2_14-.Ltmp6, $4  }
0x3f2: {  	[tilespmem:s15+$0x10] =	vst v45;
	v47 =	vld.idx.msk [tilespmem:v56+s25+$0x0], $0xffff  }
0x3f3: {  	v48 =	vld.idx.msk [tilespmem:v54+s25+$0x0], $0xffff;
	[tilespmem:s23+$0x0] =	vst v51  }
0x3f4: {  	v45 =	vld.idx.msk [tilespmem:v27+s25+$0x0], $0xffff;
	[tilespmem:s7+$0x70] =	vst v52;
	v27 =	vmov v63;
	s7 =	smov.u32 s14;
	s14 =	smov.u32 s23  }
0x3f5: {  	v43 =	vld.idx.msk [tilespmem:v43+s25+$0x0], $0xffff;
	[tilespmem:s7+$0x30] =	vst v60  }
0x3f6: {  	_ =	sdelay $0x2  }
0x3f7: {  	[tilespmem:s1+$0x10] =	vst v46  }
0x3f8: {  	v17 =	vld.idx.msk [tilespmem:v17+s25+$0x0], $0xffff;
	[tilespmem:s2+$0x60] =	vst v28  }
0x3f9: {  	v36 =	vld.idx.msk [tilespmem:v36+s25+$0x0], $0xffff;
	[tilespmem:s10+$0x10] =	vst v47  }
0x3fa: {  	v38 =	vld.idx.msk [tilespmem:v38+s25+$0x0], $0xffff;
	[tilespmem:s15+$0x20] =	vst v48  }
0x3fb: {  	v19 =	vld.idx.msk [tilespmem:v19+s25+$0x0], $0xffff;
	[tilespmem:s14+$0x10] =	vst v43  }
0x3fc: {  	[tilespmem:s8+$0x40] =	vst v45;
	v42 =	vld.idx.msk [tilespmem:v42+s25+$0x0], $0xffff  }
0x3fd: {  	v41 =	vld.idx.msk [tilespmem:v41+s25+$0x0], $0xffff;
	[tilespmem:s6+$0x50] =	vst v17  }
0x3fe: {  	v16 =	vld.idx.msk [tilespmem:v16+s25+$0x0], $0xffff;
	[tilespmem:s1+$0x20] =	vst v36  }
0x3ff: {  	v17 =	vld.idx.msk [tilespmem:v31+s25+$0x0], $0xffff;
	[tilespmem:s10+$0x20] =	vst v38  }
0x400: {  	[tilespmem:s7+$0x40] =	vst v19;
	v30 =	vld.idx.msk [tilespmem:v30+s25+$0x0], $0xffff  }
0x401: {  	v14 =	vld.idx.msk [tilespmem:v14+s25+$0x0], $0xffff;
	[tilespmem:s14+$0x20] =	vst v42  }
0x402: {  	[tilespmem:s15+$0x30] =	vst v41;
	v19 =	vld.idx.msk [tilespmem:v33+s25+$0x0], $0xffff  }
0x403: {  	v18 =	vld.idx.msk [tilespmem:v18+s25+$0x0], $0xffff;
	[tilespmem:s8+$0x50] =	vst v16  }
0x404: {  	v16 =	vld.idx.msk [tilespmem:v34+s25+$0x0], $0xffff;
	[tilespmem:s1+$0x30] =	vst v17  }
0x405: {  	[tilespmem:s10+$0x30] =	vst v30;
	v17 =	vld.idx.msk [tilespmem:v23+s25+$0x0], $0xffff  }
0x406: {  	[tilespmem:s6+$0x60] =	vst v14;
	v23 =	vld.idx.msk [tilespmem:v27+s25+$0x0], $0xffff  }
0x407: {  	v13 =	vld.idx.msk [tilespmem:v13+s25+$0x0], $0xffff;
	[tilespmem:s14+$0x30] =	vst v19  }
0x408: {  	[tilespmem:s7+$0x50] =	vst v18;
	v14 =	vld.idx.msk [tilespmem:v44+s25+$0x0], $0xffff  }
0x409: {  	v15 =	vld.idx.msk [tilespmem:v15+s25+$0x0], $0xffff;
	[tilespmem:s15+$0x40] =	vst v16  }
0x40a: {  	v9 =	vld.idx.msk [tilespmem:v9+s25+$0x0], $0xffff;
	[tilespmem:s1+$0x40] =	vst v17  }
0x40b: {  	v16 =	vld.idx.msk [tilespmem:v40+s25+$0x0], $0xffff;
	[tilespmem:s10+$0x40] =	vst v23  }
0x40c: {  	[tilespmem:s8+$0x60] =	vst v13;
	v17 =	vld.idx.msk [tilespmem:v37+s25+$0x0], $0xffff  }
0x40d: {  	[tilespmem:s14+$0x40] =	vst v14;
	v14 =	vld.idx.msk [tilespmem:v26+s25+$0x0], $0xffff  }
0x40e: {  	[tilespmem:s7+$0x60] =	vst v15;
	v13 =	vld.idx.msk [tilespmem:v39+s25+$0x0], $0xffff  }
0x40f: {  	v11 =	vld.idx.msk [tilespmem:v11+s25+$0x0], $0xffff;
	[tilespmem:s6+$0x70] =	vst v9  }
0x410: {  	v12 =	vld.idx.msk [tilespmem:v12+s25+$0x0], $0xffff;
	[tilespmem:s1+$0x50] =	vst v16  }
0x411: {  	v15 =	vld.idx.msk [tilespmem:v35+s25+$0x0], $0xffff;
	[tilespmem:s10+$0x50] =	vst v17  }
0x412: {  	v16 =	vld.idx.msk [tilespmem:v32+s25+$0x0], $0xffff;
	[tilespmem:s15+$0x50] =	vst v14  }
0x413: {  	[tilespmem:s14+$0x50] =	vst v13;
	v9 =	vld.idx.msk [tilespmem:v25+s25+$0x0], $0xffff  }
0x414: {  	[tilespmem:s8+$0x70] =	vst v11;
	v13 =	vld.idx.msk [tilespmem:v29+s25+$0x0], $0xffff  }
0x415: {  	[tilespmem:s7+$0x70] =	vst v12  }
0x416: {  	v10 =	vld.idx.msk [tilespmem:v10+s25+$0x0], $0xffff;
	[tilespmem:s1+$0x60] =	vst v15  }
0x417: {  	v11 =	vld.idx.msk [tilespmem:v22+s25+$0x0], $0xffff;
	[tilespmem:s10+$0x60] =	vst v16  }
0x418: {  	v14 =	vld.idx.msk [tilespmem:v20+s25+$0x0], $0xffff;
	[tilespmem:s15+$0x60] =	vst v9  }
0x419: {  	[tilespmem:s14+$0x60] =	vst v13;
	v12 =	vld.idx.msk [tilespmem:v21+s25+$0x0], $0xffff  }
0x41a: {  	[tilespmem:s0+$0x70] =	vst v49;
	v9 =	vld.idx.msk [tilespmem:v24+s25+$0x0], $0xffff  }
0x41b: {  	[tilespmem:s2+$0x70] =	vst v10  }
0x41c: {  	[tilespmem:s1+$0x70] =	vst v11  }
0x41d: {  	[tilespmem:s10+$0x70] =	vst v14  }
0x41e: {  	[tilespmem:s15+$0x70] =	vst v12  }
0x41f: {  	[tilespmem:s14+$0x70] =	vst v9  }
0x420: {  	s6 =	simm.s32 $0xE400;
	s1 =	rddreg [dreg:$0x18]  }
0x421: {  	[hbm4b:s1+s3] =	stream.linear.scatter [tilespmem:s6], [sflag:$0x3], $0x400, $0x38;
	[tilespmem:$0x16800] =	vst v63  }
0x422: {  	s8 =	simm.s32 $0xF400;
	s7 =	sadd.s32 $0x4000, s1  }
0x423: {  	[hbm4b:s7+s3] =	stream.linear.scatter [tilespmem:s8], [sflag:$0x3], $0x400, $0x38;
	[tilespmem:$0x16800] =	vst v63  }
0x424: {  	s10 =	simm.s32 $0x10400;
	s9 =	sadd.s32 $0x8000, s1  }
0x425: {  	[hbm4b:s9+s3] =	stream.linear.scatter [tilespmem:s10], [sflag:$0x3], $0x400, $0x38;
	[tilespmem:$0x16800] =	vst v63  }
0x426: {  	s13 =	simm.s32 $0x11400;
	s12 =	sadd.s32 $0xC000, s1  }
0x427: {  	[hbm4b:s12+s3] =	stream.linear.scatter [tilespmem:s13], [sflag:$0x3], $0x400, $0x38;
	[tilespmem:$0x16800] =	vst v63  }
0x428: {  	s15 =	simm.s32 $0xE800;
	s14 =	rddreg [dreg:$0x19]  }
0x429: {  	[hbm4b:s14+s3] =	stream.linear.scatter [tilespmem:s15], [sflag:$0x3], $0x400, $0x38;
	[tilespmem:$0x16800] =	vst v63  }
0x42a: {  	s18 =	simm.s32 $0xF800;
	s16 =	sadd.s32 $0x4000, s14  }
0x42b: {  	[hbm4b:s16+s3] =	stream.linear.scatter [tilespmem:s18], [sflag:$0x3], $0x400, $0x38;
	[tilespmem:$0x16800] =	vst v63  }
0x42c: {  	s21 =	simm.s32 $0x10800;
	s19 =	sadd.s32 $0x8000, s14  }
0x42d: {  	[hbm4b:s19+s3] =	stream.linear.scatter [tilespmem:s21], [sflag:$0x3], $0x400, $0x38;
	[tilespmem:$0x16800] =	vst v63  }
0x42e: {  	s23 =	simm.s32 $0x11800;
	s22 =	sadd.s32 $0xC000, s14  }
0x42f: {  	[hbm4b:s22+s3] =	stream.linear.scatter [tilespmem:s23], [sflag:$0x3], $0x400, $0x38;
	[tilespmem:$0x16800] =	vst v63  }
0x430: {  	s31 =	simm.s32 $0xEC00;
	s30 =	rddreg [dreg:$0x1a]  }
0x431: {  	[hbm4b:s30+s3] =	stream.linear.scatter [tilespmem:s31], [sflag:$0x3], $0x400, $0x38;
	[tilespmem:$0x16800] =	vst v63  }
0x432: {  	s2 =	sadd.s32 $0x4000, s30;
	s6 =	simm.s32 $0xFC00  }
0x433: {  	[hbm4b:s2+s3] =	stream.linear.scatter [tilespmem:s6], [sflag:$0x3], $0x400, $0x38;
	[tilespmem:$0x16800] =	vst v63  }
0x434: {  	s7 =	sadd.s32 $0x8000, s30;
	s8 =	simm.s32 $0x10C00  }
0x435: {  	[hbm4b:s7+s3] =	stream.linear.scatter [tilespmem:s8], [sflag:$0x3], $0x400, $0x38;
	[tilespmem:$0x16800] =	vst v63  }
0x436: {  	s9 =	sadd.s32 $0xC000, s30;
	s10 =	simm.s32 $0x11C00  }
0x437: {  	[hbm4b:s9+s3] =	stream.linear.scatter [tilespmem:s10], [sflag:$0x3], $0x400, $0x38;
	[tilespmem:$0x16800] =	vst v63  }
0x438: {  	s12 =	rddreg [dreg:$0x1b];
	s13 =	simm.s32 $0xF000  }
0x439: {  	[hbm4b:s12+s3] =	stream.linear.scatter [tilespmem:s13], [sflag:$0x3], $0x400, $0x38;
	[tilespmem:$0x16800] =	vst v63  }
0x43a: {  	s14 =	sadd.s32 $0x4000, s12;
	s15 =	simm.s32 $0x10000  }
0x43b: {  	[hbm4b:s14+s3] =	stream.linear.scatter [tilespmem:s15], [sflag:$0x3], $0x400, $0x38;
	[tilespmem:$0x16800] =	vst v63  }
0x43c: {  	s16 =	sadd.s32 $0x8000, s12;
	s18 =	simm.s32 $0x11000  }
0x43d: {  	[hbm4b:s16+s3] =	stream.linear.scatter [tilespmem:s18], [sflag:$0x3], $0x400, $0x38;
	[tilespmem:$0x16800] =	vst v63  }
0x43e: {  	s19 =	sadd.s32 $0xC000, s12;
	s21 =	simm.s32 $0x12000  }
0x43f: {  	[hbm4b:s19+s3] =	stream.linear.scatter [tilespmem:s21], [sflag:$0x3], $0x400, $0x38;
	[tilespmem:$0x16800] =	vst v63  }
0x440: {  	_ =	swait.ge [sflag:s26], $0x1000  }
0x441: {  	[sflag:s26] =	ssyncset.done $0x0  }
0x442: {  	[sflag:s26] =	ssyncadd.s32 $0xFFFFF000  }
0x443: {  	_ =	swait.ge [sflag:s26], $0x1000  }
0x444: {  	[sflag:s26] =	ssyncset.done $0x0  }
0x445: {  	[sflag:s26] =	ssyncadd.s32 $0xFFFFF000  }
0x446: {  	_ =	swait.ge [sflag:s26], $0x1000  }
0x447: {  	[sflag:s26] =	ssyncset.done $0x0  }
0x448: {  	[sflag:s26] =	ssyncadd.s32 $0xFFFFF000  }
0x449: {  	_ =	swait.ge [sflag:s26], $0x1000  }
0x44a: {  	[sflag:s26] =	ssyncset.done $0x0  }
0x44b: {  	[sflag:s26] =	ssyncadd.s32 $0xFFFFF000  }
0x44c: {  	_ =	swait.ge [sflag:s29], $0x1000  }
0x44d: {  	[sflag:s29] =	ssyncset.done $0x0  }
0x44e: {  	s22 =	simm.s32 $0x0;
	[sflag:s29] =	ssyncadd.s32 $0xFFFFF000  }
0x44f: {  	s0 =	sand.u32 $0xFFFFFF80, s22;
	_ =	swait.ge [sflag:s29], $0x1000  }
0x450: {  	s23 =	simm.s32 $0x0;
	v9 =	vmov s0;
	[sflag:s29] =	ssyncset.done $0x0  }
0x451: {  	v9 =	vshll.u32 v9, $0x5;
	s9 =	sand.u32 $0x1C, s23;
	[sflag:s29] =	ssyncadd.s32 $0xFFFFF000  }
0x452: {  	v10 =	vor.u32 v0, v9;
	s10 =	sor.u32 $0x1, s9;
	_ =	swait.ge [sflag:s29], $0x1000  }
0x453: {  	v11 =	vor.u32 s10, v10;
	[sflag:s29] =	ssyncset.done $0x0  }
0x454: {  	[sflag:s29] =	ssyncadd.s32 $0xFFFFF000  }
0x455: {  	_ =	swait.ge [sflag:s29], $0x1000  }
0x456: {  	v14 =	vor.u32 s9, v10;
	s12 =	sor.u32 $0x2, s9;
	[sflag:s29] =	ssyncset.done $0x0  }
0x457: {  	v15 =	vor.u32 s12, v10;
	s21 =	sor.u32 $0x3, s9;
	[sflag:s29] =	ssyncadd.s32 $0xFFFFF000  }
0x458: {  	v12 =	vor.u32 v8, v9;
	v10 =	vor.u32 s21, v10;
	v11 =	vld.idx.msk [tilespmem:v11+s20+$0x0], $0xffff  }
0x459: {  	s30 =	simm.s32 $0x0;
	v13 =	vor.u32 s10, v12  }
0x45a: {  	s0 =	sand.u32 $0x3FFFF000, s30  }
0x45b: {  	s31 =	sadd.s32 $0x12400, s0;
	s6 =	sshll.u32 s10, $0x7;
	v14 =	vld.idx.msk [tilespmem:v14+s20+$0x0], $0xffff  }
0x45c: {  	s0 =	sadd.s32 s6, s31;
	v15 =	vld.idx.msk [tilespmem:v15+s20+$0x0], $0xffff  }
0x45d: {  	v17 =	vor.u32 s9, v12;
	v10 =	vld.idx.msk [tilespmem:v10+s20+$0x0], $0xffff;
	[tilespmem:s0+$0x0] =	vst v11  }
0x45e: {  	s7 =	sshll.u32 s9, $0x7;
	v18 =	vor.u32 s12, v12;
	v12 =	vor.u32 s21, v12;
	v11 =	vor.u32 v7, v9;
	v13 =	vld.idx.msk [tilespmem:v13+s20+$0x0], $0xffff  }
0x45f: {  	s8 =	sshll.u32 s12, $0x7;
	s15 =	sadd.s32 s7, s31;
	v16 =	vor.u32 s10, v11  }
0x460: {  	s14 =	sadd.s32 s8, s31;
	s13 =	sshll.u32 s21, $0x7;
	[tilespmem:s15+$0x0] =	vst v14  }
0x461: {  	s1 =	sadd.s32 s13, s31;
	[tilespmem:s14+$0x0] =	vst v15  }
0x462: {  	[tilespmem:s1+$0x0] =	vst v10;
	v15 =	vld.idx.msk [tilespmem:v17+s20+$0x0], $0xffff  }
0x463: {  	s16 =	simm.s32 $0x10;
	v12 =	vld.idx.msk [tilespmem:v12+s20+$0x0], $0xffff;
	[tilespmem:s0+$0x10] =	vst v13  }
0x464: {  	s2 =	sand.u32 $0xFFFFFF80, s16;
	v17 =	vor.u32 s9, v11;
	v13 =	vor.u32 v6, v9;
	v14 =	vld.idx.msk [tilespmem:v16+s20+$0x0], $0xffff  }
0x465: {  	s18 =	simm.s32 $0x4;
	v10 =	vmov s2;
	v18 =	vld.idx.msk [tilespmem:v18+s20+$0x0], $0xffff;
	v16 =	vor.u32 s10, v13  }
0x466: {  	s16 =	sand.u32 $0x1C, s18;
	v19 =	vor.u32 s12, v11;
	v10 =	vshll.u32 v10, $0x5  }
0x467: {  	s23 =	sor.u32 $0x1, s16;
	v11 =	vor.u32 s21, v11;
	v21 =	vor.u32 v0, v10;
	[tilespmem:s15+$0x10] =	vst v15  }
0x468: {  	[tilespmem:s1+$0x10] =	vst v12;
	v12 =	vor.u32 s23, v21  }
0x469: {  	v22 =	vor.u32 s16, v21;
	v17 =	vld.idx.msk [tilespmem:v17+s20+$0x0], $0xffff;
	[tilespmem:s0+$0x20] =	vst v14  }
0x46a: {  	[tilespmem:s14+$0x10] =	vst v18;
	v18 =	vor.u32 s9, v13;
	v14 =	vor.u32 v5, v9;
	v15 =	vld.idx.msk [tilespmem:v16+s20+$0x0], $0xffff  }
0x46b: {  	v19 =	vld.idx.msk [tilespmem:v19+s20+$0x0], $0xffff;
	v16 =	vor.u32 s10, v14  }
0x46c: {  	v20 =	vor.u32 s12, v13;
	v11 =	vld.idx.msk [tilespmem:v11+s20+$0x0], $0xffff  }
0x46d: {  	v24 =	vor.u32 v8, v10;
	v13 =	vor.u32 s21, v13;
	v12 =	vld.idx.msk [tilespmem:v12+s20+$0x0], $0xffff  }
0x46e: {  	s18 =	sor.u32 $0x2, s16;
	s19 =	simm.s32 $0x200;
	v25 =	vor.u32 s23, v24;
	v22 =	vld.idx.msk [tilespmem:v22+s20+$0x0], $0xffff;
	[tilespmem:s15+$0x20] =	vst v17  }
0x46f: {  	s2 =	sand.u32 $0x3FFFF000, s19;
	v17 =	vor.u32 s18, v21;
	v18 =	vld.idx.msk [tilespmem:v18+s20+$0x0], $0xffff;
	[tilespmem:s0+$0x30] =	vst v15  }
0x470: {  	s22 =	sshll.u32 s23, $0x7;
	s6 =	sadd.s32 $0x12400, s2;
	[tilespmem:s14+$0x20] =	vst v19;
	v19 =	vor.u32 s9, v14;
	v15 =	vor.u32 v4, v9;
	v16 =	vld.idx.msk [tilespmem:v16+s20+$0x0], $0xffff  }
0x471: {  	s30 =	sshll.u32 s16, $0x7;
	s13 =	sor.u32 $0x3, s16;
	s2 =	sadd.s32 s22, s6;
	[tilespmem:s1+$0x20] =	vst v11;
	v20 =	vld.idx.msk [tilespmem:v20+s20+$0x0], $0xffff;
	v23 =	vor.u32 s10, v15  }
0x472: {  	s8 =	sadd.s32 s30, s6;
	v21 =	vor.u32 s13, v21;
	[tilespmem:s2+$0x0] =	vst v12;
	v12 =	vld.idx.msk [tilespmem:v13+s20+$0x0], $0xffff  }
0x473: {  	v28 =	vor.u32 v7, v10;
	v26 =	vor.u32 s12, v14;
	v14 =	vor.u32 s21, v14;
	[tilespmem:s8+$0x0] =	vst v22;
	v25 =	vld.idx.msk [tilespmem:v25+s20+$0x0], $0xffff  }
0x474: {  	v22 =	vor.u32 s23, v28;
	v17 =	vld.idx.msk [tilespmem:v17+s20+$0x0], $0xffff;
	[tilespmem:s15+$0x30] =	vst v18  }
0x475: {  	v11 =	vld.idx.msk [tilespmem:v19+s20+$0x0], $0xffff;
	v19 =	vor.u32 s16, v24;
	[tilespmem:s0+$0x40] =	vst v16  }
0x476: {  	v18 =	vld.idx.msk [tilespmem:v23+s20+$0x0], $0xffff  }
0x477: {  	v21 =	vld.idx.msk [tilespmem:v21+s20+$0x0], $0xffff;
	[tilespmem:s1+$0x30] =	vst v12  }
0x478: {  	s19 =	sshll.u32 s18, $0x7;
	v13 =	vor.u32 s18, v24;
	v14 =	vld.idx.msk [tilespmem:v14+s20+$0x0], $0xffff;
	[tilespmem:s2+$0x10] =	vst v25  }
0x479: {  	s7 =	sadd.s32 s19, s6;
	[tilespmem:s14+$0x30] =	vst v20;
	v27 =	vor.u32 s9, v15;
	v22 =	vld.idx.msk [tilespmem:v22+s20+$0x0], $0xffff  }
0x47a: {  	s31 =	sshll.u32 s13, $0x7;
	[tilespmem:s7+$0x0] =	vst v17;
	v16 =	vor.u32 v3, v9;
	v17 =	vld.idx.msk [tilespmem:v19+s20+$0x0], $0xffff;
	v19 =	vor.u32 s13, v24  }
0x47b: {  	s6 =	sadd.s32 s31, s6;
	v23 =	vor.u32 s10, v16;
	[tilespmem:s0+$0x50] =	vst v18;
	v18 =	vld.idx.msk [tilespmem:v26+s20+$0x0], $0xffff  }
0x47c: {  	v25 =	vor.u32 v6, v10;
	[tilespmem:s6+$0x0] =	vst v21;
	v26 =	vor.u32 s12, v15  }
0x47d: {  	v21 =	vor.u32 s23, v25;
	[tilespmem:s15+$0x40] =	vst v11;
	v11 =	vld.idx.msk [tilespmem:v13+s20+$0x0], $0xffff  }
0x47e: {  	v13 =	vor.u32 s16, v28;
	v12 =	vld.idx.msk [tilespmem:v27+s20+$0x0], $0xffff;
	[tilespmem:s1+$0x40] =	vst v14  }
0x47f: {  	[tilespmem:s2+$0x20] =	vst v22;
	v19 =	vld.idx.msk [tilespmem:v19+s20+$0x0], $0xffff;
	v15 =	vor.u32 s21, v15  }
0x480: {  	v20 =	vld.idx.msk [tilespmem:v23+s20+$0x0], $0xffff;
	v23 =	vor.u32 s9, v16;
	[tilespmem:s14+$0x40] =	vst v18  }
0x481: {  	[tilespmem:s8+$0x10] =	vst v17;
	v17 =	vor.u32 s18, v28;
	v18 =	vld.idx.msk [tilespmem:v26+s20+$0x0], $0xffff  }
0x482: {  	v24 =	vor.u32 s12, v16;
	[tilespmem:s7+$0x10] =	vst v11;
	v11 =	vld.idx.msk [tilespmem:v21+s20+$0x0], $0xffff  }
0x483: {  	v9 =	vor.u32 v2, v9;
	v13 =	vld.idx.msk [tilespmem:v13+s20+$0x0], $0xffff;
	[tilespmem:s15+$0x50] =	vst v12;
	v12 =	vor.u32 s13, v28  }
0x484: {  	v32 =	vor.u32 s10, v9;
	v15 =	vld.idx.msk [tilespmem:v15+s20+$0x0], $0xffff  }
0x485: {  	s19 =	simm.s32 $0x20;
	[tilespmem:s6+$0x10] =	vst v19;
	v19 =	vor.u32 s16, v25;
	v23 =	vld.idx.msk [tilespmem:v23+s20+$0x0], $0xffff  }
0x486: {  	s22 =	sand.u32 $0xFFFFFF80, s19;
	v16 =	vor.u32 s21, v16;
	v26 =	vld.idx.msk [tilespmem:v17+s20+$0x0], $0xffff;
	[tilespmem:s14+$0x50] =	vst v18  }
0x487: {  	v14 =	vor.u32 s9, v9;
	s9 =	simm.s32 $0x8;
	v17 =	vmov s22;
	v18 =	vld.idx.msk [tilespmem:v24+s20+$0x0], $0xffff  }
0x488: {  	v22 =	vor.u32 s12, v9;
	s30 =	sand.u32 $0x1C, s9;
	v12 =	vld.idx.msk [tilespmem:v12+s20+$0x0], $0xffff;
	[tilespmem:s0+$0x60] =	vst v20;
	v27 =	vshll.u32 v17, $0x5;
	v24 =	vor.u32 v5, v10  }
0x489: {  	s12 =	sor.u32 $0x1, s30;
	[tilespmem:s8+$0x20] =	vst v13;
	v46 =	vld.idx.msk [tilespmem:v32+s20+$0x0], $0xffff;
	v28 =	vor.u32 v0, v27;
	v21 =	vor.u32 s23, v24  }
0x48a: {  	v29 =	vor.u32 s12, v28;
	v55 =	vld.idx.msk [tilespmem:v19+s20+$0x0], $0xffff;
	[tilespmem:s1+$0x50] =	vst v15  }
0x48b: {  	v31 =	vor.u32 v4, v10;
	v52 =	vor.u32 v3, v10;
	[tilespmem:s15+$0x60] =	vst v23;
	v23 =	vor.u32 s18, v25;
	v30 =	vld.idx.msk [tilespmem:v16+s20+$0x0], $0xffff  }
0x48c: {  	v53 =	vor.u32 s23, v31;
	v56 =	vor.u32 s23, v52;
	v25 =	vor.u32 s13, v25;
	v14 =	vld.idx.msk [tilespmem:v14+s20+$0x0], $0xffff;
	[tilespmem:s14+$0x60] =	vst v18  }
0x48d: {  	v51 =	vor.u32 s21, v9;
	[tilespmem:s2+$0x30] =	vst v11;
	v18 =	vor.u32 s30, v28;
	v22 =	vld.idx.msk [tilespmem:v22+s20+$0x0], $0xffff  }
0x48e: {  	v13 =	vor.u32 s18, v52;
	v17 =	vor.u32 s16, v31;
	v57 =	vor.u32 v7, v27;
	[tilespmem:s6+$0x20] =	vst v12;
	v21 =	vld.idx.msk [tilespmem:v21+s20+$0x0], $0xffff  }
0x48f: {  	s31 =	sor.u32 $0x2, s30;
	v62 =	vor.u32 v6, v27;
	v19 =	vor.u32 s16, v52;
	v36 =	vor.u32 s30, v57;
	[tilespmem:s7+$0x20] =	vst v26;
	v29 =	vld.idx.msk [tilespmem:v29+s20+$0x0], $0xffff  }
0x490: {  	v12 =	vor.u32 s13, v52;
	v26 =	vor.u32 s31, v28;
	v10 =	vor.u32 v2, v10;
	v23 =	vld.idx.msk [tilespmem:v23+s20+$0x0], $0xffff;
	[tilespmem:s1+$0x60] =	vst v30  }
0x491: {  	v54 =	vor.u32 s16, v24;
	v15 =	vor.u32 s16, v10;
	v30 =	vor.u32 v8, v27;
	v50 =	vld.idx.msk [tilespmem:v25+s20+$0x0], $0xffff;
	[tilespmem:s15+$0x70] =	vst v14  }
0x492: {  	v60 =	vor.u32 s12, v57;
	v40 =	vor.u32 s18, v24;
	s16 =	sor.u32 $0x3, s30;
	s15 =	simm.s32 $0x400;
	v38 =	vld.idx.msk [tilespmem:v18+s20+$0x0], $0xffff;
	[tilespmem:s14+$0x70] =	vst v22;
	v22 =	vor.u32 s12, v30  }
0x493: {  	v52 =	vor.u32 v3, v27;
	s10 =	sand.u32 $0x3FFFF000, s15;
	v18 =	vor.u32 s13, v24;
	v24 =	vor.u32 s16, v28;
	[tilespmem:s2+$0x40] =	vst v21;
	v21 =	vld.idx.msk [tilespmem:v51+s20+$0x0], $0xffff  }
0x494: {  	s22 =	sshll.u32 s12, $0x7;
	v16 =	vor.u32 s18, v31;
	v35 =	vor.u32 s30, v52;
	v11 =	vor.u32 s18, v10;
	[tilespmem:s8+$0x30] =	vst v55;
	s18 =	sadd.s32 $0x12400, s10;
	v28 =	vld.idx.msk [tilespmem:v53+s20+$0x0], $0xffff  }
0x495: {  	v39 =	vor.u32 s31, v57;
	v33 =	vor.u32 s31, v52;
	v9 =	vor.u32 s23, v10;
	v58 =	vld.idx.msk [tilespmem:v26+s20+$0x0], $0xffff;
	s15 =	sadd.s32 s22, s18;
	[tilespmem:s7+$0x30] =	vst v23  }
0x496: {  	v10 =	vor.u32 s13, v10;
	v14 =	vor.u32 s13, v31;
	v59 =	vor.u32 s30, v30;
	v61 =	vld.idx.msk [tilespmem:v54+s20+$0x0], $0xffff;
	[tilespmem:s15+$0x0] =	vst v29  }
0x497: {  	v63 =	vor.u32 s31, v30;
	v31 =	vor.u32 s30, v62;
	v29 =	vor.u32 v5, v27;
	[tilespmem:s6+$0x30] =	vst v50;
	v25 =	vld.idx.msk [tilespmem:v22+s20+$0x0], $0xffff  }
0x498: {  	s23 =	sshll.u32 s30, $0x7;
	v54 =	vor.u32 s16, v30;
	v51 =	vor.u32 v4, v27;
	v53 =	vor.u32 v2, v27;
	v24 =	vld.idx.msk [tilespmem:v24+s20+$0x0], $0xffff;
	[tilespmem:s1+$0x70] =	vst v21  }
0x499: {  	v23 =	vor.u32 s30, v29;
	v47 =	vld.idx.msk [tilespmem:v40+s20+$0x0], $0xffff;
	v41 =	vor.u32 s30, v51;
	v22 =	vor.u32 s30, v53;
	s30 =	sshll.u32 s31, $0x7;
	s1 =	sadd.s32 s23, s18;
	[tilespmem:s2+$0x50] =	vst v28  }
0x49a: {  	v42 =	vor.u32 s16, v57;
	v34 =	vor.u32 s16, v62;
	v30 =	vor.u32 s31, v62;
	s10 =	sadd.s32 s30, s18;
	[tilespmem:s1+$0x0] =	vst v38;
	v26 =	vld.idx.msk [tilespmem:v56+s20+$0x0], $0xffff  }
0x49b: {  	v37 =	vor.u32 s31, v51;
	v20 =	vor.u32 s31, v53;
	v28 =	vor.u32 s31, v29;
	s31 =	sshll.u32 s16, $0x7;
	[tilespmem:s10+$0x0] =	vst v58;
	v48 =	vld.idx.msk [tilespmem:v59+s20+$0x0], $0xffff  }
0x49c: {  	v32 =	vor.u32 s12, v29;
	v44 =	vor.u32 s16, v29;
	v27 =	vor.u32 s12, v51;
	s14 =	sadd.s32 s31, s18;
	v49 =	vld.idx.msk [tilespmem:v63+s20+$0x0], $0xffff;
	[tilespmem:s15+$0x10] =	vst v25  }
0x49d: {  	v40 =	vor.u32 s16, v51;
	v21 =	vor.u32 s12, v53;
	v38 =	vor.u32 s12, v62;
	[tilespmem:s14+$0x0] =	vst v24;
	v45 =	vld.idx.msk [tilespmem:v60+s20+$0x0], $0xffff  }
0x49e: {  	[tilespmem:s8+$0x40] =	vst v61;
	v29 =	vor.u32 s16, v52;
	v24 =	vor.u32 s16, v53;
	v25 =	vor.u32 s12, v52;
	v43 =	vld.idx.msk [tilespmem:v54+s20+$0x0], $0xffff  }
.LBB2_16:
0x49f: {  	s9 =	sadd.s32 $0x4, s9;
	v50 =	vld.idx.msk [tilespmem:v17+s20+$0x0], $0xffff;
	[tilespmem:s0+$0x70] =	vst v46;
	v17 =	vmov v41;
	s0 =	smov.u32 s2;
	s2 =	smov.u32 s15  }
0x4a0: {  	s12 =	sand.u32 $0x1C, s9;
	s15 =	sshll.u32 s9, $0x2;
	s13 =	sshll.u32 s9, $0x7;
	[tilespmem:s1+$0x10] =	vst v48;
	v41 =	vld.idx.msk [tilespmem:v18+s20+$0x0], $0xffff;
	v18 =	vmov v44  }
0x4a1: {  	s18 =	sand.u32 $0x3FFFF000, s13;
	s16 =	sshll.u32 s12, $0x7;
	s13 =	sor.u32 $0x3, s12;
	v36 =	vld.idx.msk [tilespmem:v36+s20+$0x0], $0xffff;
	[tilespmem:s10+$0x10] =	vst v49  }
0x4a2: {  	s21 =	sor.u32 $0x1, s12;
	s18 =	sadd.s32 $0x12400, s18;
	s23 =	sshll.u32 s13, $0x7;
	[tilespmem:s2+$0x20] =	vst v45;
	v39 =	vld.idx.msk [tilespmem:v39+s20+$0x0], $0xffff  }
0x4a3: {  	p0 =	slt.u32 s9, $0x7C;
	s19 =	sand.u32 $0xFFFFFF80, s15;
	s15 =	sshll.u32 s21, $0x7;
	v38 =	vld.idx.msk [tilespmem:v38+s20+$0x0], $0xffff;
	[tilespmem:s7+$0x40] =	vst v47  }
0x4a4: {  	v44 =	vmov s19;
	[tilespmem:s14+$0x10] =	vst v43;
	v45 =	vld.idx.msk [tilespmem:v16+s20+$0x0], $0xffff;
	v16 =	vmov v37  }
0x4a5: {  	v46 =	vshll.u32 v44, $0x5;
	v37 =	vld.idx.msk [tilespmem:v42+s20+$0x0], $0xffff;
	[tilespmem:s8+$0x50] =	vst v50  }
0x4a6: {  	v44 =	vor.u32 v8, v46;
	v42 =	vor.u32 v0, v46;
	v47 =	vld.idx.msk [tilespmem:v19+s20+$0x0], $0xffff;
	[tilespmem:s6+$0x40] =	vst v41;
	v19 =	vmov v35  }
0x4a7: {  	v43 =	vor.u32 s13, v44;
	v35 =	vor.u32 s21, v42;
	v48 =	vor.u32 s13, v42;
	[tilespmem:s1+$0x20] =	vst v36;
	v41 =	vld.idx.msk [tilespmem:v14+s20+$0x0], $0xffff;
	v14 =	vmovc v40  }
0x4a8: {  	v49 =	vor.u32 s12, v44;
	v50 =	vor.u32 s21, v44;
	v40 =	vor.u32 s12, v42;
	v51 =	vld.idx.msk [tilespmem:v31+s20+$0x0], $0xffff;
	[tilespmem:s10+$0x20] =	vst v39  }
0x4a9: {  	s19 =	sor.u32 $0x2, s12;
	v52 =	vor.u32 v6, v46;
	v31 =	vor.u32 v7, v46;
	[tilespmem:s2+$0x30] =	vst v38;
	v53 =	vld.idx.msk [tilespmem:v30+s20+$0x0], $0xffff  }
0x4aa: {  	s22 =	sshll.u32 s19, $0x7;
	v56 =	vor.u32 s19, v44;
	v55 =	vor.u32 s19, v42;
	v54 =	vor.u32 s21, v31;
	v57 =	vld.idx.msk [tilespmem:v32+s20+$0x0], $0xffff;
	[tilespmem:s7+$0x50] =	vst v45  }
0x4ab: {  	v36 =	vor.u32 s12, v31;
	v39 =	vor.u32 s19, v31;
	v30 =	vor.u32 s19, v52;
	[tilespmem:s14+$0x20] =	vst v37;
	v45 =	vld.idx.msk [tilespmem:v13+s20+$0x0], $0xffff;
	v13 =	vmovc v33  }
0x4ac: {  	v38 =	vor.u32 s21, v52;
	v42 =	vor.u32 s13, v31;
	v33 =	vor.u32 v5, v46;
	v58 =	vld.idx.msk [tilespmem:v35+s20+$0x0], $0xffff;
	[tilespmem:s8+$0x60] =	vst v47  }
0x4ad: {  	v31 =	vor.u32 s12, v52;
	v32 =	vor.u32 s21, v33;
	v47 =	vld.idx.msk [tilespmem:v40+s20+$0x0], $0xffff;
	v40 =	vor.u32 v4, v46;
	[tilespmem:s6+$0x50] =	vst v41  }
0x4ae: {  	v59 =	vor.u32 v3, v46;
	v52 =	vor.u32 s13, v52;
	v60 =	vor.u32 s21, v40;
	[tilespmem:s1+$0x30] =	vst v51;
	v51 =	vld.idx.msk [tilespmem:v12+s20+$0x0], $0xffff;
	v12 =	vmovc v29  }
0x4af: {  	v62 =	vor.u32 s21, v59;
	v61 =	vor.u32 s12, v33;
	v41 =	vor.u32 s12, v40;
	[tilespmem:s10+$0x30] =	vst v53;
	v53 =	vld.idx.msk [tilespmem:v15+s20+$0x0], $0xffff;
	v15 =	vmovc v22  }
0x4b0: {  	v63 =	vor.u32 s19, v33;
	v44 =	vor.u32 s13, v33;
	v37 =	vor.u32 s19, v40;
	v55 =	vld.idx.msk [tilespmem:v55+s20+$0x0], $0xffff;
	[tilespmem:s2+$0x40] =	vst v57  }
0x4b1: {  	v35 =	vor.u32 s12, v59;
	v40 =	vor.u32 s13, v40;
	v29 =	vor.u32 s13, v59;
	v57 =	vld.idx.msk [tilespmem:v27+s20+$0x0], $0xffff;
	[tilespmem:s7+$0x60] =	vst v45;
	v27 =	vmovc v60  }
0x4b2: {  	s15 =	sadd.s32 s15, s18;
	s23 =	sadd.s32 s23, s18;
	v33 =	vor.u32 s19, v59;
	v45 =	vor.u32 v2, v46;
	[tilespmem:s0+$0x60] =	vst v26;
	v46 =	vld.idx.msk [tilespmem:v11+s20+$0x0], $0xffff;
	v11 =	vmov v20  }
0x4b3: {  	v22 =	vor.u32 s12, v45;
	v20 =	vor.u32 s19, v45;
	[tilespmem:s15+$0x0] =	vst v58;
	v58 =	vld.idx.msk [tilespmem:v23+s20+$0x0], $0xffff;
	v23 =	vmov v61  }
0x4b4: {  	s12 =	sadd.s32 s16, s18;
	v59 =	vor.u32 s21, v45;
	s16 =	sadd.s32 s22, s18;
	v26 =	vor.u32 s13, v45;
	v60 =	vld.idx.msk [tilespmem:v34+s20+$0x0], $0xffff;
	[tilespmem:s6+$0x60] =	vst v51;
	v34 =	vmov v52  }
0x4b5: {  	[tilespmem:s12+$0x0] =	vst v47;
	v45 =	vld.idx.msk [tilespmem:v50+s20+$0x0], $0xffff  }
0x4b6: {  	v47 =	vld.idx.msk [tilespmem:v48+s20+$0x0], $0xffff;
	[tilespmem:s8+$0x70] =	vst v53;
	s8 =	smov.u32 s1;
	s1 =	smov.u32 s12  }
0x4b7: {  	[tilespmem:s2+$0x50] =	vst v57;
	v50 =	vld.idx.msk [tilespmem:v10+s20+$0x0], $0xffff;
	v10 =	vmov v24;
	v24 =	vmov v26  }
0x4b8: {  	v26 =	vld.idx.msk [tilespmem:v25+s20+$0x0], $0xffff;
	[tilespmem:s7+$0x70] =	vst v46;
	v25 =	vmov v62;
	s7 =	smov.u32 s10;
	s10 =	smov.u32 s16  }
0x4b9: {  	[tilespmem:s10+$0x0] =	vst v55;
	v46 =	vld.idx.msk [tilespmem:v9+s20+$0x0], $0xffff;
	v9 =	vmov v21;
	v21 =	vmov v59  }
.Ltmp7:
0x4ba: {  	v48 =	vld.idx.msk [tilespmem:v49+s20+$0x0], $0xffff;
	[tilespmem:s8+$0x40] =	vst v58;
	(pc) =	sbr.rel @p0 .LBB2_16-.Ltmp7, $4  }
0x4bb: {  	[tilespmem:s15+$0x10] =	vst v45;
	v49 =	vld.idx.msk [tilespmem:v56+s20+$0x0], $0xffff  }
0x4bc: {  	v45 =	vld.idx.msk [tilespmem:v54+s20+$0x0], $0xffff;
	[tilespmem:s23+$0x0] =	vst v47  }
0x4bd: {  	v47 =	vld.idx.msk [tilespmem:v28+s20+$0x0], $0xffff;
	[tilespmem:s6+$0x70] =	vst v50;
	v28 =	vmov v63;
	s6 =	smov.u32 s14;
	s14 =	smov.u32 s23  }
0x4be: {  	v43 =	vld.idx.msk [tilespmem:v43+s20+$0x0], $0xffff;
	[tilespmem:s6+$0x30] =	vst v60  }
0x4bf: {  	_ =	sdelay $0x3  }
0x4c0: {  	v17 =	vld.idx.msk [tilespmem:v17+s20+$0x0], $0xffff;
	[tilespmem:s1+$0x10] =	vst v48  }
0x4c1: {  	v63 =	vld.idx.msk [tilespmem:v36+s20+$0x0], $0xffff;
	[tilespmem:s10+$0x10] =	vst v49  }
0x4c2: {  	v48 =	vld.idx.msk [tilespmem:v39+s20+$0x0], $0xffff;
	[tilespmem:s15+$0x20] =	vst v45  }
0x4c3: {  	v18 =	vld.idx.msk [tilespmem:v18+s20+$0x0], $0xffff;
	[tilespmem:s7+$0x40] =	vst v47  }
0x4c4: {  	[tilespmem:s14+$0x10] =	vst v43;
	v16 =	vld.idx.msk [tilespmem:v16+s20+$0x0], $0xffff  }
0x4c5: {  	[tilespmem:s8+$0x50] =	vst v17;
	v49 =	vld.idx.msk [tilespmem:v42+s20+$0x0], $0xffff  }
0x4c6: {  	v53 =	vld.idx.msk [tilespmem:v38+s20+$0x0], $0xffff;
	[tilespmem:s1+$0x20] =	vst v63  }
0x4c7: {  	v50 =	vld.idx.msk [tilespmem:v31+s20+$0x0], $0xffff;
	[tilespmem:s10+$0x20] =	vst v48  }
0x4c8: {  	[tilespmem:s6+$0x40] =	vst v18;
	v51 =	vld.idx.msk [tilespmem:v30+s20+$0x0], $0xffff  }
0x4c9: {  	v17 =	vld.idx.msk [tilespmem:v19+s20+$0x0], $0xffff;
	[tilespmem:s7+$0x50] =	vst v16  }
0x4ca: {  	[tilespmem:s14+$0x20] =	vst v49;
	v13 =	vld.idx.msk [tilespmem:v13+s20+$0x0], $0xffff  }
0x4cb: {  	[tilespmem:s15+$0x30] =	vst v53;
	v52 =	vld.idx.msk [tilespmem:v34+s20+$0x0], $0xffff  }
0x4cc: {  	v14 =	vld.idx.msk [tilespmem:v14+s20+$0x0], $0xffff;
	[tilespmem:s1+$0x30] =	vst v50  }
0x4cd: {  	[tilespmem:s10+$0x30] =	vst v51;
	v54 =	vld.idx.msk [tilespmem:v23+s20+$0x0], $0xffff  }
0x4ce: {  	[tilespmem:s8+$0x60] =	vst v17;
	v55 =	vld.idx.msk [tilespmem:v28+s20+$0x0], $0xffff  }
0x4cf: {  	v57 =	vld.idx.msk [tilespmem:v32+s20+$0x0], $0xffff;
	[tilespmem:s7+$0x60] =	vst v13  }
0x4d0: {  	[tilespmem:s14+$0x30] =	vst v52;
	v11 =	vld.idx.msk [tilespmem:v11+s20+$0x0], $0xffff  }
0x4d1: {  	[tilespmem:s6+$0x50] =	vst v14;
	v56 =	vld.idx.msk [tilespmem:v44+s20+$0x0], $0xffff  }
0x4d2: {  	v15 =	vld.idx.msk [tilespmem:v15+s20+$0x0], $0xffff;
	[tilespmem:s1+$0x40] =	vst v54  }
0x4d3: {  	v58 =	vld.idx.msk [tilespmem:v41+s20+$0x0], $0xffff;
	[tilespmem:s10+$0x40] =	vst v55  }
0x4d4: {  	[tilespmem:s15+$0x40] =	vst v57;
	v59 =	vld.idx.msk [tilespmem:v37+s20+$0x0], $0xffff  }
0x4d5: {  	v60 =	vld.idx.msk [tilespmem:v27+s20+$0x0], $0xffff;
	[tilespmem:s7+$0x70] =	vst v11  }
0x4d6: {  	v11 =	vld.idx.msk [tilespmem:v12+s20+$0x0], $0xffff;
	[tilespmem:s14+$0x40] =	vst v56  }
0x4d7: {  	[tilespmem:s8+$0x70] =	vst v15;
	v15 =	vld.idx.msk [tilespmem:v40+s20+$0x0], $0xffff  }
0x4d8: {  	[tilespmem:s1+$0x50] =	vst v58  }
0x4d9: {  	v61 =	vld.idx.msk [tilespmem:v35+s20+$0x0], $0xffff;
	[tilespmem:s10+$0x50] =	vst v59  }
0x4da: {  	[tilespmem:s15+$0x50] =	vst v60;
	v62 =	vld.idx.msk [tilespmem:v33+s20+$0x0], $0xffff  }
0x4db: {  	[tilespmem:s6+$0x60] =	vst v11;
	v11 =	vld.idx.msk [tilespmem:v25+s20+$0x0], $0xffff  }
0x4dc: {  	v10 =	vld.idx.msk [tilespmem:v10+s20+$0x0], $0xffff;
	[tilespmem:s14+$0x50] =	vst v15  }
0x4dd: {  	[tilespmem:s2+$0x60] =	vst v26;
	v63 =	vld.idx.msk [tilespmem:v29+s20+$0x0], $0xffff  }
0x4de: {  	[tilespmem:s1+$0x60] =	vst v61  }
0x4df: {  	v9 =	vld.idx.msk [tilespmem:v9+s20+$0x0], $0xffff;
	[tilespmem:s10+$0x60] =	vst v62  }
0x4e0: {  	v12 =	vld.idx.msk [tilespmem:v22+s20+$0x0], $0xffff;
	[tilespmem:s15+$0x60] =	vst v11  }
0x4e1: {  	v13 =	vld.idx.msk [tilespmem:v20+s20+$0x0], $0xffff;
	[tilespmem:s6+$0x70] =	vst v10  }
0x4e2: {  	v10 =	vld.idx.msk [tilespmem:v21+s20+$0x0], $0xffff;
	[tilespmem:s14+$0x60] =	vst v63  }
0x4e3: {  	[tilespmem:s0+$0x70] =	vst v46;
	v11 =	vld.idx.msk [tilespmem:v24+s20+$0x0], $0xffff  }
0x4e4: {  	[tilespmem:s2+$0x70] =	vst v9  }
0x4e5: {  	[tilespmem:s1+$0x70] =	vst v12  }
0x4e6: {  	[tilespmem:s10+$0x70] =	vst v13  }
0x4e7: {  	[tilespmem:s15+$0x70] =	vst v10  }
0x4e8: {  	[tilespmem:s14+$0x70] =	vst v11  }
0x4e9: {  	s7 =	simm.s32 $0x12400;
	s1 =	rddreg [dreg:$0x1c]  }
0x4ea: {  	[hbm4b:s1+s3] =	stream.linear.scatter [tilespmem:s7], [sflag:$0x4], $0x400, $0x38;
	[tilespmem:$0x16800] =	vst v63  }
0x4eb: {  	s9 =	simm.s32 $0x13400;
	s8 =	sadd.s32 $0x4000, s1  }
0x4ec: {  	[hbm4b:s8+s3] =	stream.linear.scatter [tilespmem:s9], [sflag:$0x4], $0x400, $0x38;
	[tilespmem:$0x16800] =	vst v63  }
0x4ed: {  	s12 =	simm.s32 $0x14400;
	s10 =	sadd.s32 $0x8000, s1  }
0x4ee: {  	[hbm4b:s10+s3] =	stream.linear.scatter [tilespmem:s12], [sflag:$0x4], $0x400, $0x38;
	[tilespmem:$0x16800] =	vst v63  }
0x4ef: {  	s14 =	simm.s32 $0x15400;
	s13 =	sadd.s32 $0xC000, s1  }
0x4f0: {  	[hbm4b:s13+s3] =	stream.linear.scatter [tilespmem:s14], [sflag:$0x4], $0x400, $0x38;
	[tilespmem:$0x16800] =	vst v63  }
0x4f1: {  	s16 =	simm.s32 $0x12800;
	s15 =	rddreg [dreg:$0x1d]  }
0x4f2: {  	[hbm4b:s15+s3] =	stream.linear.scatter [tilespmem:s16], [sflag:$0x4], $0x400, $0x38;
	[tilespmem:$0x16800] =	vst v63  }
0x4f3: {  	s19 =	simm.s32 $0x13800;
	s18 =	sadd.s32 $0x4000, s15  }
0x4f4: {  	[hbm4b:s18+s3] =	stream.linear.scatter [tilespmem:s19], [sflag:$0x4], $0x400, $0x38;
	[tilespmem:$0x16800] =	vst v63  }
0x4f5: {  	s22 =	simm.s32 $0x14800;
	s21 =	sadd.s32 $0x8000, s15  }
0x4f6: {  	[hbm4b:s21+s3] =	stream.linear.scatter [tilespmem:s22], [sflag:$0x4], $0x400, $0x38;
	[tilespmem:$0x16800] =	vst v63  }
0x4f7: {  	s30 =	simm.s32 $0x15800;
	s23 =	sadd.s32 $0xC000, s15  }
0x4f8: {  	[hbm4b:s23+s3] =	stream.linear.scatter [tilespmem:s30], [sflag:$0x4], $0x400, $0x38;
	[tilespmem:$0x16800] =	vst v63  }
0x4f9: {  	s6 =	simm.s32 $0x12C00;
	s31 =	rddreg [dreg:$0x1e]  }
0x4fa: {  	[hbm4b:s31+s3] =	stream.linear.scatter [tilespmem:s6], [sflag:$0x4], $0x400, $0x38;
	[tilespmem:$0x16800] =	vst v63  }
0x4fb: {  	s7 =	sadd.s32 $0x4000, s31;
	s8 =	simm.s32 $0x13C00  }
0x4fc: {  	[hbm4b:s7+s3] =	stream.linear.scatter [tilespmem:s8], [sflag:$0x4], $0x400, $0x38;
	[tilespmem:$0x16800] =	vst v63  }
0x4fd: {  	s9 =	sadd.s32 $0x8000, s31;
	s10 =	simm.s32 $0x14C00  }
0x4fe: {  	[hbm4b:s9+s3] =	stream.linear.scatter [tilespmem:s10], [sflag:$0x4], $0x400, $0x38;
	[tilespmem:$0x16800] =	vst v63  }
0x4ff: {  	s12 =	sadd.s32 $0xC000, s31;
	s13 =	simm.s32 $0x15C00  }
0x500: {  	[hbm4b:s12+s3] =	stream.linear.scatter [tilespmem:s13], [sflag:$0x4], $0x400, $0x38;
	[tilespmem:$0x16800] =	vst v63  }
0x501: {  	s14 =	rddreg [dreg:$0x1f];
	s15 =	simm.s32 $0x13000  }
0x502: {  	[hbm4b:s14+s3] =	stream.linear.scatter [tilespmem:s15], [sflag:$0x4], $0x400, $0x38;
	[tilespmem:$0x16800] =	vst v63  }
0x503: {  	s16 =	sadd.s32 $0x4000, s14;
	s18 =	simm.s32 $0x14000  }
0x504: {  	[hbm4b:s16+s3] =	stream.linear.scatter [tilespmem:s18], [sflag:$0x4], $0x400, $0x38;
	[tilespmem:$0x16800] =	vst v63  }
0x505: {  	s19 =	sadd.s32 $0x8000, s14;
	s21 =	simm.s32 $0x15000  }
0x506: {  	[hbm4b:s19+s3] =	stream.linear.scatter [tilespmem:s21], [sflag:$0x4], $0x400, $0x38;
	[tilespmem:$0x16800] =	vst v63  }
0x507: {  	s22 =	sadd.s32 $0xC000, s14;
	s23 =	simm.s32 $0x16000  }
0x508: {  	[hbm4b:s22+s3] =	stream.linear.scatter [tilespmem:s23], [sflag:$0x4], $0x400, $0x38;
	[tilespmem:$0x16800] =	vst v63  }
0x509: {  	_ =	swait.ge [sflag:s28], $0x1000  }
0x50a: {  	[sflag:s28] =	ssyncset.done $0x0  }
0x50b: {  	[sflag:s28] =	ssyncadd.s32 $0xFFFFF000  }
0x50c: {  	_ =	swait.ge [sflag:s28], $0x1000  }
0x50d: {  	[sflag:s28] =	ssyncset.done $0x0  }
0x50e: {  	[sflag:s28] =	ssyncadd.s32 $0xFFFFF000  }
0x50f: {  	_ =	swait.ge [sflag:s28], $0x1000  }
0x510: {  	[sflag:s28] =	ssyncset.done $0x0  }
0x511: {  	[sflag:s28] =	ssyncadd.s32 $0xFFFFF000  }
0x512: {  	_ =	swait.ge [sflag:s28], $0x1000  }
0x513: {  	[sflag:s28] =	ssyncset.done $0x0  }
0x514: {  	[sflag:s28] =	ssyncadd.s32 $0xFFFFF000  }
0x515: {  	_ =	swait.ge [sflag:s29], $0x1000  }
0x516: {  	[sflag:s29] =	ssyncset.done $0x0  }
0x517: {  	[sflag:s29] =	ssyncadd.s32 $0xFFFFF000  }
0x518: {  	_ =	swait.ge [sflag:s29], $0x1000  }
0x519: {  	[sflag:s29] =	ssyncset.done $0x0  }
0x51a: {  	[sflag:s29] =	ssyncadd.s32 $0xFFFFF000  }
0x51b: {  	_ =	swait.ge [sflag:s29], $0x1000  }
0x51c: {  	[sflag:s29] =	ssyncset.done $0x0  }
0x51d: {  	[sflag:s29] =	ssyncadd.s32 $0xFFFFF000  }
0x51e: {  	_ =	swait.ge [sflag:s29], $0x1000  }
0x51f: {  	s30 =	sld [smem:$0x7FD];
	_ =	sdelay $0x2  }
0x520: {  	s31 =	rddreg [dreg:$0x16];
	s1 =	sadd.s32 $0x1, s30  }
0x521: {  	p0 =	sne.s32 s1, s31  }
.Ltmp8:
0x522: {  	_ = 	snop;
	(pc) =	sbr.rel @p0 .LBB2_1-.Ltmp8, $3  }
0x523: {  	_ =	sdelay $0x1  }
0x524: {  	[sflag:s29] =	ssyncset.done $0x0  }
0x525: {  	s2 =	simm.s32 $0x5;
	s22 =	simm.s32 $0x400;
	[sflag:s29] =	ssyncadd.s32 $0xFFFFF000  }
0x526: {  	_ =	sfence.sel $0x180000  }
0x527: {  	[bflag:$0x0] =	sbarrier.arrive $0xFFFF  }
0x528: {  	_ =	strace $0x90000047  }
0x529: {  	s0 =	stileid.u32;
	[bflag:$0x2] =	sbarrier.arrive $0xFFFF  }
0x52a: {  	p0 =	sne.s32 s0, $0x0;
	s0 =	rddreg [dreg:$0x3]  }
0x52b: {  	s0 =	sadd.s32 @!p0 $0x100000, s0  }
0x52c: {  	[sflag:s0] =	ssyncadd.tile.s32 @!p0 $0x1;
	_ =	shalt  }
.Lfunc_end2:
_tile_overlayer_lowered:
.L_overlay_start_2:
0x52d: {  	(tag) =	ssettag $0x2  }
0x52e: {  	s0 =	rddreg [dreg:$0x0];
	s2 =	stileid.u32  }
0x52f: {  	s1 =	rddreg [dreg:$0x1];
	p0 =	sne.s32 s2, $0x0  }
0x530: {  	s3 =	rddreg [dreg:$0x2];
	[bflag:$0x3] =	sbarrier.arrive $0xFFFF;
	s2 =	simm.s32 @!p0 $0x1C05  }
0x531: {  	[timem:s3], [sflag:s2] =	dma.local @!p0 [hbm:s0], s1  }
0x532: {  	s0 =	simm.s32 @!p0 $0x5  }
0x533: {  	_ =	swait.ge @!p0 [sflag:s0], s1  }
0x534: {  	s1 =	ssub.s32 @!p0 $0x0, s1;
	[sflag:s0] =	ssyncset.done @!p0 $0x0  }
0x535: {  	[sflag:s0] =	ssyncadd.s32 @!p0 s1  }
0x536: {  	[bflag:$0x3] =	sbarrier.arrive $0xFFFF  }
0x537: {  	_ =	shalt  }

</sc_bundles>
